<compile_context>
chip_gen: v7x
topology: tpu7x:2x2x1
jax: 0.10.2.dev20260603
libtpu: 0.0.44.dev20260713+nightly
codegen_flags: <defaults>
</compile_context>

<pallas_src>
import functools

import jax
import jax.numpy as jnp
from jax.experimental import pallas as pl
from jax.experimental.pallas import tpu as pltpu
from jax.experimental.pallas import tpu_sc as plsc

N = 1024
C = 512
K = 16
PD = 128
TILE = 128

_INTERPRET = False


def _prep_body(k2_ref, k3_ref, mrows_ref, w2d_ref, b2d_ref, w3d_ref, b3d_ref,
               ph2_ref, ph3_ref, f2_ref, f3_ref):
    lane = jax.lax.broadcasted_iota(jnp.int32, (N, PD), 1)
    x = k2_ref[:, 0:1]
    y = k2_ref[:, 1:2]
    r0 = mrows_ref[0:1, :]
    r1 = mrows_ref[1:2, :]
    r2 = mrows_ref[2:3, :]
    bea = y * r0 + x * r1 + r2
    n2 = jnp.sqrt(jnp.sum(bea * bea, axis=1, keepdims=True))
    p2 = bea / jnp.maximum(n2, 1e-12)
    z = k3_ref[:, 2:3]
    c0 = k3_ref[:, 0:1] / z
    c1 = k3_ref[:, 1:2] / z
    w = jnp.where(lane == 0, c0, jnp.where(lane == 1, c1,
                  jnp.where(lane == 2, 1.0, 0.0)))
    n3 = jnp.sqrt(jnp.sum(w * w, axis=1, keepdims=True))
    p3 = w / jnp.maximum(n3, 1e-12)
    f2_ref[...] = jnp.dot(p2, w2d_ref[...],
                          preferred_element_type=jnp.float32) + b2d_ref[0:1, :]
    f3_ref[...] = jnp.dot(p3, w3d_ref[...],
                          preferred_element_type=jnp.float32) + b3d_ref[0:1, :]
    ph2_ref[...] = jnp.where(lane == 3, 1.0, p2)
    ph3_ref[...] = jnp.where(lane == 3, 1.0, p3)


def _prep(k2, k3, mrows, w2d_pad, b2d, w3d_pad, b3d):
    f32 = jnp.float32
    return pl.pallas_call(
        _prep_body,
        out_shape=(jax.ShapeDtypeStruct((N, PD), f32),
                   jax.ShapeDtypeStruct((N, PD), f32),
                   jax.ShapeDtypeStruct((N, C), f32),
                   jax.ShapeDtypeStruct((N, C), f32)),
        interpret=_INTERPRET,
    )(k2, k3, mrows, w2d_pad, b2d, w3d_pad, b3d)


def _knn_body(ph_ref, phT_ref, idx_ref):
    g = jnp.dot(ph_ref[...], phT_ref[...], preferred_element_type=jnp.float32)
    cols = jax.lax.broadcasted_iota(jnp.int32, (TILE, N), 1)
    packed = ((jax.lax.bitcast_convert_type(g, jnp.int32) & jnp.int32(-1024))
              | (jnp.int32(N - 1) - cols))
    for t in range(K):
        m = jnp.max(packed, axis=1)
        amin = jnp.int32(N - 1) - (m & jnp.int32(N - 1))
        idx_ref[t, :] = amin
        packed = jnp.where(cols == amin[:, None],
                           jnp.int32(-2147483647 - 1), packed)


def _knn(ph, phT):
    return pl.pallas_call(
        _knn_body,
        grid=(N // TILE,),
        in_specs=[pl.BlockSpec((TILE, PD), lambda i: (i, 0)),
                  pl.BlockSpec((PD, N), lambda i: (0, 0))],
        out_specs=pl.BlockSpec((K, TILE), lambda i: (0, i)),
        out_shape=jax.ShapeDtypeStruct((K, N), jnp.int32),
        interpret=_INTERPRET,
    )(ph, phT)


def _rne_bf16_bits(x):
    b = jax.lax.bitcast_convert_type(x, jnp.int32)
    return (b + 0x7FFF + ((b >> 16) & 1)) & jnp.int32(-65536)


def _qkv_body(f_ref, wq_ref, wkv_ref, q_ref, kvp_ref):
    f = f_ref[...].astype(jnp.bfloat16)
    q_ref[...] = jnp.dot(f, wq_ref[...].astype(jnp.bfloat16),
                         preferred_element_type=jnp.float32)
    kv = jnp.dot(f, wkv_ref[...].astype(jnp.bfloat16),
                 preferred_element_type=jnp.float32)
    kb = _rne_bf16_bits(kv[:, 0:C])
    vb = _rne_bf16_bits(kv[:, C:2 * C])
    kvp_ref[...] = kb | ((vb >> 16) & 0xFFFF)


def _qkv(f, wq, wkv):
    return pl.pallas_call(
        _qkv_body,
        out_shape=(jax.ShapeDtypeStruct((N, C), jnp.float32),
                   jax.ShapeDtypeStruct((N, C), jnp.int32)),
        interpret=_INTERPRET,
    )(f, wq, wkv)


def _gather_rows(table, idx_flat, d, chunk, dtype=jnp.float32):
    b_total = idx_flat.shape[0]
    info = plsc.get_sparse_core_info()
    nw = info.num_cores * info.num_subcores
    b_per_w = b_total // nw
    n_chunks = b_per_w // chunk
    mesh = plsc.VectorSubcoreMesh(core_axis_name="c", subcore_axis_name="s")

    @functools.partial(
        pl.kernel,
        out_type=jax.ShapeDtypeStruct((b_total, d), dtype),
        mesh=mesh,
        scratch_types=[
            pltpu.VMEM((b_per_w,), jnp.int32),
            pltpu.VMEM((chunk, d), dtype),
            pltpu.VMEM((chunk, d), dtype),
            pltpu.SemaphoreType.DMA,
            pltpu.SemaphoreType.DMA,
            pltpu.SemaphoreType.DMA,
            pltpu.SemaphoreType.DMA,
        ],
    )
    def kern(table_hbm, idx_hbm, out_hbm, idx_v, buf0, buf1, gs0, gs1, ss0, ss1):
        wid = jax.lax.axis_index("s") * info.num_cores + jax.lax.axis_index("c")
        base = wid * b_per_w
        pltpu.sync_copy(idx_hbm.at[pl.ds(base, b_per_w)], idx_v)
        bufs, gsems, ssems = (buf0, buf1), (gs0, gs1), (ss0, ss1)

        def gstart(ci):
            return pltpu.async_copy(
                table_hbm.at[idx_v.at[pl.ds(ci * chunk, chunk)]],
                bufs[ci % 2], gsems[ci % 2])

        def sstart(ci):
            return pltpu.async_copy(
                bufs[ci % 2], out_hbm.at[pl.ds(base + ci * chunk, chunk)],
                ssems[ci % 2])

        g = {0: gstart(0)}
        s = {}
        for ci in range(n_chunks):
            if ci + 1 < n_chunks:
                if ci - 1 >= 0:
                    s[ci - 1].wait()
                g[ci + 1] = gstart(ci + 1)
            g[ci].wait()
            s[ci] = sstart(ci)
        if n_chunks >= 2:
            s[n_chunks - 2].wait()
        s[n_chunks - 1].wait()

    return kern(table, idx_flat)


def _attn_body(q_ref, f_ref, ph_ref, kvn_ref, pn_ref, wp_ref, wa_ref, out_ref):
    q = q_ref[...]
    ph = ph_ref[...].astype(jnp.bfloat16)
    wp = wp_ref[...].astype(jnp.bfloat16)
    wa = wa_ref[...].astype(jnp.bfloat16)
    s = jnp.zeros(q.shape, jnp.float32)
    acc = jnp.zeros(q.shape, jnp.float32)
    for j in range(K):
        rel = ph - pn_ref[j].astype(jnp.bfloat16)
        pe = jnp.dot(rel, wp, preferred_element_type=jnp.float32)
        kn = jax.lax.bitcast_convert_type(
            kvn_ref[j] & jnp.int32(-65536), jnp.float32)
        t = jnp.maximum(q - kn + pe, 0.0)
        l = jnp.dot(t.astype(jnp.bfloat16), wa,
                    preferred_element_type=jnp.float32)
        e = jnp.exp(l)
        s = s + e
        vn = jax.lax.bitcast_convert_type(kvn_ref[j] << 16, jnp.float32)
        acc = acc + e * (vn + pe)
    out_ref[...] = f_ref[...] + acc / s


ATILE = 256


def _attn(q, f, ph, kvn, pn, wp_pad, wa):
    kvn3 = kvn.reshape(K, N, C)
    pn3 = pn.reshape(K, N, PD)
    return pl.pallas_call(
        _attn_body,
        grid=(N // ATILE,),
        in_specs=[
            pl.BlockSpec((ATILE, C), lambda i: (i, 0)),
            pl.BlockSpec((ATILE, C), lambda i: (i, 0)),
            pl.BlockSpec((ATILE, PD), lambda i: (i, 0)),
            pl.BlockSpec((K, ATILE, C), lambda i: (0, i, 0)),
            pl.BlockSpec((K, ATILE, PD), lambda i: (0, i, 0)),
            pl.BlockSpec((PD, C), lambda i: (0, 0)),
            pl.BlockSpec((C, C), lambda i: (0, 0)),
        ],
        out_specs=pl.BlockSpec((ATILE, C), lambda i: (i, 0)),
        out_shape=jax.ShapeDtypeStruct((N, C), jnp.float32),
        interpret=_INTERPRET,
    )(q, f, ph, kvn3, pn3, wp_pad, wa)


def _pool_body(f2_ref, f3_ref, w1_ref, w2_ref, b_ref, out_ref):
    m2 = jnp.sum(f2_ref[...], axis=0, keepdims=True) * (1.0 / N)
    m3 = jnp.sum(f3_ref[...], axis=0, keepdims=True) * (1.0 / N)
    out_ref[...] = (jnp.dot(m2, w1_ref[...], preferred_element_type=jnp.float32)
                    + jnp.dot(m3, w2_ref[...], preferred_element_type=jnp.float32)
                    + b_ref[...])


def _pool(f2, f3, w1_pad, w2_pad, b_pad):
    return pl.pallas_call(
        _pool_body,
        out_shape=jax.ShapeDtypeStruct((1, 128), jnp.float32),
        interpret=_INTERPRET,
    )(f2, f3, w1_pad, w2_pad, b_pad)


def _proj_body(ph_ref, a_ref, out_ref):
    y = jnp.dot(ph_ref[...], a_ref[...], preferred_element_type=jnp.float32)
    n = jnp.sqrt(jnp.sum(y * y, axis=1, keepdims=True))
    out_ref[...] = y / jnp.maximum(n, 1e-12)


def _proj(ph, amat):
    return pl.pallas_call(
        _proj_body,
        out_shape=jax.ShapeDtypeStruct((N, PD), jnp.float32),
        interpret=_INTERPRET,
    )(ph, amat)


def _aa_to_rot(aa):
    theta = jnp.linalg.norm(aa) + 1e-12
    k = aa / theta
    z = jnp.zeros(())
    kx = jnp.stack([jnp.stack([z, -k[2], k[1]]),
                    jnp.stack([k[2], z, -k[0]]),
                    jnp.stack([-k[1], k[0], z])])
    return (jnp.eye(3) + jnp.sin(theta) * kx
            + (1.0 - jnp.cos(theta)) * (kx @ kx))


def _pad(x, rows, cols):
    return jnp.zeros((rows, cols), jnp.float32).at[:x.shape[0], :x.shape[1]].set(x)


def kernel(kpts_2d_pix, kpts_3d_pts, intrinsics, W2d_pre, b2d_pre, W3d_pre,
           b3d_pre, Wq1, Wk1, Wv1, Wa1, Wq2, Wk2, Wv2, Wa2, Wp1, Wp2,
           W_so, b_so):
    f32 = jnp.float32
    inv_intr = jnp.linalg.inv(intrinsics)
    mrows = _pad(inv_intr.T, 8, PD)
    w2d_pad = _pad(W2d_pre, PD, C)
    w3d_pad = _pad(W3d_pre, PD, C)
    b2d = jnp.broadcast_to(b2d_pre[None, :], (8, C)).astype(f32)
    b3d = jnp.broadcast_to(b3d_pre[None, :], (8, C)).astype(f32)

    ph2, ph3, f2, f3 = _prep(kpts_2d_pix, kpts_3d_pts, mrows,
                             w2d_pad, b2d, w3d_pad, b3d)

    idx2 = _knn(ph2, ph2.T)
    idx3 = _knn(ph3, ph3.T)
    idx2f = idx2.reshape(K * N)
    idx3f = idx3.reshape(K * N)

    pn2 = _gather_rows(ph2, idx2f, PD, 256)
    pn3 = _gather_rows(ph3, idx3f, PD, 256)

    wkv1 = jnp.concatenate([Wk1, Wv1], axis=1)
    wkv2 = jnp.concatenate([Wk2, Wv2], axis=1)
    wp1 = _pad(Wp1, PD, C)
    wp2 = _pad(Wp2, PD, C)

    for wq, wkv, wp, wa in ((Wq1, wkv1, wp1, Wa1), (Wq2, wkv2, wp2, Wa2)):
        q2, kvp2 = _qkv(f2, wq, wkv)
        kvn2 = _gather_rows(kvp2, idx2f, C, 64, jnp.int32)
        q3, kvp3 = _qkv(f3, wq, wkv)
        kvn3 = _gather_rows(kvp3, idx3f, C, 64, jnp.int32)
        f2 = _attn(q2, f2, ph2, kvn2, pn2, wp, wa)
        f3 = _attn(q3, f3, ph3, kvn3, pn3, wp, wa)

    wso1 = _pad(W_so[:C], C, 128)
    wso2 = _pad(W_so[C:], C, 128)
    bso = _pad(b_so[None, :], 1, 128)
    pose = _pool(f2, f3, wso1, wso2, bso)[0, :6]

    rot = _aa_to_rot(pose[0:3])
    amat = jnp.zeros((PD, PD), f32).at[0:3, 0:3].set(rot).at[3, 0:3].set(pose[3:6])
    out2d = _proj(ph2, amat)

    kpts_2d_xyz = out2d[:, 0:3].T[None, :, :]
    kpts_3d_xyz = ph3[:, 0:3].T[None, :, :]
    return (kpts_2d_xyz, kpts_3d_xyz)

# --- scband reference (transcript-rebuilt; emitter-appended) ---
"""Pipeline reference for scband-blind-pn-pneural-solver-80333068304780 (READ-ONLY COPY).

The authoritative reference and input builder live on the scoring server;
editing this copy changes nothing except your own understanding.
"""

import jax, jax.numpy as jnp
import numpy as np

M = 1024
N = 1024
C = 512
K = 16

def _normalize(x):
    n = jnp.linalg.norm(x, axis=-1, keepdims=True)
    return x / jnp.maximum(n, 1e-12)

def _pt_block(f, p, Wq, Wk, Wv, Wp, Wa):
    ss = jnp.sum(p * p, axis=1)
    d2 = ss[:, None] + ss[None, :] - 2.0 * (p @ p.T)
    _, idx = jax.lax.top_k(-d2, K)
    q = f @ Wq
    k = f @ Wk
    v = f @ Wv
    kn = jnp.take(k, idx, axis=0)
    vn = jnp.take(v, idx, axis=0)
    rel = p[:, None, :] - jnp.take(p, idx, axis=0)
    pe = rel @ Wp
    a = jax.nn.relu(q[:, None, :] - kn + pe) @ Wa
    a = jax.nn.softmax(a, axis=1)
    return f + jnp.sum(a * (vn + pe), axis=1)

def _aa_to_R(aa):
    theta = jnp.linalg.norm(aa) + 1e-12
    k = aa / theta
    z = jnp.zeros(())
    Kx = jnp.stack([jnp.stack([z, -k[2], k[1]]),
                    jnp.stack([k[2], z, -k[0]]),
                    jnp.stack([-k[1], k[0], z])])
    return jnp.eye(3) + jnp.sin(theta) * Kx + (1.0 - jnp.cos(theta)) * (Kx @ Kx)

def setup_inputs(seed: int = 0):
    key = jax.random.key(seed)
    ks = jax.random.split(key, 24)
    s = 0.02
    inp = {}
    inp["kpts_2d_pix"] = jax.random.uniform(ks[0], (M, 2), jnp.float32, 0.0, 1200.0)
    xy = jax.random.normal(ks[1], (N, 2), dtype=jnp.float32) * 10.0
    zc = jax.random.uniform(ks[2], (N, 1), jnp.float32, 2.0, 50.0)
    inp["kpts_3d_pts"] = jnp.concatenate([xy, zc], axis=1)
    inp["intrinsics"] = jnp.array([[718.856, 0.0, 607.19], [0.0, 718.856, 185.22], [0.0, 0.0, 1.0]], dtype=jnp.float32)
    inp["W2d_pre"] = jax.random.normal(ks[3], (3, C), dtype=jnp.float32) * s
    inp["b2d_pre"] = jnp.zeros((C,), jnp.float32)
    inp["W3d_pre"] = jax.random.normal(ks[4], (3, C), dtype=jnp.float32) * s
    inp["b3d_pre"] = jnp.zeros((C,), jnp.float32)
    names = ["Wq1", "Wk1", "Wv1", "Wa1", "Wq2", "Wk2", "Wv2", "Wa2"]
    for i, nm in enumerate(names):
        inp[nm] = jax.random.normal(ks[5 + i], (C, C), dtype=jnp.float32) * s
    inp["Wp1"] = jax.random.normal(ks[13], (3, C), dtype=jnp.float32) * s
    inp["Wp2"] = jax.random.normal(ks[14], (3, C), dtype=jnp.float32) * s
    inp["W_so"] = jax.random.normal(ks[15], (2 * C, 6), dtype=jnp.float32) * s
    inp["b_so"] = jnp.zeros((6,), jnp.float32)
    return inp

def reference(kpts_2d_pix, kpts_3d_pts, intrinsics, W2d_pre, b2d_pre, W3d_pre, b3d_pre, Wq1, Wk1, Wv1, Wa1, Wq2, Wk2, Wv2, Wa2, Wp1, Wp2, W_so, b_so):
    m = kpts_2d_pix.shape[0]
    tmp = jnp.stack([kpts_2d_pix[:, 1], kpts_2d_pix[:, 0], jnp.ones((m,), jnp.float32)], axis=1)
    inv_intr = jnp.linalg.inv(intrinsics)
    kpts_2d_bea = (inv_intr @ tmp.T).T
    kpts_2d_nbv = _normalize(kpts_2d_bea)
    kpts_3d_nbv = _normalize(kpts_3d_pts / kpts_3d_pts[:, 2:3])
    f2 = kpts_2d_nbv @ W2d_pre + b2d_pre
    f3 = kpts_3d_nbv @ W3d_pre + b3d_pre
    f2 = _pt_block(f2, kpts_2d_nbv, Wq1, Wk1, Wv1, Wp1, Wa1)
    f3 = _pt_block(f3, kpts_3d_nbv, Wq1, Wk1, Wv1, Wp1, Wa1)
    f2 = _pt_block(f2, kpts_2d_nbv, Wq2, Wk2, Wv2, Wp2, Wa2)
    f3 = _pt_block(f3, kpts_3d_nbv, Wq2, Wk2, Wv2, Wp2, Wa2)
    pose_fea = jnp.concatenate([jnp.mean(f2, axis=0), jnp.mean(f3, axis=0)])
    pose = pose_fea @ W_so + b_so
    R_pd = _aa_to_R(pose[0:3])
    T_pd = pose[3:6][None, :]
    out2d = _normalize(kpts_2d_nbv @ R_pd + T_pd)
    kpts_2d_xyz = out2d.T[None, :, :]
    kpts_3d_xyz = kpts_3d_nbv.T[None, :, :]
    return (kpts_2d_xyz, kpts_3d_xyz)

if __name__ == "__main__":
    import jax
    _d = setup_inputs()
    print(jax.jit(kernel)(*tuple(_d.values())))

</pallas_src>

<mosaic_0001>
#map = affine_map<(d0, d1) -> (0, 0)>
#map1 = affine_map<(d0, d1) -> (0)>
module attributes {stable_mosaic.version = 14 : i64} {
  func.func @kern(%arg0: i32, %arg1: i32, %arg2: memref<1024x512xi32, #tpu.memory_space<hbm>>, %arg3: memref<16384xi32, #tpu.memory_space<hbm>>, %arg4: memref<16384x512xi32, #tpu.memory_space<hbm>>, %arg5: memref<512xi32, #tpu.memory_space<vmem>>, %arg6: memref<64x512xi32, #tpu.memory_space<vmem>>, %arg7: memref<64x512xi32, #tpu.memory_space<vmem>>, %arg8: memref<!tpu.dma_semaphore, #tpu.memory_space<semaphore_mem>>, %arg9: memref<!tpu.dma_semaphore, #tpu.memory_space<semaphore_mem>>, %arg10: memref<!tpu.dma_semaphore, #tpu.memory_space<semaphore_mem>>, %arg11: memref<!tpu.dma_semaphore, #tpu.memory_space<semaphore_mem>>) attributes {dimension_semantics = [#tpu.dimension_semantics<core_parallel>, #tpu.dimension_semantics<subcore_parallel>], iteration_bounds = array<i64: 2, 16>, scalar_prefetch = 0 : i64, scratch_operands = 7 : i64, tpu.core_type = #tpu.core_type<sc_vector_subcore>, window_params = [{transform_indices = #map}, {transform_indices = #map1}, {transform_indices = #map}]} {
    %mul3A = arith.constant 2 : i32
    %mul3A_0 = arith.muli %arg1, %mul3A : i32
    %add3A = arith.addi %mul3A_0, %arg0 : i32
    %mul3A_1 = arith.constant 512 : i32
    %mul3A_2 = arith.muli %add3A, %mul3A_1 : i32
    "tpu.region"() ({
      %run_scoped3A = tpu.sem_alloc : memref<!tpu.dma_semaphore, #tpu.memory_space<semaphore_mem>>
      %dma_start3A_161 = tpu.memref_slice %arg3[%mul3A_2] : memref<16384xi32, #tpu.memory_space<hbm>> -> memref<512xi32, #tpu.memory_space<hbm>>
      %dma_start3A_162 = tpu.memref_slice %arg3[%mul3A_2] : memref<16384xi32, #tpu.memory_space<hbm>> -> memref<512xi32, #tpu.memory_space<hbm>>
      tpu.enqueue_dma source(%dma_start3A_162 : memref<512xi32, #tpu.memory_space<hbm>>) target(%arg5 : memref<512xi32, #tpu.memory_space<vmem>>) target_semaphore(%run_scoped3A : memref<!tpu.dma_semaphore, #tpu.memory_space<semaphore_mem>>)
      %dma_wait3A_163 = tpu.memref_slice %arg3[%mul3A_2] : memref<16384xi32, #tpu.memory_space<hbm>> -> memref<512xi32, #tpu.memory_space<hbm>>
      %dma_wait3A_164 = tpu.memref_slice %arg3[%mul3A_2] : memref<16384xi32, #tpu.memory_space<hbm>> -> memref<512xi32, #tpu.memory_space<hbm>>
      tpu.wait_dma2 semaphore(%run_scoped3A : memref<!tpu.dma_semaphore, #tpu.memory_space<semaphore_mem>>) src(%dma_wait3A_164 : memref<512xi32, #tpu.memory_space<hbm>>) dst(%arg5 : memref<512xi32, #tpu.memory_space<vmem>>)
      tpu.yield
    }) : () -> ()
    %dma_start3A = arith.constant 0 : i32
    %dma_start3A_3 = tpu.memref_slice %arg5[%dma_start3A] : memref<512xi32, #tpu.memory_space<vmem>> -> memref<64xi32, #tpu.memory_space<vmem>>
    %dma_start3A_4 = arith.constant 0 : i32
    %dma_start3A_5 = arith.constant 0 : i32
    %dma_start3A_6 = tpu.memref_slice %arg2[%dma_start3A_4, %dma_start3A_5] : memref<1024x512xi32, #tpu.memory_space<hbm>> -> memref<1024x512xi32, #tpu.memory_space<hbm>>
    tpu.enqueue_indirect_dma source(%dma_start3A_6 : memref<1024x512xi32, #tpu.memory_space<hbm>>) target(%arg6 : memref<64x512xi32, #tpu.memory_space<vmem>>) offsets(%dma_start3A_3 : memref<64xi32, #tpu.memory_space<vmem>>) semaphore(%arg8 : memref<!tpu.dma_semaphore, #tpu.memory_space<semaphore_mem>>)
    %dma_start3A_7 = arith.constant 64 : i32
    %dma_start3A_8 = tpu.memref_slice %arg5[%dma_start3A_7] : memref<512xi32, #tpu.memory_space<vmem>> -> memref<64xi32, #tpu.memory_space<vmem>>
    %dma_start3A_9 = arith.constant 0 : i32
    %dma_start3A_10 = arith.constant 0 : i32
    %dma_start3A_11 = tpu.memref_slice %arg2[%dma_start3A_9, %dma_start3A_10] : memref<1024x512xi32, #tpu.memory_space<hbm>> -> memref<1024x512xi32, #tpu.memory_space<hbm>>
    tpu.enqueue_indirect_dma source(%dma_start3A_11 : memref<1024x512xi32, #tpu.memory_space<hbm>>) target(%arg7 : memref<64x512xi32, #tpu.memory_space<vmem>>) offsets(%dma_start3A_8 : memref<64xi32, #tpu.memory_space<vmem>>) semaphore(%arg9 : memref<!tpu.dma_semaphore, #tpu.memory_space<semaphore_mem>>)
    %dma_wait3A = arith.constant 0 : i32
    %dma_wait3A_12 = tpu.memref_slice %arg5[%dma_wait3A] : memref<512xi32, #tpu.memory_space<vmem>> -> memref<64xi32, #tpu.memory_space<vmem>>
    %dma_wait3A_13 = arith.constant 0 : i32
    %dma_wait3A_14 = arith.constant 0 : i32
    %dma_wait3A_15 = tpu.memref_slice %arg2[%dma_wait3A_13, %dma_wait3A_14] : memref<1024x512xi32, #tpu.memory_space<hbm>> -> memref<1024x512xi32, #tpu.memory_space<hbm>>
    tpu.wait_indirect_dma semaphore(%arg8 : memref<!tpu.dma_semaphore, #tpu.memory_space<semaphore_mem>>) src(%dma_wait3A_15 : memref<1024x512xi32, #tpu.memory_space<hbm>>) dst(%arg6 : memref<64x512xi32, #tpu.memory_space<vmem>>)
    %add3A_16 = arith.constant 0 : i32
    %add3A_17 = arith.addi %mul3A_2, %add3A_16 : i32
    %dma_start3A_18 = arith.constant 0 : i32
    %dma_start3A_19 = tpu.memref_slice %arg4[%add3A_17, %dma_start3A_18] : memref<16384x512xi32, #tpu.memory_space<hbm>> -> memref<64x512xi32, #tpu.memory_space<hbm>>
    %dma_start3A_20 = arith.constant 0 : i32
    %dma_start3A_21 = tpu.memref_slice %arg4[%add3A_17, %dma_start3A_20] : memref<16384x512xi32, #tpu.memory_space<hbm>> -> memref<64x512xi32, #tpu.memory_space<hbm>>
    tpu.enqueue_dma source(%arg6 : memref<64x512xi32, #tpu.memory_space<vmem>>) target(%dma_start3A_21 : memref<64x512xi32, #tpu.memory_space<hbm>>) target_semaphore(%arg10 : memref<!tpu.dma_semaphore, #tpu.memory_space<semaphore_mem>>)
    %dma_wait3A_22 = arith.constant 0 : i32
    %dma_wait3A_23 = tpu.memref_slice %arg4[%add3A_17, %dma_wait3A_22] : memref<16384x512xi32, #tpu.memory_space<hbm>> -> memref<64x512xi32, #tpu.memory_space<hbm>>
    %dma_wait3A_24 = arith.constant 0 : i32
    %dma_wait3A_25 = tpu.memref_slice %arg4[%add3A_17, %dma_wait3A_24] : memref<16384x512xi32, #tpu.memory_space<hbm>> -> memref<64x512xi32, #tpu.memory_space<hbm>>
    tpu.wait_dma2 semaphore(%arg10 : memref<!tpu.dma_semaphore, #tpu.memory_space<semaphore_mem>>) src(%arg6 : memref<64x512xi32, #tpu.memory_space<vmem>>) dst(%dma_wait3A_25 : memref<64x512xi32, #tpu.memory_space<hbm>>)
    %dma_start3A_26 = arith.constant 128 : i32
    %dma_start3A_27 = tpu.memref_slice %arg5[%dma_start3A_26] : memref<512xi32, #tpu.memory_space<vmem>> -> memref<64xi32, #tpu.memory_space<vmem>>
    %dma_start3A_28 = arith.constant 0 : i32
    %dma_start3A_29 = arith.constant 0 : i32
    %dma_start3A_30 = tpu.memref_slice %arg2[%dma_start3A_28, %dma_start3A_29] : memref<1024x512xi32, #tpu.memory_space<hbm>> -> memref<1024x512xi32, #tpu.memory_space<hbm>>
    tpu.enqueue_indirect_dma source(%dma_start3A_30 : memref<1024x512xi32, #tpu.memory_space<hbm>>) target(%arg6 : memref<64x512xi32, #tpu.memory_space<vmem>>) offsets(%dma_start3A_27 : memref<64xi32, #tpu.memory_space<vmem>>) semaphore(%arg8 : memref<!tpu.dma_semaphore, #tpu.memory_space<semaphore_mem>>)
    %dma_wait3A_31 = arith.constant 64 : i32
    %dma_wait3A_32 = tpu.memref_slice %arg5[%dma_wait3A_31] : memref<512xi32, #tpu.memory_space<vmem>> -> memref<64xi32, #tpu.memory_space<vmem>>
    %dma_wait3A_33 = arith.constant 0 : i32
    %dma_wait3A_34 = arith.constant 0 : i32
    %dma_wait3A_35 = tpu.memref_slice %arg2[%dma_wait3A_33, %dma_wait3A_34] : memref<1024x512xi32, #tpu.memory_space<hbm>> -> memref<1024x512xi32, #tpu.memory_space<hbm>>
    tpu.wait_indirect_dma semaphore(%arg9 : memref<!tpu.dma_semaphore, #tpu.memory_space<semaphore_mem>>) src(%dma_wait3A_35 : memref<1024x512xi32, #tpu.memory_space<hbm>>) dst(%arg7 : memref<64x512xi32, #tpu.memory_space<vmem>>)
    %add3A_36 = arith.constant 64 : i32
    %add3A_37 = arith.addi %mul3A_2, %add3A_36 : i32
    %dma_start3A_38 = arith.constant 0 : i32
    %dma_start3A_39 = tpu.memref_slice %arg4[%add3A_37, %dma_start3A_38] : memref<16384x512xi32, #tpu.memory_space<hbm>> -> memref<64x512xi32, #tpu.memory_space<hbm>>
    %dma_start3A_40 = arith.constant 0 : i32
    %dma_start3A_41 = tpu.memref_slice %arg4[%add3A_37, %dma_start3A_40] : memref<16384x512xi32, #tpu.memory_space<hbm>> -> memref<64x512xi32, #tpu.memory_space<hbm>>
    tpu.enqueue_dma source(%arg7 : memref<64x512xi32, #tpu.memory_space<vmem>>) target(%dma_start3A_41 : memref<64x512xi32, #tpu.memory_space<hbm>>) target_semaphore(%arg11 : memref<!tpu.dma_semaphore, #tpu.memory_space<semaphore_mem>>)
    %dma_wait3A_42 = arith.constant 0 : i32
    %dma_wait3A_43 = tpu.memref_slice %arg4[%add3A_37, %dma_wait3A_42] : memref<16384x512xi32, #tpu.memory_space<hbm>> -> memref<64x512xi32, #tpu.memory_space<hbm>>
    %dma_wait3A_44 = arith.constant 0 : i32
    %dma_wait3A_45 = tpu.memref_slice %arg4[%add3A_37, %dma_wait3A_44] : memref<16384x512xi32, #tpu.memory_space<hbm>> -> memref<64x512xi32, #tpu.memory_space<hbm>>
    tpu.wait_dma2 semaphore(%arg11 : memref<!tpu.dma_semaphore, #tpu.memory_space<semaphore_mem>>) src(%arg7 : memref<64x512xi32, #tpu.memory_space<vmem>>) dst(%dma_wait3A_45 : memref<64x512xi32, #tpu.memory_space<hbm>>)
    %dma_start3A_46 = arith.constant 192 : i32
    %dma_start3A_47 = tpu.memref_slice %arg5[%dma_start3A_46] : memref<512xi32, #tpu.memory_space<vmem>> -> memref<64xi32, #tpu.memory_space<vmem>>
    %dma_start3A_48 = arith.constant 0 : i32
    %dma_start3A_49 = arith.constant 0 : i32
    %dma_start3A_50 = tpu.memref_slice %arg2[%dma_start3A_48, %dma_start3A_49] : memref<1024x512xi32, #tpu.memory_space<hbm>> -> memref<1024x512xi32, #tpu.memory_space<hbm>>
    tpu.enqueue_indirect_dma source(%dma_start3A_50 : memref<1024x512xi32, #tpu.memory_space<hbm>>) target(%arg7 : memref<64x512xi32, #tpu.memory_space<vmem>>) offsets(%dma_start3A_47 : memref<64xi32, #tpu.memory_space<vmem>>) semaphore(%arg9 : memref<!tpu.dma_semaphore, #tpu.memory_space<semaphore_mem>>)
    %dma_wait3A_51 = arith.constant 128 : i32
    %dma_wait3A_52 = tpu.memref_slice %arg5[%dma_wait3A_51] : memref<512xi32, #tpu.memory_space<vmem>> -> memref<64xi32, #tpu.memory_space<vmem>>
    %dma_wait3A_53 = arith.constant 0 : i32
    %dma_wait3A_54 = arith.constant 0 : i32
    %dma_wait3A_55 = tpu.memref_slice %arg2[%dma_wait3A_53, %dma_wait3A_54] : memref<1024x512xi32, #tpu.memory_space<hbm>> -> memref<1024x512xi32, #tpu.memory_space<hbm>>
    tpu.wait_indirect_dma semaphore(%arg8 : memref<!tpu.dma_semaphore, #tpu.memory_space<semaphore_mem>>) src(%dma_wait3A_55 : memref<1024x512xi32, #tpu.memory_space<hbm>>) dst(%arg6 : memref<64x512xi32, #tpu.memory_space<vmem>>)
    %add3A_56 = arith.constant 128 : i32
    %add3A_57 = arith.addi %mul3A_2, %add3A_56 : i32
    %dma_start3A_58 = arith.constant 0 : i32
    %dma_start3A_59 = tpu.memref_slice %arg4[%add3A_57, %dma_start3A_58] : memref<16384x512xi32, #tpu.memory_space<hbm>> -> memref<64x512xi32, #tpu.memory_space<hbm>>
    %dma_start3A_60 = arith.constant 0 : i32
    %dma_start3A_61 = tpu.memref_slice %arg4[%add3A_57, %dma_start3A_60] : memref<16384x512xi32, #tpu.memory_space<hbm>> -> memref<64x512xi32, #tpu.memory_space<hbm>>
    tpu.enqueue_dma source(%arg6 : memref<64x512xi32, #tpu.memory_space<vmem>>) target(%dma_start3A_61 : memref<64x512xi32, #tpu.memory_space<hbm>>) target_semaphore(%arg10 : memref<!tpu.dma_semaphore, #tpu.memory_space<semaphore_mem>>)
    %dma_wait3A_62 = arith.constant 0 : i32
    %dma_wait3A_63 = tpu.memref_slice %arg4[%add3A_57, %dma_wait3A_62] : memref<16384x512xi32, #tpu.memory_space<hbm>> -> memref<64x512xi32, #tpu.memory_space<hbm>>
    %dma_wait3A_64 = arith.constant 0 : i32
    %dma_wait3A_65 = tpu.memref_slice %arg4[%add3A_57, %dma_wait3A_64] : memref<16384x512xi32, #tpu.memory_space<hbm>> -> memref<64x512xi32, #tpu.memory_space<hbm>>
    tpu.wait_dma2 semaphore(%arg10 : memref<!tpu.dma_semaphore, #tpu.memory_space<semaphore_mem>>) src(%arg6 : memref<64x512xi32, #tpu.memory_space<vmem>>) dst(%dma_wait3A_65 : memref<64x512xi32, #tpu.memory_space<hbm>>)
    %dma_start3A_66 = arith.constant 256 : i32
    %dma_start3A_67 = tpu.memref_slice %arg5[%dma_start3A_66] : memref<512xi32, #tpu.memory_space<vmem>> -> memref<64xi32, #tpu.memory_space<vmem>>
    %dma_start3A_68 = arith.constant 0 : i32
    %dma_start3A_69 = arith.constant 0 : i32
    %dma_start3A_70 = tpu.memref_slice %arg2[%dma_start3A_68, %dma_start3A_69] : memref<1024x512xi32, #tpu.memory_space<hbm>> -> memref<1024x512xi32, #tpu.memory_space<hbm>>
    tpu.enqueue_indirect_dma source(%dma_start3A_70 : memref<1024x512xi32, #tpu.memory_space<hbm>>) target(%arg6 : memref<64x512xi32, #tpu.memory_space<vmem>>) offsets(%dma_start3A_67 : memref<64xi32, #tpu.memory_space<vmem>>) semaphore(%arg8 : memref<!tpu.dma_semaphore, #tpu.memory_space<semaphore_mem>>)
    %dma_wait3A_71 = arith.constant 192 : i32
    %dma_wait3A_72 = tpu.memref_slice %arg5[%dma_wait3A_71] : memref<512xi32, #tpu.memory_space<vmem>> -> memref<64xi32, #tpu.memory_space<vmem>>
    %dma_wait3A_73 = arith.constant 0 : i32
    %dma_wait3A_74 = arith.constant 0 : i32
    %dma_wait3A_75 = tpu.memref_slice %arg2[%dma_wait3A_73, %dma_wait3A_74] : memref<1024x512xi32, #tpu.memory_space<hbm>> -> memref<1024x512xi32, #tpu.memory_space<hbm>>
    tpu.wait_indirect_dma semaphore(%arg9 : memref<!tpu.dma_semaphore, #tpu.memory_space<semaphore_mem>>) src(%dma_wait3A_75 : memref<1024x512xi32, #tpu.memory_space<hbm>>) dst(%arg7 : memref<64x512xi32, #tpu.memory_space<vmem>>)
    %add3A_76 = arith.constant 192 : i32
    %add3A_77 = arith.addi %mul3A_2, %add3A_76 : i32
    %dma_start3A_78 = arith.constant 0 : i32
    %dma_start3A_79 = tpu.memref_slice %arg4[%add3A_77, %dma_start3A_78] : memref<16384x512xi32, #tpu.memory_space<hbm>> -> memref<64x512xi32, #tpu.memory_space<hbm>>
    %dma_start3A_80 = arith.constant 0 : i32
    %dma_start3A_81 = tpu.memref_slice %arg4[%add3A_77, %dma_start3A_80] : memref<16384x512xi32, #tpu.memory_space<hbm>> -> memref<64x512xi32, #tpu.memory_space<hbm>>
    tpu.enqueue_dma source(%arg7 : memref<64x512xi32, #tpu.memory_space<vmem>>) target(%dma_start3A_81 : memref<64x512xi32, #tpu.memory_space<hbm>>) target_semaphore(%arg11 : memref<!tpu.dma_semaphore, #tpu.memory_space<semaphore_mem>>)
    %dma_wait3A_82 = arith.constant 0 : i32
    %dma_wait3A_83 = tpu.memref_slice %arg4[%add3A_77, %dma_wait3A_82] : memref<16384x512xi32, #tpu.memory_space<hbm>> -> memref<64x512xi32, #tpu.memory_space<hbm>>
    %dma_wait3A_84 = arith.constant 0 : i32
    %dma_wait3A_85 = tpu.memref_slice %arg4[%add3A_77, %dma_wait3A_84] : memref<16384x512xi32, #tpu.memory_space<hbm>> -> memref<64x512xi32, #tpu.memory_space<hbm>>
    tpu.wait_dma2 semaphore(%arg11 : memref<!tpu.dma_semaphore, #tpu.memory_space<semaphore_mem>>) src(%arg7 : memref<64x512xi32, #tpu.memory_space<vmem>>) dst(%dma_wait3A_85 : memref<64x512xi32, #tpu.memory_space<hbm>>)
    %dma_start3A_86 = arith.constant 320 : i32
    %dma_start3A_87 = tpu.memref_slice %arg5[%dma_start3A_86] : memref<512xi32, #tpu.memory_space<vmem>> -> memref<64xi32, #tpu.memory_space<vmem>>
    %dma_start3A_88 = arith.constant 0 : i32
    %dma_start3A_89 = arith.constant 0 : i32
    %dma_start3A_90 = tpu.memref_slice %arg2[%dma_start3A_88, %dma_start3A_89] : memref<1024x512xi32, #tpu.memory_space<hbm>> -> memref<1024x512xi32, #tpu.memory_space<hbm>>
    tpu.enqueue_indirect_dma source(%dma_start3A_90 : memref<1024x512xi32, #tpu.memory_space<hbm>>) target(%arg7 : memref<64x512xi32, #tpu.memory_space<vmem>>) offsets(%dma_start3A_87 : memref<64xi32, #tpu.memory_space<vmem>>) semaphore(%arg9 : memref<!tpu.dma_semaphore, #tpu.memory_space<semaphore_mem>>)
    %dma_wait3A_91 = arith.constant 256 : i32
    %dma_wait3A_92 = tpu.memref_slice %arg5[%dma_wait3A_91] : memref<512xi32, #tpu.memory_space<vmem>> -> memref<64xi32, #tpu.memory_space<vmem>>
    %dma_wait3A_93 = arith.constant 0 : i32
    %dma_wait3A_94 = arith.constant 0 : i32
    %dma_wait3A_95 = tpu.memref_slice %arg2[%dma_wait3A_93, %dma_wait3A_94] : memref<1024x512xi32, #tpu.memory_space<hbm>> -> memref<1024x512xi32, #tpu.memory_space<hbm>>
    tpu.wait_indirect_dma semaphore(%arg8 : memref<!tpu.dma_semaphore, #tpu.memory_space<semaphore_mem>>) src(%dma_wait3A_95 : memref<1024x512xi32, #tpu.memory_space<hbm>>) dst(%arg6 : memref<64x512xi32, #tpu.memory_space<vmem>>)
    %add3A_96 = arith.constant 256 : i32
    %add3A_97 = arith.addi %mul3A_2, %add3A_96 : i32
    %dma_start3A_98 = arith.constant 0 : i32
    %dma_start3A_99 = tpu.memref_slice %arg4[%add3A_97, %dma_start3A_98] : memref<16384x512xi32, #tpu.memory_space<hbm>> -> memref<64x512xi32, #tpu.memory_space<hbm>>
    %dma_start3A_100 = arith.constant 0 : i32
    %dma_start3A_101 = tpu.memref_slice %arg4[%add3A_97, %dma_start3A_100] : memref<16384x512xi32, #tpu.memory_space<hbm>> -> memref<64x512xi32, #tpu.memory_space<hbm>>
    tpu.enqueue_dma source(%arg6 : memref<64x512xi32, #tpu.memory_space<vmem>>) target(%dma_start3A_101 : memref<64x512xi32, #tpu.memory_space<hbm>>) target_semaphore(%arg10 : memref<!tpu.dma_semaphore, #tpu.memory_space<semaphore_mem>>)
    %dma_wait3A_102 = arith.constant 0 : i32
    %dma_wait3A_103 = tpu.memref_slice %arg4[%add3A_97, %dma_wait3A_102] : memref<16384x512xi32, #tpu.memory_space<hbm>> -> memref<64x512xi32, #tpu.memory_space<hbm>>
    %dma_wait3A_104 = arith.constant 0 : i32
    %dma_wait3A_105 = tpu.memref_slice %arg4[%add3A_97, %dma_wait3A_104] : memref<16384x512xi32, #tpu.memory_space<hbm>> -> memref<64x512xi32, #tpu.memory_space<hbm>>
    tpu.wait_dma2 semaphore(%arg10 : memref<!tpu.dma_semaphore, #tpu.memory_space<semaphore_mem>>) src(%arg6 : memref<64x512xi32, #tpu.memory_space<vmem>>) dst(%dma_wait3A_105 : memref<64x512xi32, #tpu.memory_space<hbm>>)
    %dma_start3A_106 = arith.constant 384 : i32
    %dma_start3A_107 = tpu.memref_slice %arg5[%dma_start3A_106] : memref<512xi32, #tpu.memory_space<vmem>> -> memref<64xi32, #tpu.memory_space<vmem>>
    %dma_start3A_108 = arith.constant 0 : i32
    %dma_start3A_109 = arith.constant 0 : i32
    %dma_start3A_110 = tpu.memref_slice %arg2[%dma_start3A_108, %dma_start3A_109] : memref<1024x512xi32, #tpu.memory_space<hbm>> -> memref<1024x512xi32, #tpu.memory_space<hbm>>
    tpu.enqueue_indirect_dma source(%dma_start3A_110 : memref<1024x512xi32, #tpu.memory_space<hbm>>) target(%arg6 : memref<64x512xi32, #tpu.memory_space<vmem>>) offsets(%dma_start3A_107 : memref<64xi32, #tpu.memory_space<vmem>>) semaphore(%arg8 : memref<!tpu.dma_semaphore, #tpu.memory_space<semaphore_mem>>)
    %dma_wait3A_111 = arith.constant 320 : i32
    %dma_wait3A_112 = tpu.memref_slice %arg5[%dma_wait3A_111] : memref<512xi32, #tpu.memory_space<vmem>> -> memref<64xi32, #tpu.memory_space<vmem>>
    %dma_wait3A_113 = arith.constant 0 : i32
    %dma_wait3A_114 = arith.constant 0 : i32
    %dma_wait3A_115 = tpu.memref_slice %arg2[%dma_wait3A_113, %dma_wait3A_114] : memref<1024x512xi32, #tpu.memory_space<hbm>> -> memref<1024x512xi32, #tpu.memory_space<hbm>>
    tpu.wait_indirect_dma semaphore(%arg9 : memref<!tpu.dma_semaphore, #tpu.memory_space<semaphore_mem>>) src(%dma_wait3A_115 : memref<1024x512xi32, #tpu.memory_space<hbm>>) dst(%arg7 : memref<64x512xi32, #tpu.memory_space<vmem>>)
    %add3A_116 = arith.constant 320 : i32
    %add3A_117 = arith.addi %mul3A_2, %add3A_116 : i32
    %dma_start3A_118 = arith.constant 0 : i32
    %dma_start3A_119 = tpu.memref_slice %arg4[%add3A_117, %dma_start3A_118] : memref<16384x512xi32, #tpu.memory_space<hbm>> -> memref<64x512xi32, #tpu.memory_space<hbm>>
    %dma_start3A_120 = arith.constant 0 : i32
    %dma_start3A_121 = tpu.memref_slice %arg4[%add3A_117, %dma_start3A_120] : memref<16384x512xi32, #tpu.memory_space<hbm>> -> memref<64x512xi32, #tpu.memory_space<hbm>>
    tpu.enqueue_dma source(%arg7 : memref<64x512xi32, #tpu.memory_space<vmem>>) target(%dma_start3A_121 : memref<64x512xi32, #tpu.memory_space<hbm>>) target_semaphore(%arg11 : memref<!tpu.dma_semaphore, #tpu.memory_space<semaphore_mem>>)
    %dma_wait3A_122 = arith.constant 0 : i32
    %dma_wait3A_123 = tpu.memref_slice %arg4[%add3A_117, %dma_wait3A_122] : memref<16384x512xi32, #tpu.memory_space<hbm>> -> memref<64x512xi32, #tpu.memory_space<hbm>>
    %dma_wait3A_124 = arith.constant 0 : i32
    %dma_wait3A_125 = tpu.memref_slice %arg4[%add3A_117, %dma_wait3A_124] : memref<16384x512xi32, #tpu.memory_space<hbm>> -> memref<64x512xi32, #tpu.memory_space<hbm>>
    tpu.wait_dma2 semaphore(%arg11 : memref<!tpu.dma_semaphore, #tpu.memory_space<semaphore_mem>>) src(%arg7 : memref<64x512xi32, #tpu.memory_space<vmem>>) dst(%dma_wait3A_125 : memref<64x512xi32, #tpu.memory_space<hbm>>)
    %dma_start3A_126 = arith.constant 448 : i32
    %dma_start3A_127 = tpu.memref_slice %arg5[%dma_start3A_126] : memref<512xi32, #tpu.memory_space<vmem>> -> memref<64xi32, #tpu.memory_space<vmem>>
    %dma_start3A_128 = arith.constant 0 : i32
    %dma_start3A_129 = arith.constant 0 : i32
    %dma_start3A_130 = tpu.memref_slice %arg2[%dma_start3A_128, %dma_start3A_129] : memref<1024x512xi32, #tpu.memory_space<hbm>> -> memref<1024x512xi32, #tpu.memory_space<hbm>>
    tpu.enqueue_indirect_dma source(%dma_start3A_130 : memref<1024x512xi32, #tpu.memory_space<hbm>>) target(%arg7 : memref<64x512xi32, #tpu.memory_space<vmem>>) offsets(%dma_start3A_127 : memref<64xi32, #tpu.memory_space<vmem>>) semaphore(%arg9 : memref<!tpu.dma_semaphore, #tpu.memory_space<semaphore_mem>>)
    %dma_wait3A_131 = arith.constant 384 : i32
    %dma_wait3A_132 = tpu.memref_slice %arg5[%dma_wait3A_131] : memref<512xi32, #tpu.memory_space<vmem>> -> memref<64xi32, #tpu.memory_space<vmem>>
    %dma_wait3A_133 = arith.constant 0 : i32
    %dma_wait3A_134 = arith.constant 0 : i32
    %dma_wait3A_135 = tpu.memref_slice %arg2[%dma_wait3A_133, %dma_wait3A_134] : memref<1024x512xi32, #tpu.memory_space<hbm>> -> memref<1024x512xi32, #tpu.memory_space<hbm>>
    tpu.wait_indirect_dma semaphore(%arg8 : memref<!tpu.dma_semaphore, #tpu.memory_space<semaphore_mem>>) src(%dma_wait3A_135 : memref<1024x512xi32, #tpu.memory_space<hbm>>) dst(%arg6 : memref<64x512xi32, #tpu.memory_space<vmem>>)
    %add3A_136 = arith.constant 384 : i32
    %add3A_137 = arith.addi %mul3A_2, %add3A_136 : i32
    %dma_start3A_138 = arith.constant 0 : i32
    %dma_start3A_139 = tpu.memref_slice %arg4[%add3A_137, %dma_start3A_138] : memref<16384x512xi32, #tpu.memory_space<hbm>> -> memref<64x512xi32, #tpu.memory_space<hbm>>
    %dma_start3A_140 = arith.constant 0 : i32
    %dma_start3A_141 = tpu.memref_slice %arg4[%add3A_137, %dma_start3A_140] : memref<16384x512xi32, #tpu.memory_space<hbm>> -> memref<64x512xi32, #tpu.memory_space<hbm>>
    tpu.enqueue_dma source(%arg6 : memref<64x512xi32, #tpu.memory_space<vmem>>) target(%dma_start3A_141 : memref<64x512xi32, #tpu.memory_space<hbm>>) target_semaphore(%arg10 : memref<!tpu.dma_semaphore, #tpu.memory_space<semaphore_mem>>)
    %dma_wait3A_142 = arith.constant 448 : i32
    %dma_wait3A_143 = tpu.memref_slice %arg5[%dma_wait3A_142] : memref<512xi32, #tpu.memory_space<vmem>> -> memref<64xi32, #tpu.memory_space<vmem>>
    %dma_wait3A_144 = arith.constant 0 : i32
    %dma_wait3A_145 = arith.constant 0 : i32
    %dma_wait3A_146 = tpu.memref_slice %arg2[%dma_wait3A_144, %dma_wait3A_145] : memref<1024x512xi32, #tpu.memory_space<hbm>> -> memref<1024x512xi32, #tpu.memory_space<hbm>>
    tpu.wait_indirect_dma semaphore(%arg9 : memref<!tpu.dma_semaphore, #tpu.memory_space<semaphore_mem>>) src(%dma_wait3A_146 : memref<1024x512xi32, #tpu.memory_space<hbm>>) dst(%arg7 : memref<64x512xi32, #tpu.memory_space<vmem>>)
    %add3A_147 = arith.constant 448 : i32
    %add3A_148 = arith.addi %mul3A_2, %add3A_147 : i32
    %dma_start3A_149 = arith.constant 0 : i32
    %dma_start3A_150 = tpu.memref_slice %arg4[%add3A_148, %dma_start3A_149] : memref<16384x512xi32, #tpu.memory_space<hbm>> -> memref<64x512xi32, #tpu.memory_space<hbm>>
    %dma_start3A_151 = arith.constant 0 : i32
    %dma_start3A_152 = tpu.memref_slice %arg4[%add3A_148, %dma_start3A_151] : memref<16384x512xi32, #tpu.memory_space<hbm>> -> memref<64x512xi32, #tpu.memory_space<hbm>>
    tpu.enqueue_dma source(%arg7 : memref<64x512xi32, #tpu.memory_space<vmem>>) target(%dma_start3A_152 : memref<64x512xi32, #tpu.memory_space<hbm>>) target_semaphore(%arg11 : memref<!tpu.dma_semaphore, #tpu.memory_space<semaphore_mem>>)
    %dma_wait3A_153 = arith.constant 0 : i32
    %dma_wait3A_154 = tpu.memref_slice %arg4[%add3A_137, %dma_wait3A_153] : memref<16384x512xi32, #tpu.memory_space<hbm>> -> memref<64x512xi32, #tpu.memory_space<hbm>>
    %dma_wait3A_155 = arith.constant 0 : i32
    %dma_wait3A_156 = tpu.memref_slice %arg4[%add3A_137, %dma_wait3A_155] : memref<16384x512xi32, #tpu.memory_space<hbm>> -> memref<64x512xi32, #tpu.memory_space<hbm>>
    tpu.wait_dma2 semaphore(%arg10 : memref<!tpu.dma_semaphore, #tpu.memory_space<semaphore_mem>>) src(%arg6 : memref<64x512xi32, #tpu.memory_space<vmem>>) dst(%dma_wait3A_156 : memref<64x512xi32, #tpu.memory_space<hbm>>)
    %dma_wait3A_157 = arith.constant 0 : i32
    %dma_wait3A_158 = tpu.memref_slice %arg4[%add3A_148, %dma_wait3A_157] : memref<16384x512xi32, #tpu.memory_space<hbm>> -> memref<64x512xi32, #tpu.memory_space<hbm>>
    %dma_wait3A_159 = arith.constant 0 : i32
    %dma_wait3A_160 = tpu.memref_slice %arg4[%add3A_148, %dma_wait3A_159] : memref<16384x512xi32, #tpu.memory_space<hbm>> -> memref<64x512xi32, #tpu.memory_space<hbm>>
    tpu.wait_dma2 semaphore(%arg11 : memref<!tpu.dma_semaphore, #tpu.memory_space<semaphore_mem>>) src(%arg7 : memref<64x512xi32, #tpu.memory_space<vmem>>) dst(%dma_wait3A_160 : memref<64x512xi32, #tpu.memory_space<hbm>>)
    return
  }
}

#map = affine_map<(d0, d1) -> (0, 0)>
#map1 = affine_map<(d0, d1) -> (0)>
module attributes {stable_mosaic.version = 14 : i64} {
  func.func @kern(%arg0: i32, %arg1: i32, %arg2: memref<1024x512xi32, #tpu.memory_space<hbm>>, %arg3: memref<16384xi32, #tpu.memory_space<hbm>>, %arg4: memref<16384x512xi32, #tpu.memory_space<hbm>>, %arg5: memref<512xi32, #tpu.memory_space<vmem>>, %arg6: memref<64x512xi32, #tpu.memory_space<vmem>>, %arg7: memref<64x512xi32, #tpu.memory_space<vmem>>, %arg8: memref<!tpu.dma_semaphore, #tpu.memory_space<semaphore_mem>>, %arg9: memref<!tpu.dma_semaphore, #tpu.memory_space<semaphore_mem>>, %arg10: memref<!tpu.dma_semaphore, #tpu.memory_space<semaphore_mem>>, %arg11: memref<!tpu.dma_semaphore, #tpu.memory_space<semaphore_mem>>) attributes {dimension_semantics = [#tpu.dimension_semantics<core_parallel>, #tpu.dimension_semantics<subcore_parallel>], iteration_bounds = array<i64: 2, 16>, scalar_prefetch = 0 : i64, scratch_operands = 7 : i64, tpu.core_type = #tpu.core_type<sc_vector_subcore>, window_params = [{transform_indices = #map}, {transform_indices = #map1}, {transform_indices = #map}]} {
    %mul3A = arith.constant 2 : i32
    %mul3A_0 = arith.muli %arg1, %mul3A : i32
    %add3A = arith.addi %mul3A_0, %arg0 : i32
    %mul3A_1 = arith.constant 512 : i32
    %mul3A_2 = arith.muli %add3A, %mul3A_1 : i32
    "tpu.region"() ({
      %run_scoped3A = tpu.sem_alloc : memref<!tpu.dma_semaphore, #tpu.memory_space<semaphore_mem>>
      %dma_start3A_161 = tpu.memref_slice %arg3[%mul3A_2] : memref<16384xi32, #tpu.memory_space<hbm>> -> memref<512xi32, #tpu.memory_space<hbm>>
      %dma_start3A_162 = tpu.memref_slice %arg3[%mul3A_2] : memref<16384xi32, #tpu.memory_space<hbm>> -> memref<512xi32, #tpu.memory_space<hbm>>
      tpu.enqueue_dma source(%dma_start3A_162 : memref<512xi32, #tpu.memory_space<hbm>>) target(%arg5 : memref<512xi32, #tpu.memory_space<vmem>>) target_semaphore(%run_scoped3A : memref<!tpu.dma_semaphore, #tpu.memory_space<semaphore_mem>>)
      %dma_wait3A_163 = tpu.memref_slice %arg3[%mul3A_2] : memref<16384xi32, #tpu.memory_space<hbm>> -> memref<512xi32, #tpu.memory_space<hbm>>
      %dma_wait3A_164 = tpu.memref_slice %arg3[%mul3A_2] : memref<16384xi32, #tpu.memory_space<hbm>> -> memref<512xi32, #tpu.memory_space<hbm>>
      tpu.wait_dma2 semaphore(%run_scoped3A : memref<!tpu.dma_semaphore, #tpu.memory_space<semaphore_mem>>) src(%dma_wait3A_164 : memref<512xi32, #tpu.memory_space<hbm>>) dst(%arg5 : memref<512xi32, #tpu.memory_space<vmem>>)
      tpu.yield
    }) : () -> ()
    %dma_start3A = arith.constant 0 : i32
    %dma_start3A_3 = tpu.memref_slice %arg5[%dma_start3A] : memref<512xi32, #tpu.memory_space<vmem>> -> memref<64xi32, #tpu.memory_space<vmem>>
    %dma_start3A_4 = arith.constant 0 : i32
    %dma_start3A_5 = arith.constant 0 : i32
    %dma_start3A_6 = tpu.memref_slice %arg2[%dma_start3A_4, %dma_start3A_5] : memref<1024x512xi32, #tpu.memory_space<hbm>> -> memref<1024x512xi32, #tpu.memory_space<hbm>>
    tpu.enqueue_indirect_dma source(%dma_start3A_6 : memref<1024x512xi32, #tpu.memory_space<hbm>>) target(%arg6 : memref<64x512xi32, #tpu.memory_space<vmem>>) offsets(%dma_start3A_3 : memref<64xi32, #tpu.memory_space<vmem>>) semaphore(%arg8 : memref<!tpu.dma_semaphore, #tpu.memory_space<semaphore_mem>>)
    %dma_start3A_7 = arith.constant 64 : i32
    %dma_start3A_8 = tpu.memref_slice %arg5[%dma_start3A_7] : memref<512xi32, #tpu.memory_space<vmem>> -> memref<64xi32, #tpu.memory_space<vmem>>
    %dma_start3A_9 = arith.constant 0 : i32
    %dma_start3A_10 = arith.constant 0 : i32
    %dma_start3A_11 = tpu.memref_slice %arg2[%dma_start3A_9, %dma_start3A_10] : memref<1024x512xi32, #tpu.memory_space<hbm>> -> memref<1024x512xi32, #tpu.memory_space<hbm>>
    tpu.enqueue_indirect_dma source(%dma_start3A_11 : memref<1024x512xi32, #tpu.memory_space<hbm>>) target(%arg7 : memref<64x512xi32, #tpu.memory_space<vmem>>) offsets(%dma_start3A_8 : memref<64xi32, #tpu.memory_space<vmem>>) semaphore(%arg9 : memref<!tpu.dma_semaphore, #tpu.memory_space<semaphore_mem>>)
    %dma_wait3A = arith.constant 0 : i32
    %dma_wait3A_12 = tpu.memref_slice %arg5[%dma_wait3A] : memref<512xi32, #tpu.memory_space<vmem>> -> memref<64xi32, #tpu.memory_space<vmem>>
    %dma_wait3A_13 = arith.constant 0 : i32
    %dma_wait3A_14 = arith.constant 0 : i32
    %dma_wait3A_15 = tpu.memref_slice %arg2[%dma_wait3A_13, %dma_wait3A_14] : memref<1024x512xi32, #tpu.memory_space<hbm>> -> memref<1024x512xi32, #tpu.memory_space<hbm>>
    tpu.wait_indirect_dma semaphore(%arg8 : memref<!tpu.dma_semaphore, #tpu.memory_space<semaphore_mem>>) src(%dma_wait3A_15 : memref<1024x512xi32, #tpu.memory_space<hbm>>) dst(%arg6 : memref<64x512xi32, #tpu.memory_space<vmem>>)
    %add3A_16 = arith.constant 0 : i32
    %add3A_17 = arith.addi %mul3A_2, %add3A_16 : i32
    %dma_start3A_18 = arith.constant 0 : i32
    %dma_start3A_19 = tpu.memref_slice %arg4[%add3A_17, %dma_start3A_18] : memref<16384x512xi32, #tpu.memory_space<hbm>> -> memref<64x512xi32, #tpu.memory_space<hbm>>
    %dma_start3A_20 = arith.constant 0 : i32
    %dma_start3A_21 = tpu.memref_slice %arg4[%add3A_17, %dma_start3A_20] : memref<16384x512xi32, #tpu.memory_space<hbm>> -> memref<64x512xi32, #tpu.memory_space<hbm>>
    tpu.enqueue_dma source(%arg6 : memref<64x512xi32, #tpu.memory_space<vmem>>) target(%dma_start3A_21 : memref<64x512xi32, #tpu.memory_space<hbm>>) target_semaphore(%arg10 : memref<!tpu.dma_semaphore, #tpu.memory_space<semaphore_mem>>)
    %dma_wait3A_22 = arith.constant 0 : i32
    %dma_wait3A_23 = tpu.memref_slice %arg4[%add3A_17, %dma_wait3A_22] : memref<16384x512xi32, #tpu.memory_space<hbm>> -> memref<64x512xi32, #tpu.memory_space<hbm>>
    %dma_wait3A_24 = arith.constant 0 : i32
    %dma_wait3A_25 = tpu.memref_slice %arg4[%add3A_17, %dma_wait3A_24] : memref<16384x512xi32, #tpu.memory_space<hbm>> -> memref<64x512xi32, #tpu.memory_space<hbm>>
    tpu.wait_dma2 semaphore(%arg10 : memref<!tpu.dma_semaphore, #tpu.memory_space<semaphore_mem>>) src(%arg6 : memref<64x512xi32, #tpu.memory_space<vmem>>) dst(%dma_wait3A_25 : memref<64x512xi32, #tpu.memory_space<hbm>>)
    %dma_start3A_26 = arith.constant 128 : i32
    %dma_start3A_27 = tpu.memref_slice %arg5[%dma_start3A_26] : memref<512xi32, #tpu.memory_space<vmem>> -> memref<64xi32, #tpu.memory_space<vmem>>
    %dma_start3A_28 = arith.constant 0 : i32
    %dma_start3A_29 = arith.constant 0 : i32
    %dma_start3A_30 = tpu.memref_slice %arg2[%dma_start3A_28, %dma_start3A_29] : memref<1024x512xi32, #tpu.memory_space<hbm>> -> memref<1024x512xi32, #tpu.memory_space<hbm>>
    tpu.enqueue_indirect_dma source(%dma_start3A_30 : memref<1024x512xi32, #tpu.memory_space<hbm>>) target(%arg6 : memref<64x512xi32, #tpu.memory_space<vmem>>) offsets(%dma_start3A_27 : memref<64xi32, #tpu.memory_space<vmem>>) semaphore(%arg8 : memref<!tpu.dma_semaphore, #tpu.memory_space<semaphore_mem>>)
    %dma_wait3A_31 = arith.constant 64 : i32
    %dma_wait3A_32 = tpu.memref_slice %arg5[%dma_wait3A_31] : memref<512xi32, #tpu.memory_space<vmem>> -> memref<64xi32, #tpu.memory_space<vmem>>
    %dma_wait3A_33 = arith.constant 0 : i32
    %dma_wait3A_34 = arith.constant 0 : i32
    %dma_wait3A_35 = tpu.memref_slice %arg2[%dma_wait3A_33, %dma_wait3A_34] : memref<1024x512xi32, #tpu.memory_space<hbm>> -> memref<1024x512xi32, #tpu.memory_space<hbm>>
    tpu.wait_indirect_dma semaphore(%arg9 : memref<!tpu.dma_semaphore, #tpu.memory_space<semaphore_mem>>) src(%dma_wait3A_35 : memref<1024x512xi32, #tpu.memory_space<hbm>>) dst(%arg7 : memref<64x512xi32, #tpu.memory_space<vmem>>)
    %add3A_36 = arith.constant 64 : i32
    %add3A_37 = arith.addi %mul3A_2, %add3A_36 : i32
    %dma_start3A_38 = arith.constant 0 : i32
    %dma_start3A_39 = tpu.memref_slice %arg4[%add3A_37, %dma_start3A_38] : memref<16384x512xi32, #tpu.memory_space<hbm>> -> memref<64x512xi32, #tpu.memory_space<hbm>>
    %dma_start3A_40 = arith.constant 0 : i32
    %dma_start3A_41 = tpu.memref_slice %arg4[%add3A_37, %dma_start3A_40] : memref<16384x512xi32, #tpu.memory_space<hbm>> -> memref<64x512xi32, #tpu.memory_space<hbm>>
    tpu.enqueue_dma source(%arg7 : memref<64x512xi32, #tpu.memory_space<vmem>>) target(%dma_start3A_41 : memref<64x512xi32, #tpu.memory_space<hbm>>) target_semaphore(%arg11 : memref<!tpu.dma_semaphore, #tpu.memory_space<semaphore_mem>>)
    %dma_wait3A_42 = arith.constant 0 : i32
    %dma_wait3A_43 = tpu.memref_slice %arg4[%add3A_37, %dma_wait3A_42] : memref<16384x512xi32, #tpu.memory_space<hbm>> -> memref<64x512xi32, #tpu.memory_space<hbm>>
    %dma_wait3A_44 = arith.constant 0 : i32
    %dma_wait3A_45 = tpu.memref_slice %arg4[%add3A_37, %dma_wait3A_44] : memref<16384x512xi32, #tpu.memory_space<hbm>> -> memref<64x512xi32, #tpu.memory_space<hbm>>
    tpu.wait_dma2 semaphore(%arg11 : memref<!tpu.dma_semaphore, #tpu.memory_space<semaphore_mem>>) src(%arg7 : memref<64x512xi32, #tpu.memory_space<vmem>>) dst(%dma_wait3A_45 : memref<64x512xi32, #tpu.memory_space<hbm>>)
    %dma_start3A_46 = arith.constant 192 : i32
    %dma_start3A_47 = tpu.memref_slice %arg5[%dma_start3A_46] : memref<512xi32, #tpu.memory_space<vmem>> -> memref<64xi32, #tpu.memory_space<vmem>>
    %dma_start3A_48 = arith.constant 0 : i32
    %dma_start3A_49 = arith.constant 0 : i32
    %dma_start3A_50 = tpu.memref_slice %arg2[%dma_start3A_48, %dma_start3A_49] : memref<1024x512xi32, #tpu.memory_space<hbm>> -> memref<1024x512xi32, #tpu.memory_space<hbm>>
    tpu.enqueue_indirect_dma source(%dma_start3A_50 : memref<1024x512xi32, #tpu.memory_space<hbm>>) target(%arg7 : memref<64x512xi32, #tpu.memory_space<vmem>>) offsets(%dma_start3A_47 : memref<64xi32, #tpu.memory_space<vmem>>) semaphore(%arg9 : memref<!tpu.dma_semaphore, #tpu.memory_space<semaphore_mem>>)
    %dma_wait3A_51 = arith.constant 128 : i32
    %dma_wait3A_52 = tpu.memref_slice %arg5[%dma_wait3A_51] : memref<512xi32, #tpu.memory_space<vmem>> -> memref<64xi32, #tpu.memory_space<vmem>>
    %dma_wait3A_53 = arith.constant 0 : i32
    %dma_wait3A_54 = arith.constant 0 : i32
    %dma_wait3A_55 = tpu.memref_slice %arg2[%dma_wait3A_53, %dma_wait3A_54] : memref<1024x512xi32, #tpu.memory_space<hbm>> -> memref<1024x512xi32, #tpu.memory_space<hbm>>
    tpu.wait_indirect_dma semaphore(%arg8 : memref<!tpu.dma_semaphore, #tpu.memory_space<semaphore_mem>>) src(%dma_wait3A_55 : memref<1024x512xi32, #tpu.memory_space<hbm>>) dst(%arg6 : memref<64x512xi32, #tpu.memory_space<vmem>>)
    %add3A_56 = arith.constant 128 : i32
    %add3A_57 = arith.addi %mul3A_2, %add3A_56 : i32
    %dma_start3A_58 = arith.constant 0 : i32
    %dma_start3A_59 = tpu.memref_slice %arg4[%add3A_57, %dma_start3A_58] : memref<16384x512xi32, #tpu.memory_space<hbm>> -> memref<64x512xi32, #tpu.memory_space<hbm>>
    %dma_start3A_60 = arith.constant 0 : i32
    %dma_start3A_61 = tpu.memref_slice %arg4[%add3A_57, %dma_start3A_60] : memref<16384x512xi32, #tpu.memory_space<hbm>> -> memref<64x512xi32, #tpu.memory_space<hbm>>
    tpu.enqueue_dma source(%arg6 : memref<64x512xi32, #tpu.memory_space<vmem>>) target(%dma_start3A_61 : memref<64x512xi32, #tpu.memory_space<hbm>>) target_semaphore(%arg10 : memref<!tpu.dma_semaphore, #tpu.memory_space<semaphore_mem>>)
    %dma_wait3A_62 = arith.constant 0 : i32
    %dma_wait3A_63 = tpu.memref_slice %arg4[%add3A_57, %dma_wait3A_62] : memref<16384x512xi32, #tpu.memory_space<hbm>> -> memref<64x512xi32, #tpu.memory_space<hbm>>
    %dma_wait3A_64 = arith.constant 0 : i32
    %dma_wait3A_65 = tpu.memref_slice %arg4[%add3A_57, %dma_wait3A_64] : memref<16384x512xi32, #tpu.memory_space<hbm>> -> memref<64x512xi32, #tpu.memory_space<hbm>>
    tpu.wait_dma2 semaphore(%arg10 : memref<!tpu.dma_semaphore, #tpu.memory_space<semaphore_mem>>) src(%arg6 : memref<64x512xi32, #tpu.memory_space<vmem>>) dst(%dma_wait3A_65 : memref<64x512xi32, #tpu.memory_space<hbm>>)
    %dma_start3A_66 = arith.constant 256 : i32
    %dma_start3A_67 = tpu.memref_slice %arg5[%dma_start3A_66] : memref<512xi32, #tpu.memory_space<vmem>> -> memref<64xi32, #tpu.memory_space<vmem>>
    %dma_start3A_68 = arith.constant 0 : i32
    %dma_start3A_69 = arith.constant 0 : i32
    %dma_start3A_70 = tpu.memref_slice %arg2[%dma_start3A_68, %dma_start3A_69] : memref<1024x512xi32, #tpu.memory_space<hbm>> -> memref<1024x512xi32, #tpu.memory_space<hbm>>
    tpu.enqueue_indirect_dma source(%dma_start3A_70 : memref<1024x512xi32, #tpu.memory_space<hbm>>) target(%arg6 : memref<64x512xi32, #tpu.memory_space<vmem>>) offsets(%dma_start3A_67 : memref<64xi32, #tpu.memory_space<vmem>>) semaphore(%arg8 : memref<!tpu.dma_semaphore, #tpu.memory_space<semaphore_mem>>)
    %dma_wait3A_71 = arith.constant 192 : i32
    %dma_wait3A_72 = tpu.memref_slice %arg5[%dma_wait3A_71] : memref<512xi32, #tpu.memory_space<vmem>> -> memref<64xi32, #tpu.memory_space<vmem>>
    %dma_wait3A_73 = arith.constant 0 : i32
    %dma_wait3A_74 = arith.constant 0 : i32
    %dma_wait3A_75 = tpu.memref_slice %arg2[%dma_wait3A_73, %dma_wait3A_74] : memref<1024x512xi32, #tpu.memory_space<hbm>> -> memref<1024x512xi32, #tpu.memory_space<hbm>>
    tpu.wait_indirect_dma semaphore(%arg9 : memref<!tpu.dma_semaphore, #tpu.memory_space<semaphore_mem>>) src(%dma_wait3A_75 : memref<1024x512xi32, #tpu.memory_space<hbm>>) dst(%arg7 : memref<64x512xi32, #tpu.memory_space<vmem>>)
    %add3A_76 = arith.constant 192 : i32
    %add3A_77 = arith.addi %mul3A_2, %add3A_76 : i32
    %dma_start3A_78 = arith.constant 0 : i32
    %dma_start3A_79 = tpu.memref_slice %arg4[%add3A_77, %dma_start3A_78] : memref<16384x512xi32, #tpu.memory_space<hbm>> -> memref<64x512xi32, #tpu.memory_space<hbm>>
    %dma_start3A_80 = arith.constant 0 : i32
    %dma_start3A_81 = tpu.memref_slice %arg4[%add3A_77, %dma_start3A_80] : memref<16384x512xi32, #tpu.memory_space<hbm>> -> memref<64x512xi32, #tpu.memory_space<hbm>>
    tpu.enqueue_dma source(%arg7 : memref<64x512xi32, #tpu.memory_space<vmem>>) target(%dma_start3A_81 : memref<64x512xi32, #tpu.memory_space<hbm>>) target_semaphore(%arg11 : memref<!tpu.dma_semaphore, #tpu.memory_space<semaphore_mem>>)
    %dma_wait3A_82 = arith.constant 0 : i32
    %dma_wait3A_83 = tpu.memref_slice %arg4[%add3A_77, %dma_wait3A_82] : memref<16384x512xi32, #tpu.memory_space<hbm>> -> memref<64x512xi32, #tpu.memory_space<hbm>>
    %dma_wait3A_84 = arith.constant 0 : i32
    %dma_wait3A_85 = tpu.memref_slice %arg4[%add3A_77, %dma_wait3A_84] : memref<16384x512xi32, #tpu.memory_space<hbm>> -> memref<64x512xi32, #tpu.memory_space<hbm>>
    tpu.wait_dma2 semaphore(%arg11 : memref<!tpu.dma_semaphore, #tpu.memory_space<semaphore_mem>>) src(%arg7 : memref<64x512xi32, #tpu.memory_space<vmem>>) dst(%dma_wait3A_85 : memref<64x512xi32, #tpu.memory_space<hbm>>)
    %dma_start3A_86 = arith.constant 320 : i32
    %dma_start3A_87 = tpu.memref_slice %arg5[%dma_start3A_86] : memref<512xi32, #tpu.memory_space<vmem>> -> memref<64xi32, #tpu.memory_space<vmem>>
    %dma_start3A_88 = arith.constant 0 : i32
    %dma_start3A_89 = arith.constant 0 : i32
    %dma_start3A_90 = tpu.memref_slice %arg2[%dma_start3A_88, %dma_start3A_89] : memref<1024x512xi32, #tpu.memory_space<hbm>> -> memref<1024x512xi32, #tpu.memory_space<hbm>>
    tpu.enqueue_indirect_dma source(%dma_start3A_90 : memref<1024x512xi32, #tpu.memory_space<hbm>>) target(%arg7 : memref<64x512xi32, #tpu.memory_space<vmem>>) offsets(%dma_start3A_87 : memref<64xi32, #tpu.memory_space<vmem>>) semaphore(%arg9 : memref<!tpu.dma_semaphore, #tpu.memory_space<semaphore_mem>>)
    %dma_wait3A_91 = arith.constant 256 : i32
    %dma_wait3A_92 = tpu.memref_slice %arg5[%dma_wait3A_91] : memref<512xi32, #tpu.memory_space<vmem>> -> memref<64xi32, #tpu.memory_space<vmem>>
    %dma_wait3A_93 = arith.constant 0 : i32
    %dma_wait3A_94 = arith.constant 0 : i32
    %dma_wait3A_95 = tpu.memref_slice %arg2[%dma_wait3A_93, %dma_wait3A_94] : memref<1024x512xi32, #tpu.memory_space<hbm>> -> memref<1024x512xi32, #tpu.memory_space<hbm>>
    tpu.wait_indirect_dma semaphore(%arg8 : memref<!tpu.dma_semaphore, #tpu.memory_space<semaphore_mem>>) src(%dma_wait3A_95 : memref<1024x512xi32, #tpu.memory_space<hbm>>) dst(%arg6 : memref<64x512xi32, #tpu.memory_space<vmem>>)
    %add3A_96 = arith.constant 256 : i32
    %add3A_97 = arith.addi %mul3A_2, %add3A_96 : i32
    %dma_start3A_98 = arith.constant 0 : i32
    %dma_start3A_99 = tpu.memref_slice %arg4[%add3A_97, %dma_start3A_98] : memref<16384x512xi32, #tpu.memory_space<hbm>> -> memref<64x512xi32, #tpu.memory_space<hbm>>
    %dma_start3A_100 = arith.constant 0 : i32
    %dma_start3A_101 = tpu.memref_slice %arg4[%add3A_97, %dma_start3A_100] : memref<16384x512xi32, #tpu.memory_space<hbm>> -> memref<64x512xi32, #tpu.memory_space<hbm>>
    tpu.enqueue_dma source(%arg6 : memref<64x512xi32, #tpu.memory_space<vmem>>) target(%dma_start3A_101 : memref<64x512xi32, #tpu.memory_space<hbm>>) target_semaphore(%arg10 : memref<!tpu.dma_semaphore, #tpu.memory_space<semaphore_mem>>)
    %dma_wait3A_102 = arith.constant 0 : i32
    %dma_wait3A_103 = tpu.memref_slice %arg4[%add3A_97, %dma_wait3A_102] : memref<16384x512xi32, #tpu.memory_space<hbm>> -> memref<64x512xi32, #tpu.memory_space<hbm>>
    %dma_wait3A_104 = arith.constant 0 : i32
    %dma_wait3A_105 = tpu.memref_slice %arg4[%add3A_97, %dma_wait3A_104] : memref<16384x512xi32, #tpu.memory_space<hbm>> -> memref<64x512xi32, #tpu.memory_space<hbm>>
    tpu.wait_dma2 semaphore(%arg10 : memref<!tpu.dma_semaphore, #tpu.memory_space<semaphore_mem>>) src(%arg6 : memref<64x512xi32, #tpu.memory_space<vmem>>) dst(%dma_wait3A_105 : memref<64x512xi32, #tpu.memory_space<hbm>>)
    %dma_start3A_106 = arith.constant 384 : i32
    %dma_start3A_107 = tpu.memref_slice %arg5[%dma_start3A_106] : memref<512xi32, #tpu.memory_space<vmem>> -> memref<64xi32, #tpu.memory_space<vmem>>
    %dma_start3A_108 = arith.constant 0 : i32
    %dma_start3A_109 = arith.constant 0 : i32
    %dma_start3A_110 = tpu.memref_slice %arg2[%dma_start3A_108, %dma_start3A_109] : memref<1024x512xi32, #tpu.memory_space<hbm>> -> memref<1024x512xi32, #tpu.memory_space<hbm>>
    tpu.enqueue_indirect_dma source(%dma_start3A_110 : memref<1024x512xi32, #tpu.memory_space<hbm>>) target(%arg6 : memref<64x512xi32, #tpu.memory_space<vmem>>) offsets(%dma_start3A_107 : memref<64xi32, #tpu.memory_space<vmem>>) semaphore(%arg8 : memref<!tpu.dma_semaphore, #tpu.memory_space<semaphore_mem>>)
    %dma_wait3A_111 = arith.constant 320 : i32
    %dma_wait3A_112 = tpu.memref_slice %arg5[%dma_wait3A_111] : memref<512xi32, #tpu.memory_space<vmem>> -> memref<64xi32, #tpu.memory_space<vmem>>
    %dma_wait3A_113 = arith.constant 0 : i32
    %dma_wait3A_114 = arith.constant 0 : i32
    %dma_wait3A_115 = tpu.memref_slice %arg2[%dma_wait3A_113, %dma_wait3A_114] : memref<1024x512xi32, #tpu.memory_space<hbm>> -> memref<1024x512xi32, #tpu.memory_space<hbm>>
    tpu.wait_indirect_dma semaphore(%arg9 : memref<!tpu.dma_semaphore, #tpu.memory_space<semaphore_mem>>) src(%dma_wait3A_115 : memref<1024x512xi32, #tpu.memory_space<hbm>>) dst(%arg7 : memref<64x512xi32, #tpu.memory_space<vmem>>)
    %add3A_116 = arith.constant 320 : i32
    %add3A_117 = arith.addi %mul3A_2, %add3A_116 : i32
    %dma_start3A_118 = arith.constant 0 : i32
    %dma_start3A_119 = tpu.memref_slice %arg4[%add3A_117, %dma_start3A_118] : memref<16384x512xi32, #tpu.memory_space<hbm>> -> memref<64x512xi32, #tpu.memory_space<hbm>>
    %dma_start3A_120 = arith.constant 0 : i32
    %dma_start3A_121 = tpu.memref_slice %arg4[%add3A_117, %dma_start3A_120] : memref<16384x512xi32, #tpu.memory_space<hbm>> -> memref<64x512xi32, #tpu.memory_space<hbm>>
    tpu.enqueue_dma source(%arg7 : memref<64x512xi32, #tpu.memory_space<vmem>>) target(%dma_start3A_121 : memref<64x512xi32, #tpu.memory_space<hbm>>) target_semaphore(%arg11 : memref<!tpu.dma_semaphore, #tpu.memory_space<semaphore_mem>>)
    %dma_wait3A_122 = arith.constant 0 : i32
    %dma_wait3A_123 = tpu.memref_slice %arg4[%add3A_117, %dma_wait3A_122] : memref<16384x512xi32, #tpu.memory_space<hbm>> -> memref<64x512xi32, #tpu.memory_space<hbm>>
    %dma_wait3A_124 = arith.constant 0 : i32
    %dma_wait3A_125 = tpu.memref_slice %arg4[%add3A_117, %dma_wait3A_124] : memref<16384x512xi32, #tpu.memory_space<hbm>> -> memref<64x512xi32, #tpu.memory_space<hbm>>
    tpu.wait_dma2 semaphore(%arg11 : memref<!tpu.dma_semaphore, #tpu.memory_space<semaphore_mem>>) src(%arg7 : memref<64x512xi32, #tpu.memory_space<vmem>>) dst(%dma_wait3A_125 : memref<64x512xi32, #tpu.memory_space<hbm>>)
    %dma_start3A_126 = arith.constant 448 : i32
    %dma_start3A_127 = tpu.memref_slice %arg5[%dma_start3A_126] : memref<512xi32, #tpu.memory_space<vmem>> -> memref<64xi32, #tpu.memory_space<vmem>>
    %dma_start3A_128 = arith.constant 0 : i32
    %dma_start3A_129 = arith.constant 0 : i32
    %dma_start3A_130 = tpu.memref_slice %arg2[%dma_start3A_128, %dma_start3A_129] : memref<1024x512xi32, #tpu.memory_space<hbm>> -> memref<1024x512xi32, #tpu.memory_space<hbm>>
    tpu.enqueue_indirect_dma source(%dma_start3A_130 : memref<1024x512xi32, #tpu.memory_space<hbm>>) target(%arg7 : memref<64x512xi32, #tpu.memory_space<vmem>>) offsets(%dma_start3A_127 : memref<64xi32, #tpu.memory_space<vmem>>) semaphore(%arg9 : memref<!tpu.dma_semaphore, #tpu.memory_space<semaphore_mem>>)
    %dma_wait3A_131 = arith.constant 384 : i32
    %dma_wait3A_132 = tpu.memref_slice %arg5[%dma_wait3A_131] : memref<512xi32, #tpu.memory_space<vmem>> -> memref<64xi32, #tpu.memory_space<vmem>>
    %dma_wait3A_133 = arith.constant 0 : i32
    %dma_wait3A_134 = arith.constant 0 : i32
    %dma_wait3A_135 = tpu.memref_slice %arg2[%dma_wait3A_133, %dma_wait3A_134] : memref<1024x512xi32, #tpu.memory_space<hbm>> -> memref<1024x512xi32, #tpu.memory_space<hbm>>
    tpu.wait_indirect_dma semaphore(%arg8 : memref<!tpu.dma_semaphore, #tpu.memory_space<semaphore_mem>>) src(%dma_wait3A_135 : memref<1024x512xi32, #tpu.memory_space<hbm>>) dst(%arg6 : memref<64x512xi32, #tpu.memory_space<vmem>>)
    %add3A_136 = arith.constant 384 : i32
    %add3A_137 = arith.addi %mul3A_2, %add3A_136 : i32
    %dma_start3A_138 = arith.constant 0 : i32
    %dma_start3A_139 = tpu.memref_slice %arg4[%add3A_137, %dma_start3A_138] : memref<16384x512xi32, #tpu.memory_space<hbm>> -> memref<64x512xi32, #tpu.memory_space<hbm>>
    %dma_start3A_140 = arith.constant 0 : i32
    %dma_start3A_141 = tpu.memref_slice %arg4[%add3A_137, %dma_start3A_140] : memref<16384x512xi32, #tpu.memory_space<hbm>> -> memref<64x512xi32, #tpu.memory_space<hbm>>
    tpu.enqueue_dma source(%arg6 : memref<64x512xi32, #tpu.memory_space<vmem>>) target(%dma_start3A_141 : memref<64x512xi32, #tpu.memory_space<hbm>>) target_semaphore(%arg10 : memref<!tpu.dma_semaphore, #tpu.memory_space<semaphore_mem>>)
    %dma_wait3A_142 = arith.constant 448 : i32
    %dma_wait3A_143 = tpu.memref_slice %arg5[%dma_wait3A_142] : memref<512xi32, #tpu.memory_space<vmem>> -> memref<64xi32, #tpu.memory_space<vmem>>
    %dma_wait3A_144 = arith.constant 0 : i32
    %dma_wait3A_145 = arith.constant 0 : i32
    %dma_wait3A_146 = tpu.memref_slice %arg2[%dma_wait3A_144, %dma_wait3A_145] : memref<1024x512xi32, #tpu.memory_space<hbm>> -> memref<1024x512xi32, #tpu.memory_space<hbm>>
    tpu.wait_indirect_dma semaphore(%arg9 : memref<!tpu.dma_semaphore, #tpu.memory_space<semaphore_mem>>) src(%dma_wait3A_146 : memref<1024x512xi32, #tpu.memory_space<hbm>>) dst(%arg7 : memref<64x512xi32, #tpu.memory_space<vmem>>)
    %add3A_147 = arith.constant 448 : i32
    %add3A_148 = arith.addi %mul3A_2, %add3A_147 : i32
    %dma_start3A_149 = arith.constant 0 : i32
    %dma_start3A_150 = tpu.memref_slice %arg4[%add3A_148, %dma_start3A_149] : memref<16384x512xi32, #tpu.memory_space<hbm>> -> memref<64x512xi32, #tpu.memory_space<hbm>>
    %dma_start3A_151 = arith.constant 0 : i32
    %dma_start3A_152 = tpu.memref_slice %arg4[%add3A_148, %dma_start3A_151] : memref<16384x512xi32, #tpu.memory_space<hbm>> -> memref<64x512xi32, #tpu.memory_space<hbm>>
    tpu.enqueue_dma source(%arg7 : memref<64x512xi32, #tpu.memory_space<vmem>>) target(%dma_start3A_152 : memref<64x512xi32, #tpu.memory_space<hbm>>) target_semaphore(%arg11 : memref<!tpu.dma_semaphore, #tpu.memory_space<semaphore_mem>>)
    %dma_wait3A_153 = arith.constant 0 : i32
    %dma_wait3A_154 = tpu.memref_slice %arg4[%add3A_137, %dma_wait3A_153] : memref<16384x512xi32, #tpu.memory_space<hbm>> -> memref<64x512xi32, #tpu.memory_space<hbm>>
    %dma_wait3A_155 = arith.constant 0 : i32
    %dma_wait3A_156 = tpu.memref_slice %arg4[%add3A_137, %dma_wait3A_155] : memref<16384x512xi32, #tpu.memory_space<hbm>> -> memref<64x512xi32, #tpu.memory_space<hbm>>
    tpu.wait_dma2 semaphore(%arg10 : memref<!tpu.dma_semaphore, #tpu.memory_space<semaphore_mem>>) src(%arg6 : memref<64x512xi32, #tpu.memory_space<vmem>>) dst(%dma_wait3A_156 : memref<64x512xi32, #tpu.memory_space<hbm>>)
    %dma_wait3A_157 = arith.constant 0 : i32
    %dma_wait3A_158 = tpu.memref_slice %arg4[%add3A_148, %dma_wait3A_157] : memref<16384x512xi32, #tpu.memory_space<hbm>> -> memref<64x512xi32, #tpu.memory_space<hbm>>
    %dma_wait3A_159 = arith.constant 0 : i32
    %dma_wait3A_160 = tpu.memref_slice %arg4[%add3A_148, %dma_wait3A_159] : memref<16384x512xi32, #tpu.memory_space<hbm>> -> memref<64x512xi32, #tpu.memory_space<hbm>>
    tpu.wait_dma2 semaphore(%arg11 : memref<!tpu.dma_semaphore, #tpu.memory_space<semaphore_mem>>) src(%arg7 : memref<64x512xi32, #tpu.memory_space<vmem>>) dst(%dma_wait3A_160 : memref<64x512xi32, #tpu.memory_space<hbm>>)
    return
  }
}

#map = affine_map<(d0, d1) -> (0, 0)>
#map1 = affine_map<(d0, d1) -> (0)>
module attributes {stable_mosaic.version = 14 : i64} {
  func.func @kern(%arg0: i32, %arg1: i32, %arg2: memref<1024x128xf32, #tpu.memory_space<hbm>>, %arg3: memref<16384xi32, #tpu.memory_space<hbm>>, %arg4: memref<16384x128xf32, #tpu.memory_space<hbm>>, %arg5: memref<512xi32, #tpu.memory_space<vmem>>, %arg6: memref<256x128xf32, #tpu.memory_space<vmem>>, %arg7: memref<256x128xf32, #tpu.memory_space<vmem>>, %arg8: memref<!tpu.dma_semaphore, #tpu.memory_space<semaphore_mem>>, %arg9: memref<!tpu.dma_semaphore, #tpu.memory_space<semaphore_mem>>, %arg10: memref<!tpu.dma_semaphore, #tpu.memory_space<semaphore_mem>>, %arg11: memref<!tpu.dma_semaphore, #tpu.memory_space<semaphore_mem>>) attributes {dimension_semantics = [#tpu.dimension_semantics<core_parallel>, #tpu.dimension_semantics<subcore_parallel>], iteration_bounds = array<i64: 2, 16>, scalar_prefetch = 0 : i64, scratch_operands = 7 : i64, tpu.core_type = #tpu.core_type<sc_vector_subcore>, window_params = [{transform_indices = #map}, {transform_indices = #map1}, {transform_indices = #map}]} {
    %mul3A = arith.constant 2 : i32
    %mul3A_0 = arith.muli %arg1, %mul3A : i32
    %add3A = arith.addi %mul3A_0, %arg0 : i32
    %mul3A_1 = arith.constant 512 : i32
    %mul3A_2 = arith.muli %add3A, %mul3A_1 : i32
    "tpu.region"() ({
      %run_scoped3A = tpu.sem_alloc : memref<!tpu.dma_semaphore, #tpu.memory_space<semaphore_mem>>
      %dma_start3A_41 = tpu.memref_slice %arg3[%mul3A_2] : memref<16384xi32, #tpu.memory_space<hbm>> -> memref<512xi32, #tpu.memory_space<hbm>>
      %dma_start3A_42 = tpu.memref_slice %arg3[%mul3A_2] : memref<16384xi32, #tpu.memory_space<hbm>> -> memref<512xi32, #tpu.memory_space<hbm>>
      tpu.enqueue_dma source(%dma_start3A_42 : memref<512xi32, #tpu.memory_space<hbm>>) target(%arg5 : memref<512xi32, #tpu.memory_space<vmem>>) target_semaphore(%run_scoped3A : memref<!tpu.dma_semaphore, #tpu.memory_space<semaphore_mem>>)
      %dma_wait3A_43 = tpu.memref_slice %arg3[%mul3A_2] : memref<16384xi32, #tpu.memory_space<hbm>> -> memref<512xi32, #tpu.memory_space<hbm>>
      %dma_wait3A_44 = tpu.memref_slice %arg3[%mul3A_2] : memref<16384xi32, #tpu.memory_space<hbm>> -> memref<512xi32, #tpu.memory_space<hbm>>
      tpu.wait_dma2 semaphore(%run_scoped3A : memref<!tpu.dma_semaphore, #tpu.memory_space<semaphore_mem>>) src(%dma_wait3A_44 : memref<512xi32, #tpu.memory_space<hbm>>) dst(%arg5 : memref<512xi32, #tpu.memory_space<vmem>>)
      tpu.yield
    }) : () -> ()
    %dma_start3A = arith.constant 0 : i32
    %dma_start3A_3 = tpu.memref_slice %arg5[%dma_start3A] : memref<512xi32, #tpu.memory_space<vmem>> -> memref<256xi32, #tpu.memory_space<vmem>>
    %dma_start3A_4 = arith.constant 0 : i32
    %dma_start3A_5 = arith.constant 0 : i32
    %dma_start3A_6 = tpu.memref_slice %arg2[%dma_start3A_4, %dma_start3A_5] : memref<1024x128xf32, #tpu.memory_space<hbm>> -> memref<1024x128xf32, #tpu.memory_space<hbm>>
    tpu.enqueue_indirect_dma source(%dma_start3A_6 : memref<1024x128xf32, #tpu.memory_space<hbm>>) target(%arg6 : memref<256x128xf32, #tpu.memory_space<vmem>>) offsets(%dma_start3A_3 : memref<256xi32, #tpu.memory_space<vmem>>) semaphore(%arg8 : memref<!tpu.dma_semaphore, #tpu.memory_space<semaphore_mem>>)
    %dma_start3A_7 = arith.constant 256 : i32
    %dma_start3A_8 = tpu.memref_slice %arg5[%dma_start3A_7] : memref<512xi32, #tpu.memory_space<vmem>> -> memref<256xi32, #tpu.memory_space<vmem>>
    %dma_start3A_9 = arith.constant 0 : i32
    %dma_start3A_10 = arith.constant 0 : i32
    %dma_start3A_11 = tpu.memref_slice %arg2[%dma_start3A_9, %dma_start3A_10] : memref<1024x128xf32, #tpu.memory_space<hbm>> -> memref<1024x128xf32, #tpu.memory_space<hbm>>
    tpu.enqueue_indirect_dma source(%dma_start3A_11 : memref<1024x128xf32, #tpu.memory_space<hbm>>) target(%arg7 : memref<256x128xf32, #tpu.memory_space<vmem>>) offsets(%dma_start3A_8 : memref<256xi32, #tpu.memory_space<vmem>>) semaphore(%arg9 : memref<!tpu.dma_semaphore, #tpu.memory_space<semaphore_mem>>)
    %dma_wait3A = arith.constant 0 : i32
    %dma_wait3A_12 = tpu.memref_slice %arg5[%dma_wait3A] : memref<512xi32, #tpu.memory_space<vmem>> -> memref<256xi32, #tpu.memory_space<vmem>>
    %dma_wait3A_13 = arith.constant 0 : i32
    %dma_wait3A_14 = arith.constant 0 : i32
    %dma_wait3A_15 = tpu.memref_slice %arg2[%dma_wait3A_13, %dma_wait3A_14] : memref<1024x128xf32, #tpu.memory_space<hbm>> -> memref<1024x128xf32, #tpu.memory_space<hbm>>
    tpu.wait_indirect_dma semaphore(%arg8 : memref<!tpu.dma_semaphore, #tpu.memory_space<semaphore_mem>>) src(%dma_wait3A_15 : memref<1024x128xf32, #tpu.memory_space<hbm>>) dst(%arg6 : memref<256x128xf32, #tpu.memory_space<vmem>>)
    %add3A_16 = arith.constant 0 : i32
    %add3A_17 = arith.addi %mul3A_2, %add3A_16 : i32
    %dma_start3A_18 = arith.constant 0 : i32
    %dma_start3A_19 = tpu.memref_slice %arg4[%add3A_17, %dma_start3A_18] : memref<16384x128xf32, #tpu.memory_space<hbm>> -> memref<256x128xf32, #tpu.memory_space<hbm>>
    %dma_start3A_20 = arith.constant 0 : i32
    %dma_start3A_21 = tpu.memref_slice %arg4[%add3A_17, %dma_start3A_20] : memref<16384x128xf32, #tpu.memory_space<hbm>> -> memref<256x128xf32, #tpu.memory_space<hbm>>
    tpu.enqueue_dma source(%arg6 : memref<256x128xf32, #tpu.memory_space<vmem>>) target(%dma_start3A_21 : memref<256x128xf32, #tpu.memory_space<hbm>>) target_semaphore(%arg10 : memref<!tpu.dma_semaphore, #tpu.memory_space<semaphore_mem>>)
    %dma_wait3A_22 = arith.constant 256 : i32
    %dma_wait3A_23 = tpu.memref_slice %arg5[%dma_wait3A_22] : memref<512xi32, #tpu.memory_space<vmem>> -> memref<256xi32, #tpu.memory_space<vmem>>
    %dma_wait3A_24 = arith.constant 0 : i32
    %dma_wait3A_25 = arith.constant 0 : i32
    %dma_wait3A_26 = tpu.memref_slice %arg2[%dma_wait3A_24, %dma_wait3A_25] : memref<1024x128xf32, #tpu.memory_space<hbm>> -> memref<1024x128xf32, #tpu.memory_space<hbm>>
    tpu.wait_indirect_dma semaphore(%arg9 : memref<!tpu.dma_semaphore, #tpu.memory_space<semaphore_mem>>) src(%dma_wait3A_26 : memref<1024x128xf32, #tpu.memory_space<hbm>>) dst(%arg7 : memref<256x128xf32, #tpu.memory_space<vmem>>)
    %add3A_27 = arith.constant 256 : i32
    %add3A_28 = arith.addi %mul3A_2, %add3A_27 : i32
    %dma_start3A_29 = arith.constant 0 : i32
    %dma_start3A_30 = tpu.memref_slice %arg4[%add3A_28, %dma_start3A_29] : memref<16384x128xf32, #tpu.memory_space<hbm>> -> memref<256x128xf32, #tpu.memory_space<hbm>>
    %dma_start3A_31 = arith.constant 0 : i32
    %dma_start3A_32 = tpu.memref_slice %arg4[%add3A_28, %dma_start3A_31] : memref<16384x128xf32, #tpu.memory_space<hbm>> -> memref<256x128xf32, #tpu.memory_space<hbm>>
    tpu.enqueue_dma source(%arg7 : memref<256x128xf32, #tpu.memory_space<vmem>>) target(%dma_start3A_32 : memref<256x128xf32, #tpu.memory_space<hbm>>) target_semaphore(%arg11 : memref<!tpu.dma_semaphore, #tpu.memory_space<semaphore_mem>>)
    %dma_wait3A_33 = arith.constant 0 : i32
    %dma_wait3A_34 = tpu.memref_slice %arg4[%add3A_17, %dma_wait3A_33] : memref<16384x128xf32, #tpu.memory_space<hbm>> -> memref<256x128xf32, #tpu.memory_space<hbm>>
    %dma_wait3A_35 = arith.constant 0 : i32
    %dma_wait3A_36 = tpu.memref_slice %arg4[%add3A_17, %dma_wait3A_35] : memref<16384x128xf32, #tpu.memory_space<hbm>> -> memref<256x128xf32, #tpu.memory_space<hbm>>
    tpu.wait_dma2 semaphore(%arg10 : memref<!tpu.dma_semaphore, #tpu.memory_space<semaphore_mem>>) src(%arg6 : memref<256x128xf32, #tpu.memory_space<vmem>>) dst(%dma_wait3A_36 : memref<256x128xf32, #tpu.memory_space<hbm>>)
    %dma_wait3A_37 = arith.constant 0 : i32
    %dma_wait3A_38 = tpu.memref_slice %arg4[%add3A_28, %dma_wait3A_37] : memref<16384x128xf32, #tpu.memory_space<hbm>> -> memref<256x128xf32, #tpu.memory_space<hbm>>
    %dma_wait3A_39 = arith.constant 0 : i32
    %dma_wait3A_40 = tpu.memref_slice %arg4[%add3A_28, %dma_wait3A_39] : memref<16384x128xf32, #tpu.memory_space<hbm>> -> memref<256x128xf32, #tpu.memory_space<hbm>>
    tpu.wait_dma2 semaphore(%arg11 : memref<!tpu.dma_semaphore, #tpu.memory_space<semaphore_mem>>) src(%arg7 : memref<256x128xf32, #tpu.memory_space<vmem>>) dst(%dma_wait3A_40 : memref<256x128xf32, #tpu.memory_space<hbm>>)
    return
  }
}

#map = affine_map<(d0, d1) -> (0, 0)>
#map1 = affine_map<(d0, d1) -> (0)>
module attributes {stable_mosaic.version = 14 : i64} {
  func.func @kern(%arg0: i32, %arg1: i32, %arg2: memref<1024x128xf32, #tpu.memory_space<hbm>>, %arg3: memref<16384xi32, #tpu.memory_space<hbm>>, %arg4: memref<16384x128xf32, #tpu.memory_space<hbm>>, %arg5: memref<512xi32, #tpu.memory_space<vmem>>, %arg6: memref<256x128xf32, #tpu.memory_space<vmem>>, %arg7: memref<256x128xf32, #tpu.memory_space<vmem>>, %arg8: memref<!tpu.dma_semaphore, #tpu.memory_space<semaphore_mem>>, %arg9: memref<!tpu.dma_semaphore, #tpu.memory_space<semaphore_mem>>, %arg10: memref<!tpu.dma_semaphore, #tpu.memory_space<semaphore_mem>>, %arg11: memref<!tpu.dma_semaphore, #tpu.memory_space<semaphore_mem>>) attributes {dimension_semantics = [#tpu.dimension_semantics<core_parallel>, #tpu.dimension_semantics<subcore_parallel>], iteration_bounds = array<i64: 2, 16>, scalar_prefetch = 0 : i64, scratch_operands = 7 : i64, tpu.core_type = #tpu.core_type<sc_vector_subcore>, window_params = [{transform_indices = #map}, {transform_indices = #map1}, {transform_indices = #map}]} {
    %mul3A = arith.constant 2 : i32
    %mul3A_0 = arith.muli %arg1, %mul3A : i32
    %add3A = arith.addi %mul3A_0, %arg0 : i32
    %mul3A_1 = arith.constant 512 : i32
    %mul3A_2 = arith.muli %add3A, %mul3A_1 : i32
    "tpu.region"() ({
      %run_scoped3A = tpu.sem_alloc : memref<!tpu.dma_semaphore, #tpu.memory_space<semaphore_mem>>
      %dma_start3A_41 = tpu.memref_slice %arg3[%mul3A_2] : memref<16384xi32, #tpu.memory_space<hbm>> -> memref<512xi32, #tpu.memory_space<hbm>>
      %dma_start3A_42 = tpu.memref_slice %arg3[%mul3A_2] : memref<16384xi32, #tpu.memory_space<hbm>> -> memref<512xi32, #tpu.memory_space<hbm>>
      tpu.enqueue_dma source(%dma_start3A_42 : memref<512xi32, #tpu.memory_space<hbm>>) target(%arg5 : memref<512xi32, #tpu.memory_space<vmem>>) target_semaphore(%run_scoped3A : memref<!tpu.dma_semaphore, #tpu.memory_space<semaphore_mem>>)
      %dma_wait3A_43 = tpu.memref_slice %arg3[%mul3A_2] : memref<16384xi32, #tpu.memory_space<hbm>> -> memref<512xi32, #tpu.memory_space<hbm>>
      %dma_wait3A_44 = tpu.memref_slice %arg3[%mul3A_2] : memref<16384xi32, #tpu.memory_space<hbm>> -> memref<512xi32, #tpu.memory_space<hbm>>
      tpu.wait_dma2 semaphore(%run_scoped3A : memref<!tpu.dma_semaphore, #tpu.memory_space<semaphore_mem>>) src(%dma_wait3A_44 : memref<512xi32, #tpu.memory_space<hbm>>) dst(%arg5 : memref<512xi32, #tpu.memory_space<vmem>>)
      tpu.yield
    }) : () -> ()
    %dma_start3A = arith.constant 0 : i32
    %dma_start3A_3 = tpu.memref_slice %arg5[%dma_start3A] : memref<512xi32, #tpu.memory_space<vmem>> -> memref<256xi32, #tpu.memory_space<vmem>>
    %dma_start3A_4 = arith.constant 0 : i32
    %dma_start3A_5 = arith.constant 0 : i32
    %dma_start3A_6 = tpu.memref_slice %arg2[%dma_start3A_4, %dma_start3A_5] : memref<1024x128xf32, #tpu.memory_space<hbm>> -> memref<1024x128xf32, #tpu.memory_space<hbm>>
    tpu.enqueue_indirect_dma source(%dma_start3A_6 : memref<1024x128xf32, #tpu.memory_space<hbm>>) target(%arg6 : memref<256x128xf32, #tpu.memory_space<vmem>>) offsets(%dma_start3A_3 : memref<256xi32, #tpu.memory_space<vmem>>) semaphore(%arg8 : memref<!tpu.dma_semaphore, #tpu.memory_space<semaphore_mem>>)
    %dma_start3A_7 = arith.constant 256 : i32
    %dma_start3A_8 = tpu.memref_slice %arg5[%dma_start3A_7] : memref<512xi32, #tpu.memory_space<vmem>> -> memref<256xi32, #tpu.memory_space<vmem>>
    %dma_start3A_9 = arith.constant 0 : i32
    %dma_start3A_10 = arith.constant 0 : i32
    %dma_start3A_11 = tpu.memref_slice %arg2[%dma_start3A_9, %dma_start3A_10] : memref<1024x128xf32, #tpu.memory_space<hbm>> -> memref<1024x128xf32, #tpu.memory_space<hbm>>
    tpu.enqueue_indirect_dma source(%dma_start3A_11 : memref<1024x128xf32, #tpu.memory_space<hbm>>) target(%arg7 : memref<256x128xf32, #tpu.memory_space<vmem>>) offsets(%dma_start3A_8 : memref<256xi32, #tpu.memory_space<vmem>>) semaphore(%arg9 : memref<!tpu.dma_semaphore, #tpu.memory_space<semaphore_mem>>)
    %dma_wait3A = arith.constant 0 : i32
    %dma_wait3A_12 = tpu.memref_slice %arg5[%dma_wait3A] : memref<512xi32, #tpu.memory_space<vmem>> -> memref<256xi32, #tpu.memory_space<vmem>>
    %dma_wait3A_13 = arith.constant 0 : i32
    %dma_wait3A_14 = arith.constant 0 : i32
    %dma_wait3A_15 = tpu.memref_slice %arg2[%dma_wait3A_13, %dma_wait3A_14] : memref<1024x128xf32, #tpu.memory_space<hbm>> -> memref<1024x128xf32, #tpu.memory_space<hbm>>
    tpu.wait_indirect_dma semaphore(%arg8 : memref<!tpu.dma_semaphore, #tpu.memory_space<semaphore_mem>>) src(%dma_wait3A_15 : memref<1024x128xf32, #tpu.memory_space<hbm>>) dst(%arg6 : memref<256x128xf32, #tpu.memory_space<vmem>>)
    %add3A_16 = arith.constant 0 : i32
    %add3A_17 = arith.addi %mul3A_2, %add3A_16 : i32
    %dma_start3A_18 = arith.constant 0 : i32
    %dma_start3A_19 = tpu.memref_slice %arg4[%add3A_17, %dma_start3A_18] : memref<16384x128xf32, #tpu.memory_space<hbm>> -> memref<256x128xf32, #tpu.memory_space<hbm>>
    %dma_start3A_20 = arith.constant 0 : i32
    %dma_start3A_21 = tpu.memref_slice %arg4[%add3A_17, %dma_start3A_20] : memref<16384x128xf32, #tpu.memory_space<hbm>> -> memref<256x128xf32, #tpu.memory_space<hbm>>
    tpu.enqueue_dma source(%arg6 : memref<256x128xf32, #tpu.memory_space<vmem>>) target(%dma_start3A_21 : memref<256x128xf32, #tpu.memory_space<hbm>>) target_semaphore(%arg10 : memref<!tpu.dma_semaphore, #tpu.memory_space<semaphore_mem>>)
    %dma_wait3A_22 = arith.constant 256 : i32
    %dma_wait3A_23 = tpu.memref_slice %arg5[%dma_wait3A_22] : memref<512xi32, #tpu.memory_space<vmem>> -> memref<256xi32, #tpu.memory_space<vmem>>
    %dma_wait3A_24 = arith.constant 0 : i32
    %dma_wait3A_25 = arith.constant 0 : i32
    %dma_wait3A_26 = tpu.memref_slice %arg2[%dma_wait3A_24, %dma_wait3A_25] : memref<1024x128xf32, #tpu.memory_space<hbm>> -> memref<1024x128xf32, #tpu.memory_space<hbm>>
    tpu.wait_indirect_dma semaphore(%arg9 : memref<!tpu.dma_semaphore, #tpu.memory_space<semaphore_mem>>) src(%dma_wait3A_26 : memref<1024x128xf32, #tpu.memory_space<hbm>>) dst(%arg7 : memref<256x128xf32, #tpu.memory_space<vmem>>)
    %add3A_27 = arith.constant 256 : i32
    %add3A_28 = arith.addi %mul3A_2, %add3A_27 : i32
    %dma_start3A_29 = arith.constant 0 : i32
    %dma_start3A_30 = tpu.memref_slice %arg4[%add3A_28, %dma_start3A_29] : memref<16384x128xf32, #tpu.memory_space<hbm>> -> memref<256x128xf32, #tpu.memory_space<hbm>>
    %dma_start3A_31 = arith.constant 0 : i32
    %dma_start3A_32 = tpu.memref_slice %arg4[%add3A_28, %dma_start3A_31] : memref<16384x128xf32, #tpu.memory_space<hbm>> -> memref<256x128xf32, #tpu.memory_space<hbm>>
    tpu.enqueue_dma source(%arg7 : memref<256x128xf32, #tpu.memory_space<vmem>>) target(%dma_start3A_32 : memref<256x128xf32, #tpu.memory_space<hbm>>) target_semaphore(%arg11 : memref<!tpu.dma_semaphore, #tpu.memory_space<semaphore_mem>>)
    %dma_wait3A_33 = arith.constant 0 : i32
    %dma_wait3A_34 = tpu.memref_slice %arg4[%add3A_17, %dma_wait3A_33] : memref<16384x128xf32, #tpu.memory_space<hbm>> -> memref<256x128xf32, #tpu.memory_space<hbm>>
    %dma_wait3A_35 = arith.constant 0 : i32
    %dma_wait3A_36 = tpu.memref_slice %arg4[%add3A_17, %dma_wait3A_35] : memref<16384x128xf32, #tpu.memory_space<hbm>> -> memref<256x128xf32, #tpu.memory_space<hbm>>
    tpu.wait_dma2 semaphore(%arg10 : memref<!tpu.dma_semaphore, #tpu.memory_space<semaphore_mem>>) src(%arg6 : memref<256x128xf32, #tpu.memory_space<vmem>>) dst(%dma_wait3A_36 : memref<256x128xf32, #tpu.memory_space<hbm>>)
    %dma_wait3A_37 = arith.constant 0 : i32
    %dma_wait3A_38 = tpu.memref_slice %arg4[%add3A_28, %dma_wait3A_37] : memref<16384x128xf32, #tpu.memory_space<hbm>> -> memref<256x128xf32, #tpu.memory_space<hbm>>
    %dma_wait3A_39 = arith.constant 0 : i32
    %dma_wait3A_40 = tpu.memref_slice %arg4[%add3A_28, %dma_wait3A_39] : memref<16384x128xf32, #tpu.memory_space<hbm>> -> memref<256x128xf32, #tpu.memory_space<hbm>>
    tpu.wait_dma2 semaphore(%arg11 : memref<!tpu.dma_semaphore, #tpu.memory_space<semaphore_mem>>) src(%arg7 : memref<256x128xf32, #tpu.memory_space<vmem>>) dst(%dma_wait3A_40 : memref<256x128xf32, #tpu.memory_space<hbm>>)
    return
  }
}

#map = affine_map<(d0, d1) -> (0, 0)>
#map1 = affine_map<(d0, d1) -> (0)>
module attributes {stable_mosaic.version = 14 : i64} {
  func.func @kern(%arg0: i32, %arg1: i32, %arg2: memref<1024x512xi32, #tpu.memory_space<hbm>>, %arg3: memref<16384xi32, #tpu.memory_space<hbm>>, %arg4: memref<16384x512xi32, #tpu.memory_space<hbm>>, %arg5: memref<512xi32, #tpu.memory_space<vmem>>, %arg6: memref<64x512xi32, #tpu.memory_space<vmem>>, %arg7: memref<64x512xi32, #tpu.memory_space<vmem>>, %arg8: memref<!tpu.dma_semaphore, #tpu.memory_space<semaphore_mem>>, %arg9: memref<!tpu.dma_semaphore, #tpu.memory_space<semaphore_mem>>, %arg10: memref<!tpu.dma_semaphore, #tpu.memory_space<semaphore_mem>>, %arg11: memref<!tpu.dma_semaphore, #tpu.memory_space<semaphore_mem>>) attributes {dimension_semantics = [#tpu.dimension_semantics<core_parallel>, #tpu.dimension_semantics<subcore_parallel>], iteration_bounds = array<i64: 2, 16>, scalar_prefetch = 0 : i64, scratch_operands = 7 : i64, tpu.core_type = #tpu.core_type<sc_vector_subcore>, window_params = [{transform_indices = #map}, {transform_indices = #map1}, {transform_indices = #map}]} {
    %mul3A = arith.constant 2 : i32
    %mul3A_0 = arith.muli %arg1, %mul3A : i32
    %add3A = arith.addi %mul3A_0, %arg0 : i32
    %mul3A_1 = arith.constant 512 : i32
    %mul3A_2 = arith.muli %add3A, %mul3A_1 : i32
    "tpu.region"() ({
      %run_scoped3A = tpu.sem_alloc : memref<!tpu.dma_semaphore, #tpu.memory_space<semaphore_mem>>
      %dma_start3A_161 = tpu.memref_slice %arg3[%mul3A_2] : memref<16384xi32, #tpu.memory_space<hbm>> -> memref<512xi32, #tpu.memory_space<hbm>>
      %dma_start3A_162 = tpu.memref_slice %arg3[%mul3A_2] : memref<16384xi32, #tpu.memory_space<hbm>> -> memref<512xi32, #tpu.memory_space<hbm>>
      tpu.enqueue_dma source(%dma_start3A_162 : memref<512xi32, #tpu.memory_space<hbm>>) target(%arg5 : memref<512xi32, #tpu.memory_space<vmem>>) target_semaphore(%run_scoped3A : memref<!tpu.dma_semaphore, #tpu.memory_space<semaphore_mem>>)
      %dma_wait3A_163 = tpu.memref_slice %arg3[%mul3A_2] : memref<16384xi32, #tpu.memory_space<hbm>> -> memref<512xi32, #tpu.memory_space<hbm>>
      %dma_wait3A_164 = tpu.memref_slice %arg3[%mul3A_2] : memref<16384xi32, #tpu.memory_space<hbm>> -> memref<512xi32, #tpu.memory_space<hbm>>
      tpu.wait_dma2 semaphore(%run_scoped3A : memref<!tpu.dma_semaphore, #tpu.memory_space<semaphore_mem>>) src(%dma_wait3A_164 : memref<512xi32, #tpu.memory_space<hbm>>) dst(%arg5 : memref<512xi32, #tpu.memory_space<vmem>>)
      tpu.yield
    }) : () -> ()
    %dma_start3A = arith.constant 0 : i32
    %dma_start3A_3 = tpu.memref_slice %arg5[%dma_start3A] : memref<512xi32, #tpu.memory_space<vmem>> -> memref<64xi32, #tpu.memory_space<vmem>>
    %dma_start3A_4 = arith.constant 0 : i32
    %dma_start3A_5 = arith.constant 0 : i32
    %dma_start3A_6 = tpu.memref_slice %arg2[%dma_start3A_4, %dma_start3A_5] : memref<1024x512xi32, #tpu.memory_space<hbm>> -> memref<1024x512xi32, #tpu.memory_space<hbm>>
    tpu.enqueue_indirect_dma source(%dma_start3A_6 : memref<1024x512xi32, #tpu.memory_space<hbm>>) target(%arg6 : memref<64x512xi32, #tpu.memory_space<vmem>>) offsets(%dma_start3A_3 : memref<64xi32, #tpu.memory_space<vmem>>) semaphore(%arg8 : memref<!tpu.dma_semaphore, #tpu.memory_space<semaphore_mem>>)
    %dma_start3A_7 = arith.constant 64 : i32
    %dma_start3A_8 = tpu.memref_slice %arg5[%dma_start3A_7] : memref<512xi32, #tpu.memory_space<vmem>> -> memref<64xi32, #tpu.memory_space<vmem>>
    %dma_start3A_9 = arith.constant 0 : i32
    %dma_start3A_10 = arith.constant 0 : i32
    %dma_start3A_11 = tpu.memref_slice %arg2[%dma_start3A_9, %dma_start3A_10] : memref<1024x512xi32, #tpu.memory_space<hbm>> -> memref<1024x512xi32, #tpu.memory_space<hbm>>
    tpu.enqueue_indirect_dma source(%dma_start3A_11 : memref<1024x512xi32, #tpu.memory_space<hbm>>) target(%arg7 : memref<64x512xi32, #tpu.memory_space<vmem>>) offsets(%dma_start3A_8 : memref<64xi32, #tpu.memory_space<vmem>>) semaphore(%arg9 : memref<!tpu.dma_semaphore, #tpu.memory_space<semaphore_mem>>)
    %dma_wait3A = arith.constant 0 : i32
    %dma_wait3A_12 = tpu.memref_slice %arg5[%dma_wait3A] : memref<512xi32, #tpu.memory_space<vmem>> -> memref<64xi32, #tpu.memory_space<vmem>>
    %dma_wait3A_13 = arith.constant 0 : i32
    %dma_wait3A_14 = arith.constant 0 : i32
    %dma_wait3A_15 = tpu.memref_slice %arg2[%dma_wait3A_13, %dma_wait3A_14] : memref<1024x512xi32, #tpu.memory_space<hbm>> -> memref<1024x512xi32, #tpu.memory_space<hbm>>
    tpu.wait_indirect_dma semaphore(%arg8 : memref<!tpu.dma_semaphore, #tpu.memory_space<semaphore_mem>>) src(%dma_wait3A_15 : memref<1024x512xi32, #tpu.memory_space<hbm>>) dst(%arg6 : memref<64x512xi32, #tpu.memory_space<vmem>>)
    %add3A_16 = arith.constant 0 : i32
    %add3A_17 = arith.addi %mul3A_2, %add3A_16 : i32
    %dma_start3A_18 = arith.constant 0 : i32
    %dma_start3A_19 = tpu.memref_slice %arg4[%add3A_17, %dma_start3A_18] : memref<16384x512xi32, #tpu.memory_space<hbm>> -> memref<64x512xi32, #tpu.memory_space<hbm>>
    %dma_start3A_20 = arith.constant 0 : i32
    %dma_start3A_21 = tpu.memref_slice %arg4[%add3A_17, %dma_start3A_20] : memref<16384x512xi32, #tpu.memory_space<hbm>> -> memref<64x512xi32, #tpu.memory_space<hbm>>
    tpu.enqueue_dma source(%arg6 : memref<64x512xi32, #tpu.memory_space<vmem>>) target(%dma_start3A_21 : memref<64x512xi32, #tpu.memory_space<hbm>>) target_semaphore(%arg10 : memref<!tpu.dma_semaphore, #tpu.memory_space<semaphore_mem>>)
    %dma_wait3A_22 = arith.constant 0 : i32
    %dma_wait3A_23 = tpu.memref_slice %arg4[%add3A_17, %dma_wait3A_22] : memref<16384x512xi32, #tpu.memory_space<hbm>> -> memref<64x512xi32, #tpu.memory_space<hbm>>
    %dma_wait3A_24 = arith.constant 0 : i32
    %dma_wait3A_25 = tpu.memref_slice %arg4[%add3A_17, %dma_wait3A_24] : memref<16384x512xi32, #tpu.memory_space<hbm>> -> memref<64x512xi32, #tpu.memory_space<hbm>>
    tpu.wait_dma2 semaphore(%arg10 : memref<!tpu.dma_semaphore, #tpu.memory_space<semaphore_mem>>) src(%arg6 : memref<64x512xi32, #tpu.memory_space<vmem>>) dst(%dma_wait3A_25 : memref<64x512xi32, #tpu.memory_space<hbm>>)
    %dma_start3A_26 = arith.constant 128 : i32
    %dma_start3A_27 = tpu.memref_slice %arg5[%dma_start3A_26] : memref<512xi32, #tpu.memory_space<vmem>> -> memref<64xi32, #tpu.memory_space<vmem>>
    %dma_start3A_28 = arith.constant 0 : i32
    %dma_start3A_29 = arith.constant 0 : i32
    %dma_start3A_30 = tpu.memref_slice %arg2[%dma_start3A_28, %dma_start3A_29] : memref<1024x512xi32, #tpu.memory_space<hbm>> -> memref<1024x512xi32, #tpu.memory_space<hbm>>
    tpu.enqueue_indirect_dma source(%dma_start3A_30 : memref<1024x512xi32, #tpu.memory_space<hbm>>) target(%arg6 : memref<64x512xi32, #tpu.memory_space<vmem>>) offsets(%dma_start3A_27 : memref<64xi32, #tpu.memory_space<vmem>>) semaphore(%arg8 : memref<!tpu.dma_semaphore, #tpu.memory_space<semaphore_mem>>)
    %dma_wait3A_31 = arith.constant 64 : i32
    %dma_wait3A_32 = tpu.memref_slice %arg5[%dma_wait3A_31] : memref<512xi32, #tpu.memory_space<vmem>> -> memref<64xi32, #tpu.memory_space<vmem>>
    %dma_wait3A_33 = arith.constant 0 : i32
    %dma_wait3A_34 = arith.constant 0 : i32
    %dma_wait3A_35 = tpu.memref_slice %arg2[%dma_wait3A_33, %dma_wait3A_34] : memref<1024x512xi32, #tpu.memory_space<hbm>> -> memref<1024x512xi32, #tpu.memory_space<hbm>>
    tpu.wait_indirect_dma semaphore(%arg9 : memref<!tpu.dma_semaphore, #tpu.memory_space<semaphore_mem>>) src(%dma_wait3A_35 : memref<1024x512xi32, #tpu.memory_space<hbm>>) dst(%arg7 : memref<64x512xi32, #tpu.memory_space<vmem>>)
    %add3A_36 = arith.constant 64 : i32
    %add3A_37 = arith.addi %mul3A_2, %add3A_36 : i32
    %dma_start3A_38 = arith.constant 0 : i32
    %dma_start3A_39 = tpu.memref_slice %arg4[%add3A_37, %dma_start3A_38] : memref<16384x512xi32, #tpu.memory_space<hbm>> -> memref<64x512xi32, #tpu.memory_space<hbm>>
    %dma_start3A_40 = arith.constant 0 : i32
    %dma_start3A_41 = tpu.memref_slice %arg4[%add3A_37, %dma_start3A_40] : memref<16384x512xi32, #tpu.memory_space<hbm>> -> memref<64x512xi32, #tpu.memory_space<hbm>>
    tpu.enqueue_dma source(%arg7 : memref<64x512xi32, #tpu.memory_space<vmem>>) target(%dma_start3A_41 : memref<64x512xi32, #tpu.memory_space<hbm>>) target_semaphore(%arg11 : memref<!tpu.dma_semaphore, #tpu.memory_space<semaphore_mem>>)
    %dma_wait3A_42 = arith.constant 0 : i32
    %dma_wait3A_43 = tpu.memref_slice %arg4[%add3A_37, %dma_wait3A_42] : memref<16384x512xi32, #tpu.memory_space<hbm>> -> memref<64x512xi32, #tpu.memory_space<hbm>>
    %dma_wait3A_44 = arith.constant 0 : i32
    %dma_wait3A_45 = tpu.memref_slice %arg4[%add3A_37, %dma_wait3A_44] : memref<16384x512xi32, #tpu.memory_space<hbm>> -> memref<64x512xi32, #tpu.memory_space<hbm>>
    tpu.wait_dma2 semaphore(%arg11 : memref<!tpu.dma_semaphore, #tpu.memory_space<semaphore_mem>>) src(%arg7 : memref<64x512xi32, #tpu.memory_space<vmem>>) dst(%dma_wait3A_45 : memref<64x512xi32, #tpu.memory_space<hbm>>)
    %dma_start3A_46 = arith.constant 192 : i32
    %dma_start3A_47 = tpu.memref_slice %arg5[%dma_start3A_46] : memref<512xi32, #tpu.memory_space<vmem>> -> memref<64xi32, #tpu.memory_space<vmem>>
    %dma_start3A_48 = arith.constant 0 : i32
    %dma_start3A_49 = arith.constant 0 : i32
    %dma_start3A_50 = tpu.memref_slice %arg2[%dma_start3A_48, %dma_start3A_49] : memref<1024x512xi32, #tpu.memory_space<hbm>> -> memref<1024x512xi32, #tpu.memory_space<hbm>>
    tpu.enqueue_indirect_dma source(%dma_start3A_50 : memref<1024x512xi32, #tpu.memory_space<hbm>>) target(%arg7 : memref<64x512xi32, #tpu.memory_space<vmem>>) offsets(%dma_start3A_47 : memref<64xi32, #tpu.memory_space<vmem>>) semaphore(%arg9 : memref<!tpu.dma_semaphore, #tpu.memory_space<semaphore_mem>>)
    %dma_wait3A_51 = arith.constant 128 : i32
    %dma_wait3A_52 = tpu.memref_slice %arg5[%dma_wait3A_51] : memref<512xi32, #tpu.memory_space<vmem>> -> memref<64xi32, #tpu.memory_space<vmem>>
    %dma_wait3A_53 = arith.constant 0 : i32
    %dma_wait3A_54 = arith.constant 0 : i32
    %dma_wait3A_55 = tpu.memref_slice %arg2[%dma_wait3A_53, %dma_wait3A_54] : memref<1024x512xi32, #tpu.memory_space<hbm>> -> memref<1024x512xi32, #tpu.memory_space<hbm>>
    tpu.wait_indirect_dma semaphore(%arg8 : memref<!tpu.dma_semaphore, #tpu.memory_space<semaphore_mem>>) src(%dma_wait3A_55 : memref<1024x512xi32, #tpu.memory_space<hbm>>) dst(%arg6 : memref<64x512xi32, #tpu.memory_space<vmem>>)
    %add3A_56 = arith.constant 128 : i32
    %add3A_57 = arith.addi %mul3A_2, %add3A_56 : i32
    %dma_start3A_58 = arith.constant 0 : i32
    %dma_start3A_59 = tpu.memref_slice %arg4[%add3A_57, %dma_start3A_58] : memref<16384x512xi32, #tpu.memory_space<hbm>> -> memref<64x512xi32, #tpu.memory_space<hbm>>
    %dma_start3A_60 = arith.constant 0 : i32
    %dma_start3A_61 = tpu.memref_slice %arg4[%add3A_57, %dma_start3A_60] : memref<16384x512xi32, #tpu.memory_space<hbm>> -> memref<64x512xi32, #tpu.memory_space<hbm>>
    tpu.enqueue_dma source(%arg6 : memref<64x512xi32, #tpu.memory_space<vmem>>) target(%dma_start3A_61 : memref<64x512xi32, #tpu.memory_space<hbm>>) target_semaphore(%arg10 : memref<!tpu.dma_semaphore, #tpu.memory_space<semaphore_mem>>)
    %dma_wait3A_62 = arith.constant 0 : i32
    %dma_wait3A_63 = tpu.memref_slice %arg4[%add3A_57, %dma_wait3A_62] : memref<16384x512xi32, #tpu.memory_space<hbm>> -> memref<64x512xi32, #tpu.memory_space<hbm>>
    %dma_wait3A_64 = arith.constant 0 : i32
    %dma_wait3A_65 = tpu.memref_slice %arg4[%add3A_57, %dma_wait3A_64] : memref<16384x512xi32, #tpu.memory_space<hbm>> -> memref<64x512xi32, #tpu.memory_space<hbm>>
    tpu.wait_dma2 semaphore(%arg10 : memref<!tpu.dma_semaphore, #tpu.memory_space<semaphore_mem>>) src(%arg6 : memref<64x512xi32, #tpu.memory_space<vmem>>) dst(%dma_wait3A_65 : memref<64x512xi32, #tpu.memory_space<hbm>>)
    %dma_start3A_66 = arith.constant 256 : i32
    %dma_start3A_67 = tpu.memref_slice %arg5[%dma_start3A_66] : memref<512xi32, #tpu.memory_space<vmem>> -> memref<64xi32, #tpu.memory_space<vmem>>
    %dma_start3A_68 = arith.constant 0 : i32
    %dma_start3A_69 = arith.constant 0 : i32
    %dma_start3A_70 = tpu.memref_slice %arg2[%dma_start3A_68, %dma_start3A_69] : memref<1024x512xi32, #tpu.memory_space<hbm>> -> memref<1024x512xi32, #tpu.memory_space<hbm>>
    tpu.enqueue_indirect_dma source(%dma_start3A_70 : memref<1024x512xi32, #tpu.memory_space<hbm>>) target(%arg6 : memref<64x512xi32, #tpu.memory_space<vmem>>) offsets(%dma_start3A_67 : memref<64xi32, #tpu.memory_space<vmem>>) semaphore(%arg8 : memref<!tpu.dma_semaphore, #tpu.memory_space<semaphore_mem>>)
    %dma_wait3A_71 = arith.constant 192 : i32
    %dma_wait3A_72 = tpu.memref_slice %arg5[%dma_wait3A_71] : memref<512xi32, #tpu.memory_space<vmem>> -> memref<64xi32, #tpu.memory_space<vmem>>
    %dma_wait3A_73 = arith.constant 0 : i32
    %dma_wait3A_74 = arith.constant 0 : i32
    %dma_wait3A_75 = tpu.memref_slice %arg2[%dma_wait3A_73, %dma_wait3A_74] : memref<1024x512xi32, #tpu.memory_space<hbm>> -> memref<1024x512xi32, #tpu.memory_space<hbm>>
    tpu.wait_indirect_dma semaphore(%arg9 : memref<!tpu.dma_semaphore, #tpu.memory_space<semaphore_mem>>) src(%dma_wait3A_75 : memref<1024x512xi32, #tpu.memory_space<hbm>>) dst(%arg7 : memref<64x512xi32, #tpu.memory_space<vmem>>)
    %add3A_76 = arith.constant 192 : i32
    %add3A_77 = arith.addi %mul3A_2, %add3A_76 : i32
    %dma_start3A_78 = arith.constant 0 : i32
    %dma_start3A_79 = tpu.memref_slice %arg4[%add3A_77, %dma_start3A_78] : memref<16384x512xi32, #tpu.memory_space<hbm>> -> memref<64x512xi32, #tpu.memory_space<hbm>>
    %dma_start3A_80 = arith.constant 0 : i32
    %dma_start3A_81 = tpu.memref_slice %arg4[%add3A_77, %dma_start3A_80] : memref<16384x512xi32, #tpu.memory_space<hbm>> -> memref<64x512xi32, #tpu.memory_space<hbm>>
    tpu.enqueue_dma source(%arg7 : memref<64x512xi32, #tpu.memory_space<vmem>>) target(%dma_start3A_81 : memref<64x512xi32, #tpu.memory_space<hbm>>) target_semaphore(%arg11 : memref<!tpu.dma_semaphore, #tpu.memory_space<semaphore_mem>>)
    %dma_wait3A_82 = arith.constant 0 : i32
    %dma_wait3A_83 = tpu.memref_slice %arg4[%add3A_77, %dma_wait3A_82] : memref<16384x512xi32, #tpu.memory_space<hbm>> -> memref<64x512xi32, #tpu.memory_space<hbm>>
    %dma_wait3A_84 = arith.constant 0 : i32
    %dma_wait3A_85 = tpu.memref_slice %arg4[%add3A_77, %dma_wait3A_84] : memref<16384x512xi32, #tpu.memory_space<hbm>> -> memref<64x512xi32, #tpu.memory_space<hbm>>
    tpu.wait_dma2 semaphore(%arg11 : memref<!tpu.dma_semaphore, #tpu.memory_space<semaphore_mem>>) src(%arg7 : memref<64x512xi32, #tpu.memory_space<vmem>>) dst(%dma_wait3A_85 : memref<64x512xi32, #tpu.memory_space<hbm>>)
    %dma_start3A_86 = arith.constant 320 : i32
    %dma_start3A_87 = tpu.memref_slice %arg5[%dma_start3A_86] : memref<512xi32, #tpu.memory_space<vmem>> -> memref<64xi32, #tpu.memory_space<vmem>>
    %dma_start3A_88 = arith.constant 0 : i32
    %dma_start3A_89 = arith.constant 0 : i32
    %dma_start3A_90 = tpu.memref_slice %arg2[%dma_start3A_88, %dma_start3A_89] : memref<1024x512xi32, #tpu.memory_space<hbm>> -> memref<1024x512xi32, #tpu.memory_space<hbm>>
    tpu.enqueue_indirect_dma source(%dma_start3A_90 : memref<1024x512xi32, #tpu.memory_space<hbm>>) target(%arg7 : memref<64x512xi32, #tpu.memory_space<vmem>>) offsets(%dma_start3A_87 : memref<64xi32, #tpu.memory_space<vmem>>) semaphore(%arg9 : memref<!tpu.dma_semaphore, #tpu.memory_space<semaphore_mem>>)
    %dma_wait3A_91 = arith.constant 256 : i32
    %dma_wait3A_92 = tpu.memref_slice %arg5[%dma_wait3A_91] : memref<512xi32, #tpu.memory_space<vmem>> -> memref<64xi32, #tpu.memory_space<vmem>>
    %dma_wait3A_93 = arith.constant 0 : i32
    %dma_wait3A_94 = arith.constant 0 : i32
    %dma_wait3A_95 = tpu.memref_slice %arg2[%dma_wait3A_93, %dma_wait3A_94] : memref<1024x512xi32, #tpu.memory_space<hbm>> -> memref<1024x512xi32, #tpu.memory_space<hbm>>
    tpu.wait_indirect_dma semaphore(%arg8 : memref<!tpu.dma_semaphore, #tpu.memory_space<semaphore_mem>>) src(%dma_wait3A_95 : memref<1024x512xi32, #tpu.memory_space<hbm>>) dst(%arg6 : memref<64x512xi32, #tpu.memory_space<vmem>>)
    %add3A_96 = arith.constant 256 : i32
    %add3A_97 = arith.addi %mul3A_2, %add3A_96 : i32
    %dma_start3A_98 = arith.constant 0 : i32
    %dma_start3A_99 = tpu.memref_slice %arg4[%add3A_97, %dma_start3A_98] : memref<16384x512xi32, #tpu.memory_space<hbm>> -> memref<64x512xi32, #tpu.memory_space<hbm>>
    %dma_start3A_100 = arith.constant 0 : i32
    %dma_start3A_101 = tpu.memref_slice %arg4[%add3A_97, %dma_start3A_100] : memref<16384x512xi32, #tpu.memory_space<hbm>> -> memref<64x512xi32, #tpu.memory_space<hbm>>
    tpu.enqueue_dma source(%arg6 : memref<64x512xi32, #tpu.memory_space<vmem>>) target(%dma_start3A_101 : memref<64x512xi32, #tpu.memory_space<hbm>>) target_semaphore(%arg10 : memref<!tpu.dma_semaphore, #tpu.memory_space<semaphore_mem>>)
    %dma_wait3A_102 = arith.constant 0 : i32
    %dma_wait3A_103 = tpu.memref_slice %arg4[%add3A_97, %dma_wait3A_102] : memref<16384x512xi32, #tpu.memory_space<hbm>> -> memref<64x512xi32, #tpu.memory_space<hbm>>
    %dma_wait3A_104 = arith.constant 0 : i32
    %dma_wait3A_105 = tpu.memref_slice %arg4[%add3A_97, %dma_wait3A_104] : memref<16384x512xi32, #tpu.memory_space<hbm>> -> memref<64x512xi32, #tpu.memory_space<hbm>>
    tpu.wait_dma2 semaphore(%arg10 : memref<!tpu.dma_semaphore, #tpu.memory_space<semaphore_mem>>) src(%arg6 : memref<64x512xi32, #tpu.memory_space<vmem>>) dst(%dma_wait3A_105 : memref<64x512xi32, #tpu.memory_space<hbm>>)
    %dma_start3A_106 = arith.constant 384 : i32
    %dma_start3A_107 = tpu.memref_slice %arg5[%dma_start3A_106] : memref<512xi32, #tpu.memory_space<vmem>> -> memref<64xi32, #tpu.memory_space<vmem>>
    %dma_start3A_108 = arith.constant 0 : i32
    %dma_start3A_109 = arith.constant 0 : i32
    %dma_start3A_110 = tpu.memref_slice %arg2[%dma_start3A_108, %dma_start3A_109] : memref<1024x512xi32, #tpu.memory_space<hbm>> -> memref<1024x512xi32, #tpu.memory_space<hbm>>
    tpu.enqueue_indirect_dma source(%dma_start3A_110 : memref<1024x512xi32, #tpu.memory_space<hbm>>) target(%arg6 : memref<64x512xi32, #tpu.memory_space<vmem>>) offsets(%dma_start3A_107 : memref<64xi32, #tpu.memory_space<vmem>>) semaphore(%arg8 : memref<!tpu.dma_semaphore, #tpu.memory_space<semaphore_mem>>)
    %dma_wait3A_111 = arith.constant 320 : i32
    %dma_wait3A_112 = tpu.memref_slice %arg5[%dma_wait3A_111] : memref<512xi32, #tpu.memory_space<vmem>> -> memref<64xi32, #tpu.memory_space<vmem>>
    %dma_wait3A_113 = arith.constant 0 : i32
    %dma_wait3A_114 = arith.constant 0 : i32
    %dma_wait3A_115 = tpu.memref_slice %arg2[%dma_wait3A_113, %dma_wait3A_114] : memref<1024x512xi32, #tpu.memory_space<hbm>> -> memref<1024x512xi32, #tpu.memory_space<hbm>>
    tpu.wait_indirect_dma semaphore(%arg9 : memref<!tpu.dma_semaphore, #tpu.memory_space<semaphore_mem>>) src(%dma_wait3A_115 : memref<1024x512xi32, #tpu.memory_space<hbm>>) dst(%arg7 : memref<64x512xi32, #tpu.memory_space<vmem>>)
    %add3A_116 = arith.constant 320 : i32
    %add3A_117 = arith.addi %mul3A_2, %add3A_116 : i32
    %dma_start3A_118 = arith.constant 0 : i32
    %dma_start3A_119 = tpu.memref_slice %arg4[%add3A_117, %dma_start3A_118] : memref<16384x512xi32, #tpu.memory_space<hbm>> -> memref<64x512xi32, #tpu.memory_space<hbm>>
    %dma_start3A_120 = arith.constant 0 : i32
    %dma_start3A_121 = tpu.memref_slice %arg4[%add3A_117, %dma_start3A_120] : memref<16384x512xi32, #tpu.memory_space<hbm>> -> memref<64x512xi32, #tpu.memory_space<hbm>>
    tpu.enqueue_dma source(%arg7 : memref<64x512xi32, #tpu.memory_space<vmem>>) target(%dma_start3A_121 : memref<64x512xi32, #tpu.memory_space<hbm>>) target_semaphore(%arg11 : memref<!tpu.dma_semaphore, #tpu.memory_space<semaphore_mem>>)
    %dma_wait3A_122 = arith.constant 0 : i32
    %dma_wait3A_123 = tpu.memref_slice %arg4[%add3A_117, %dma_wait3A_122] : memref<16384x512xi32, #tpu.memory_space<hbm>> -> memref<64x512xi32, #tpu.memory_space<hbm>>
    %dma_wait3A_124 = arith.constant 0 : i32
    %dma_wait3A_125 = tpu.memref_slice %arg4[%add3A_117, %dma_wait3A_124] : memref<16384x512xi32, #tpu.memory_space<hbm>> -> memref<64x512xi32, #tpu.memory_space<hbm>>
    tpu.wait_dma2 semaphore(%arg11 : memref<!tpu.dma_semaphore, #tpu.memory_space<semaphore_mem>>) src(%arg7 : memref<64x512xi32, #tpu.memory_space<vmem>>) dst(%dma_wait3A_125 : memref<64x512xi32, #tpu.memory_space<hbm>>)
    %dma_start3A_126 = arith.constant 448 : i32
    %dma_start3A_127 = tpu.memref_slice %arg5[%dma_start3A_126] : memref<512xi32, #tpu.memory_space<vmem>> -> memref<64xi32, #tpu.memory_space<vmem>>
    %dma_start3A_128 = arith.constant 0 : i32
    %dma_start3A_129 = arith.constant 0 : i32
    %dma_start3A_130 = tpu.memref_slice %arg2[%dma_start3A_128, %dma_start3A_129] : memref<1024x512xi32, #tpu.memory_space<hbm>> -> memref<1024x512xi32, #tpu.memory_space<hbm>>
    tpu.enqueue_indirect_dma source(%dma_start3A_130 : memref<1024x512xi32, #tpu.memory_space<hbm>>) target(%arg7 : memref<64x512xi32, #tpu.memory_space<vmem>>) offsets(%dma_start3A_127 : memref<64xi32, #tpu.memory_space<vmem>>) semaphore(%arg9 : memref<!tpu.dma_semaphore, #tpu.memory_space<semaphore_mem>>)
    %dma_wait3A_131 = arith.constant 384 : i32
    %dma_wait3A_132 = tpu.memref_slice %arg5[%dma_wait3A_131] : memref<512xi32, #tpu.memory_space<vmem>> -> memref<64xi32, #tpu.memory_space<vmem>>
    %dma_wait3A_133 = arith.constant 0 : i32
    %dma_wait3A_134 = arith.constant 0 : i32
    %dma_wait3A_135 = tpu.memref_slice %arg2[%dma_wait3A_133, %dma_wait3A_134] : memref<1024x512xi32, #tpu.memory_space<hbm>> -> memref<1024x512xi32, #tpu.memory_space<hbm>>
    tpu.wait_indirect_dma semaphore(%arg8 : memref<!tpu.dma_semaphore, #tpu.memory_space<semaphore_mem>>) src(%dma_wait3A_135 : memref<1024x512xi32, #tpu.memory_space<hbm>>) dst(%arg6 : memref<64x512xi32, #tpu.memory_space<vmem>>)
    %add3A_136 = arith.constant 384 : i32
    %add3A_137 = arith.addi %mul3A_2, %add3A_136 : i32
    %dma_start3A_138 = arith.constant 0 : i32
    %dma_start3A_139 = tpu.memref_slice %arg4[%add3A_137, %dma_start3A_138] : memref<16384x512xi32, #tpu.memory_space<hbm>> -> memref<64x512xi32, #tpu.memory_space<hbm>>
    %dma_start3A_140 = arith.constant 0 : i32
    %dma_start3A_141 = tpu.memref_slice %arg4[%add3A_137, %dma_start3A_140] : memref<16384x512xi32, #tpu.memory_space<hbm>> -> memref<64x512xi32, #tpu.memory_space<hbm>>
    tpu.enqueue_dma source(%arg6 : memref<64x512xi32, #tpu.memory_space<vmem>>) target(%dma_start3A_141 : memref<64x512xi32, #tpu.memory_space<hbm>>) target_semaphore(%arg10 : memref<!tpu.dma_semaphore, #tpu.memory_space<semaphore_mem>>)
    %dma_wait3A_142 = arith.constant 448 : i32
    %dma_wait3A_143 = tpu.memref_slice %arg5[%dma_wait3A_142] : memref<512xi32, #tpu.memory_space<vmem>> -> memref<64xi32, #tpu.memory_space<vmem>>
    %dma_wait3A_144 = arith.constant 0 : i32
    %dma_wait3A_145 = arith.constant 0 : i32
    %dma_wait3A_146 = tpu.memref_slice %arg2[%dma_wait3A_144, %dma_wait3A_145] : memref<1024x512xi32, #tpu.memory_space<hbm>> -> memref<1024x512xi32, #tpu.memory_space<hbm>>
    tpu.wait_indirect_dma semaphore(%arg9 : memref<!tpu.dma_semaphore, #tpu.memory_space<semaphore_mem>>) src(%dma_wait3A_146 : memref<1024x512xi32, #tpu.memory_space<hbm>>) dst(%arg7 : memref<64x512xi32, #tpu.memory_space<vmem>>)
    %add3A_147 = arith.constant 448 : i32
    %add3A_148 = arith.addi %mul3A_2, %add3A_147 : i32
    %dma_start3A_149 = arith.constant 0 : i32
    %dma_start3A_150 = tpu.memref_slice %arg4[%add3A_148, %dma_start3A_149] : memref<16384x512xi32, #tpu.memory_space<hbm>> -> memref<64x512xi32, #tpu.memory_space<hbm>>
    %dma_start3A_151 = arith.constant 0 : i32
    %dma_start3A_152 = tpu.memref_slice %arg4[%add3A_148, %dma_start3A_151] : memref<16384x512xi32, #tpu.memory_space<hbm>> -> memref<64x512xi32, #tpu.memory_space<hbm>>
    tpu.enqueue_dma source(%arg7 : memref<64x512xi32, #tpu.memory_space<vmem>>) target(%dma_start3A_152 : memref<64x512xi32, #tpu.memory_space<hbm>>) target_semaphore(%arg11 : memref<!tpu.dma_semaphore, #tpu.memory_space<semaphore_mem>>)
    %dma_wait3A_153 = arith.constant 0 : i32
    %dma_wait3A_154 = tpu.memref_slice %arg4[%add3A_137, %dma_wait3A_153] : memref<16384x512xi32, #tpu.memory_space<hbm>> -> memref<64x512xi32, #tpu.memory_space<hbm>>
    %dma_wait3A_155 = arith.constant 0 : i32
    %dma_wait3A_156 = tpu.memref_slice %arg4[%add3A_137, %dma_wait3A_155] : memref<16384x512xi32, #tpu.memory_space<hbm>> -> memref<64x512xi32, #tpu.memory_space<hbm>>
    tpu.wait_dma2 semaphore(%arg10 : memref<!tpu.dma_semaphore, #tpu.memory_space<semaphore_mem>>) src(%arg6 : memref<64x512xi32, #tpu.memory_space<vmem>>) dst(%dma_wait3A_156 : memref<64x512xi32, #tpu.memory_space<hbm>>)
    %dma_wait3A_157 = arith.constant 0 : i32
    %dma_wait3A_158 = tpu.memref_slice %arg4[%add3A_148, %dma_wait3A_157] : memref<16384x512xi32, #tpu.memory_space<hbm>> -> memref<64x512xi32, #tpu.memory_space<hbm>>
    %dma_wait3A_159 = arith.constant 0 : i32
    %dma_wait3A_160 = tpu.memref_slice %arg4[%add3A_148, %dma_wait3A_159] : memref<16384x512xi32, #tpu.memory_space<hbm>> -> memref<64x512xi32, #tpu.memory_space<hbm>>
    tpu.wait_dma2 semaphore(%arg11 : memref<!tpu.dma_semaphore, #tpu.memory_space<semaphore_mem>>) src(%arg7 : memref<64x512xi32, #tpu.memory_space<vmem>>) dst(%dma_wait3A_160 : memref<64x512xi32, #tpu.memory_space<hbm>>)
    return
  }
}

#map = affine_map<(d0, d1) -> (0, 0)>
#map1 = affine_map<(d0, d1) -> (0)>
module attributes {stable_mosaic.version = 14 : i64} {
  func.func @kern(%arg0: i32, %arg1: i32, %arg2: memref<1024x512xi32, #tpu.memory_space<hbm>>, %arg3: memref<16384xi32, #tpu.memory_space<hbm>>, %arg4: memref<16384x512xi32, #tpu.memory_space<hbm>>, %arg5: memref<512xi32, #tpu.memory_space<vmem>>, %arg6: memref<64x512xi32, #tpu.memory_space<vmem>>, %arg7: memref<64x512xi32, #tpu.memory_space<vmem>>, %arg8: memref<!tpu.dma_semaphore, #tpu.memory_space<semaphore_mem>>, %arg9: memref<!tpu.dma_semaphore, #tpu.memory_space<semaphore_mem>>, %arg10: memref<!tpu.dma_semaphore, #tpu.memory_space<semaphore_mem>>, %arg11: memref<!tpu.dma_semaphore, #tpu.memory_space<semaphore_mem>>) attributes {dimension_semantics = [#tpu.dimension_semantics<core_parallel>, #tpu.dimension_semantics<subcore_parallel>], iteration_bounds = array<i64: 2, 16>, scalar_prefetch = 0 : i64, scratch_operands = 7 : i64, tpu.core_type = #tpu.core_type<sc_vector_subcore>, window_params = [{transform_indices = #map}, {transform_indices = #map1}, {transform_indices = #map}]} {
    %mul3A = arith.constant 2 : i32
    %mul3A_0 = arith.muli %arg1, %mul3A : i32
    %add3A = arith.addi %mul3A_0, %arg0 : i32
    %mul3A_1 = arith.constant 512 : i32
    %mul3A_2 = arith.muli %add3A, %mul3A_1 : i32
    "tpu.region"() ({
      %run_scoped3A = tpu.sem_alloc : memref<!tpu.dma_semaphore, #tpu.memory_space<semaphore_mem>>
      %dma_start3A_161 = tpu.memref_slice %arg3[%mul3A_2] : memref<16384xi32, #tpu.memory_space<hbm>> -> memref<512xi32, #tpu.memory_space<hbm>>
      %dma_start3A_162 = tpu.memref_slice %arg3[%mul3A_2] : memref<16384xi32, #tpu.memory_space<hbm>> -> memref<512xi32, #tpu.memory_space<hbm>>
      tpu.enqueue_dma source(%dma_start3A_162 : memref<512xi32, #tpu.memory_space<hbm>>) target(%arg5 : memref<512xi32, #tpu.memory_space<vmem>>) target_semaphore(%run_scoped3A : memref<!tpu.dma_semaphore, #tpu.memory_space<semaphore_mem>>)
      %dma_wait3A_163 = tpu.memref_slice %arg3[%mul3A_2] : memref<16384xi32, #tpu.memory_space<hbm>> -> memref<512xi32, #tpu.memory_space<hbm>>
      %dma_wait3A_164 = tpu.memref_slice %arg3[%mul3A_2] : memref<16384xi32, #tpu.memory_space<hbm>> -> memref<512xi32, #tpu.memory_space<hbm>>
      tpu.wait_dma2 semaphore(%run_scoped3A : memref<!tpu.dma_semaphore, #tpu.memory_space<semaphore_mem>>) src(%dma_wait3A_164 : memref<512xi32, #tpu.memory_space<hbm>>) dst(%arg5 : memref<512xi32, #tpu.memory_space<vmem>>)
      tpu.yield
    }) : () -> ()
    %dma_start3A = arith.constant 0 : i32
    %dma_start3A_3 = tpu.memref_slice %arg5[%dma_start3A] : memref<512xi32, #tpu.memory_space<vmem>> -> memref<64xi32, #tpu.memory_space<vmem>>
    %dma_start3A_4 = arith.constant 0 : i32
    %dma_start3A_5 = arith.constant 0 : i32
    %dma_start3A_6 = tpu.memref_slice %arg2[%dma_start3A_4, %dma_start3A_5] : memref<1024x512xi32, #tpu.memory_space<hbm>> -> memref<1024x512xi32, #tpu.memory_space<hbm>>
    tpu.enqueue_indirect_dma source(%dma_start3A_6 : memref<1024x512xi32, #tpu.memory_space<hbm>>) target(%arg6 : memref<64x512xi32, #tpu.memory_space<vmem>>) offsets(%dma_start3A_3 : memref<64xi32, #tpu.memory_space<vmem>>) semaphore(%arg8 : memref<!tpu.dma_semaphore, #tpu.memory_space<semaphore_mem>>)
    %dma_start3A_7 = arith.constant 64 : i32
    %dma_start3A_8 = tpu.memref_slice %arg5[%dma_start3A_7] : memref<512xi32, #tpu.memory_space<vmem>> -> memref<64xi32, #tpu.memory_space<vmem>>
    %dma_start3A_9 = arith.constant 0 : i32
    %dma_start3A_10 = arith.constant 0 : i32
    %dma_start3A_11 = tpu.memref_slice %arg2[%dma_start3A_9, %dma_start3A_10] : memref<1024x512xi32, #tpu.memory_space<hbm>> -> memref<1024x512xi32, #tpu.memory_space<hbm>>
    tpu.enqueue_indirect_dma source(%dma_start3A_11 : memref<1024x512xi32, #tpu.memory_space<hbm>>) target(%arg7 : memref<64x512xi32, #tpu.memory_space<vmem>>) offsets(%dma_start3A_8 : memref<64xi32, #tpu.memory_space<vmem>>) semaphore(%arg9 : memref<!tpu.dma_semaphore, #tpu.memory_space<semaphore_mem>>)
    %dma_wait3A = arith.constant 0 : i32
    %dma_wait3A_12 = tpu.memref_slice %arg5[%dma_wait3A] : memref<512xi32, #tpu.memory_space<vmem>> -> memref<64xi32, #tpu.memory_space<vmem>>
    %dma_wait3A_13 = arith.constant 0 : i32
    %dma_wait3A_14 = arith.constant 0 : i32
    %dma_wait3A_15 = tpu.memref_slice %arg2[%dma_wait3A_13, %dma_wait3A_14] : memref<1024x512xi32, #tpu.memory_space<hbm>> -> memref<1024x512xi32, #tpu.memory_space<hbm>>
    tpu.wait_indirect_dma semaphore(%arg8 : memref<!tpu.dma_semaphore, #tpu.memory_space<semaphore_mem>>) src(%dma_wait3A_15 : memref<1024x512xi32, #tpu.memory_space<hbm>>) dst(%arg6 : memref<64x512xi32, #tpu.memory_space<vmem>>)
    %add3A_16 = arith.constant 0 : i32
    %add3A_17 = arith.addi %mul3A_2, %add3A_16 : i32
    %dma_start3A_18 = arith.constant 0 : i32
    %dma_start3A_19 = tpu.memref_slice %arg4[%add3A_17, %dma_start3A_18] : memref<16384x512xi32, #tpu.memory_space<hbm>> -> memref<64x512xi32, #tpu.memory_space<hbm>>
    %dma_start3A_20 = arith.constant 0 : i32
    %dma_start3A_21 = tpu.memref_slice %arg4[%add3A_17, %dma_start3A_20] : memref<16384x512xi32, #tpu.memory_space<hbm>> -> memref<64x512xi32, #tpu.memory_space<hbm>>
    tpu.enqueue_dma source(%arg6 : memref<64x512xi32, #tpu.memory_space<vmem>>) target(%dma_start3A_21 : memref<64x512xi32, #tpu.memory_space<hbm>>) target_semaphore(%arg10 : memref<!tpu.dma_semaphore, #tpu.memory_space<semaphore_mem>>)
    %dma_wait3A_22 = arith.constant 0 : i32
    %dma_wait3A_23 = tpu.memref_slice %arg4[%add3A_17, %dma_wait3A_22] : memref<16384x512xi32, #tpu.memory_space<hbm>> -> memref<64x512xi32, #tpu.memory_space<hbm>>
    %dma_wait3A_24 = arith.constant 0 : i32
    %dma_wait3A_25 = tpu.memref_slice %arg4[%add3A_17, %dma_wait3A_24] : memref<16384x512xi32, #tpu.memory_space<hbm>> -> memref<64x512xi32, #tpu.memory_space<hbm>>
    tpu.wait_dma2 semaphore(%arg10 : memref<!tpu.dma_semaphore, #tpu.memory_space<semaphore_mem>>) src(%arg6 : memref<64x512xi32, #tpu.memory_space<vmem>>) dst(%dma_wait3A_25 : memref<64x512xi32, #tpu.memory_space<hbm>>)
    %dma_start3A_26 = arith.constant 128 : i32
    %dma_start3A_27 = tpu.memref_slice %arg5[%dma_start3A_26] : memref<512xi32, #tpu.memory_space<vmem>> -> memref<64xi32, #tpu.memory_space<vmem>>
    %dma_start3A_28 = arith.constant 0 : i32
    %dma_start3A_29 = arith.constant 0 : i32
    %dma_start3A_30 = tpu.memref_slice %arg2[%dma_start3A_28, %dma_start3A_29] : memref<1024x512xi32, #tpu.memory_space<hbm>> -> memref<1024x512xi32, #tpu.memory_space<hbm>>
    tpu.enqueue_indirect_dma source(%dma_start3A_30 : memref<1024x512xi32, #tpu.memory_space<hbm>>) target(%arg6 : memref<64x512xi32, #tpu.memory_space<vmem>>) offsets(%dma_start3A_27 : memref<64xi32, #tpu.memory_space<vmem>>) semaphore(%arg8 : memref<!tpu.dma_semaphore, #tpu.memory_space<semaphore_mem>>)
    %dma_wait3A_31 = arith.constant 64 : i32
    %dma_wait3A_32 = tpu.memref_slice %arg5[%dma_wait3A_31] : memref<512xi32, #tpu.memory_space<vmem>> -> memref<64xi32, #tpu.memory_space<vmem>>
    %dma_wait3A_33 = arith.constant 0 : i32
    %dma_wait3A_34 = arith.constant 0 : i32
    %dma_wait3A_35 = tpu.memref_slice %arg2[%dma_wait3A_33, %dma_wait3A_34] : memref<1024x512xi32, #tpu.memory_space<hbm>> -> memref<1024x512xi32, #tpu.memory_space<hbm>>
    tpu.wait_indirect_dma semaphore(%arg9 : memref<!tpu.dma_semaphore, #tpu.memory_space<semaphore_mem>>) src(%dma_wait3A_35 : memref<1024x512xi32, #tpu.memory_space<hbm>>) dst(%arg7 : memref<64x512xi32, #tpu.memory_space<vmem>>)
    %add3A_36 = arith.constant 64 : i32
    %add3A_37 = arith.addi %mul3A_2, %add3A_36 : i32
    %dma_start3A_38 = arith.constant 0 : i32
    %dma_start3A_39 = tpu.memref_slice %arg4[%add3A_37, %dma_start3A_38] : memref<16384x512xi32, #tpu.memory_space<hbm>> -> memref<64x512xi32, #tpu.memory_space<hbm>>
    %dma_start3A_40 = arith.constant 0 : i32
    %dma_start3A_41 = tpu.memref_slice %arg4[%add3A_37, %dma_start3A_40] : memref<16384x512xi32, #tpu.memory_space<hbm>> -> memref<64x512xi32, #tpu.memory_space<hbm>>
    tpu.enqueue_dma source(%arg7 : memref<64x512xi32, #tpu.memory_space<vmem>>) target(%dma_start3A_41 : memref<64x512xi32, #tpu.memory_space<hbm>>) target_semaphore(%arg11 : memref<!tpu.dma_semaphore, #tpu.memory_space<semaphore_mem>>)
    %dma_wait3A_42 = arith.constant 0 : i32
    %dma_wait3A_43 = tpu.memref_slice %arg4[%add3A_37, %dma_wait3A_42] : memref<16384x512xi32, #tpu.memory_space<hbm>> -> memref<64x512xi32, #tpu.memory_space<hbm>>
    %dma_wait3A_44 = arith.constant 0 : i32
    %dma_wait3A_45 = tpu.memref_slice %arg4[%add3A_37, %dma_wait3A_44] : memref<16384x512xi32, #tpu.memory_space<hbm>> -> memref<64x512xi32, #tpu.memory_space<hbm>>
    tpu.wait_dma2 semaphore(%arg11 : memref<!tpu.dma_semaphore, #tpu.memory_space<semaphore_mem>>) src(%arg7 : memref<64x512xi32, #tpu.memory_space<vmem>>) dst(%dma_wait3A_45 : memref<64x512xi32, #tpu.memory_space<hbm>>)
    %dma_start3A_46 = arith.constant 192 : i32
    %dma_start3A_47 = tpu.memref_slice %arg5[%dma_start3A_46] : memref<512xi32, #tpu.memory_space<vmem>> -> memref<64xi32, #tpu.memory_space<vmem>>
    %dma_start3A_48 = arith.constant 0 : i32
    %dma_start3A_49 = arith.constant 0 : i32
    %dma_start3A_50 = tpu.memref_slice %arg2[%dma_start3A_48, %dma_start3A_49] : memref<1024x512xi32, #tpu.memory_space<hbm>> -> memref<1024x512xi32, #tpu.memory_space<hbm>>
    tpu.enqueue_indirect_dma source(%dma_start3A_50 : memref<1024x512xi32, #tpu.memory_space<hbm>>) target(%arg7 : memref<64x512xi32, #tpu.memory_space<vmem>>) offsets(%dma_start3A_47 : memref<64xi32, #tpu.memory_space<vmem>>) semaphore(%arg9 : memref<!tpu.dma_semaphore, #tpu.memory_space<semaphore_mem>>)
    %dma_wait3A_51 = arith.constant 128 : i32
    %dma_wait3A_52 = tpu.memref_slice %arg5[%dma_wait3A_51] : memref<512xi32, #tpu.memory_space<vmem>> -> memref<64xi32, #tpu.memory_space<vmem>>
    %dma_wait3A_53 = arith.constant 0 : i32
    %dma_wait3A_54 = arith.constant 0 : i32
    %dma_wait3A_55 = tpu.memref_slice %arg2[%dma_wait3A_53, %dma_wait3A_54] : memref<1024x512xi32, #tpu.memory_space<hbm>> -> memref<1024x512xi32, #tpu.memory_space<hbm>>
    tpu.wait_indirect_dma semaphore(%arg8 : memref<!tpu.dma_semaphore, #tpu.memory_space<semaphore_mem>>) src(%dma_wait3A_55 : memref<1024x512xi32, #tpu.memory_space<hbm>>) dst(%arg6 : memref<64x512xi32, #tpu.memory_space<vmem>>)
    %add3A_56 = arith.constant 128 : i32
    %add3A_57 = arith.addi %mul3A_2, %add3A_56 : i32
    %dma_start3A_58 = arith.constant 0 : i32
    %dma_start3A_59 = tpu.memref_slice %arg4[%add3A_57, %dma_start3A_58] : memref<16384x512xi32, #tpu.memory_space<hbm>> -> memref<64x512xi32, #tpu.memory_space<hbm>>
    %dma_start3A_60 = arith.constant 0 : i32
    %dma_start3A_61 = tpu.memref_slice %arg4[%add3A_57, %dma_start3A_60] : memref<16384x512xi32, #tpu.memory_space<hbm>> -> memref<64x512xi32, #tpu.memory_space<hbm>>
    tpu.enqueue_dma source(%arg6 : memref<64x512xi32, #tpu.memory_space<vmem>>) target(%dma_start3A_61 : memref<64x512xi32, #tpu.memory_space<hbm>>) target_semaphore(%arg10 : memref<!tpu.dma_semaphore, #tpu.memory_space<semaphore_mem>>)
    %dma_wait3A_62 = arith.constant 0 : i32
    %dma_wait3A_63 = tpu.memref_slice %arg4[%add3A_57, %dma_wait3A_62] : memref<16384x512xi32, #tpu.memory_space<hbm>> -> memref<64x512xi32, #tpu.memory_space<hbm>>
    %dma_wait3A_64 = arith.constant 0 : i32
    %dma_wait3A_65 = tpu.memref_slice %arg4[%add3A_57, %dma_wait3A_64] : memref<16384x512xi32, #tpu.memory_space<hbm>> -> memref<64x512xi32, #tpu.memory_space<hbm>>
    tpu.wait_dma2 semaphore(%arg10 : memref<!tpu.dma_semaphore, #tpu.memory_space<semaphore_mem>>) src(%arg6 : memref<64x512xi32, #tpu.memory_space<vmem>>) dst(%dma_wait3A_65 : memref<64x512xi32, #tpu.memory_space<hbm>>)
    %dma_start3A_66 = arith.constant 256 : i32
    %dma_start3A_67 = tpu.memref_slice %arg5[%dma_start3A_66] : memref<512xi32, #tpu.memory_space<vmem>> -> memref<64xi32, #tpu.memory_space<vmem>>
    %dma_start3A_68 = arith.constant 0 : i32
    %dma_start3A_69 = arith.constant 0 : i32
    %dma_start3A_70 = tpu.memref_slice %arg2[%dma_start3A_68, %dma_start3A_69] : memref<1024x512xi32, #tpu.memory_space<hbm>> -> memref<1024x512xi32, #tpu.memory_space<hbm>>
    tpu.enqueue_indirect_dma source(%dma_start3A_70 : memref<1024x512xi32, #tpu.memory_space<hbm>>) target(%arg6 : memref<64x512xi32, #tpu.memory_space<vmem>>) offsets(%dma_start3A_67 : memref<64xi32, #tpu.memory_space<vmem>>) semaphore(%arg8 : memref<!tpu.dma_semaphore, #tpu.memory_space<semaphore_mem>>)
    %dma_wait3A_71 = arith.constant 192 : i32
    %dma_wait3A_72 = tpu.memref_slice %arg5[%dma_wait3A_71] : memref<512xi32, #tpu.memory_space<vmem>> -> memref<64xi32, #tpu.memory_space<vmem>>
    %dma_wait3A_73 = arith.constant 0 : i32
    %dma_wait3A_74 = arith.constant 0 : i32
    %dma_wait3A_75 = tpu.memref_slice %arg2[%dma_wait3A_73, %dma_wait3A_74] : memref<1024x512xi32, #tpu.memory_space<hbm>> -> memref<1024x512xi32, #tpu.memory_space<hbm>>
    tpu.wait_indirect_dma semaphore(%arg9 : memref<!tpu.dma_semaphore, #tpu.memory_space<semaphore_mem>>) src(%dma_wait3A_75 : memref<1024x512xi32, #tpu.memory_space<hbm>>) dst(%arg7 : memref<64x512xi32, #tpu.memory_space<vmem>>)
    %add3A_76 = arith.constant 192 : i32
    %add3A_77 = arith.addi %mul3A_2, %add3A_76 : i32
    %dma_start3A_78 = arith.constant 0 : i32
    %dma_start3A_79 = tpu.memref_slice %arg4[%add3A_77, %dma_start3A_78] : memref<16384x512xi32, #tpu.memory_space<hbm>> -> memref<64x512xi32, #tpu.memory_space<hbm>>
    %dma_start3A_80 = arith.constant 0 : i32
    %dma_start3A_81 = tpu.memref_slice %arg4[%add3A_77, %dma_start3A_80] : memref<16384x512xi32, #tpu.memory_space<hbm>> -> memref<64x512xi32, #tpu.memory_space<hbm>>
    tpu.enqueue_dma source(%arg7 : memref<64x512xi32, #tpu.memory_space<vmem>>) target(%dma_start3A_81 : memref<64x512xi32, #tpu.memory_space<hbm>>) target_semaphore(%arg11 : memref<!tpu.dma_semaphore, #tpu.memory_space<semaphore_mem>>)
    %dma_wait3A_82 = arith.constant 0 : i32
    %dma_wait3A_83 = tpu.memref_slice %arg4[%add3A_77, %dma_wait3A_82] : memref<16384x512xi32, #tpu.memory_space<hbm>> -> memref<64x512xi32, #tpu.memory_space<hbm>>
    %dma_wait3A_84 = arith.constant 0 : i32
    %dma_wait3A_85 = tpu.memref_slice %arg4[%add3A_77, %dma_wait3A_84] : memref<16384x512xi32, #tpu.memory_space<hbm>> -> memref<64x512xi32, #tpu.memory_space<hbm>>
    tpu.wait_dma2 semaphore(%arg11 : memref<!tpu.dma_semaphore, #tpu.memory_space<semaphore_mem>>) src(%arg7 : memref<64x512xi32, #tpu.memory_space<vmem>>) dst(%dma_wait3A_85 : memref<64x512xi32, #tpu.memory_space<hbm>>)
    %dma_start3A_86 = arith.constant 320 : i32
    %dma_start3A_87 = tpu.memref_slice %arg5[%dma_start3A_86] : memref<512xi32, #tpu.memory_space<vmem>> -> memref<64xi32, #tpu.memory_space<vmem>>
    %dma_start3A_88 = arith.constant 0 : i32
    %dma_start3A_89 = arith.constant 0 : i32
    %dma_start3A_90 = tpu.memref_slice %arg2[%dma_start3A_88, %dma_start3A_89] : memref<1024x512xi32, #tpu.memory_space<hbm>> -> memref<1024x512xi32, #tpu.memory_space<hbm>>
    tpu.enqueue_indirect_dma source(%dma_start3A_90 : memref<1024x512xi32, #tpu.memory_space<hbm>>) target(%arg7 : memref<64x512xi32, #tpu.memory_space<vmem>>) offsets(%dma_start3A_87 : memref<64xi32, #tpu.memory_space<vmem>>) semaphore(%arg9 : memref<!tpu.dma_semaphore, #tpu.memory_space<semaphore_mem>>)
    %dma_wait3A_91 = arith.constant 256 : i32
    %dma_wait3A_92 = tpu.memref_slice %arg5[%dma_wait3A_91] : memref<512xi32, #tpu.memory_space<vmem>> -> memref<64xi32, #tpu.memory_space<vmem>>
    %dma_wait3A_93 = arith.constant 0 : i32
    %dma_wait3A_94 = arith.constant 0 : i32
    %dma_wait3A_95 = tpu.memref_slice %arg2[%dma_wait3A_93, %dma_wait3A_94] : memref<1024x512xi32, #tpu.memory_space<hbm>> -> memref<1024x512xi32, #tpu.memory_space<hbm>>
    tpu.wait_indirect_dma semaphore(%arg8 : memref<!tpu.dma_semaphore, #tpu.memory_space<semaphore_mem>>) src(%dma_wait3A_95 : memref<1024x512xi32, #tpu.memory_space<hbm>>) dst(%arg6 : memref<64x512xi32, #tpu.memory_space<vmem>>)
    %add3A_96 = arith.constant 256 : i32
    %add3A_97 = arith.addi %mul3A_2, %add3A_96 : i32
    %dma_start3A_98 = arith.constant 0 : i32
    %dma_start3A_99 = tpu.memref_slice %arg4[%add3A_97, %dma_start3A_98] : memref<16384x512xi32, #tpu.memory_space<hbm>> -> memref<64x512xi32, #tpu.memory_space<hbm>>
    %dma_start3A_100 = arith.constant 0 : i32
    %dma_start3A_101 = tpu.memref_slice %arg4[%add3A_97, %dma_start3A_100] : memref<16384x512xi32, #tpu.memory_space<hbm>> -> memref<64x512xi32, #tpu.memory_space<hbm>>
    tpu.enqueue_dma source(%arg6 : memref<64x512xi32, #tpu.memory_space<vmem>>) target(%dma_start3A_101 : memref<64x512xi32, #tpu.memory_space<hbm>>) target_semaphore(%arg10 : memref<!tpu.dma_semaphore, #tpu.memory_space<semaphore_mem>>)
    %dma_wait3A_102 = arith.constant 0 : i32
    %dma_wait3A_103 = tpu.memref_slice %arg4[%add3A_97, %dma_wait3A_102] : memref<16384x512xi32, #tpu.memory_space<hbm>> -> memref<64x512xi32, #tpu.memory_space<hbm>>
    %dma_wait3A_104 = arith.constant 0 : i32
    %dma_wait3A_105 = tpu.memref_slice %arg4[%add3A_97, %dma_wait3A_104] : memref<16384x512xi32, #tpu.memory_space<hbm>> -> memref<64x512xi32, #tpu.memory_space<hbm>>
    tpu.wait_dma2 semaphore(%arg10 : memref<!tpu.dma_semaphore, #tpu.memory_space<semaphore_mem>>) src(%arg6 : memref<64x512xi32, #tpu.memory_space<vmem>>) dst(%dma_wait3A_105 : memref<64x512xi32, #tpu.memory_space<hbm>>)
    %dma_start3A_106 = arith.constant 384 : i32
    %dma_start3A_107 = tpu.memref_slice %arg5[%dma_start3A_106] : memref<512xi32, #tpu.memory_space<vmem>> -> memref<64xi32, #tpu.memory_space<vmem>>
    %dma_start3A_108 = arith.constant 0 : i32
    %dma_start3A_109 = arith.constant 0 : i32
    %dma_start3A_110 = tpu.memref_slice %arg2[%dma_start3A_108, %dma_start3A_109] : memref<1024x512xi32, #tpu.memory_space<hbm>> -> memref<1024x512xi32, #tpu.memory_space<hbm>>
    tpu.enqueue_indirect_dma source(%dma_start3A_110 : memref<1024x512xi32, #tpu.memory_space<hbm>>) target(%arg6 : memref<64x512xi32, #tpu.memory_space<vmem>>) offsets(%dma_start3A_107 : memref<64xi32, #tpu.memory_space<vmem>>) semaphore(%arg8 : memref<!tpu.dma_semaphore, #tpu.memory_space<semaphore_mem>>)
    %dma_wait3A_111 = arith.constant 320 : i32
    %dma_wait3A_112 = tpu.memref_slice %arg5[%dma_wait3A_111] : memref<512xi32, #tpu.memory_space<vmem>> -> memref<64xi32, #tpu.memory_space<vmem>>
    %dma_wait3A_113 = arith.constant 0 : i32
    %dma_wait3A_114 = arith.constant 0 : i32
    %dma_wait3A_115 = tpu.memref_slice %arg2[%dma_wait3A_113, %dma_wait3A_114] : memref<1024x512xi32, #tpu.memory_space<hbm>> -> memref<1024x512xi32, #tpu.memory_space<hbm>>
    tpu.wait_indirect_dma semaphore(%arg9 : memref<!tpu.dma_semaphore, #tpu.memory_space<semaphore_mem>>) src(%dma_wait3A_115 : memref<1024x512xi32, #tpu.memory_space<hbm>>) dst(%arg7 : memref<64x512xi32, #tpu.memory_space<vmem>>)
    %add3A_116 = arith.constant 320 : i32
    %add3A_117 = arith.addi %mul3A_2, %add3A_116 : i32
    %dma_start3A_118 = arith.constant 0 : i32
    %dma_start3A_119 = tpu.memref_slice %arg4[%add3A_117, %dma_start3A_118] : memref<16384x512xi32, #tpu.memory_space<hbm>> -> memref<64x512xi32, #tpu.memory_space<hbm>>
    %dma_start3A_120 = arith.constant 0 : i32
    %dma_start3A_121 = tpu.memref_slice %arg4[%add3A_117, %dma_start3A_120] : memref<16384x512xi32, #tpu.memory_space<hbm>> -> memref<64x512xi32, #tpu.memory_space<hbm>>
    tpu.enqueue_dma source(%arg7 : memref<64x512xi32, #tpu.memory_space<vmem>>) target(%dma_start3A_121 : memref<64x512xi32, #tpu.memory_space<hbm>>) target_semaphore(%arg11 : memref<!tpu.dma_semaphore, #tpu.memory_space<semaphore_mem>>)
    %dma_wait3A_122 = arith.constant 0 : i32
    %dma_wait3A_123 = tpu.memref_slice %arg4[%add3A_117, %dma_wait3A_122] : memref<16384x512xi32, #tpu.memory_space<hbm>> -> memref<64x512xi32, #tpu.memory_space<hbm>>
    %dma_wait3A_124 = arith.constant 0 : i32
    %dma_wait3A_125 = tpu.memref_slice %arg4[%add3A_117, %dma_wait3A_124] : memref<16384x512xi32, #tpu.memory_space<hbm>> -> memref<64x512xi32, #tpu.memory_space<hbm>>
    tpu.wait_dma2 semaphore(%arg11 : memref<!tpu.dma_semaphore, #tpu.memory_space<semaphore_mem>>) src(%arg7 : memref<64x512xi32, #tpu.memory_space<vmem>>) dst(%dma_wait3A_125 : memref<64x512xi32, #tpu.memory_space<hbm>>)
    %dma_start3A_126 = arith.constant 448 : i32
    %dma_start3A_127 = tpu.memref_slice %arg5[%dma_start3A_126] : memref<512xi32, #tpu.memory_space<vmem>> -> memref<64xi32, #tpu.memory_space<vmem>>
    %dma_start3A_128 = arith.constant 0 : i32
    %dma_start3A_129 = arith.constant 0 : i32
    %dma_start3A_130 = tpu.memref_slice %arg2[%dma_start3A_128, %dma_start3A_129] : memref<1024x512xi32, #tpu.memory_space<hbm>> -> memref<1024x512xi32, #tpu.memory_space<hbm>>
    tpu.enqueue_indirect_dma source(%dma_start3A_130 : memref<1024x512xi32, #tpu.memory_space<hbm>>) target(%arg7 : memref<64x512xi32, #tpu.memory_space<vmem>>) offsets(%dma_start3A_127 : memref<64xi32, #tpu.memory_space<vmem>>) semaphore(%arg9 : memref<!tpu.dma_semaphore, #tpu.memory_space<semaphore_mem>>)
    %dma_wait3A_131 = arith.constant 384 : i32
    %dma_wait3A_132 = tpu.memref_slice %arg5[%dma_wait3A_131] : memref<512xi32, #tpu.memory_space<vmem>> -> memref<64xi32, #tpu.memory_space<vmem>>
    %dma_wait3A_133 = arith.constant 0 : i32
    %dma_wait3A_134 = arith.constant 0 : i32
    %dma_wait3A_135 = tpu.memref_slice %arg2[%dma_wait3A_133, %dma_wait3A_134] : memref<1024x512xi32, #tpu.memory_space<hbm>> -> memref<1024x512xi32, #tpu.memory_space<hbm>>
    tpu.wait_indirect_dma semaphore(%arg8 : memref<!tpu.dma_semaphore, #tpu.memory_space<semaphore_mem>>) src(%dma_wait3A_135 : memref<1024x512xi32, #tpu.memory_space<hbm>>) dst(%arg6 : memref<64x512xi32, #tpu.memory_space<vmem>>)
    %add3A_136 = arith.constant 384 : i32
    %add3A_137 = arith.addi %mul3A_2, %add3A_136 : i32
    %dma_start3A_138 = arith.constant 0 : i32
    %dma_start3A_139 = tpu.memref_slice %arg4[%add3A_137, %dma_start3A_138] : memref<16384x512xi32, #tpu.memory_space<hbm>> -> memref<64x512xi32, #tpu.memory_space<hbm>>
    %dma_start3A_140 = arith.constant 0 : i32
    %dma_start3A_141 = tpu.memref_slice %arg4[%add3A_137, %dma_start3A_140] : memref<16384x512xi32, #tpu.memory_space<hbm>> -> memref<64x512xi32, #tpu.memory_space<hbm>>
    tpu.enqueue_dma source(%arg6 : memref<64x512xi32, #tpu.memory_space<vmem>>) target(%dma_start3A_141 : memref<64x512xi32, #tpu.memory_space<hbm>>) target_semaphore(%arg10 : memref<!tpu.dma_semaphore, #tpu.memory_space<semaphore_mem>>)
    %dma_wait3A_142 = arith.constant 448 : i32
    %dma_wait3A_143 = tpu.memref_slice %arg5[%dma_wait3A_142] : memref<512xi32, #tpu.memory_space<vmem>> -> memref<64xi32, #tpu.memory_space<vmem>>
    %dma_wait3A_144 = arith.constant 0 : i32
    %dma_wait3A_145 = arith.constant 0 : i32
    %dma_wait3A_146 = tpu.memref_slice %arg2[%dma_wait3A_144, %dma_wait3A_145] : memref<1024x512xi32, #tpu.memory_space<hbm>> -> memref<1024x512xi32, #tpu.memory_space<hbm>>
    tpu.wait_indirect_dma semaphore(%arg9 : memref<!tpu.dma_semaphore, #tpu.memory_space<semaphore_mem>>) src(%dma_wait3A_146 : memref<1024x512xi32, #tpu.memory_space<hbm>>) dst(%arg7 : memref<64x512xi32, #tpu.memory_space<vmem>>)
    %add3A_147 = arith.constant 448 : i32
    %add3A_148 = arith.addi %mul3A_2, %add3A_147 : i32
    %dma_start3A_149 = arith.constant 0 : i32
    %dma_start3A_150 = tpu.memref_slice %arg4[%add3A_148, %dma_start3A_149] : memref<16384x512xi32, #tpu.memory_space<hbm>> -> memref<64x512xi32, #tpu.memory_space<hbm>>
    %dma_start3A_151 = arith.constant 0 : i32
    %dma_start3A_152 = tpu.memref_slice %arg4[%add3A_148, %dma_start3A_151] : memref<16384x512xi32, #tpu.memory_space<hbm>> -> memref<64x512xi32, #tpu.memory_space<hbm>>
    tpu.enqueue_dma source(%arg7 : memref<64x512xi32, #tpu.memory_space<vmem>>) target(%dma_start3A_152 : memref<64x512xi32, #tpu.memory_space<hbm>>) target_semaphore(%arg11 : memref<!tpu.dma_semaphore, #tpu.memory_space<semaphore_mem>>)
    %dma_wait3A_153 = arith.constant 0 : i32
    %dma_wait3A_154 = tpu.memref_slice %arg4[%add3A_137, %dma_wait3A_153] : memref<16384x512xi32, #tpu.memory_space<hbm>> -> memref<64x512xi32, #tpu.memory_space<hbm>>
    %dma_wait3A_155 = arith.constant 0 : i32
    %dma_wait3A_156 = tpu.memref_slice %arg4[%add3A_137, %dma_wait3A_155] : memref<16384x512xi32, #tpu.memory_space<hbm>> -> memref<64x512xi32, #tpu.memory_space<hbm>>
    tpu.wait_dma2 semaphore(%arg10 : memref<!tpu.dma_semaphore, #tpu.memory_space<semaphore_mem>>) src(%arg6 : memref<64x512xi32, #tpu.memory_space<vmem>>) dst(%dma_wait3A_156 : memref<64x512xi32, #tpu.memory_space<hbm>>)
    %dma_wait3A_157 = arith.constant 0 : i32
    %dma_wait3A_158 = tpu.memref_slice %arg4[%add3A_148, %dma_wait3A_157] : memref<16384x512xi32, #tpu.memory_space<hbm>> -> memref<64x512xi32, #tpu.memory_space<hbm>>
    %dma_wait3A_159 = arith.constant 0 : i32
    %dma_wait3A_160 = tpu.memref_slice %arg4[%add3A_148, %dma_wait3A_159] : memref<16384x512xi32, #tpu.memory_space<hbm>> -> memref<64x512xi32, #tpu.memory_space<hbm>>
    tpu.wait_dma2 semaphore(%arg11 : memref<!tpu.dma_semaphore, #tpu.memory_space<semaphore_mem>>) src(%arg7 : memref<64x512xi32, #tpu.memory_space<vmem>>) dst(%dma_wait3A_160 : memref<64x512xi32, #tpu.memory_space<hbm>>)
    return
  }
}

module attributes {stable_mosaic.version = 14 : i64} {
  func.func @_knn_body(%arg0: i32, %arg1: memref<128x128xf32, #tpu.memory_space<vmem>>, %arg2: memref<128x1024xf32, #tpu.memory_space<vmem>>, %arg3: memref<16x128xi32, #tpu.memory_space<vmem>>) attributes {dimension_semantics = [#tpu.dimension_semantics<arbitrary>], iteration_bounds = array<i64: 8>, scalar_prefetch = 0 : i64, scratch_operands = 0 : i64, tpu.core_type = #tpu.core_type<tc>, window_params = [{transform_indices = @transform_0, window_bounds = array<i64: 128, 128>}, {pipeline_mode = #tpu.pipeline_mode<synchronous>, transform_indices = @transform_1, window_bounds = array<i64: 128, 1024>}, {transform_indices = @transform_2, window_bounds = array<i64: 16, 128>}]} {
    %get3A = arith.constant 0 : index
    %get3A_0 = arith.constant 0 : index
    %get3A_1 = vector.load %arg1[%get3A, %get3A_0] : memref<128x128xf32, #tpu.memory_space<vmem>>, vector<128x128xf32>
    %get3A_2 = arith.constant 0 : index
    %get3A_3 = arith.constant 0 : index
    %get3A_4 = vector.load %arg2[%get3A_2, %get3A_3] : memref<128x1024xf32, #tpu.memory_space<vmem>>, vector<128x1024xf32>
    %dot_general3A = arith.constant dense<0.000000e+00> : vector<128x1024xf32>
    %dot_general3A_5 = tpu.matmul %get3A_1, %get3A_4, %dot_general3A {dimension_numbers = #tpu.dot_dimension_numbers<[1], [0], [0], [1], [0, 0, 1, 1], [], []>, transpose_lhs_hint = false} : vector<128x128xf32>, vector<128x1024xf32>, vector<128x1024xf32> -> vector<128x1024xf32>
    %iota3A = tpu.iota {dimensions = array<i32: 1>} : vector<128x1024xi32>
    %bitcast_convert_type3A = tpu.bitcast %dot_general3A_5 : vector<128x1024xf32> -> vector<128x1024xi32>
    %and3A = arith.constant -1024 : i32
    %and3A_6 = vector.broadcast %and3A : i32 to vector<128x1024xi32>
    %and3A_7 = arith.andi %bitcast_convert_type3A, %and3A_6 : vector<128x1024xi32>
    %sub3A = arith.constant 1023 : i32
    %sub3A_8 = vector.broadcast %sub3A : i32 to vector<128x1024xi32>
    %sub3A_9 = arith.subi %sub3A_8, %iota3A : vector<128x1024xi32>
    %or3A = arith.ori %and3A_7, %sub3A_9 : vector<128x1024xi32>
    %reduce_max3A = arith.constant dense<-2147483648> : vector<128xi32>
    %reduce_max3A_10 = vector.multi_reduction <maxsi>, %or3A, %reduce_max3A [1] : vector<128x1024xi32> to vector<128xi32>
    %and3A_11 = arith.constant 1023 : i32
    %and3A_12 = vector.broadcast %and3A_11 : i32 to vector<128xi32>
    %and3A_13 = arith.andi %reduce_max3A_10, %and3A_12 : vector<128xi32>
    %sub3A_14 = arith.constant 1023 : i32
    %sub3A_15 = vector.broadcast %sub3A_14 : i32 to vector<128xi32>
    %sub3A_16 = arith.subi %sub3A_15, %and3A_13 : vector<128xi32>
    %swap3A = arith.constant 0 : index
    %swap3A_17 = arith.constant 0 : index
    %swap3A_18 = vector.load %arg3[%swap3A, %swap3A_17] : memref<16x128xi32, #tpu.memory_space<vmem>>, vector<1x128xi32>
    %swap3A_19 = vector.shape_cast %swap3A_18 : vector<1x128xi32> to vector<128xi32>
    %swap3A_20 = vector.shape_cast %sub3A_16 : vector<128xi32> to vector<1x128xi32>
    tpu.vector_store %arg3[%swap3A, %swap3A_17], %swap3A_20 {strides = array<i32>} : memref<16x128xi32, #tpu.memory_space<vmem>>, vector<1x128xi32>,
    %broadcast_in_dim3A = vector.shape_cast %sub3A_16 : vector<128xi32> to vector<128x1xi32>
    %eq3A = vector.broadcast %broadcast_in_dim3A : vector<128x1xi32> to vector<128x1024xi32>
    %eq3A_21 = arith.cmpi eq, %iota3A, %eq3A : vector<128x1024xi32>
    %jit3A = arith.constant -2147483648 : i32
    %broadcast_in_dim3A_22 = vector.broadcast %jit3A : i32 to vector<128x1024xi32>
    %select_n3A = arith.select %eq3A_21, %broadcast_in_dim3A_22, %or3A : vector<128x1024xi1>, vector<128x1024xi32>
    %reduce_max3A_23 = arith.constant dense<-2147483648> : vector<128xi32>
    %reduce_max3A_24 = vector.multi_reduction <maxsi>, %select_n3A, %reduce_max3A_23 [1] : vector<128x1024xi32> to vector<128xi32>
    %and3A_25 = arith.constant 1023 : i32
    %and3A_26 = vector.broadcast %and3A_25 : i32 to vector<128xi32>
    %and3A_27 = arith.andi %reduce_max3A_24, %and3A_26 : vector<128xi32>
    %sub3A_28 = arith.constant 1023 : i32
    %sub3A_29 = vector.broadcast %sub3A_28 : i32 to vector<128xi32>
    %sub3A_30 = arith.subi %sub3A_29, %and3A_27 : vector<128xi32>
    %swap3A_31 = arith.constant 1 : index
    %swap3A_32 = arith.constant 0 : index
    %swap3A_33 = vector.load %arg3[%swap3A_31, %swap3A_32] : memref<16x128xi32, #tpu.memory_space<vmem>>, vector<1x128xi32>
    %swap3A_34 = vector.shape_cast %swap3A_33 : vector<1x128xi32> to vector<128xi32>
    %swap3A_35 = vector.shape_cast %sub3A_30 : vector<128xi32> to vector<1x128xi32>
    tpu.vector_store %arg3[%swap3A_31, %swap3A_32], %swap3A_35 {strides = array<i32>} : memref<16x128xi32, #tpu.memory_space<vmem>>, vector<1x128xi32>,
    %broadcast_in_dim3A_36 = vector.shape_cast %sub3A_30 : vector<128xi32> to vector<128x1xi32>
    %eq3A_37 = vector.broadcast %broadcast_in_dim3A_36 : vector<128x1xi32> to vector<128x1024xi32>
    %eq3A_38 = arith.cmpi eq, %iota3A, %eq3A_37 : vector<128x1024xi32>
    %jit3A_39 = arith.constant -2147483648 : i32
    %broadcast_in_dim3A_40 = vector.broadcast %jit3A_39 : i32 to vector<128x1024xi32>
    %select_n3A_41 = arith.select %eq3A_38, %broadcast_in_dim3A_40, %select_n3A : vector<128x1024xi1>, vector<128x1024xi32>
    %reduce_max3A_42 = arith.constant dense<-2147483648> : vector<128xi32>
    %reduce_max3A_43 = vector.multi_reduction <maxsi>, %select_n3A_41, %reduce_max3A_42 [1] : vector<128x1024xi32> to vector<128xi32>
    %and3A_44 = arith.constant 1023 : i32
    %and3A_45 = vector.broadcast %and3A_44 : i32 to vector<128xi32>
    %and3A_46 = arith.andi %reduce_max3A_43, %and3A_45 : vector<128xi32>
    %sub3A_47 = arith.constant 1023 : i32
    %sub3A_48 = vector.broadcast %sub3A_47 : i32 to vector<128xi32>
    %sub3A_49 = arith.subi %sub3A_48, %and3A_46 : vector<128xi32>
    %swap3A_50 = arith.constant 2 : index
    %swap3A_51 = arith.constant 0 : index
    %swap3A_52 = vector.load %arg3[%swap3A_50, %swap3A_51] : memref<16x128xi32, #tpu.memory_space<vmem>>, vector<1x128xi32>
    %swap3A_53 = vector.shape_cast %swap3A_52 : vector<1x128xi32> to vector<128xi32>
    %swap3A_54 = vector.shape_cast %sub3A_49 : vector<128xi32> to vector<1x128xi32>
    tpu.vector_store %arg3[%swap3A_50, %swap3A_51], %swap3A_54 {strides = array<i32>} : memref<16x128xi32, #tpu.memory_space<vmem>>, vector<1x128xi32>,
    %broadcast_in_dim3A_55 = vector.shape_cast %sub3A_49 : vector<128xi32> to vector<128x1xi32>
    %eq3A_56 = vector.broadcast %broadcast_in_dim3A_55 : vector<128x1xi32> to vector<128x1024xi32>
    %eq3A_57 = arith.cmpi eq, %iota3A, %eq3A_56 : vector<128x1024xi32>
    %jit3A_58 = arith.constant -2147483648 : i32
    %broadcast_in_dim3A_59 = vector.broadcast %jit3A_58 : i32 to vector<128x1024xi32>
    %select_n3A_60 = arith.select %eq3A_57, %broadcast_in_dim3A_59, %select_n3A_41 : vector<128x1024xi1>, vector<128x1024xi32>
    %reduce_max3A_61 = arith.constant dense<-2147483648> : vector<128xi32>
    %reduce_max3A_62 = vector.multi_reduction <maxsi>, %select_n3A_60, %reduce_max3A_61 [1] : vector<128x1024xi32> to vector<128xi32>
    %and3A_63 = arith.constant 1023 : i32
    %and3A_64 = vector.broadcast %and3A_63 : i32 to vector<128xi32>
    %and3A_65 = arith.andi %reduce_max3A_62, %and3A_64 : vector<128xi32>
    %sub3A_66 = arith.constant 1023 : i32
    %sub3A_67 = vector.broadcast %sub3A_66 : i32 to vector<128xi32>
    %sub3A_68 = arith.subi %sub3A_67, %and3A_65 : vector<128xi32>
    %swap3A_69 = arith.constant 3 : index
    %swap3A_70 = arith.constant 0 : index
    %swap3A_71 = vector.load %arg3[%swap3A_69, %swap3A_70] : memref<16x128xi32, #tpu.memory_space<vmem>>, vector<1x128xi32>
    %swap3A_72 = vector.shape_cast %swap3A_71 : vector<1x128xi32> to vector<128xi32>
    %swap3A_73 = vector.shape_cast %sub3A_68 : vector<128xi32> to vector<1x128xi32>
    tpu.vector_store %arg3[%swap3A_69, %swap3A_70], %swap3A_73 {strides = array<i32>} : memref<16x128xi32, #tpu.memory_space<vmem>>, vector<1x128xi32>,
    %broadcast_in_dim3A_74 = vector.shape_cast %sub3A_68 : vector<128xi32> to vector<128x1xi32>
    %eq3A_75 = vector.broadcast %broadcast_in_dim3A_74 : vector<128x1xi32> to vector<128x1024xi32>
    %eq3A_76 = arith.cmpi eq, %iota3A, %eq3A_75 : vector<128x1024xi32>
    %jit3A_77 = arith.constant -2147483648 : i32
    %broadcast_in_dim3A_78 = vector.broadcast %jit3A_77 : i32 to vector<128x1024xi32>
    %select_n3A_79 = arith.select %eq3A_76, %broadcast_in_dim3A_78, %select_n3A_60 : vector<128x1024xi1>, vector<128x1024xi32>
    %reduce_max3A_80 = arith.constant dense<-2147483648> : vector<128xi32>
    %reduce_max3A_81 = vector.multi_reduction <maxsi>, %select_n3A_79, %reduce_max3A_80 [1] : vector<128x1024xi32> to vector<128xi32>
    %and3A_82 = arith.constant 1023 : i32
    %and3A_83 = vector.broadcast %and3A_82 : i32 to vector<128xi32>
    %and3A_84 = arith.andi %reduce_max3A_81, %and3A_83 : vector<128xi32>
    %sub3A_85 = arith.constant 1023 : i32
    %sub3A_86 = vector.broadcast %sub3A_85 : i32 to vector<128xi32>
    %sub3A_87 = arith.subi %sub3A_86, %and3A_84 : vector<128xi32>
    %swap3A_88 = arith.constant 4 : index
    %swap3A_89 = arith.constant 0 : index
    %swap3A_90 = vector.load %arg3[%swap3A_88, %swap3A_89] : memref<16x128xi32, #tpu.memory_space<vmem>>, vector<1x128xi32>
    %swap3A_91 = vector.shape_cast %swap3A_90 : vector<1x128xi32> to vector<128xi32>
    %swap3A_92 = vector.shape_cast %sub3A_87 : vector<128xi32> to vector<1x128xi32>
    tpu.vector_store %arg3[%swap3A_88, %swap3A_89], %swap3A_92 {strides = array<i32>} : memref<16x128xi32, #tpu.memory_space<vmem>>, vector<1x128xi32>,
    %broadcast_in_dim3A_93 = vector.shape_cast %sub3A_87 : vector<128xi32> to vector<128x1xi32>
    %eq3A_94 = vector.broadcast %broadcast_in_dim3A_93 : vector<128x1xi32> to vector<128x1024xi32>
    %eq3A_95 = arith.cmpi eq, %iota3A, %eq3A_94 : vector<128x1024xi32>
    %jit3A_96 = arith.constant -2147483648 : i32
    %broadcast_in_dim3A_97 = vector.broadcast %jit3A_96 : i32 to vector<128x1024xi32>
    %select_n3A_98 = arith.select %eq3A_95, %broadcast_in_dim3A_97, %select_n3A_79 : vector<128x1024xi1>, vector<128x1024xi32>
    %reduce_max3A_99 = arith.constant dense<-2147483648> : vector<128xi32>
    %reduce_max3A_100 = vector.multi_reduction <maxsi>, %select_n3A_98, %reduce_max3A_99 [1] : vector<128x1024xi32> to vector<128xi32>
    %and3A_101 = arith.constant 1023 : i32
    %and3A_102 = vector.broadcast %and3A_101 : i32 to vector<128xi32>
    %and3A_103 = arith.andi %reduce_max3A_100, %and3A_102 : vector<128xi32>
    %sub3A_104 = arith.constant 1023 : i32
    %sub3A_105 = vector.broadcast %sub3A_104 : i32 to vector<128xi32>
    %sub3A_106 = arith.subi %sub3A_105, %and3A_103 : vector<128xi32>
    %swap3A_107 = arith.constant 5 : index
    %swap3A_108 = arith.constant 0 : index
    %swap3A_109 = vector.load %arg3[%swap3A_107, %swap3A_108] : memref<16x128xi32, #tpu.memory_space<vmem>>, vector<1x128xi32>
    %swap3A_110 = vector.shape_cast %swap3A_109 : vector<1x128xi32> to vector<128xi32>
    %swap3A_111 = vector.shape_cast %sub3A_106 : vector<128xi32> to vector<1x128xi32>
    tpu.vector_store %arg3[%swap3A_107, %swap3A_108], %swap3A_111 {strides = array<i32>} : memref<16x128xi32, #tpu.memory_space<vmem>>, vector<1x128xi32>,
    %broadcast_in_dim3A_112 = vector.shape_cast %sub3A_106 : vector<128xi32> to vector<128x1xi32>
    %eq3A_113 = vector.broadcast %broadcast_in_dim3A_112 : vector<128x1xi32> to vector<128x1024xi32>
    %eq3A_114 = arith.cmpi eq, %iota3A, %eq3A_113 : vector<128x1024xi32>
    %jit3A_115 = arith.constant -2147483648 : i32
    %broadcast_in_dim3A_116 = vector.broadcast %jit3A_115 : i32 to vector<128x1024xi32>
    %select_n3A_117 = arith.select %eq3A_114, %broadcast_in_dim3A_116, %select_n3A_98 : vector<128x1024xi1>, vector<128x1024xi32>
    %reduce_max3A_118 = arith.constant dense<-2147483648> : vector<128xi32>
    %reduce_max3A_119 = vector.multi_reduction <maxsi>, %select_n3A_117, %reduce_max3A_118 [1] : vector<128x1024xi32> to vector<128xi32>
    %and3A_120 = arith.constant 1023 : i32
    %and3A_121 = vector.broadcast %and3A_120 : i32 to vector<128xi32>
    %and3A_122 = arith.andi %reduce_max3A_119, %and3A_121 : vector<128xi32>
    %sub3A_123 = arith.constant 1023 : i32
    %sub3A_124 = vector.broadcast %sub3A_123 : i32 to vector<128xi32>
    %sub3A_125 = arith.subi %sub3A_124, %and3A_122 : vector<128xi32>
    %swap3A_126 = arith.constant 6 : index
    %swap3A_127 = arith.constant 0 : index
    %swap3A_128 = vector.load %arg3[%swap3A_126, %swap3A_127] : memref<16x128xi32, #tpu.memory_space<vmem>>, vector<1x128xi32>
    %swap3A_129 = vector.shape_cast %swap3A_128 : vector<1x128xi32> to vector<128xi32>
    %swap3A_130 = vector.shape_cast %sub3A_125 : vector<128xi32> to vector<1x128xi32>
    tpu.vector_store %arg3[%swap3A_126, %swap3A_127], %swap3A_130 {strides = array<i32>} : memref<16x128xi32, #tpu.memory_space<vmem>>, vector<1x128xi32>,
    %broadcast_in_dim3A_131 = vector.shape_cast %sub3A_125 : vector<128xi32> to vector<128x1xi32>
    %eq3A_132 = vector.broadcast %broadcast_in_dim3A_131 : vector<128x1xi32> to vector<128x1024xi32>
    %eq3A_133 = arith.cmpi eq, %iota3A, %eq3A_132 : vector<128x1024xi32>
    %jit3A_134 = arith.constant -2147483648 : i32
    %broadcast_in_dim3A_135 = vector.broadcast %jit3A_134 : i32 to vector<128x1024xi32>
    %select_n3A_136 = arith.select %eq3A_133, %broadcast_in_dim3A_135, %select_n3A_117 : vector<128x1024xi1>, vector<128x1024xi32>
    %reduce_max3A_137 = arith.constant dense<-2147483648> : vector<128xi32>
    %reduce_max3A_138 = vector.multi_reduction <maxsi>, %select_n3A_136, %reduce_max3A_137 [1] : vector<128x1024xi32> to vector<128xi32>
    %and3A_139 = arith.constant 1023 : i32
    %and3A_140 = vector.broadcast %and3A_139 : i32 to vector<128xi32>
    %and3A_141 = arith.andi %reduce_max3A_138, %and3A_140 : vector<128xi32>
    %sub3A_142 = arith.constant 1023 : i32
    %sub3A_143 = vector.broadcast %sub3A_142 : i32 to vector<128xi32>
    %sub3A_144 = arith.subi %sub3A_143, %and3A_141 : vector<128xi32>
    %swap3A_145 = arith.constant 7 : index
    %swap3A_146 = arith.constant 0 : index
    %swap3A_147 = vector.load %arg3[%swap3A_145, %swap3A_146] : memref<16x128xi32, #tpu.memory_space<vmem>>, vector<1x128xi32>
    %swap3A_148 = vector.shape_cast %swap3A_147 : vector<1x128xi32> to vector<128xi32>
    %swap3A_149 = vector.shape_cast %sub3A_144 : vector<128xi32> to vector<1x128xi32>
    tpu.vector_store %arg3[%swap3A_145, %swap3A_146], %swap3A_149 {strides = array<i32>} : memref<16x128xi32, #tpu.memory_space<vmem>>, vector<1x128xi32>,
    %broadcast_in_dim3A_150 = vector.shape_cast %sub3A_144 : vector<128xi32> to vector<128x1xi32>
    %eq3A_151 = vector.broadcast %broadcast_in_dim3A_150 : vector<128x1xi32> to vector<128x1024xi32>
    %eq3A_152 = arith.cmpi eq, %iota3A, %eq3A_151 : vector<128x1024xi32>
    %jit3A_153 = arith.constant -2147483648 : i32
    %broadcast_in_dim3A_154 = vector.broadcast %jit3A_153 : i32 to vector<128x1024xi32>
    %select_n3A_155 = arith.select %eq3A_152, %broadcast_in_dim3A_154, %select_n3A_136 : vector<128x1024xi1>, vector<128x1024xi32>
    %reduce_max3A_156 = arith.constant dense<-2147483648> : vector<128xi32>
    %reduce_max3A_157 = vector.multi_reduction <maxsi>, %select_n3A_155, %reduce_max3A_156 [1] : vector<128x1024xi32> to vector<128xi32>
    %and3A_158 = arith.constant 1023 : i32
    %and3A_159 = vector.broadcast %and3A_158 : i32 to vector<128xi32>
    %and3A_160 = arith.andi %reduce_max3A_157, %and3A_159 : vector<128xi32>
    %sub3A_161 = arith.constant 1023 : i32
    %sub3A_162 = vector.broadcast %sub3A_161 : i32 to vector<128xi32>
    %sub3A_163 = arith.subi %sub3A_162, %and3A_160 : vector<128xi32>
    %swap3A_164 = arith.constant 8 : index
    %swap3A_165 = arith.constant 0 : index
    %swap3A_166 = vector.load %arg3[%swap3A_164, %swap3A_165] : memref<16x128xi32, #tpu.memory_space<vmem>>, vector<1x128xi32>
    %swap3A_167 = vector.shape_cast %swap3A_166 : vector<1x128xi32> to vector<128xi32>
    %swap3A_168 = vector.shape_cast %sub3A_163 : vector<128xi32> to vector<1x128xi32>
    tpu.vector_store %arg3[%swap3A_164, %swap3A_165], %swap3A_168 {strides = array<i32>} : memref<16x128xi32, #tpu.memory_space<vmem>>, vector<1x128xi32>,
    %broadcast_in_dim3A_169 = vector.shape_cast %sub3A_163 : vector<128xi32> to vector<128x1xi32>
    %eq3A_170 = vector.broadcast %broadcast_in_dim3A_169 : vector<128x1xi32> to vector<128x1024xi32>
    %eq3A_171 = arith.cmpi eq, %iota3A, %eq3A_170 : vector<128x1024xi32>
    %jit3A_172 = arith.constant -2147483648 : i32
    %broadcast_in_dim3A_173 = vector.broadcast %jit3A_172 : i32 to vector<128x1024xi32>
    %select_n3A_174 = arith.select %eq3A_171, %broadcast_in_dim3A_173, %select_n3A_155 : vector<128x1024xi1>, vector<128x1024xi32>
    %reduce_max3A_175 = arith.constant dense<-2147483648> : vector<128xi32>
    %reduce_max3A_176 = vector.multi_reduction <maxsi>, %select_n3A_174, %reduce_max3A_175 [1] : vector<128x1024xi32> to vector<128xi32>
    %and3A_177 = arith.constant 1023 : i32
    %and3A_178 = vector.broadcast %and3A_177 : i32 to vector<128xi32>
    %and3A_179 = arith.andi %reduce_max3A_176, %and3A_178 : vector<128xi32>
    %sub3A_180 = arith.constant 1023 : i32
    %sub3A_181 = vector.broadcast %sub3A_180 : i32 to vector<128xi32>
    %sub3A_182 = arith.subi %sub3A_181, %and3A_179 : vector<128xi32>
    %swap3A_183 = arith.constant 9 : index
    %swap3A_184 = arith.constant 0 : index
    %swap3A_185 = vector.load %arg3[%swap3A_183, %swap3A_184] : memref<16x128xi32, #tpu.memory_space<vmem>>, vector<1x128xi32>
    %swap3A_186 = vector.shape_cast %swap3A_185 : vector<1x128xi32> to vector<128xi32>
    %swap3A_187 = vector.shape_cast %sub3A_182 : vector<128xi32> to vector<1x128xi32>
    tpu.vector_store %arg3[%swap3A_183, %swap3A_184], %swap3A_187 {strides = array<i32>} : memref<16x128xi32, #tpu.memory_space<vmem>>, vector<1x128xi32>,
    %broadcast_in_dim3A_188 = vector.shape_cast %sub3A_182 : vector<128xi32> to vector<128x1xi32>
    %eq3A_189 = vector.broadcast %broadcast_in_dim3A_188 : vector<128x1xi32> to vector<128x1024xi32>
    %eq3A_190 = arith.cmpi eq, %iota3A, %eq3A_189 : vector<128x1024xi32>
    %jit3A_191 = arith.constant -2147483648 : i32
    %broadcast_in_dim3A_192 = vector.broadcast %jit3A_191 : i32 to vector<128x1024xi32>
    %select_n3A_193 = arith.select %eq3A_190, %broadcast_in_dim3A_192, %select_n3A_174 : vector<128x1024xi1>, vector<128x1024xi32>
    %reduce_max3A_194 = arith.constant dense<-2147483648> : vector<128xi32>
    %reduce_max3A_195 = vector.multi_reduction <maxsi>, %select_n3A_193, %reduce_max3A_194 [1] : vector<128x1024xi32> to vector<128xi32>
    %and3A_196 = arith.constant 1023 : i32
    %and3A_197 = vector.broadcast %and3A_196 : i32 to vector<128xi32>
    %and3A_198 = arith.andi %reduce_max3A_195, %and3A_197 : vector<128xi32>
    %sub3A_199 = arith.constant 1023 : i32
    %sub3A_200 = vector.broadcast %sub3A_199 : i32 to vector<128xi32>
    %sub3A_201 = arith.subi %sub3A_200, %and3A_198 : vector<128xi32>
    %swap3A_202 = arith.constant 10 : index
    %swap3A_203 = arith.constant 0 : index
    %swap3A_204 = vector.load %arg3[%swap3A_202, %swap3A_203] : memref<16x128xi32, #tpu.memory_space<vmem>>, vector<1x128xi32>
    %swap3A_205 = vector.shape_cast %swap3A_204 : vector<1x128xi32> to vector<128xi32>
    %swap3A_206 = vector.shape_cast %sub3A_201 : vector<128xi32> to vector<1x128xi32>
    tpu.vector_store %arg3[%swap3A_202, %swap3A_203], %swap3A_206 {strides = array<i32>} : memref<16x128xi32, #tpu.memory_space<vmem>>, vector<1x128xi32>,
    %broadcast_in_dim3A_207 = vector.shape_cast %sub3A_201 : vector<128xi32> to vector<128x1xi32>
    %eq3A_208 = vector.broadcast %broadcast_in_dim3A_207 : vector<128x1xi32> to vector<128x1024xi32>
    %eq3A_209 = arith.cmpi eq, %iota3A, %eq3A_208 : vector<128x1024xi32>
    %jit3A_210 = arith.constant -2147483648 : i32
    %broadcast_in_dim3A_211 = vector.broadcast %jit3A_210 : i32 to vector<128x1024xi32>
    %select_n3A_212 = arith.select %eq3A_209, %broadcast_in_dim3A_211, %select_n3A_193 : vector<128x1024xi1>, vector<128x1024xi32>
    %reduce_max3A_213 = arith.constant dense<-2147483648> : vector<128xi32>
    %reduce_max3A_214 = vector.multi_reduction <maxsi>, %select_n3A_212, %reduce_max3A_213 [1] : vector<128x1024xi32> to vector<128xi32>
    %and3A_215 = arith.constant 1023 : i32
    %and3A_216 = vector.broadcast %and3A_215 : i32 to vector<128xi32>
    %and3A_217 = arith.andi %reduce_max3A_214, %and3A_216 : vector<128xi32>
    %sub3A_218 = arith.constant 1023 : i32
    %sub3A_219 = vector.broadcast %sub3A_218 : i32 to vector<128xi32>
    %sub3A_220 = arith.subi %sub3A_219, %and3A_217 : vector<128xi32>
    %swap3A_221 = arith.constant 11 : index
    %swap3A_222 = arith.constant 0 : index
    %swap3A_223 = vector.load %arg3[%swap3A_221, %swap3A_222] : memref<16x128xi32, #tpu.memory_space<vmem>>, vector<1x128xi32>
    %swap3A_224 = vector.shape_cast %swap3A_223 : vector<1x128xi32> to vector<128xi32>
    %swap3A_225 = vector.shape_cast %sub3A_220 : vector<128xi32> to vector<1x128xi32>
    tpu.vector_store %arg3[%swap3A_221, %swap3A_222], %swap3A_225 {strides = array<i32>} : memref<16x128xi32, #tpu.memory_space<vmem>>, vector<1x128xi32>,
    %broadcast_in_dim3A_226 = vector.shape_cast %sub3A_220 : vector<128xi32> to vector<128x1xi32>
    %eq3A_227 = vector.broadcast %broadcast_in_dim3A_226 : vector<128x1xi32> to vector<128x1024xi32>
    %eq3A_228 = arith.cmpi eq, %iota3A, %eq3A_227 : vector<128x1024xi32>
    %jit3A_229 = arith.constant -2147483648 : i32
    %broadcast_in_dim3A_230 = vector.broadcast %jit3A_229 : i32 to vector<128x1024xi32>
    %select_n3A_231 = arith.select %eq3A_228, %broadcast_in_dim3A_230, %select_n3A_212 : vector<128x1024xi1>, vector<128x1024xi32>
    %reduce_max3A_232 = arith.constant dense<-2147483648> : vector<128xi32>
    %reduce_max3A_233 = vector.multi_reduction <maxsi>, %select_n3A_231, %reduce_max3A_232 [1] : vector<128x1024xi32> to vector<128xi32>
    %and3A_234 = arith.constant 1023 : i32
    %and3A_235 = vector.broadcast %and3A_234 : i32 to vector<128xi32>
    %and3A_236 = arith.andi %reduce_max3A_233, %and3A_235 : vector<128xi32>
    %sub3A_237 = arith.constant 1023 : i32
    %sub3A_238 = vector.broadcast %sub3A_237 : i32 to vector<128xi32>
    %sub3A_239 = arith.subi %sub3A_238, %and3A_236 : vector<128xi32>
    %swap3A_240 = arith.constant 12 : index
    %swap3A_241 = arith.constant 0 : index
    %swap3A_242 = vector.load %arg3[%swap3A_240, %swap3A_241] : memref<16x128xi32, #tpu.memory_space<vmem>>, vector<1x128xi32>
    %swap3A_243 = vector.shape_cast %swap3A_242 : vector<1x128xi32> to vector<128xi32>
    %swap3A_244 = vector.shape_cast %sub3A_239 : vector<128xi32> to vector<1x128xi32>
    tpu.vector_store %arg3[%swap3A_240, %swap3A_241], %swap3A_244 {strides = array<i32>} : memref<16x128xi32, #tpu.memory_space<vmem>>, vector<1x128xi32>,
    %broadcast_in_dim3A_245 = vector.shape_cast %sub3A_239 : vector<128xi32> to vector<128x1xi32>
    %eq3A_246 = vector.broadcast %broadcast_in_dim3A_245 : vector<128x1xi32> to vector<128x1024xi32>
    %eq3A_247 = arith.cmpi eq, %iota3A, %eq3A_246 : vector<128x1024xi32>
    %jit3A_248 = arith.constant -2147483648 : i32
    %broadcast_in_dim3A_249 = vector.broadcast %jit3A_248 : i32 to vector<128x1024xi32>
    %select_n3A_250 = arith.select %eq3A_247, %broadcast_in_dim3A_249, %select_n3A_231 : vector<128x1024xi1>, vector<128x1024xi32>
    %reduce_max3A_251 = arith.constant dense<-2147483648> : vector<128xi32>
    %reduce_max3A_252 = vector.multi_reduction <maxsi>, %select_n3A_250, %reduce_max3A_251 [1] : vector<128x1024xi32> to vector<128xi32>
    %and3A_253 = arith.constant 1023 : i32
    %and3A_254 = vector.broadcast %and3A_253 : i32 to vector<128xi32>
    %and3A_255 = arith.andi %reduce_max3A_252, %and3A_254 : vector<128xi32>
    %sub3A_256 = arith.constant 1023 : i32
    %sub3A_257 = vector.broadcast %sub3A_256 : i32 to vector<128xi32>
    %sub3A_258 = arith.subi %sub3A_257, %and3A_255 : vector<128xi32>
    %swap3A_259 = arith.constant 13 : index
    %swap3A_260 = arith.constant 0 : index
    %swap3A_261 = vector.load %arg3[%swap3A_259, %swap3A_260] : memref<16x128xi32, #tpu.memory_space<vmem>>, vector<1x128xi32>
    %swap3A_262 = vector.shape_cast %swap3A_261 : vector<1x128xi32> to vector<128xi32>
    %swap3A_263 = vector.shape_cast %sub3A_258 : vector<128xi32> to vector<1x128xi32>
    tpu.vector_store %arg3[%swap3A_259, %swap3A_260], %swap3A_263 {strides = array<i32>} : memref<16x128xi32, #tpu.memory_space<vmem>>, vector<1x128xi32>,
    %broadcast_in_dim3A_264 = vector.shape_cast %sub3A_258 : vector<128xi32> to vector<128x1xi32>
    %eq3A_265 = vector.broadcast %broadcast_in_dim3A_264 : vector<128x1xi32> to vector<128x1024xi32>
    %eq3A_266 = arith.cmpi eq, %iota3A, %eq3A_265 : vector<128x1024xi32>
    %jit3A_267 = arith.constant -2147483648 : i32
    %broadcast_in_dim3A_268 = vector.broadcast %jit3A_267 : i32 to vector<128x1024xi32>
    %select_n3A_269 = arith.select %eq3A_266, %broadcast_in_dim3A_268, %select_n3A_250 : vector<128x1024xi1>, vector<128x1024xi32>
    %reduce_max3A_270 = arith.constant dense<-2147483648> : vector<128xi32>
    %reduce_max3A_271 = vector.multi_reduction <maxsi>, %select_n3A_269, %reduce_max3A_270 [1] : vector<128x1024xi32> to vector<128xi32>
    %and3A_272 = arith.constant 1023 : i32
    %and3A_273 = vector.broadcast %and3A_272 : i32 to vector<128xi32>
    %and3A_274 = arith.andi %reduce_max3A_271, %and3A_273 : vector<128xi32>
    %sub3A_275 = arith.constant 1023 : i32
    %sub3A_276 = vector.broadcast %sub3A_275 : i32 to vector<128xi32>
    %sub3A_277 = arith.subi %sub3A_276, %and3A_274 : vector<128xi32>
    %swap3A_278 = arith.constant 14 : index
    %swap3A_279 = arith.constant 0 : index
    %swap3A_280 = vector.load %arg3[%swap3A_278, %swap3A_279] : memref<16x128xi32, #tpu.memory_space<vmem>>, vector<1x128xi32>
    %swap3A_281 = vector.shape_cast %swap3A_280 : vector<1x128xi32> to vector<128xi32>
    %swap3A_282 = vector.shape_cast %sub3A_277 : vector<128xi32> to vector<1x128xi32>
    tpu.vector_store %arg3[%swap3A_278, %swap3A_279], %swap3A_282 {strides = array<i32>} : memref<16x128xi32, #tpu.memory_space<vmem>>, vector<1x128xi32>,
    %broadcast_in_dim3A_283 = vector.shape_cast %sub3A_277 : vector<128xi32> to vector<128x1xi32>
    %eq3A_284 = vector.broadcast %broadcast_in_dim3A_283 : vector<128x1xi32> to vector<128x1024xi32>
    %eq3A_285 = arith.cmpi eq, %iota3A, %eq3A_284 : vector<128x1024xi32>
    %jit3A_286 = arith.constant -2147483648 : i32
    %broadcast_in_dim3A_287 = vector.broadcast %jit3A_286 : i32 to vector<128x1024xi32>
    %select_n3A_288 = arith.select %eq3A_285, %broadcast_in_dim3A_287, %select_n3A_269 : vector<128x1024xi1>, vector<128x1024xi32>
    %reduce_max3A_289 = arith.constant dense<-2147483648> : vector<128xi32>
    %reduce_max3A_290 = vector.multi_reduction <maxsi>, %select_n3A_288, %reduce_max3A_289 [1] : vector<128x1024xi32> to vector<128xi32>
    %and3A_291 = arith.constant 1023 : i32
    %and3A_292 = vector.broadcast %and3A_291 : i32 to vector<128xi32>
    %and3A_293 = arith.andi %reduce_max3A_290, %and3A_292 : vector<128xi32>
    %sub3A_294 = arith.constant 1023 : i32
    %sub3A_295 = vector.broadcast %sub3A_294 : i32 to vector<128xi32>
    %sub3A_296 = arith.subi %sub3A_295, %and3A_293 : vector<128xi32>
    %swap3A_297 = arith.constant 15 : index
    %swap3A_298 = arith.constant 0 : index
    %swap3A_299 = vector.load %arg3[%swap3A_297, %swap3A_298] : memref<16x128xi32, #tpu.memory_space<vmem>>, vector<1x128xi32>
    %swap3A_300 = vector.shape_cast %swap3A_299 : vector<1x128xi32> to vector<128xi32>
    %swap3A_301 = vector.shape_cast %sub3A_296 : vector<128xi32> to vector<1x128xi32>
    tpu.vector_store %arg3[%swap3A_297, %swap3A_298], %swap3A_301 {strides = array<i32>} : memref<16x128xi32, #tpu.memory_space<vmem>>, vector<1x128xi32>,
    return
  }
  func.func @transform_0(%arg0: i32) -> (i32, i32) {
    %c0_i32 = arith.constant 0 : i32
    %c0_i32_0 = arith.constant 0 : i32
    return %arg0, %c0_i32 : i32, i32
  }
  func.func @transform_1(%arg0: i32) -> (i32, i32) {
    %c0_i32 = arith.constant 0 : i32
    %c0_i32_0 = arith.constant 0 : i32
    %c0_i32_1 = arith.constant 0 : i32
    return %c0_i32, %c0_i32_0 : i32, i32
  }
  func.func @transform_2(%arg0: i32) -> (i32, i32) {
    %c0_i32 = arith.constant 0 : i32
    %c0_i32_0 = arith.constant 0 : i32
    return %c0_i32, %arg0 : i32, i32
  }
}

module attributes {stable_mosaic.version = 14 : i64} {
  func.func @_prep_body(%arg0: memref<1024x2xf32, #tpu.memory_space<vmem>>, %arg1: memref<1024x3xf32, #tpu.memory_space<vmem>>, %arg2: memref<8x128xf32, #tpu.memory_space<vmem>>, %arg3: memref<128x512xf32, #tpu.memory_space<vmem>>, %arg4: memref<8x512xf32, #tpu.memory_space<vmem>>, %arg5: memref<128x512xf32, #tpu.memory_space<vmem>>, %arg6: memref<8x512xf32, #tpu.memory_space<vmem>>, %arg7: memref<1024x128xf32, #tpu.memory_space<vmem>>, %arg8: memref<1024x128xf32, #tpu.memory_space<vmem>>, %arg9: memref<1024x512xf32, #tpu.memory_space<vmem>>, %arg10: memref<1024x512xf32, #tpu.memory_space<vmem>>) attributes {dimension_semantics = [], scalar_prefetch = 0 : i64, scratch_operands = 0 : i64, tpu.core_type = #tpu.core_type<tc>} {
    %iota3A = tpu.iota {dimensions = array<i32: 1>} : vector<1024x128xi32>
    %get3A = arith.constant 0 : index
    %get3A_0 = arith.constant 0 : index
    %get3A_1 = vector.load %arg0[%get3A, %get3A_0] : memref<1024x2xf32, #tpu.memory_space<vmem>>, vector<1024x1xf32>
    %get3A_2 = arith.constant 0 : index
    %get3A_3 = arith.constant 1 : index
    %get3A_4 = vector.load %arg0[%get3A_2, %get3A_3] : memref<1024x2xf32, #tpu.memory_space<vmem>>, vector<1024x1xf32>
    %get3A_5 = arith.constant 0 : index
    %get3A_6 = arith.constant 0 : index
    %get3A_7 = vector.load %arg2[%get3A_5, %get3A_6] : memref<8x128xf32, #tpu.memory_space<vmem>>, vector<1x128xf32>
    %get3A_8 = arith.constant 1 : index
    %get3A_9 = arith.constant 0 : index
    %get3A_10 = vector.load %arg2[%get3A_8, %get3A_9] : memref<8x128xf32, #tpu.memory_space<vmem>>, vector<1x128xf32>
    %get3A_11 = arith.constant 2 : index
    %get3A_12 = arith.constant 0 : index
    %get3A_13 = vector.load %arg2[%get3A_11, %get3A_12] : memref<8x128xf32, #tpu.memory_space<vmem>>, vector<1x128xf32>
    %mul3A = vector.broadcast %get3A_4 : vector<1024x1xf32> to vector<1024x128xf32>
    %mul3A_14 = vector.broadcast %get3A_7 : vector<1x128xf32> to vector<1024x128xf32>
    %mul3A_15 = arith.mulf %mul3A, %mul3A_14 : vector<1024x128xf32>
    %mul3A_16 = vector.broadcast %get3A_1 : vector<1024x1xf32> to vector<1024x128xf32>
    %mul3A_17 = vector.broadcast %get3A_10 : vector<1x128xf32> to vector<1024x128xf32>
    %mul3A_18 = arith.mulf %mul3A_16, %mul3A_17 : vector<1024x128xf32>
    %add3A = arith.addf %mul3A_15, %mul3A_18 : vector<1024x128xf32>
    %add3A_19 = vector.broadcast %get3A_13 : vector<1x128xf32> to vector<1024x128xf32>
    %add3A_20 = arith.addf %add3A, %add3A_19 : vector<1024x128xf32>
    %mul3A_21 = arith.mulf %add3A_20, %add3A_20 : vector<1024x128xf32>
    %reduce_sum3A = arith.constant dense<0.000000e+00> : vector<1024xf32>
    %reduce_sum3A_22 = vector.multi_reduction <add>, %mul3A_21, %reduce_sum3A [1] : vector<1024x128xf32> to vector<1024xf32>
    %broadcast_in_dim3A = vector.shape_cast %reduce_sum3A_22 : vector<1024xf32> to vector<1024x1xf32>
    %sqrt3A = math.sqrt %broadcast_in_dim3A : vector<1024x1xf32>
    %max3A = arith.constant 9.99999996E-13 : f32
    %max3A_23 = vector.broadcast %max3A : f32 to vector<1024x1xf32>
    %max3A_24 = arith.maximumf %sqrt3A, %max3A_23 : vector<1024x1xf32>
    %div3A = vector.broadcast %max3A_24 : vector<1024x1xf32> to vector<1024x128xf32>
    %div3A_25 = arith.divf %add3A_20, %div3A : vector<1024x128xf32>
    %get3A_26 = arith.constant 0 : index
    %get3A_27 = arith.constant 2 : index
    %get3A_28 = vector.load %arg1[%get3A_26, %get3A_27] : memref<1024x3xf32, #tpu.memory_space<vmem>>, vector<1024x1xf32>
    %get3A_29 = arith.constant 0 : index
    %get3A_30 = arith.constant 0 : index
    %get3A_31 = vector.load %arg1[%get3A_29, %get3A_30] : memref<1024x3xf32, #tpu.memory_space<vmem>>, vector<1024x1xf32>
    %div3A_32 = arith.divf %get3A_31, %get3A_28 : vector<1024x1xf32>
    %get3A_33 = arith.constant 0 : index
    %get3A_34 = arith.constant 1 : index
    %get3A_35 = vector.load %arg1[%get3A_33, %get3A_34] : memref<1024x3xf32, #tpu.memory_space<vmem>>, vector<1024x1xf32>
    %div3A_36 = arith.divf %get3A_35, %get3A_28 : vector<1024x1xf32>
    %eq3A = arith.constant 0 : i32
    %eq3A_37 = vector.broadcast %eq3A : i32 to vector<1024x128xi32>
    %eq3A_38 = arith.cmpi eq, %iota3A, %eq3A_37 : vector<1024x128xi32>
    %eq3A_39 = arith.constant 1 : i32
    %eq3A_40 = vector.broadcast %eq3A_39 : i32 to vector<1024x128xi32>
    %eq3A_41 = arith.cmpi eq, %iota3A, %eq3A_40 : vector<1024x128xi32>
    %eq3A_42 = arith.constant 2 : i32
    %eq3A_43 = vector.broadcast %eq3A_42 : i32 to vector<1024x128xi32>
    %eq3A_44 = arith.cmpi eq, %iota3A, %eq3A_43 : vector<1024x128xi32>
    %jit3A = arith.constant 1.000000e+00 : f32
    %jit3A_45 = arith.constant 0.000000e+00 : f32
    %broadcast_in_dim3A_46 = vector.broadcast %jit3A : f32 to vector<1024x128xf32>
    %broadcast_in_dim3A_47 = vector.broadcast %jit3A_45 : f32 to vector<1024x128xf32>
    %select_n3A = arith.select %eq3A_44, %broadcast_in_dim3A_46, %broadcast_in_dim3A_47 : vector<1024x128xi1>, vector<1024x128xf32>
    %broadcast_in_dim3A_48 = vector.shape_cast %div3A_36 : vector<1024x1xf32> to vector<1024x1xf32>
    %broadcast_in_dim3A_49 = vector.broadcast %broadcast_in_dim3A_48 : vector<1024x1xf32> to vector<1024x128xf32>
    %select_n3A_50 = arith.select %eq3A_41, %broadcast_in_dim3A_49, %select_n3A : vector<1024x128xi1>, vector<1024x128xf32>
    %broadcast_in_dim3A_51 = vector.shape_cast %div3A_32 : vector<1024x1xf32> to vector<1024x1xf32>
    %broadcast_in_dim3A_52 = vector.broadcast %broadcast_in_dim3A_51 : vector<1024x1xf32> to vector<1024x128xf32>
    %select_n3A_53 = arith.select %eq3A_38, %broadcast_in_dim3A_52, %select_n3A_50 : vector<1024x128xi1>, vector<1024x128xf32>
    %mul3A_54 = arith.mulf %select_n3A_53, %select_n3A_53 : vector<1024x128xf32>
    %reduce_sum3A_55 = arith.constant dense<0.000000e+00> : vector<1024xf32>
    %reduce_sum3A_56 = vector.multi_reduction <add>, %mul3A_54, %reduce_sum3A_55 [1] : vector<1024x128xf32> to vector<1024xf32>
    %broadcast_in_dim3A_57 = vector.shape_cast %reduce_sum3A_56 : vector<1024xf32> to vector<1024x1xf32>
    %sqrt3A_58 = math.sqrt %broadcast_in_dim3A_57 : vector<1024x1xf32>
    %max3A_59 = arith.constant 9.99999996E-13 : f32
    %max3A_60 = vector.broadcast %max3A_59 : f32 to vector<1024x1xf32>
    %max3A_61 = arith.maximumf %sqrt3A_58, %max3A_60 : vector<1024x1xf32>
    %div3A_62 = vector.broadcast %max3A_61 : vector<1024x1xf32> to vector<1024x128xf32>
    %div3A_63 = arith.divf %select_n3A_53, %div3A_62 : vector<1024x128xf32>
    %get3A_64 = arith.constant 0 : index
    %get3A_65 = arith.constant 0 : index
    %get3A_66 = vector.load %arg3[%get3A_64, %get3A_65] : memref<128x512xf32, #tpu.memory_space<vmem>>, vector<128x512xf32>
    %dot_general3A = arith.constant dense<0.000000e+00> : vector<1024x512xf32>
    %dot_general3A_67 = tpu.matmul %div3A_25, %get3A_66, %dot_general3A {dimension_numbers = #tpu.dot_dimension_numbers<[1], [0], [0], [1], [0, 0, 1, 1], [], []>, transpose_lhs_hint = false} : vector<1024x128xf32>, vector<128x512xf32>, vector<1024x512xf32> -> vector<1024x512xf32>
    %get3A_68 = arith.constant 0 : index
    %get3A_69 = arith.constant 0 : index
    %get3A_70 = vector.load %arg4[%get3A_68, %get3A_69] : memref<8x512xf32, #tpu.memory_space<vmem>>, vector<1x512xf32>
    %add3A_71 = vector.broadcast %get3A_70 : vector<1x512xf32> to vector<1024x512xf32>
    %add3A_72 = arith.addf %dot_general3A_67, %add3A_71 : vector<1024x512xf32>
    %swap3A = arith.constant 0 : index
    %swap3A_73 = arith.constant 0 : index
    %swap3A_74 = vector.load %arg9[%swap3A, %swap3A_73] : memref<1024x512xf32, #tpu.memory_space<vmem>>, vector<1024x512xf32>
    tpu.vector_store %arg9[%swap3A, %swap3A_73], %add3A_72 {strides = array<i32>} : memref<1024x512xf32, #tpu.memory_space<vmem>>, vector<1024x512xf32>,
    %get3A_75 = arith.constant 0 : index
    %get3A_76 = arith.constant 0 : index
    %get3A_77 = vector.load %arg5[%get3A_75, %get3A_76] : memref<128x512xf32, #tpu.memory_space<vmem>>, vector<128x512xf32>
    %dot_general3A_78 = arith.constant dense<0.000000e+00> : vector<1024x512xf32>
    %dot_general3A_79 = tpu.matmul %div3A_63, %get3A_77, %dot_general3A_78 {dimension_numbers = #tpu.dot_dimension_numbers<[1], [0], [0], [1], [0, 0, 1, 1], [], []>, transpose_lhs_hint = false} : vector<1024x128xf32>, vector<128x512xf32>, vector<1024x512xf32> -> vector<1024x512xf32>
    %get3A_80 = arith.constant 0 : index
    %get3A_81 = arith.constant 0 : index
    %get3A_82 = vector.load %arg6[%get3A_80, %get3A_81] : memref<8x512xf32, #tpu.memory_space<vmem>>, vector<1x512xf32>
    %add3A_83 = vector.broadcast %get3A_82 : vector<1x512xf32> to vector<1024x512xf32>
    %add3A_84 = arith.addf %dot_general3A_79, %add3A_83 : vector<1024x512xf32>
    %swap3A_85 = arith.constant 0 : index
    %swap3A_86 = arith.constant 0 : index
    %swap3A_87 = vector.load %arg10[%swap3A_85, %swap3A_86] : memref<1024x512xf32, #tpu.memory_space<vmem>>, vector<1024x512xf32>
    tpu.vector_store %arg10[%swap3A_85, %swap3A_86], %add3A_84 {strides = array<i32>} : memref<1024x512xf32, #tpu.memory_space<vmem>>, vector<1024x512xf32>,
    %eq3A_88 = arith.constant 3 : i32
    %eq3A_89 = vector.broadcast %eq3A_88 : i32 to vector<1024x128xi32>
    %eq3A_90 = arith.cmpi eq, %iota3A, %eq3A_89 : vector<1024x128xi32>
    %jit3A_91 = arith.constant 1.000000e+00 : f32
    %broadcast_in_dim3A_92 = vector.broadcast %jit3A_91 : f32 to vector<1024x128xf32>
    %select_n3A_93 = arith.select %eq3A_90, %broadcast_in_dim3A_92, %div3A_25 : vector<1024x128xi1>, vector<1024x128xf32>
    %swap3A_94 = arith.constant 0 : index
    %swap3A_95 = arith.constant 0 : index
    %swap3A_96 = vector.load %arg7[%swap3A_94, %swap3A_95] : memref<1024x128xf32, #tpu.memory_space<vmem>>, vector<1024x128xf32>
    tpu.vector_store %arg7[%swap3A_94, %swap3A_95], %select_n3A_93 {strides = array<i32>} : memref<1024x128xf32, #tpu.memory_space<vmem>>, vector<1024x128xf32>,
    %eq3A_97 = arith.constant 3 : i32
    %eq3A_98 = vector.broadcast %eq3A_97 : i32 to vector<1024x128xi32>
    %eq3A_99 = arith.cmpi eq, %iota3A, %eq3A_98 : vector<1024x128xi32>
    %jit3A_100 = arith.constant 1.000000e+00 : f32
    %broadcast_in_dim3A_101 = vector.broadcast %jit3A_100 : f32 to vector<1024x128xf32>
    %select_n3A_102 = arith.select %eq3A_99, %broadcast_in_dim3A_101, %div3A_63 : vector<1024x128xi1>, vector<1024x128xf32>
    %swap3A_103 = arith.constant 0 : index
    %swap3A_104 = arith.constant 0 : index
    %swap3A_105 = vector.load %arg8[%swap3A_103, %swap3A_104] : memref<1024x128xf32, #tpu.memory_space<vmem>>, vector<1024x128xf32>
    tpu.vector_store %arg8[%swap3A_103, %swap3A_104], %select_n3A_102 {strides = array<i32>} : memref<1024x128xf32, #tpu.memory_space<vmem>>, vector<1024x128xf32>,
    return
  }
}

module attributes {stable_mosaic.version = 14 : i64} {
  func.func @_qkv_body(%arg0: memref<1024x512xf32, #tpu.memory_space<vmem>>, %arg1: memref<512x512xf32, #tpu.memory_space<vmem>>, %arg2: memref<512x1024xf32, #tpu.memory_space<vmem>>, %arg3: memref<1024x512xf32, #tpu.memory_space<vmem>>, %arg4: memref<1024x512xi32, #tpu.memory_space<vmem>>) attributes {dimension_semantics = [], scalar_prefetch = 0 : i64, scratch_operands = 0 : i64, tpu.core_type = #tpu.core_type<tc>} {
    %get3A = arith.constant 0 : index
    %get3A_0 = arith.constant 0 : index
    %get3A_1 = vector.load %arg0[%get3A, %get3A_0] : memref<1024x512xf32, #tpu.memory_space<vmem>>, vector<1024x512xf32>
    %convert_element_type3A = arith.truncf %get3A_1 : vector<1024x512xf32> to vector<1024x512xbf16>
    %get3A_2 = arith.constant 0 : index
    %get3A_3 = arith.constant 0 : index
    %get3A_4 = vector.load %arg1[%get3A_2, %get3A_3] : memref<512x512xf32, #tpu.memory_space<vmem>>, vector<512x512xf32>
    %convert_element_type3A_5 = arith.truncf %get3A_4 : vector<512x512xf32> to vector<512x512xbf16>
    %dot_general3A = arith.constant dense<0.000000e+00> : vector<1024x512xf32>
    %dot_general3A_6 = tpu.matmul %convert_element_type3A, %convert_element_type3A_5, %dot_general3A {dimension_numbers = #tpu.dot_dimension_numbers<[1], [0], [0], [1], [0, 0, 1, 1], [], []>, transpose_lhs_hint = false} : vector<1024x512xbf16>, vector<512x512xbf16>, vector<1024x512xf32> -> vector<1024x512xf32>
    %swap3A = arith.constant 0 : index
    %swap3A_7 = arith.constant 0 : index
    %swap3A_8 = vector.load %arg3[%swap3A, %swap3A_7] : memref<1024x512xf32, #tpu.memory_space<vmem>>, vector<1024x512xf32>
    tpu.vector_store %arg3[%swap3A, %swap3A_7], %dot_general3A_6 {strides = array<i32>} : memref<1024x512xf32, #tpu.memory_space<vmem>>, vector<1024x512xf32>,
    %get3A_9 = arith.constant 0 : index
    %get3A_10 = arith.constant 0 : index
    %get3A_11 = vector.load %arg2[%get3A_9, %get3A_10] : memref<512x1024xf32, #tpu.memory_space<vmem>>, vector<512x1024xf32>
    %convert_element_type3A_12 = arith.truncf %get3A_11 : vector<512x1024xf32> to vector<512x1024xbf16>
    %dot_general3A_13 = arith.constant dense<0.000000e+00> : vector<1024x1024xf32>
    %dot_general3A_14 = tpu.matmul %convert_element_type3A, %convert_element_type3A_12, %dot_general3A_13 {dimension_numbers = #tpu.dot_dimension_numbers<[1], [0], [0], [1], [0, 0, 1, 1], [], []>, transpose_lhs_hint = false} : vector<1024x512xbf16>, vector<512x1024xbf16>, vector<1024x1024xf32> -> vector<1024x1024xf32>
    %slice3A = vector.extract_strided_slice %dot_general3A_14 {offsets = [0, 0], sizes = [1024, 512], strides = [1, 1]} : vector<1024x1024xf32> to vector<1024x512xf32>
    %bitcast_convert_type3A = tpu.bitcast %slice3A : vector<1024x512xf32> -> vector<1024x512xi32>
    %add3A = arith.constant 32767 : i32
    %add3A_15 = vector.broadcast %add3A : i32 to vector<1024x512xi32>
    %add3A_16 = arith.addi %bitcast_convert_type3A, %add3A_15 : vector<1024x512xi32>
    %shift_right_arithmetic3A = arith.constant 16 : i32
    %shift_right_arithmetic3A_17 = vector.broadcast %shift_right_arithmetic3A : i32 to vector<1024x512xi32>
    %shift_right_arithmetic3A_18 = arith.shrsi %bitcast_convert_type3A, %shift_right_arithmetic3A_17 : vector<1024x512xi32>
    %and3A = arith.constant 1 : i32
    %and3A_19 = vector.broadcast %and3A : i32 to vector<1024x512xi32>
    %and3A_20 = arith.andi %shift_right_arithmetic3A_18, %and3A_19 : vector<1024x512xi32>
    %add3A_21 = arith.addi %add3A_16, %and3A_20 : vector<1024x512xi32>
    %and3A_22 = arith.constant -65536 : i32
    %and3A_23 = vector.broadcast %and3A_22 : i32 to vector<1024x512xi32>
    %and3A_24 = arith.andi %add3A_21, %and3A_23 : vector<1024x512xi32>
    %slice3A_25 = vector.extract_strided_slice %dot_general3A_14 {offsets = [0, 512], sizes = [1024, 512], strides = [1, 1]} : vector<1024x1024xf32> to vector<1024x512xf32>
    %bitcast_convert_type3A_26 = tpu.bitcast %slice3A_25 : vector<1024x512xf32> -> vector<1024x512xi32>
    %add3A_27 = arith.constant 32767 : i32
    %add3A_28 = vector.broadcast %add3A_27 : i32 to vector<1024x512xi32>
    %add3A_29 = arith.addi %bitcast_convert_type3A_26, %add3A_28 : vector<1024x512xi32>
    %shift_right_arithmetic3A_30 = arith.constant 16 : i32
    %shift_right_arithmetic3A_31 = vector.broadcast %shift_right_arithmetic3A_30 : i32 to vector<1024x512xi32>
    %shift_right_arithmetic3A_32 = arith.shrsi %bitcast_convert_type3A_26, %shift_right_arithmetic3A_31 : vector<1024x512xi32>
    %and3A_33 = arith.constant 1 : i32
    %and3A_34 = vector.broadcast %and3A_33 : i32 to vector<1024x512xi32>
    %and3A_35 = arith.andi %shift_right_arithmetic3A_32, %and3A_34 : vector<1024x512xi32>
    %add3A_36 = arith.addi %add3A_29, %and3A_35 : vector<1024x512xi32>
    %and3A_37 = arith.constant -65536 : i32
    %and3A_38 = vector.broadcast %and3A_37 : i32 to vector<1024x512xi32>
    %and3A_39 = arith.andi %add3A_36, %and3A_38 : vector<1024x512xi32>
    %shift_right_arithmetic3A_40 = arith.constant 16 : i32
    %shift_right_arithmetic3A_41 = vector.broadcast %shift_right_arithmetic3A_40 : i32 to vector<1024x512xi32>
    %shift_right_arithmetic3A_42 = arith.shrsi %and3A_39, %shift_right_arithmetic3A_41 : vector<1024x512xi32>
    %and3A_43 = arith.constant 65535 : i32
    %and3A_44 = vector.broadcast %and3A_43 : i32 to vector<1024x512xi32>
    %and3A_45 = arith.andi %shift_right_arithmetic3A_42, %and3A_44 : vector<1024x512xi32>
    %or3A = arith.ori %and3A_24, %and3A_45 : vector<1024x512xi32>
    %swap3A_46 = arith.constant 0 : index
    %swap3A_47 = arith.constant 0 : index
    %swap3A_48 = vector.load %arg4[%swap3A_46, %swap3A_47] : memref<1024x512xi32, #tpu.memory_space<vmem>>, vector<1024x512xi32>
    tpu.vector_store %arg4[%swap3A_46, %swap3A_47], %or3A {strides = array<i32>} : memref<1024x512xi32, #tpu.memory_space<vmem>>, vector<1024x512xi32>,
    return
  }
}

module attributes {stable_mosaic.version = 14 : i64} {
  func.func @_attn_body(%arg0: i32, %arg1: memref<256x512xf32, #tpu.memory_space<vmem>>, %arg2: memref<256x512xf32, #tpu.memory_space<vmem>>, %arg3: memref<256x128xf32, #tpu.memory_space<vmem>>, %arg4: memref<16x256x512xi32, #tpu.memory_space<vmem>>, %arg5: memref<16x256x128xf32, #tpu.memory_space<vmem>>, %arg6: memref<128x512xf32, #tpu.memory_space<vmem>>, %arg7: memref<512x512xf32, #tpu.memory_space<vmem>>, %arg8: memref<256x512xf32, #tpu.memory_space<vmem>>) attributes {dimension_semantics = [#tpu.dimension_semantics<arbitrary>], iteration_bounds = array<i64: 4>, scalar_prefetch = 0 : i64, scratch_operands = 0 : i64, tpu.core_type = #tpu.core_type<tc>, window_params = [{transform_indices = @transform_0, window_bounds = array<i64: 256, 512>}, {transform_indices = @transform_1, window_bounds = array<i64: 256, 512>}, {transform_indices = @transform_2, window_bounds = array<i64: 256, 128>}, {transform_indices = @transform_3, window_bounds = array<i64: 16, 256, 512>}, {transform_indices = @transform_4, window_bounds = array<i64: 16, 256, 128>}, {pipeline_mode = #tpu.pipeline_mode<synchronous>, transform_indices = @transform_5, window_bounds = array<i64: 128, 512>}, {pipeline_mode = #tpu.pipeline_mode<synchronous>, transform_indices = @transform_6, window_bounds = array<i64: 512, 512>}, {transform_indices = @transform_7, window_bounds = array<i64: 256, 512>}]} {
    %get3A = arith.constant 0 : index
    %get3A_0 = arith.constant 0 : index
    %get3A_1 = vector.load %arg1[%get3A, %get3A_0] : memref<256x512xf32, #tpu.memory_space<vmem>>, vector<256x512xf32>
    %get3A_2 = arith.constant 0 : index
    %get3A_3 = arith.constant 0 : index
    %get3A_4 = vector.load %arg3[%get3A_2, %get3A_3] : memref<256x128xf32, #tpu.memory_space<vmem>>, vector<256x128xf32>
    %convert_element_type3A = arith.truncf %get3A_4 : vector<256x128xf32> to vector<256x128xbf16>
    %get3A_5 = arith.constant 0 : index
    %get3A_6 = arith.constant 0 : index
    %get3A_7 = vector.load %arg6[%get3A_5, %get3A_6] : memref<128x512xf32, #tpu.memory_space<vmem>>, vector<128x512xf32>
    %convert_element_type3A_8 = arith.truncf %get3A_7 : vector<128x512xf32> to vector<128x512xbf16>
    %get3A_9 = arith.constant 0 : index
    %get3A_10 = arith.constant 0 : index
    %get3A_11 = vector.load %arg7[%get3A_9, %get3A_10] : memref<512x512xf32, #tpu.memory_space<vmem>>, vector<512x512xf32>
    %convert_element_type3A_12 = arith.truncf %get3A_11 : vector<512x512xf32> to vector<512x512xbf16>
    %broadcast_in_dim3A = arith.constant 0.000000e+00 : f32
    %broadcast_in_dim3A_13 = vector.broadcast %broadcast_in_dim3A : f32 to vector<256x512xf32>
    %broadcast_in_dim3A_14 = arith.constant 0.000000e+00 : f32
    %broadcast_in_dim3A_15 = vector.broadcast %broadcast_in_dim3A_14 : f32 to vector<256x512xf32>
    %get3A_16 = arith.constant 0 : index
    %get3A_17 = arith.constant 0 : index
    %get3A_18 = arith.constant 0 : index
    %get3A_19 = vector.load %arg5[%get3A_16, %get3A_17, %get3A_18] : memref<16x256x128xf32, #tpu.memory_space<vmem>>, vector<1x256x128xf32>
    %get3A_20 = vector.shape_cast %get3A_19 : vector<1x256x128xf32> to vector<256x128xf32>
    %convert_element_type3A_21 = arith.truncf %get3A_20 : vector<256x128xf32> to vector<256x128xbf16>
    %sub3A = arith.subf %convert_element_type3A, %convert_element_type3A_21 : vector<256x128xbf16>
    %dot_general3A = arith.constant dense<0.000000e+00> : vector<256x512xf32>
    %dot_general3A_22 = tpu.matmul %sub3A, %convert_element_type3A_8, %dot_general3A {dimension_numbers = #tpu.dot_dimension_numbers<[1], [0], [0], [1], [0, 0, 1, 1], [], []>, transpose_lhs_hint = false} : vector<256x128xbf16>, vector<128x512xbf16>, vector<256x512xf32> -> vector<256x512xf32>
    %get3A_23 = arith.constant 0 : index
    %get3A_24 = arith.constant 0 : index
    %get3A_25 = arith.constant 0 : index
    %get3A_26 = vector.load %arg4[%get3A_23, %get3A_24, %get3A_25] : memref<16x256x512xi32, #tpu.memory_space<vmem>>, vector<1x256x512xi32>
    %get3A_27 = vector.shape_cast %get3A_26 : vector<1x256x512xi32> to vector<256x512xi32>
    %and3A = arith.constant -65536 : i32
    %and3A_28 = vector.broadcast %and3A : i32 to vector<256x512xi32>
    %and3A_29 = arith.andi %get3A_27, %and3A_28 : vector<256x512xi32>
    %bitcast_convert_type3A = tpu.bitcast %and3A_29 : vector<256x512xi32> -> vector<256x512xf32>
    %sub3A_30 = arith.subf %get3A_1, %bitcast_convert_type3A : vector<256x512xf32>
    %add3A = arith.addf %sub3A_30, %dot_general3A_22 : vector<256x512xf32>
    %max3A = arith.constant 0.000000e+00 : f32
    %max3A_31 = vector.broadcast %max3A : f32 to vector<256x512xf32>
    %max3A_32 = arith.maximumf %add3A, %max3A_31 : vector<256x512xf32>
    %convert_element_type3A_33 = arith.truncf %max3A_32 : vector<256x512xf32> to vector<256x512xbf16>
    %dot_general3A_34 = arith.constant dense<0.000000e+00> : vector<256x512xf32>
    %dot_general3A_35 = tpu.matmul %convert_element_type3A_33, %convert_element_type3A_12, %dot_general3A_34 {dimension_numbers = #tpu.dot_dimension_numbers<[1], [0], [0], [1], [0, 0, 1, 1], [], []>, transpose_lhs_hint = false} : vector<256x512xbf16>, vector<512x512xbf16>, vector<256x512xf32> -> vector<256x512xf32>
    %exp3A = math.exp %dot_general3A_35 : vector<256x512xf32>
    %add3A_36 = arith.addf %broadcast_in_dim3A_13, %exp3A : vector<256x512xf32>
    %get3A_37 = arith.constant 0 : index
    %get3A_38 = arith.constant 0 : index
    %get3A_39 = arith.constant 0 : index
    %get3A_40 = vector.load %arg4[%get3A_37, %get3A_38, %get3A_39] : memref<16x256x512xi32, #tpu.memory_space<vmem>>, vector<1x256x512xi32>
    %get3A_41 = vector.shape_cast %get3A_40 : vector<1x256x512xi32> to vector<256x512xi32>
    %shift_left3A = arith.constant 16 : i32
    %shift_left3A_42 = vector.broadcast %shift_left3A : i32 to vector<256x512xi32>
    %shift_left3A_43 = arith.shli %get3A_41, %shift_left3A_42 : vector<256x512xi32>
    %bitcast_convert_type3A_44 = tpu.bitcast %shift_left3A_43 : vector<256x512xi32> -> vector<256x512xf32>
    %add3A_45 = arith.addf %bitcast_convert_type3A_44, %dot_general3A_22 : vector<256x512xf32>
    %mul3A = arith.mulf %exp3A, %add3A_45 : vector<256x512xf32>
    %add3A_46 = arith.addf %broadcast_in_dim3A_15, %mul3A : vector<256x512xf32>
    %get3A_47 = arith.constant 1 : index
    %get3A_48 = arith.constant 0 : index
    %get3A_49 = arith.constant 0 : index
    %get3A_50 = vector.load %arg5[%get3A_47, %get3A_48, %get3A_49] : memref<16x256x128xf32, #tpu.memory_space<vmem>>, vector<1x256x128xf32>
    %get3A_51 = vector.shape_cast %get3A_50 : vector<1x256x128xf32> to vector<256x128xf32>
    %convert_element_type3A_52 = arith.truncf %get3A_51 : vector<256x128xf32> to vector<256x128xbf16>
    %sub3A_53 = arith.subf %convert_element_type3A, %convert_element_type3A_52 : vector<256x128xbf16>
    %dot_general3A_54 = arith.constant dense<0.000000e+00> : vector<256x512xf32>
    %dot_general3A_55 = tpu.matmul %sub3A_53, %convert_element_type3A_8, %dot_general3A_54 {dimension_numbers = #tpu.dot_dimension_numbers<[1], [0], [0], [1], [0, 0, 1, 1], [], []>, transpose_lhs_hint = false} : vector<256x128xbf16>, vector<128x512xbf16>, vector<256x512xf32> -> vector<256x512xf32>
    %get3A_56 = arith.constant 1 : index
    %get3A_57 = arith.constant 0 : index
    %get3A_58 = arith.constant 0 : index
    %get3A_59 = vector.load %arg4[%get3A_56, %get3A_57, %get3A_58] : memref<16x256x512xi32, #tpu.memory_space<vmem>>, vector<1x256x512xi32>
    %get3A_60 = vector.shape_cast %get3A_59 : vector<1x256x512xi32> to vector<256x512xi32>
    %and3A_61 = arith.constant -65536 : i32
    %and3A_62 = vector.broadcast %and3A_61 : i32 to vector<256x512xi32>
    %and3A_63 = arith.andi %get3A_60, %and3A_62 : vector<256x512xi32>
    %bitcast_convert_type3A_64 = tpu.bitcast %and3A_63 : vector<256x512xi32> -> vector<256x512xf32>
    %sub3A_65 = arith.subf %get3A_1, %bitcast_convert_type3A_64 : vector<256x512xf32>
    %add3A_66 = arith.addf %sub3A_65, %dot_general3A_55 : vector<256x512xf32>
    %max3A_67 = arith.constant 0.000000e+00 : f32
    %max3A_68 = vector.broadcast %max3A_67 : f32 to vector<256x512xf32>
    %max3A_69 = arith.maximumf %add3A_66, %max3A_68 : vector<256x512xf32>
    %convert_element_type3A_70 = arith.truncf %max3A_69 : vector<256x512xf32> to vector<256x512xbf16>
    %dot_general3A_71 = arith.constant dense<0.000000e+00> : vector<256x512xf32>
    %dot_general3A_72 = tpu.matmul %convert_element_type3A_70, %convert_element_type3A_12, %dot_general3A_71 {dimension_numbers = #tpu.dot_dimension_numbers<[1], [0], [0], [1], [0, 0, 1, 1], [], []>, transpose_lhs_hint = false} : vector<256x512xbf16>, vector<512x512xbf16>, vector<256x512xf32> -> vector<256x512xf32>
    %exp3A_73 = math.exp %dot_general3A_72 : vector<256x512xf32>
    %add3A_74 = arith.addf %add3A_36, %exp3A_73 : vector<256x512xf32>
    %get3A_75 = arith.constant 1 : index
    %get3A_76 = arith.constant 0 : index
    %get3A_77 = arith.constant 0 : index
    %get3A_78 = vector.load %arg4[%get3A_75, %get3A_76, %get3A_77] : memref<16x256x512xi32, #tpu.memory_space<vmem>>, vector<1x256x512xi32>
    %get3A_79 = vector.shape_cast %get3A_78 : vector<1x256x512xi32> to vector<256x512xi32>
    %shift_left3A_80 = arith.constant 16 : i32
    %shift_left3A_81 = vector.broadcast %shift_left3A_80 : i32 to vector<256x512xi32>
    %shift_left3A_82 = arith.shli %get3A_79, %shift_left3A_81 : vector<256x512xi32>
    %bitcast_convert_type3A_83 = tpu.bitcast %shift_left3A_82 : vector<256x512xi32> -> vector<256x512xf32>
    %add3A_84 = arith.addf %bitcast_convert_type3A_83, %dot_general3A_55 : vector<256x512xf32>
    %mul3A_85 = arith.mulf %exp3A_73, %add3A_84 : vector<256x512xf32>
    %add3A_86 = arith.addf %add3A_46, %mul3A_85 : vector<256x512xf32>
    %get3A_87 = arith.constant 2 : index
    %get3A_88 = arith.constant 0 : index
    %get3A_89 = arith.constant 0 : index
    %get3A_90 = vector.load %arg5[%get3A_87, %get3A_88, %get3A_89] : memref<16x256x128xf32, #tpu.memory_space<vmem>>, vector<1x256x128xf32>
    %get3A_91 = vector.shape_cast %get3A_90 : vector<1x256x128xf32> to vector<256x128xf32>
    %convert_element_type3A_92 = arith.truncf %get3A_91 : vector<256x128xf32> to vector<256x128xbf16>
    %sub3A_93 = arith.subf %convert_element_type3A, %convert_element_type3A_92 : vector<256x128xbf16>
    %dot_general3A_94 = arith.constant dense<0.000000e+00> : vector<256x512xf32>
    %dot_general3A_95 = tpu.matmul %sub3A_93, %convert_element_type3A_8, %dot_general3A_94 {dimension_numbers = #tpu.dot_dimension_numbers<[1], [0], [0], [1], [0, 0, 1, 1], [], []>, transpose_lhs_hint = false} : vector<256x128xbf16>, vector<128x512xbf16>, vector<256x512xf32> -> vector<256x512xf32>
    %get3A_96 = arith.constant 2 : index
    %get3A_97 = arith.constant 0 : index
    %get3A_98 = arith.constant 0 : index
    %get3A_99 = vector.load %arg4[%get3A_96, %get3A_97, %get3A_98] : memref<16x256x512xi32, #tpu.memory_space<vmem>>, vector<1x256x512xi32>
    %get3A_100 = vector.shape_cast %get3A_99 : vector<1x256x512xi32> to vector<256x512xi32>
    %and3A_101 = arith.constant -65536 : i32
    %and3A_102 = vector.broadcast %and3A_101 : i32 to vector<256x512xi32>
    %and3A_103 = arith.andi %get3A_100, %and3A_102 : vector<256x512xi32>
    %bitcast_convert_type3A_104 = tpu.bitcast %and3A_103 : vector<256x512xi32> -> vector<256x512xf32>
    %sub3A_105 = arith.subf %get3A_1, %bitcast_convert_type3A_104 : vector<256x512xf32>
    %add3A_106 = arith.addf %sub3A_105, %dot_general3A_95 : vector<256x512xf32>
    %max3A_107 = arith.constant 0.000000e+00 : f32
    %max3A_108 = vector.broadcast %max3A_107 : f32 to vector<256x512xf32>
    %max3A_109 = arith.maximumf %add3A_106, %max3A_108 : vector<256x512xf32>
    %convert_element_type3A_110 = arith.truncf %max3A_109 : vector<256x512xf32> to vector<256x512xbf16>
    %dot_general3A_111 = arith.constant dense<0.000000e+00> : vector<256x512xf32>
    %dot_general3A_112 = tpu.matmul %convert_element_type3A_110, %convert_element_type3A_12, %dot_general3A_111 {dimension_numbers = #tpu.dot_dimension_numbers<[1], [0], [0], [1], [0, 0, 1, 1], [], []>, transpose_lhs_hint = false} : vector<256x512xbf16>, vector<512x512xbf16>, vector<256x512xf32> -> vector<256x512xf32>
    %exp3A_113 = math.exp %dot_general3A_112 : vector<256x512xf32>
    %add3A_114 = arith.addf %add3A_74, %exp3A_113 : vector<256x512xf32>
    %get3A_115 = arith.constant 2 : index
    %get3A_116 = arith.constant 0 : index
    %get3A_117 = arith.constant 0 : index
    %get3A_118 = vector.load %arg4[%get3A_115, %get3A_116, %get3A_117] : memref<16x256x512xi32, #tpu.memory_space<vmem>>, vector<1x256x512xi32>
    %get3A_119 = vector.shape_cast %get3A_118 : vector<1x256x512xi32> to vector<256x512xi32>
    %shift_left3A_120 = arith.constant 16 : i32
    %shift_left3A_121 = vector.broadcast %shift_left3A_120 : i32 to vector<256x512xi32>
    %shift_left3A_122 = arith.shli %get3A_119, %shift_left3A_121 : vector<256x512xi32>
    %bitcast_convert_type3A_123 = tpu.bitcast %shift_left3A_122 : vector<256x512xi32> -> vector<256x512xf32>
    %add3A_124 = arith.addf %bitcast_convert_type3A_123, %dot_general3A_95 : vector<256x512xf32>
    %mul3A_125 = arith.mulf %exp3A_113, %add3A_124 : vector<256x512xf32>
    %add3A_126 = arith.addf %add3A_86, %mul3A_125 : vector<256x512xf32>
    %get3A_127 = arith.constant 3 : index
    %get3A_128 = arith.constant 0 : index
    %get3A_129 = arith.constant 0 : index
    %get3A_130 = vector.load %arg5[%get3A_127, %get3A_128, %get3A_129] : memref<16x256x128xf32, #tpu.memory_space<vmem>>, vector<1x256x128xf32>
    %get3A_131 = vector.shape_cast %get3A_130 : vector<1x256x128xf32> to vector<256x128xf32>
    %convert_element_type3A_132 = arith.truncf %get3A_131 : vector<256x128xf32> to vector<256x128xbf16>
    %sub3A_133 = arith.subf %convert_element_type3A, %convert_element_type3A_132 : vector<256x128xbf16>
    %dot_general3A_134 = arith.constant dense<0.000000e+00> : vector<256x512xf32>
    %dot_general3A_135 = tpu.matmul %sub3A_133, %convert_element_type3A_8, %dot_general3A_134 {dimension_numbers = #tpu.dot_dimension_numbers<[1], [0], [0], [1], [0, 0, 1, 1], [], []>, transpose_lhs_hint = false} : vector<256x128xbf16>, vector<128x512xbf16>, vector<256x512xf32> -> vector<256x512xf32>
    %get3A_136 = arith.constant 3 : index
    %get3A_137 = arith.constant 0 : index
    %get3A_138 = arith.constant 0 : index
    %get3A_139 = vector.load %arg4[%get3A_136, %get3A_137, %get3A_138] : memref<16x256x512xi32, #tpu.memory_space<vmem>>, vector<1x256x512xi32>
    %get3A_140 = vector.shape_cast %get3A_139 : vector<1x256x512xi32> to vector<256x512xi32>
    %and3A_141 = arith.constant -65536 : i32
    %and3A_142 = vector.broadcast %and3A_141 : i32 to vector<256x512xi32>
    %and3A_143 = arith.andi %get3A_140, %and3A_142 : vector<256x512xi32>
    %bitcast_convert_type3A_144 = tpu.bitcast %and3A_143 : vector<256x512xi32> -> vector<256x512xf32>
    %sub3A_145 = arith.subf %get3A_1, %bitcast_convert_type3A_144 : vector<256x512xf32>
    %add3A_146 = arith.addf %sub3A_145, %dot_general3A_135 : vector<256x512xf32>
    %max3A_147 = arith.constant 0.000000e+00 : f32
    %max3A_148 = vector.broadcast %max3A_147 : f32 to vector<256x512xf32>
    %max3A_149 = arith.maximumf %add3A_146, %max3A_148 : vector<256x512xf32>
    %convert_element_type3A_150 = arith.truncf %max3A_149 : vector<256x512xf32> to vector<256x512xbf16>
    %dot_general3A_151 = arith.constant dense<0.000000e+00> : vector<256x512xf32>
    %dot_general3A_152 = tpu.matmul %convert_element_type3A_150, %convert_element_type3A_12, %dot_general3A_151 {dimension_numbers = #tpu.dot_dimension_numbers<[1], [0], [0], [1], [0, 0, 1, 1], [], []>, transpose_lhs_hint = false} : vector<256x512xbf16>, vector<512x512xbf16>, vector<256x512xf32> -> vector<256x512xf32>
    %exp3A_153 = math.exp %dot_general3A_152 : vector<256x512xf32>
    %add3A_154 = arith.addf %add3A_114, %exp3A_153 : vector<256x512xf32>
    %get3A_155 = arith.constant 3 : index
    %get3A_156 = arith.constant 0 : index
    %get3A_157 = arith.constant 0 : index
    %get3A_158 = vector.load %arg4[%get3A_155, %get3A_156, %get3A_157] : memref<16x256x512xi32, #tpu.memory_space<vmem>>, vector<1x256x512xi32>
    %get3A_159 = vector.shape_cast %get3A_158 : vector<1x256x512xi32> to vector<256x512xi32>
    %shift_left3A_160 = arith.constant 16 : i32
    %shift_left3A_161 = vector.broadcast %shift_left3A_160 : i32 to vector<256x512xi32>
    %shift_left3A_162 = arith.shli %get3A_159, %shift_left3A_161 : vector<256x512xi32>
    %bitcast_convert_type3A_163 = tpu.bitcast %shift_left3A_162 : vector<256x512xi32> -> vector<256x512xf32>
    %add3A_164 = arith.addf %bitcast_convert_type3A_163, %dot_general3A_135 : vector<256x512xf32>
    %mul3A_165 = arith.mulf %exp3A_153, %add3A_164 : vector<256x512xf32>
    %add3A_166 = arith.addf %add3A_126, %mul3A_165 : vector<256x512xf32>
    %get3A_167 = arith.constant 4 : index
    %get3A_168 = arith.constant 0 : index
    %get3A_169 = arith.constant 0 : index
    %get3A_170 = vector.load %arg5[%get3A_167, %get3A_168, %get3A_169] : memref<16x256x128xf32, #tpu.memory_space<vmem>>, vector<1x256x128xf32>
    %get3A_171 = vector.shape_cast %get3A_170 : vector<1x256x128xf32> to vector<256x128xf32>
    %convert_element_type3A_172 = arith.truncf %get3A_171 : vector<256x128xf32> to vector<256x128xbf16>
    %sub3A_173 = arith.subf %convert_element_type3A, %convert_element_type3A_172 : vector<256x128xbf16>
    %dot_general3A_174 = arith.constant dense<0.000000e+00> : vector<256x512xf32>
    %dot_general3A_175 = tpu.matmul %sub3A_173, %convert_element_type3A_8, %dot_general3A_174 {dimension_numbers = #tpu.dot_dimension_numbers<[1], [0], [0], [1], [0, 0, 1, 1], [], []>, transpose_lhs_hint = false} : vector<256x128xbf16>, vector<128x512xbf16>, vector<256x512xf32> -> vector<256x512xf32>
    %get3A_176 = arith.constant 4 : index
    %get3A_177 = arith.constant 0 : index
    %get3A_178 = arith.constant 0 : index
    %get3A_179 = vector.load %arg4[%get3A_176, %get3A_177, %get3A_178] : memref<16x256x512xi32, #tpu.memory_space<vmem>>, vector<1x256x512xi32>
    %get3A_180 = vector.shape_cast %get3A_179 : vector<1x256x512xi32> to vector<256x512xi32>
    %and3A_181 = arith.constant -65536 : i32
    %and3A_182 = vector.broadcast %and3A_181 : i32 to vector<256x512xi32>
    %and3A_183 = arith.andi %get3A_180, %and3A_182 : vector<256x512xi32>
    %bitcast_convert_type3A_184 = tpu.bitcast %and3A_183 : vector<256x512xi32> -> vector<256x512xf32>
    %sub3A_185 = arith.subf %get3A_1, %bitcast_convert_type3A_184 : vector<256x512xf32>
    %add3A_186 = arith.addf %sub3A_185, %dot_general3A_175 : vector<256x512xf32>
    %max3A_187 = arith.constant 0.000000e+00 : f32
    %max3A_188 = vector.broadcast %max3A_187 : f32 to vector<256x512xf32>
    %max3A_189 = arith.maximumf %add3A_186, %max3A_188 : vector<256x512xf32>
    %convert_element_type3A_190 = arith.truncf %max3A_189 : vector<256x512xf32> to vector<256x512xbf16>
    %dot_general3A_191 = arith.constant dense<0.000000e+00> : vector<256x512xf32>
    %dot_general3A_192 = tpu.matmul %convert_element_type3A_190, %convert_element_type3A_12, %dot_general3A_191 {dimension_numbers = #tpu.dot_dimension_numbers<[1], [0], [0], [1], [0, 0, 1, 1], [], []>, transpose_lhs_hint = false} : vector<256x512xbf16>, vector<512x512xbf16>, vector<256x512xf32> -> vector<256x512xf32>
    %exp3A_193 = math.exp %dot_general3A_192 : vector<256x512xf32>
    %add3A_194 = arith.addf %add3A_154, %exp3A_193 : vector<256x512xf32>
    %get3A_195 = arith.constant 4 : index
    %get3A_196 = arith.constant 0 : index
    %get3A_197 = arith.constant 0 : index
    %get3A_198 = vector.load %arg4[%get3A_195, %get3A_196, %get3A_197] : memref<16x256x512xi32, #tpu.memory_space<vmem>>, vector<1x256x512xi32>
    %get3A_199 = vector.shape_cast %get3A_198 : vector<1x256x512xi32> to vector<256x512xi32>
    %shift_left3A_200 = arith.constant 16 : i32
    %shift_left3A_201 = vector.broadcast %shift_left3A_200 : i32 to vector<256x512xi32>
    %shift_left3A_202 = arith.shli %get3A_199, %shift_left3A_201 : vector<256x512xi32>
    %bitcast_convert_type3A_203 = tpu.bitcast %shift_left3A_202 : vector<256x512xi32> -> vector<256x512xf32>
    %add3A_204 = arith.addf %bitcast_convert_type3A_203, %dot_general3A_175 : vector<256x512xf32>
    %mul3A_205 = arith.mulf %exp3A_193, %add3A_204 : vector<256x512xf32>
    %add3A_206 = arith.addf %add3A_166, %mul3A_205 : vector<256x512xf32>
    %get3A_207 = arith.constant 5 : index
    %get3A_208 = arith.constant 0 : index
    %get3A_209 = arith.constant 0 : index
    %get3A_210 = vector.load %arg5[%get3A_207, %get3A_208, %get3A_209] : memref<16x256x128xf32, #tpu.memory_space<vmem>>, vector<1x256x128xf32>
    %get3A_211 = vector.shape_cast %get3A_210 : vector<1x256x128xf32> to vector<256x128xf32>
    %convert_element_type3A_212 = arith.truncf %get3A_211 : vector<256x128xf32> to vector<256x128xbf16>
    %sub3A_213 = arith.subf %convert_element_type3A, %convert_element_type3A_212 : vector<256x128xbf16>
    %dot_general3A_214 = arith.constant dense<0.000000e+00> : vector<256x512xf32>
    %dot_general3A_215 = tpu.matmul %sub3A_213, %convert_element_type3A_8, %dot_general3A_214 {dimension_numbers = #tpu.dot_dimension_numbers<[1], [0], [0], [1], [0, 0, 1, 1], [], []>, transpose_lhs_hint = false} : vector<256x128xbf16>, vector<128x512xbf16>, vector<256x512xf32> -> vector<256x512xf32>
    %get3A_216 = arith.constant 5 : index
    %get3A_217 = arith.constant 0 : index
    %get3A_218 = arith.constant 0 : index
    %get3A_219 = vector.load %arg4[%get3A_216, %get3A_217, %get3A_218] : memref<16x256x512xi32, #tpu.memory_space<vmem>>, vector<1x256x512xi32>
    %get3A_220 = vector.shape_cast %get3A_219 : vector<1x256x512xi32> to vector<256x512xi32>
    %and3A_221 = arith.constant -65536 : i32
    %and3A_222 = vector.broadcast %and3A_221 : i32 to vector<256x512xi32>
    %and3A_223 = arith.andi %get3A_220, %and3A_222 : vector<256x512xi32>
    %bitcast_convert_type3A_224 = tpu.bitcast %and3A_223 : vector<256x512xi32> -> vector<256x512xf32>
    %sub3A_225 = arith.subf %get3A_1, %bitcast_convert_type3A_224 : vector<256x512xf32>
    %add3A_226 = arith.addf %sub3A_225, %dot_general3A_215 : vector<256x512xf32>
    %max3A_227 = arith.constant 0.000000e+00 : f32
    %max3A_228 = vector.broadcast %max3A_227 : f32 to vector<256x512xf32>
    %max3A_229 = arith.maximumf %add3A_226, %max3A_228 : vector<256x512xf32>
    %convert_element_type3A_230 = arith.truncf %max3A_229 : vector<256x512xf32> to vector<256x512xbf16>
    %dot_general3A_231 = arith.constant dense<0.000000e+00> : vector<256x512xf32>
    %dot_general3A_232 = tpu.matmul %convert_element_type3A_230, %convert_element_type3A_12, %dot_general3A_231 {dimension_numbers = #tpu.dot_dimension_numbers<[1], [0], [0], [1], [0, 0, 1, 1], [], []>, transpose_lhs_hint = false} : vector<256x512xbf16>, vector<512x512xbf16>, vector<256x512xf32> -> vector<256x512xf32>
    %exp3A_233 = math.exp %dot_general3A_232 : vector<256x512xf32>
    %add3A_234 = arith.addf %add3A_194, %exp3A_233 : vector<256x512xf32>
    %get3A_235 = arith.constant 5 : index
    %get3A_236 = arith.constant 0 : index
    %get3A_237 = arith.constant 0 : index
    %get3A_238 = vector.load %arg4[%get3A_235, %get3A_236, %get3A_237] : memref<16x256x512xi32, #tpu.memory_space<vmem>>, vector<1x256x512xi32>
    %get3A_239 = vector.shape_cast %get3A_238 : vector<1x256x512xi32> to vector<256x512xi32>
    %shift_left3A_240 = arith.constant 16 : i32
    %shift_left3A_241 = vector.broadcast %shift_left3A_240 : i32 to vector<256x512xi32>
    %shift_left3A_242 = arith.shli %get3A_239, %shift_left3A_241 : vector<256x512xi32>
    %bitcast_convert_type3A_243 = tpu.bitcast %shift_left3A_242 : vector<256x512xi32> -> vector<256x512xf32>
    %add3A_244 = arith.addf %bitcast_convert_type3A_243, %dot_general3A_215 : vector<256x512xf32>
    %mul3A_245 = arith.mulf %exp3A_233, %add3A_244 : vector<256x512xf32>
    %add3A_246 = arith.addf %add3A_206, %mul3A_245 : vector<256x512xf32>
    %get3A_247 = arith.constant 6 : index
    %get3A_248 = arith.constant 0 : index
    %get3A_249 = arith.constant 0 : index
    %get3A_250 = vector.load %arg5[%get3A_247, %get3A_248, %get3A_249] : memref<16x256x128xf32, #tpu.memory_space<vmem>>, vector<1x256x128xf32>
    %get3A_251 = vector.shape_cast %get3A_250 : vector<1x256x128xf32> to vector<256x128xf32>
    %convert_element_type3A_252 = arith.truncf %get3A_251 : vector<256x128xf32> to vector<256x128xbf16>
    %sub3A_253 = arith.subf %convert_element_type3A, %convert_element_type3A_252 : vector<256x128xbf16>
    %dot_general3A_254 = arith.constant dense<0.000000e+00> : vector<256x512xf32>
    %dot_general3A_255 = tpu.matmul %sub3A_253, %convert_element_type3A_8, %dot_general3A_254 {dimension_numbers = #tpu.dot_dimension_numbers<[1], [0], [0], [1], [0, 0, 1, 1], [], []>, transpose_lhs_hint = false} : vector<256x128xbf16>, vector<128x512xbf16>, vector<256x512xf32> -> vector<256x512xf32>
    %get3A_256 = arith.constant 6 : index
    %get3A_257 = arith.constant 0 : index
    %get3A_258 = arith.constant 0 : index
    %get3A_259 = vector.load %arg4[%get3A_256, %get3A_257, %get3A_258] : memref<16x256x512xi32, #tpu.memory_space<vmem>>, vector<1x256x512xi32>
    %get3A_260 = vector.shape_cast %get3A_259 : vector<1x256x512xi32> to vector<256x512xi32>
    %and3A_261 = arith.constant -65536 : i32
    %and3A_262 = vector.broadcast %and3A_261 : i32 to vector<256x512xi32>
    %and3A_263 = arith.andi %get3A_260, %and3A_262 : vector<256x512xi32>
    %bitcast_convert_type3A_264 = tpu.bitcast %and3A_263 : vector<256x512xi32> -> vector<256x512xf32>
    %sub3A_265 = arith.subf %get3A_1, %bitcast_convert_type3A_264 : vector<256x512xf32>
    %add3A_266 = arith.addf %sub3A_265, %dot_general3A_255 : vector<256x512xf32>
    %max3A_267 = arith.constant 0.000000e+00 : f32
    %max3A_268 = vector.broadcast %max3A_267 : f32 to vector<256x512xf32>
    %max3A_269 = arith.maximumf %add3A_266, %max3A_268 : vector<256x512xf32>
    %convert_element_type3A_270 = arith.truncf %max3A_269 : vector<256x512xf32> to vector<256x512xbf16>
    %dot_general3A_271 = arith.constant dense<0.000000e+00> : vector<256x512xf32>
    %dot_general3A_272 = tpu.matmul %convert_element_type3A_270, %convert_element_type3A_12, %dot_general3A_271 {dimension_numbers = #tpu.dot_dimension_numbers<[1], [0], [0], [1], [0, 0, 1, 1], [], []>, transpose_lhs_hint = false} : vector<256x512xbf16>, vector<512x512xbf16>, vector<256x512xf32> -> vector<256x512xf32>
    %exp3A_273 = math.exp %dot_general3A_272 : vector<256x512xf32>
    %add3A_274 = arith.addf %add3A_234, %exp3A_273 : vector<256x512xf32>
    %get3A_275 = arith.constant 6 : index
    %get3A_276 = arith.constant 0 : index
    %get3A_277 = arith.constant 0 : index
    %get3A_278 = vector.load %arg4[%get3A_275, %get3A_276, %get3A_277] : memref<16x256x512xi32, #tpu.memory_space<vmem>>, vector<1x256x512xi32>
    %get3A_279 = vector.shape_cast %get3A_278 : vector<1x256x512xi32> to vector<256x512xi32>
    %shift_left3A_280 = arith.constant 16 : i32
    %shift_left3A_281 = vector.broadcast %shift_left3A_280 : i32 to vector<256x512xi32>
    %shift_left3A_282 = arith.shli %get3A_279, %shift_left3A_281 : vector<256x512xi32>
    %bitcast_convert_type3A_283 = tpu.bitcast %shift_left3A_282 : vector<256x512xi32> -> vector<256x512xf32>
    %add3A_284 = arith.addf %bitcast_convert_type3A_283, %dot_general3A_255 : vector<256x512xf32>
    %mul3A_285 = arith.mulf %exp3A_273, %add3A_284 : vector<256x512xf32>
    %add3A_286 = arith.addf %add3A_246, %mul3A_285 : vector<256x512xf32>
    %get3A_287 = arith.constant 7 : index
    %get3A_288 = arith.constant 0 : index
    %get3A_289 = arith.constant 0 : index
    %get3A_290 = vector.load %arg5[%get3A_287, %get3A_288, %get3A_289] : memref<16x256x128xf32, #tpu.memory_space<vmem>>, vector<1x256x128xf32>
    %get3A_291 = vector.shape_cast %get3A_290 : vector<1x256x128xf32> to vector<256x128xf32>
    %convert_element_type3A_292 = arith.truncf %get3A_291 : vector<256x128xf32> to vector<256x128xbf16>
    %sub3A_293 = arith.subf %convert_element_type3A, %convert_element_type3A_292 : vector<256x128xbf16>
    %dot_general3A_294 = arith.constant dense<0.000000e+00> : vector<256x512xf32>
    %dot_general3A_295 = tpu.matmul %sub3A_293, %convert_element_type3A_8, %dot_general3A_294 {dimension_numbers = #tpu.dot_dimension_numbers<[1], [0], [0], [1], [0, 0, 1, 1], [], []>, transpose_lhs_hint = false} : vector<256x128xbf16>, vector<128x512xbf16>, vector<256x512xf32> -> vector<256x512xf32>
    %get3A_296 = arith.constant 7 : index
    %get3A_297 = arith.constant 0 : index
    %get3A_298 = arith.constant 0 : index
    %get3A_299 = vector.load %arg4[%get3A_296, %get3A_297, %get3A_298] : memref<16x256x512xi32, #tpu.memory_space<vmem>>, vector<1x256x512xi32>
    %get3A_300 = vector.shape_cast %get3A_299 : vector<1x256x512xi32> to vector<256x512xi32>
    %and3A_301 = arith.constant -65536 : i32
    %and3A_302 = vector.broadcast %and3A_301 : i32 to vector<256x512xi32>
    %and3A_303 = arith.andi %get3A_300, %and3A_302 : vector<256x512xi32>
    %bitcast_convert_type3A_304 = tpu.bitcast %and3A_303 : vector<256x512xi32> -> vector<256x512xf32>
    %sub3A_305 = arith.subf %get3A_1, %bitcast_convert_type3A_304 : vector<256x512xf32>
    %add3A_306 = arith.addf %sub3A_305, %dot_general3A_295 : vector<256x512xf32>
    %max3A_307 = arith.constant 0.000000e+00 : f32
    %max3A_308 = vector.broadcast %max3A_307 : f32 to vector<256x512xf32>
    %max3A_309 = arith.maximumf %add3A_306, %max3A_308 : vector<256x512xf32>
    %convert_element_type3A_310 = arith.truncf %max3A_309 : vector<256x512xf32> to vector<256x512xbf16>
    %dot_general3A_311 = arith.constant dense<0.000000e+00> : vector<256x512xf32>
    %dot_general3A_312 = tpu.matmul %convert_element_type3A_310, %convert_element_type3A_12, %dot_general3A_311 {dimension_numbers = #tpu.dot_dimension_numbers<[1], [0], [0], [1], [0, 0, 1, 1], [], []>, transpose_lhs_hint = false} : vector<256x512xbf16>, vector<512x512xbf16>, vector<256x512xf32> -> vector<256x512xf32>
    %exp3A_313 = math.exp %dot_general3A_312 : vector<256x512xf32>
    %add3A_314 = arith.addf %add3A_274, %exp3A_313 : vector<256x512xf32>
    %get3A_315 = arith.constant 7 : index
    %get3A_316 = arith.constant 0 : index
    %get3A_317 = arith.constant 0 : index
    %get3A_318 = vector.load %arg4[%get3A_315, %get3A_316, %get3A_317] : memref<16x256x512xi32, #tpu.memory_space<vmem>>, vector<1x256x512xi32>
    %get3A_319 = vector.shape_cast %get3A_318 : vector<1x256x512xi32> to vector<256x512xi32>
    %shift_left3A_320 = arith.constant 16 : i32
    %shift_left3A_321 = vector.broadcast %shift_left3A_320 : i32 to vector<256x512xi32>
    %shift_left3A_322 = arith.shli %get3A_319, %shift_left3A_321 : vector<256x512xi32>
    %bitcast_convert_type3A_323 = tpu.bitcast %shift_left3A_322 : vector<256x512xi32> -> vector<256x512xf32>
    %add3A_324 = arith.addf %bitcast_convert_type3A_323, %dot_general3A_295 : vector<256x512xf32>
    %mul3A_325 = arith.mulf %exp3A_313, %add3A_324 : vector<256x512xf32>
    %add3A_326 = arith.addf %add3A_286, %mul3A_325 : vector<256x512xf32>
    %get3A_327 = arith.constant 8 : index
    %get3A_328 = arith.constant 0 : index
    %get3A_329 = arith.constant 0 : index
    %get3A_330 = vector.load %arg5[%get3A_327, %get3A_328, %get3A_329] : memref<16x256x128xf32, #tpu.memory_space<vmem>>, vector<1x256x128xf32>
    %get3A_331 = vector.shape_cast %get3A_330 : vector<1x256x128xf32> to vector<256x128xf32>
    %convert_element_type3A_332 = arith.truncf %get3A_331 : vector<256x128xf32> to vector<256x128xbf16>
    %sub3A_333 = arith.subf %convert_element_type3A, %convert_element_type3A_332 : vector<256x128xbf16>
    %dot_general3A_334 = arith.constant dense<0.000000e+00> : vector<256x512xf32>
    %dot_general3A_335 = tpu.matmul %sub3A_333, %convert_element_type3A_8, %dot_general3A_334 {dimension_numbers = #tpu.dot_dimension_numbers<[1], [0], [0], [1], [0, 0, 1, 1], [], []>, transpose_lhs_hint = false} : vector<256x128xbf16>, vector<128x512xbf16>, vector<256x512xf32> -> vector<256x512xf32>
    %get3A_336 = arith.constant 8 : index
    %get3A_337 = arith.constant 0 : index
    %get3A_338 = arith.constant 0 : index
    %get3A_339 = vector.load %arg4[%get3A_336, %get3A_337, %get3A_338] : memref<16x256x512xi32, #tpu.memory_space<vmem>>, vector<1x256x512xi32>
    %get3A_340 = vector.shape_cast %get3A_339 : vector<1x256x512xi32> to vector<256x512xi32>
    %and3A_341 = arith.constant -65536 : i32
    %and3A_342 = vector.broadcast %and3A_341 : i32 to vector<256x512xi32>
    %and3A_343 = arith.andi %get3A_340, %and3A_342 : vector<256x512xi32>
    %bitcast_convert_type3A_344 = tpu.bitcast %and3A_343 : vector<256x512xi32> -> vector<256x512xf32>
    %sub3A_345 = arith.subf %get3A_1, %bitcast_convert_type3A_344 : vector<256x512xf32>
    %add3A_346 = arith.addf %sub3A_345, %dot_general3A_335 : vector<256x512xf32>
    %max3A_347 = arith.constant 0.000000e+00 : f32
    %max3A_348 = vector.broadcast %max3A_347 : f32 to vector<256x512xf32>
    %max3A_349 = arith.maximumf %add3A_346, %max3A_348 : vector<256x512xf32>
    %convert_element_type3A_350 = arith.truncf %max3A_349 : vector<256x512xf32> to vector<256x512xbf16>
    %dot_general3A_351 = arith.constant dense<0.000000e+00> : vector<256x512xf32>
    %dot_general3A_352 = tpu.matmul %convert_element_type3A_350, %convert_element_type3A_12, %dot_general3A_351 {dimension_numbers = #tpu.dot_dimension_numbers<[1], [0], [0], [1], [0, 0, 1, 1], [], []>, transpose_lhs_hint = false} : vector<256x512xbf16>, vector<512x512xbf16>, vector<256x512xf32> -> vector<256x512xf32>
    %exp3A_353 = math.exp %dot_general3A_352 : vector<256x512xf32>
    %add3A_354 = arith.addf %add3A_314, %exp3A_353 : vector<256x512xf32>
    %get3A_355 = arith.constant 8 : index
    %get3A_356 = arith.constant 0 : index
    %get3A_357 = arith.constant 0 : index
    %get3A_358 = vector.load %arg4[%get3A_355, %get3A_356, %get3A_357] : memref<16x256x512xi32, #tpu.memory_space<vmem>>, vector<1x256x512xi32>
    %get3A_359 = vector.shape_cast %get3A_358 : vector<1x256x512xi32> to vector<256x512xi32>
    %shift_left3A_360 = arith.constant 16 : i32
    %shift_left3A_361 = vector.broadcast %shift_left3A_360 : i32 to vector<256x512xi32>
    %shift_left3A_362 = arith.shli %get3A_359, %shift_left3A_361 : vector<256x512xi32>
    %bitcast_convert_type3A_363 = tpu.bitcast %shift_left3A_362 : vector<256x512xi32> -> vector<256x512xf32>
    %add3A_364 = arith.addf %bitcast_convert_type3A_363, %dot_general3A_335 : vector<256x512xf32>
    %mul3A_365 = arith.mulf %exp3A_353, %add3A_364 : vector<256x512xf32>
    %add3A_366 = arith.addf %add3A_326, %mul3A_365 : vector<256x512xf32>
    %get3A_367 = arith.constant 9 : index
    %get3A_368 = arith.constant 0 : index
    %get3A_369 = arith.constant 0 : index
    %get3A_370 = vector.load %arg5[%get3A_367, %get3A_368, %get3A_369] : memref<16x256x128xf32, #tpu.memory_space<vmem>>, vector<1x256x128xf32>
    %get3A_371 = vector.shape_cast %get3A_370 : vector<1x256x128xf32> to vector<256x128xf32>
    %convert_element_type3A_372 = arith.truncf %get3A_371 : vector<256x128xf32> to vector<256x128xbf16>
    %sub3A_373 = arith.subf %convert_element_type3A, %convert_element_type3A_372 : vector<256x128xbf16>
    %dot_general3A_374 = arith.constant dense<0.000000e+00> : vector<256x512xf32>
    %dot_general3A_375 = tpu.matmul %sub3A_373, %convert_element_type3A_8, %dot_general3A_374 {dimension_numbers = #tpu.dot_dimension_numbers<[1], [0], [0], [1], [0, 0, 1, 1], [], []>, transpose_lhs_hint = false} : vector<256x128xbf16>, vector<128x512xbf16>, vector<256x512xf32> -> vector<256x512xf32>
    %get3A_376 = arith.constant 9 : index
    %get3A_377 = arith.constant 0 : index
    %get3A_378 = arith.constant 0 : index
    %get3A_379 = vector.load %arg4[%get3A_376, %get3A_377, %get3A_378] : memref<16x256x512xi32, #tpu.memory_space<vmem>>, vector<1x256x512xi32>
    %get3A_380 = vector.shape_cast %get3A_379 : vector<1x256x512xi32> to vector<256x512xi32>
    %and3A_381 = arith.constant -65536 : i32
    %and3A_382 = vector.broadcast %and3A_381 : i32 to vector<256x512xi32>
    %and3A_383 = arith.andi %get3A_380, %and3A_382 : vector<256x512xi32>
    %bitcast_convert_type3A_384 = tpu.bitcast %and3A_383 : vector<256x512xi32> -> vector<256x512xf32>
    %sub3A_385 = arith.subf %get3A_1, %bitcast_convert_type3A_384 : vector<256x512xf32>
    %add3A_386 = arith.addf %sub3A_385, %dot_general3A_375 : vector<256x512xf32>
    %max3A_387 = arith.constant 0.000000e+00 : f32
    %max3A_388 = vector.broadcast %max3A_387 : f32 to vector<256x512xf32>
    %max3A_389 = arith.maximumf %add3A_386, %max3A_388 : vector<256x512xf32>
    %convert_element_type3A_390 = arith.truncf %max3A_389 : vector<256x512xf32> to vector<256x512xbf16>
    %dot_general3A_391 = arith.constant dense<0.000000e+00> : vector<256x512xf32>
    %dot_general3A_392 = tpu.matmul %convert_element_type3A_390, %convert_element_type3A_12, %dot_general3A_391 {dimension_numbers = #tpu.dot_dimension_numbers<[1], [0], [0], [1], [0, 0, 1, 1], [], []>, transpose_lhs_hint = false} : vector<256x512xbf16>, vector<512x512xbf16>, vector<256x512xf32> -> vector<256x512xf32>
    %exp3A_393 = math.exp %dot_general3A_392 : vector<256x512xf32>
    %add3A_394 = arith.addf %add3A_354, %exp3A_393 : vector<256x512xf32>
    %get3A_395 = arith.constant 9 : index
    %get3A_396 = arith.constant 0 : index
    %get3A_397 = arith.constant 0 : index
    %get3A_398 = vector.load %arg4[%get3A_395, %get3A_396, %get3A_397] : memref<16x256x512xi32, #tpu.memory_space<vmem>>, vector<1x256x512xi32>
    %get3A_399 = vector.shape_cast %get3A_398 : vector<1x256x512xi32> to vector<256x512xi32>
    %shift_left3A_400 = arith.constant 16 : i32
    %shift_left3A_401 = vector.broadcast %shift_left3A_400 : i32 to vector<256x512xi32>
    %shift_left3A_402 = arith.shli %get3A_399, %shift_left3A_401 : vector<256x512xi32>
    %bitcast_convert_type3A_403 = tpu.bitcast %shift_left3A_402 : vector<256x512xi32> -> vector<256x512xf32>
    %add3A_404 = arith.addf %bitcast_convert_type3A_403, %dot_general3A_375 : vector<256x512xf32>
    %mul3A_405 = arith.mulf %exp3A_393, %add3A_404 : vector<256x512xf32>
    %add3A_406 = arith.addf %add3A_366, %mul3A_405 : vector<256x512xf32>
    %get3A_407 = arith.constant 10 : index
    %get3A_408 = arith.constant 0 : index
    %get3A_409 = arith.constant 0 : index
    %get3A_410 = vector.load %arg5[%get3A_407, %get3A_408, %get3A_409] : memref<16x256x128xf32, #tpu.memory_space<vmem>>, vector<1x256x128xf32>
    %get3A_411 = vector.shape_cast %get3A_410 : vector<1x256x128xf32> to vector<256x128xf32>
    %convert_element_type3A_412 = arith.truncf %get3A_411 : vector<256x128xf32> to vector<256x128xbf16>
    %sub3A_413 = arith.subf %convert_element_type3A, %convert_element_type3A_412 : vector<256x128xbf16>
    %dot_general3A_414 = arith.constant dense<0.000000e+00> : vector<256x512xf32>
    %dot_general3A_415 = tpu.matmul %sub3A_413, %convert_element_type3A_8, %dot_general3A_414 {dimension_numbers = #tpu.dot_dimension_numbers<[1], [0], [0], [1], [0, 0, 1, 1], [], []>, transpose_lhs_hint = false} : vector<256x128xbf16>, vector<128x512xbf16>, vector<256x512xf32> -> vector<256x512xf32>
    %get3A_416 = arith.constant 10 : index
    %get3A_417 = arith.constant 0 : index
    %get3A_418 = arith.constant 0 : index
    %get3A_419 = vector.load %arg4[%get3A_416, %get3A_417, %get3A_418] : memref<16x256x512xi32, #tpu.memory_space<vmem>>, vector<1x256x512xi32>
    %get3A_420 = vector.shape_cast %get3A_419 : vector<1x256x512xi32> to vector<256x512xi32>
    %and3A_421 = arith.constant -65536 : i32
    %and3A_422 = vector.broadcast %and3A_421 : i32 to vector<256x512xi32>
    %and3A_423 = arith.andi %get3A_420, %and3A_422 : vector<256x512xi32>
    %bitcast_convert_type3A_424 = tpu.bitcast %and3A_423 : vector<256x512xi32> -> vector<256x512xf32>
    %sub3A_425 = arith.subf %get3A_1, %bitcast_convert_type3A_424 : vector<256x512xf32>
    %add3A_426 = arith.addf %sub3A_425, %dot_general3A_415 : vector<256x512xf32>
    %max3A_427 = arith.constant 0.000000e+00 : f32
    %max3A_428 = vector.broadcast %max3A_427 : f32 to vector<256x512xf32>
    %max3A_429 = arith.maximumf %add3A_426, %max3A_428 : vector<256x512xf32>
    %convert_element_type3A_430 = arith.truncf %max3A_429 : vector<256x512xf32> to vector<256x512xbf16>
    %dot_general3A_431 = arith.constant dense<0.000000e+00> : vector<256x512xf32>
    %dot_general3A_432 = tpu.matmul %convert_element_type3A_430, %convert_element_type3A_12, %dot_general3A_431 {dimension_numbers = #tpu.dot_dimension_numbers<[1], [0], [0], [1], [0, 0, 1, 1], [], []>, transpose_lhs_hint = false} : vector<256x512xbf16>, vector<512x512xbf16>, vector<256x512xf32> -> vector<256x512xf32>
    %exp3A_433 = math.exp %dot_general3A_432 : vector<256x512xf32>
    %add3A_434 = arith.addf %add3A_394, %exp3A_433 : vector<256x512xf32>
    %get3A_435 = arith.constant 10 : index
    %get3A_436 = arith.constant 0 : index
    %get3A_437 = arith.constant 0 : index
    %get3A_438 = vector.load %arg4[%get3A_435, %get3A_436, %get3A_437] : memref<16x256x512xi32, #tpu.memory_space<vmem>>, vector<1x256x512xi32>
    %get3A_439 = vector.shape_cast %get3A_438 : vector<1x256x512xi32> to vector<256x512xi32>
    %shift_left3A_440 = arith.constant 16 : i32
    %shift_left3A_441 = vector.broadcast %shift_left3A_440 : i32 to vector<256x512xi32>
    %shift_left3A_442 = arith.shli %get3A_439, %shift_left3A_441 : vector<256x512xi32>
    %bitcast_convert_type3A_443 = tpu.bitcast %shift_left3A_442 : vector<256x512xi32> -> vector<256x512xf32>
    %add3A_444 = arith.addf %bitcast_convert_type3A_443, %dot_general3A_415 : vector<256x512xf32>
    %mul3A_445 = arith.mulf %exp3A_433, %add3A_444 : vector<256x512xf32>
    %add3A_446 = arith.addf %add3A_406, %mul3A_445 : vector<256x512xf32>
    %get3A_447 = arith.constant 11 : index
    %get3A_448 = arith.constant 0 : index
    %get3A_449 = arith.constant 0 : index
    %get3A_450 = vector.load %arg5[%get3A_447, %get3A_448, %get3A_449] : memref<16x256x128xf32, #tpu.memory_space<vmem>>, vector<1x256x128xf32>
    %get3A_451 = vector.shape_cast %get3A_450 : vector<1x256x128xf32> to vector<256x128xf32>
    %convert_element_type3A_452 = arith.truncf %get3A_451 : vector<256x128xf32> to vector<256x128xbf16>
    %sub3A_453 = arith.subf %convert_element_type3A, %convert_element_type3A_452 : vector<256x128xbf16>
    %dot_general3A_454 = arith.constant dense<0.000000e+00> : vector<256x512xf32>
    %dot_general3A_455 = tpu.matmul %sub3A_453, %convert_element_type3A_8, %dot_general3A_454 {dimension_numbers = #tpu.dot_dimension_numbers<[1], [0], [0], [1], [0, 0, 1, 1], [], []>, transpose_lhs_hint = false} : vector<256x128xbf16>, vector<128x512xbf16>, vector<256x512xf32> -> vector<256x512xf32>
    %get3A_456 = arith.constant 11 : index
    %get3A_457 = arith.constant 0 : index
    %get3A_458 = arith.constant 0 : index
    %get3A_459 = vector.load %arg4[%get3A_456, %get3A_457, %get3A_458] : memref<16x256x512xi32, #tpu.memory_space<vmem>>, vector<1x256x512xi32>
    %get3A_460 = vector.shape_cast %get3A_459 : vector<1x256x512xi32> to vector<256x512xi32>
    %and3A_461 = arith.constant -65536 : i32
    %and3A_462 = vector.broadcast %and3A_461 : i32 to vector<256x512xi32>
    %and3A_463 = arith.andi %get3A_460, %and3A_462 : vector<256x512xi32>
    %bitcast_convert_type3A_464 = tpu.bitcast %and3A_463 : vector<256x512xi32> -> vector<256x512xf32>
    %sub3A_465 = arith.subf %get3A_1, %bitcast_convert_type3A_464 : vector<256x512xf32>
    %add3A_466 = arith.addf %sub3A_465, %dot_general3A_455 : vector<256x512xf32>
    %max3A_467 = arith.constant 0.000000e+00 : f32
    %max3A_468 = vector.broadcast %max3A_467 : f32 to vector<256x512xf32>
    %max3A_469 = arith.maximumf %add3A_466, %max3A_468 : vector<256x512xf32>
    %convert_element_type3A_470 = arith.truncf %max3A_469 : vector<256x512xf32> to vector<256x512xbf16>
    %dot_general3A_471 = arith.constant dense<0.000000e+00> : vector<256x512xf32>
    %dot_general3A_472 = tpu.matmul %convert_element_type3A_470, %convert_element_type3A_12, %dot_general3A_471 {dimension_numbers = #tpu.dot_dimension_numbers<[1], [0], [0], [1], [0, 0, 1, 1], [], []>, transpose_lhs_hint = false} : vector<256x512xbf16>, vector<512x512xbf16>, vector<256x512xf32> -> vector<256x512xf32>
    %exp3A_473 = math.exp %dot_general3A_472 : vector<256x512xf32>
    %add3A_474 = arith.addf %add3A_434, %exp3A_473 : vector<256x512xf32>
    %get3A_475 = arith.constant 11 : index
    %get3A_476 = arith.constant 0 : index
    %get3A_477 = arith.constant 0 : index
    %get3A_478 = vector.load %arg4[%get3A_475, %get3A_476, %get3A_477] : memref<16x256x512xi32, #tpu.memory_space<vmem>>, vector<1x256x512xi32>
    %get3A_479 = vector.shape_cast %get3A_478 : vector<1x256x512xi32> to vector<256x512xi32>
    %shift_left3A_480 = arith.constant 16 : i32
    %shift_left3A_481 = vector.broadcast %shift_left3A_480 : i32 to vector<256x512xi32>
    %shift_left3A_482 = arith.shli %get3A_479, %shift_left3A_481 : vector<256x512xi32>
    %bitcast_convert_type3A_483 = tpu.bitcast %shift_left3A_482 : vector<256x512xi32> -> vector<256x512xf32>
    %add3A_484 = arith.addf %bitcast_convert_type3A_483, %dot_general3A_455 : vector<256x512xf32>
    %mul3A_485 = arith.mulf %exp3A_473, %add3A_484 : vector<256x512xf32>
    %add3A_486 = arith.addf %add3A_446, %mul3A_485 : vector<256x512xf32>
    %get3A_487 = arith.constant 12 : index
    %get3A_488 = arith.constant 0 : index
    %get3A_489 = arith.constant 0 : index
    %get3A_490 = vector.load %arg5[%get3A_487, %get3A_488, %get3A_489] : memref<16x256x128xf32, #tpu.memory_space<vmem>>, vector<1x256x128xf32>
    %get3A_491 = vector.shape_cast %get3A_490 : vector<1x256x128xf32> to vector<256x128xf32>
    %convert_element_type3A_492 = arith.truncf %get3A_491 : vector<256x128xf32> to vector<256x128xbf16>
    %sub3A_493 = arith.subf %convert_element_type3A, %convert_element_type3A_492 : vector<256x128xbf16>
    %dot_general3A_494 = arith.constant dense<0.000000e+00> : vector<256x512xf32>
    %dot_general3A_495 = tpu.matmul %sub3A_493, %convert_element_type3A_8, %dot_general3A_494 {dimension_numbers = #tpu.dot_dimension_numbers<[1], [0], [0], [1], [0, 0, 1, 1], [], []>, transpose_lhs_hint = false} : vector<256x128xbf16>, vector<128x512xbf16>, vector<256x512xf32> -> vector<256x512xf32>
    %get3A_496 = arith.constant 12 : index
    %get3A_497 = arith.constant 0 : index
    %get3A_498 = arith.constant 0 : index
    %get3A_499 = vector.load %arg4[%get3A_496, %get3A_497, %get3A_498] : memref<16x256x512xi32, #tpu.memory_space<vmem>>, vector<1x256x512xi32>
    %get3A_500 = vector.shape_cast %get3A_499 : vector<1x256x512xi32> to vector<256x512xi32>
    %and3A_501 = arith.constant -65536 : i32
    %and3A_502 = vector.broadcast %and3A_501 : i32 to vector<256x512xi32>
    %and3A_503 = arith.andi %get3A_500, %and3A_502 : vector<256x512xi32>
    %bitcast_convert_type3A_504 = tpu.bitcast %and3A_503 : vector<256x512xi32> -> vector<256x512xf32>
    %sub3A_505 = arith.subf %get3A_1, %bitcast_convert_type3A_504 : vector<256x512xf32>
    %add3A_506 = arith.addf %sub3A_505, %dot_general3A_495 : vector<256x512xf32>
    %max3A_507 = arith.constant 0.000000e+00 : f32
    %max3A_508 = vector.broadcast %max3A_507 : f32 to vector<256x512xf32>
    %max3A_509 = arith.maximumf %add3A_506, %max3A_508 : vector<256x512xf32>
    %convert_element_type3A_510 = arith.truncf %max3A_509 : vector<256x512xf32> to vector<256x512xbf16>
    %dot_general3A_511 = arith.constant dense<0.000000e+00> : vector<256x512xf32>
    %dot_general3A_512 = tpu.matmul %convert_element_type3A_510, %convert_element_type3A_12, %dot_general3A_511 {dimension_numbers = #tpu.dot_dimension_numbers<[1], [0], [0], [1], [0, 0, 1, 1], [], []>, transpose_lhs_hint = false} : vector<256x512xbf16>, vector<512x512xbf16>, vector<256x512xf32> -> vector<256x512xf32>
    %exp3A_513 = math.exp %dot_general3A_512 : vector<256x512xf32>
    %add3A_514 = arith.addf %add3A_474, %exp3A_513 : vector<256x512xf32>
    %get3A_515 = arith.constant 12 : index
    %get3A_516 = arith.constant 0 : index
    %get3A_517 = arith.constant 0 : index
    %get3A_518 = vector.load %arg4[%get3A_515, %get3A_516, %get3A_517] : memref<16x256x512xi32, #tpu.memory_space<vmem>>, vector<1x256x512xi32>
    %get3A_519 = vector.shape_cast %get3A_518 : vector<1x256x512xi32> to vector<256x512xi32>
    %shift_left3A_520 = arith.constant 16 : i32
    %shift_left3A_521 = vector.broadcast %shift_left3A_520 : i32 to vector<256x512xi32>
    %shift_left3A_522 = arith.shli %get3A_519, %shift_left3A_521 : vector<256x512xi32>
    %bitcast_convert_type3A_523 = tpu.bitcast %shift_left3A_522 : vector<256x512xi32> -> vector<256x512xf32>
    %add3A_524 = arith.addf %bitcast_convert_type3A_523, %dot_general3A_495 : vector<256x512xf32>
    %mul3A_525 = arith.mulf %exp3A_513, %add3A_524 : vector<256x512xf32>
    %add3A_526 = arith.addf %add3A_486, %mul3A_525 : vector<256x512xf32>
    %get3A_527 = arith.constant 13 : index
    %get3A_528 = arith.constant 0 : index
    %get3A_529 = arith.constant 0 : index
    %get3A_530 = vector.load %arg5[%get3A_527, %get3A_528, %get3A_529] : memref<16x256x128xf32, #tpu.memory_space<vmem>>, vector<1x256x128xf32>
    %get3A_531 = vector.shape_cast %get3A_530 : vector<1x256x128xf32> to vector<256x128xf32>
    %convert_element_type3A_532 = arith.truncf %get3A_531 : vector<256x128xf32> to vector<256x128xbf16>
    %sub3A_533 = arith.subf %convert_element_type3A, %convert_element_type3A_532 : vector<256x128xbf16>
    %dot_general3A_534 = arith.constant dense<0.000000e+00> : vector<256x512xf32>
    %dot_general3A_535 = tpu.matmul %sub3A_533, %convert_element_type3A_8, %dot_general3A_534 {dimension_numbers = #tpu.dot_dimension_numbers<[1], [0], [0], [1], [0, 0, 1, 1], [], []>, transpose_lhs_hint = false} : vector<256x128xbf16>, vector<128x512xbf16>, vector<256x512xf32> -> vector<256x512xf32>
    %get3A_536 = arith.constant 13 : index
    %get3A_537 = arith.constant 0 : index
    %get3A_538 = arith.constant 0 : index
    %get3A_539 = vector.load %arg4[%get3A_536, %get3A_537, %get3A_538] : memref<16x256x512xi32, #tpu.memory_space<vmem>>, vector<1x256x512xi32>
    %get3A_540 = vector.shape_cast %get3A_539 : vector<1x256x512xi32> to vector<256x512xi32>
    %and3A_541 = arith.constant -65536 : i32
    %and3A_542 = vector.broadcast %and3A_541 : i32 to vector<256x512xi32>
    %and3A_543 = arith.andi %get3A_540, %and3A_542 : vector<256x512xi32>
    %bitcast_convert_type3A_544 = tpu.bitcast %and3A_543 : vector<256x512xi32> -> vector<256x512xf32>
    %sub3A_545 = arith.subf %get3A_1, %bitcast_convert_type3A_544 : vector<256x512xf32>
    %add3A_546 = arith.addf %sub3A_545, %dot_general3A_535 : vector<256x512xf32>
    %max3A_547 = arith.constant 0.000000e+00 : f32
    %max3A_548 = vector.broadcast %max3A_547 : f32 to vector<256x512xf32>
    %max3A_549 = arith.maximumf %add3A_546, %max3A_548 : vector<256x512xf32>
    %convert_element_type3A_550 = arith.truncf %max3A_549 : vector<256x512xf32> to vector<256x512xbf16>
    %dot_general3A_551 = arith.constant dense<0.000000e+00> : vector<256x512xf32>
    %dot_general3A_552 = tpu.matmul %convert_element_type3A_550, %convert_element_type3A_12, %dot_general3A_551 {dimension_numbers = #tpu.dot_dimension_numbers<[1], [0], [0], [1], [0, 0, 1, 1], [], []>, transpose_lhs_hint = false} : vector<256x512xbf16>, vector<512x512xbf16>, vector<256x512xf32> -> vector<256x512xf32>
    %exp3A_553 = math.exp %dot_general3A_552 : vector<256x512xf32>
    %add3A_554 = arith.addf %add3A_514, %exp3A_553 : vector<256x512xf32>
    %get3A_555 = arith.constant 13 : index
    %get3A_556 = arith.constant 0 : index
    %get3A_557 = arith.constant 0 : index
    %get3A_558 = vector.load %arg4[%get3A_555, %get3A_556, %get3A_557] : memref<16x256x512xi32, #tpu.memory_space<vmem>>, vector<1x256x512xi32>
    %get3A_559 = vector.shape_cast %get3A_558 : vector<1x256x512xi32> to vector<256x512xi32>
    %shift_left3A_560 = arith.constant 16 : i32
    %shift_left3A_561 = vector.broadcast %shift_left3A_560 : i32 to vector<256x512xi32>
    %shift_left3A_562 = arith.shli %get3A_559, %shift_left3A_561 : vector<256x512xi32>
    %bitcast_convert_type3A_563 = tpu.bitcast %shift_left3A_562 : vector<256x512xi32> -> vector<256x512xf32>
    %add3A_564 = arith.addf %bitcast_convert_type3A_563, %dot_general3A_535 : vector<256x512xf32>
    %mul3A_565 = arith.mulf %exp3A_553, %add3A_564 : vector<256x512xf32>
    %add3A_566 = arith.addf %add3A_526, %mul3A_565 : vector<256x512xf32>
    %get3A_567 = arith.constant 14 : index
    %get3A_568 = arith.constant 0 : index
    %get3A_569 = arith.constant 0 : index
    %get3A_570 = vector.load %arg5[%get3A_567, %get3A_568, %get3A_569] : memref<16x256x128xf32, #tpu.memory_space<vmem>>, vector<1x256x128xf32>
    %get3A_571 = vector.shape_cast %get3A_570 : vector<1x256x128xf32> to vector<256x128xf32>
    %convert_element_type3A_572 = arith.truncf %get3A_571 : vector<256x128xf32> to vector<256x128xbf16>
    %sub3A_573 = arith.subf %convert_element_type3A, %convert_element_type3A_572 : vector<256x128xbf16>
    %dot_general3A_574 = arith.constant dense<0.000000e+00> : vector<256x512xf32>
    %dot_general3A_575 = tpu.matmul %sub3A_573, %convert_element_type3A_8, %dot_general3A_574 {dimension_numbers = #tpu.dot_dimension_numbers<[1], [0], [0], [1], [0, 0, 1, 1], [], []>, transpose_lhs_hint = false} : vector<256x128xbf16>, vector<128x512xbf16>, vector<256x512xf32> -> vector<256x512xf32>
    %get3A_576 = arith.constant 14 : index
    %get3A_577 = arith.constant 0 : index
    %get3A_578 = arith.constant 0 : index
    %get3A_579 = vector.load %arg4[%get3A_576, %get3A_577, %get3A_578] : memref<16x256x512xi32, #tpu.memory_space<vmem>>, vector<1x256x512xi32>
    %get3A_580 = vector.shape_cast %get3A_579 : vector<1x256x512xi32> to vector<256x512xi32>
    %and3A_581 = arith.constant -65536 : i32
    %and3A_582 = vector.broadcast %and3A_581 : i32 to vector<256x512xi32>
    %and3A_583 = arith.andi %get3A_580, %and3A_582 : vector<256x512xi32>
    %bitcast_convert_type3A_584 = tpu.bitcast %and3A_583 : vector<256x512xi32> -> vector<256x512xf32>
    %sub3A_585 = arith.subf %get3A_1, %bitcast_convert_type3A_584 : vector<256x512xf32>
    %add3A_586 = arith.addf %sub3A_585, %dot_general3A_575 : vector<256x512xf32>
    %max3A_587 = arith.constant 0.000000e+00 : f32
    %max3A_588 = vector.broadcast %max3A_587 : f32 to vector<256x512xf32>
    %max3A_589 = arith.maximumf %add3A_586, %max3A_588 : vector<256x512xf32>
    %convert_element_type3A_590 = arith.truncf %max3A_589 : vector<256x512xf32> to vector<256x512xbf16>
    %dot_general3A_591 = arith.constant dense<0.000000e+00> : vector<256x512xf32>
    %dot_general3A_592 = tpu.matmul %convert_element_type3A_590, %convert_element_type3A_12, %dot_general3A_591 {dimension_numbers = #tpu.dot_dimension_numbers<[1], [0], [0], [1], [0, 0, 1, 1], [], []>, transpose_lhs_hint = false} : vector<256x512xbf16>, vector<512x512xbf16>, vector<256x512xf32> -> vector<256x512xf32>
    %exp3A_593 = math.exp %dot_general3A_592 : vector<256x512xf32>
    %add3A_594 = arith.addf %add3A_554, %exp3A_593 : vector<256x512xf32>
    %get3A_595 = arith.constant 14 : index
    %get3A_596 = arith.constant 0 : index
    %get3A_597 = arith.constant 0 : index
    %get3A_598 = vector.load %arg4[%get3A_595, %get3A_596, %get3A_597] : memref<16x256x512xi32, #tpu.memory_space<vmem>>, vector<1x256x512xi32>
    %get3A_599 = vector.shape_cast %get3A_598 : vector<1x256x512xi32> to vector<256x512xi32>
    %shift_left3A_600 = arith.constant 16 : i32
    %shift_left3A_601 = vector.broadcast %shift_left3A_600 : i32 to vector<256x512xi32>
    %shift_left3A_602 = arith.shli %get3A_599, %shift_left3A_601 : vector<256x512xi32>
    %bitcast_convert_type3A_603 = tpu.bitcast %shift_left3A_602 : vector<256x512xi32> -> vector<256x512xf32>
    %add3A_604 = arith.addf %bitcast_convert_type3A_603, %dot_general3A_575 : vector<256x512xf32>
    %mul3A_605 = arith.mulf %exp3A_593, %add3A_604 : vector<256x512xf32>
    %add3A_606 = arith.addf %add3A_566, %mul3A_605 : vector<256x512xf32>
    %get3A_607 = arith.constant 15 : index
    %get3A_608 = arith.constant 0 : index
    %get3A_609 = arith.constant 0 : index
    %get3A_610 = vector.load %arg5[%get3A_607, %get3A_608, %get3A_609] : memref<16x256x128xf32, #tpu.memory_space<vmem>>, vector<1x256x128xf32>
    %get3A_611 = vector.shape_cast %get3A_610 : vector<1x256x128xf32> to vector<256x128xf32>
    %convert_element_type3A_612 = arith.truncf %get3A_611 : vector<256x128xf32> to vector<256x128xbf16>
    %sub3A_613 = arith.subf %convert_element_type3A, %convert_element_type3A_612 : vector<256x128xbf16>
    %dot_general3A_614 = arith.constant dense<0.000000e+00> : vector<256x512xf32>
    %dot_general3A_615 = tpu.matmul %sub3A_613, %convert_element_type3A_8, %dot_general3A_614 {dimension_numbers = #tpu.dot_dimension_numbers<[1], [0], [0], [1], [0, 0, 1, 1], [], []>, transpose_lhs_hint = false} : vector<256x128xbf16>, vector<128x512xbf16>, vector<256x512xf32> -> vector<256x512xf32>
    %get3A_616 = arith.constant 15 : index
    %get3A_617 = arith.constant 0 : index
    %get3A_618 = arith.constant 0 : index
    %get3A_619 = vector.load %arg4[%get3A_616, %get3A_617, %get3A_618] : memref<16x256x512xi32, #tpu.memory_space<vmem>>, vector<1x256x512xi32>
    %get3A_620 = vector.shape_cast %get3A_619 : vector<1x256x512xi32> to vector<256x512xi32>
    %and3A_621 = arith.constant -65536 : i32
    %and3A_622 = vector.broadcast %and3A_621 : i32 to vector<256x512xi32>
    %and3A_623 = arith.andi %get3A_620, %and3A_622 : vector<256x512xi32>
    %bitcast_convert_type3A_624 = tpu.bitcast %and3A_623 : vector<256x512xi32> -> vector<256x512xf32>
    %sub3A_625 = arith.subf %get3A_1, %bitcast_convert_type3A_624 : vector<256x512xf32>
    %add3A_626 = arith.addf %sub3A_625, %dot_general3A_615 : vector<256x512xf32>
    %max3A_627 = arith.constant 0.000000e+00 : f32
    %max3A_628 = vector.broadcast %max3A_627 : f32 to vector<256x512xf32>
    %max3A_629 = arith.maximumf %add3A_626, %max3A_628 : vector<256x512xf32>
    %convert_element_type3A_630 = arith.truncf %max3A_629 : vector<256x512xf32> to vector<256x512xbf16>
    %dot_general3A_631 = arith.constant dense<0.000000e+00> : vector<256x512xf32>
    %dot_general3A_632 = tpu.matmul %convert_element_type3A_630, %convert_element_type3A_12, %dot_general3A_631 {dimension_numbers = #tpu.dot_dimension_numbers<[1], [0], [0], [1], [0, 0, 1, 1], [], []>, transpose_lhs_hint = false} : vector<256x512xbf16>, vector<512x512xbf16>, vector<256x512xf32> -> vector<256x512xf32>
    %exp3A_633 = math.exp %dot_general3A_632 : vector<256x512xf32>
    %add3A_634 = arith.addf %add3A_594, %exp3A_633 : vector<256x512xf32>
    %get3A_635 = arith.constant 15 : index
    %get3A_636 = arith.constant 0 : index
    %get3A_637 = arith.constant 0 : index
    %get3A_638 = vector.load %arg4[%get3A_635, %get3A_636, %get3A_637] : memref<16x256x512xi32, #tpu.memory_space<vmem>>, vector<1x256x512xi32>
    %get3A_639 = vector.shape_cast %get3A_638 : vector<1x256x512xi32> to vector<256x512xi32>
    %shift_left3A_640 = arith.constant 16 : i32
    %shift_left3A_641 = vector.broadcast %shift_left3A_640 : i32 to vector<256x512xi32>
    %shift_left3A_642 = arith.shli %get3A_639, %shift_left3A_641 : vector<256x512xi32>
    %bitcast_convert_type3A_643 = tpu.bitcast %shift_left3A_642 : vector<256x512xi32> -> vector<256x512xf32>
    %add3A_644 = arith.addf %bitcast_convert_type3A_643, %dot_general3A_615 : vector<256x512xf32>
    %mul3A_645 = arith.mulf %exp3A_633, %add3A_644 : vector<256x512xf32>
    %add3A_646 = arith.addf %add3A_606, %mul3A_645 : vector<256x512xf32>
    %get3A_647 = arith.constant 0 : index
    %get3A_648 = arith.constant 0 : index
    %get3A_649 = vector.load %arg2[%get3A_647, %get3A_648] : memref<256x512xf32, #tpu.memory_space<vmem>>, vector<256x512xf32>
    %div3A = arith.divf %add3A_646, %add3A_634 : vector<256x512xf32>
    %add3A_650 = arith.addf %get3A_649, %div3A : vector<256x512xf32>
    %swap3A = arith.constant 0 : index
    %swap3A_651 = arith.constant 0 : index
    %swap3A_652 = vector.load %arg8[%swap3A, %swap3A_651] : memref<256x512xf32, #tpu.memory_space<vmem>>, vector<256x512xf32>
    tpu.vector_store %arg8[%swap3A, %swap3A_651], %add3A_650 {strides = array<i32>} : memref<256x512xf32, #tpu.memory_space<vmem>>, vector<256x512xf32>,
    return
  }
  func.func @transform_0(%arg0: i32) -> (i32, i32) {
    %c0_i32 = arith.constant 0 : i32
    %c0_i32_0 = arith.constant 0 : i32
    return %arg0, %c0_i32 : i32, i32
  }
  func.func @transform_1(%arg0: i32) -> (i32, i32) {
    %c0_i32 = arith.constant 0 : i32
    %c0_i32_0 = arith.constant 0 : i32
    return %arg0, %c0_i32 : i32, i32
  }
  func.func @transform_2(%arg0: i32) -> (i32, i32) {
    %c0_i32 = arith.constant 0 : i32
    %c0_i32_0 = arith.constant 0 : i32
    return %arg0, %c0_i32 : i32, i32
  }
  func.func @transform_3(%arg0: i32) -> (i32, i32, i32) {
    %c0_i32 = arith.constant 0 : i32
    %c0_i32_0 = arith.constant 0 : i32
    %c0_i32_1 = arith.constant 0 : i32
    return %c0_i32, %arg0, %c0_i32_0 : i32, i32, i32
  }
  func.func @transform_4(%arg0: i32) -> (i32, i32, i32) {
    %c0_i32 = arith.constant 0 : i32
    %c0_i32_0 = arith.constant 0 : i32
    %c0_i32_1 = arith.constant 0 : i32
    return %c0_i32, %arg0, %c0_i32_0 : i32, i32, i32
  }
  func.func @transform_5(%arg0: i32) -> (i32, i32) {
    %c0_i32 = arith.constant 0 : i32
    %c0_i32_0 = arith.constant 0 : i32
    %c0_i32_1 = arith.constant 0 : i32
    return %c0_i32, %c0_i32_0 : i32, i32
  }
  func.func @transform_6(%arg0: i32) -> (i32, i32) {
    %c0_i32 = arith.constant 0 : i32
    %c0_i32_0 = arith.constant 0 : i32
    %c0_i32_1 = arith.constant 0 : i32
    return %c0_i32, %c0_i32_0 : i32, i32
  }
  func.func @transform_7(%arg0: i32) -> (i32, i32) {
    %c0_i32 = arith.constant 0 : i32
    %c0_i32_0 = arith.constant 0 : i32
    return %arg0, %c0_i32 : i32, i32
  }
}

module attributes {stable_mosaic.version = 14 : i64} {
  func.func @_pool_body(%arg0: memref<1024x512xf32, #tpu.memory_space<vmem>>, %arg1: memref<1024x512xf32, #tpu.memory_space<vmem>>, %arg2: memref<512x128xf32, #tpu.memory_space<vmem>>, %arg3: memref<512x128xf32, #tpu.memory_space<vmem>>, %arg4: memref<1x128xf32, #tpu.memory_space<vmem>>, %arg5: memref<1x128xf32, #tpu.memory_space<vmem>>) attributes {dimension_semantics = [], scalar_prefetch = 0 : i64, scratch_operands = 0 : i64, tpu.core_type = #tpu.core_type<tc>} {
    %get3A = arith.constant 0 : index
    %get3A_0 = arith.constant 0 : index
    %get3A_1 = vector.load %arg0[%get3A, %get3A_0] : memref<1024x512xf32, #tpu.memory_space<vmem>>, vector<1024x512xf32>
    %reduce_sum3A = arith.constant dense<0.000000e+00> : vector<512xf32>
    %reduce_sum3A_2 = vector.multi_reduction <add>, %get3A_1, %reduce_sum3A [0] : vector<1024x512xf32> to vector<512xf32>
    %broadcast_in_dim3A = vector.shape_cast %reduce_sum3A_2 : vector<512xf32> to vector<1x512xf32>
    %mul3A = arith.constant 9.765625E-4 : f32
    %mul3A_3 = vector.broadcast %mul3A : f32 to vector<1x512xf32>
    %mul3A_4 = arith.mulf %broadcast_in_dim3A, %mul3A_3 : vector<1x512xf32>
    %get3A_5 = arith.constant 0 : index
    %get3A_6 = arith.constant 0 : index
    %get3A_7 = vector.load %arg1[%get3A_5, %get3A_6] : memref<1024x512xf32, #tpu.memory_space<vmem>>, vector<1024x512xf32>
    %reduce_sum3A_8 = arith.constant dense<0.000000e+00> : vector<512xf32>
    %reduce_sum3A_9 = vector.multi_reduction <add>, %get3A_7, %reduce_sum3A_8 [0] : vector<1024x512xf32> to vector<512xf32>
    %broadcast_in_dim3A_10 = vector.shape_cast %reduce_sum3A_9 : vector<512xf32> to vector<1x512xf32>
    %mul3A_11 = arith.constant 9.765625E-4 : f32
    %mul3A_12 = vector.broadcast %mul3A_11 : f32 to vector<1x512xf32>
    %mul3A_13 = arith.mulf %broadcast_in_dim3A_10, %mul3A_12 : vector<1x512xf32>
    %get3A_14 = arith.constant 0 : index
    %get3A_15 = arith.constant 0 : index
    %get3A_16 = vector.load %arg2[%get3A_14, %get3A_15] : memref<512x128xf32, #tpu.memory_space<vmem>>, vector<512x128xf32>
    %dot_general3A = arith.constant dense<0.000000e+00> : vector<1x128xf32>
    %dot_general3A_17 = tpu.matmul %mul3A_4, %get3A_16, %dot_general3A {dimension_numbers = #tpu.dot_dimension_numbers<[1], [0], [0], [1], [0, 0, 1, 1], [], []>, transpose_lhs_hint = false} : vector<1x512xf32>, vector<512x128xf32>, vector<1x128xf32> -> vector<1x128xf32>
    %get3A_18 = arith.constant 0 : index
    %get3A_19 = arith.constant 0 : index
    %get3A_20 = vector.load %arg3[%get3A_18, %get3A_19] : memref<512x128xf32, #tpu.memory_space<vmem>>, vector<512x128xf32>
    %dot_general3A_21 = arith.constant dense<0.000000e+00> : vector<1x128xf32>
    %dot_general3A_22 = tpu.matmul %mul3A_13, %get3A_20, %dot_general3A_21 {dimension_numbers = #tpu.dot_dimension_numbers<[1], [0], [0], [1], [0, 0, 1, 1], [], []>, transpose_lhs_hint = false} : vector<1x512xf32>, vector<512x128xf32>, vector<1x128xf32> -> vector<1x128xf32>
    %add3A = arith.addf %dot_general3A_17, %dot_general3A_22 : vector<1x128xf32>
    %get3A_23 = arith.constant 0 : index
    %get3A_24 = arith.constant 0 : index
    %get3A_25 = vector.load %arg4[%get3A_23, %get3A_24] : memref<1x128xf32, #tpu.memory_space<vmem>>, vector<1x128xf32>
    %add3A_26 = arith.addf %add3A, %get3A_25 : vector<1x128xf32>
    %swap3A = arith.constant 0 : index
    %swap3A_27 = arith.constant 0 : index
    %swap3A_28 = vector.load %arg5[%swap3A, %swap3A_27] : memref<1x128xf32, #tpu.memory_space<vmem>>, vector<1x128xf32>
    tpu.vector_store %arg5[%swap3A, %swap3A_27], %add3A_26 {strides = array<i32>} : memref<1x128xf32, #tpu.memory_space<vmem>>, vector<1x128xf32>,
    return
  }
}

module attributes {stable_mosaic.version = 14 : i64} {
  func.func @_proj_body(%arg0: memref<1024x128xf32, #tpu.memory_space<vmem>>, %arg1: memref<128x128xf32, #tpu.memory_space<vmem>>, %arg2: memref<1024x128xf32, #tpu.memory_space<vmem>>) attributes {dimension_semantics = [], scalar_prefetch = 0 : i64, scratch_operands = 0 : i64, tpu.core_type = #tpu.core_type<tc>} {
    %get3A = arith.constant 0 : index
    %get3A_0 = arith.constant 0 : index
    %get3A_1 = vector.load %arg0[%get3A, %get3A_0] : memref<1024x128xf32, #tpu.memory_space<vmem>>, vector<1024x128xf32>
    %get3A_2 = arith.constant 0 : index
    %get3A_3 = arith.constant 0 : index
    %get3A_4 = vector.load %arg1[%get3A_2, %get3A_3] : memref<128x128xf32, #tpu.memory_space<vmem>>, vector<128x128xf32>
    %dot_general3A = arith.constant dense<0.000000e+00> : vector<1024x128xf32>
    %dot_general3A_5 = tpu.matmul %get3A_1, %get3A_4, %dot_general3A {dimension_numbers = #tpu.dot_dimension_numbers<[1], [0], [0], [1], [0, 0, 1, 1], [], []>, transpose_lhs_hint = false} : vector<1024x128xf32>, vector<128x128xf32>, vector<1024x128xf32> -> vector<1024x128xf32>
    %mul3A = arith.mulf %dot_general3A_5, %dot_general3A_5 : vector<1024x128xf32>
    %reduce_sum3A = arith.constant dense<0.000000e+00> : vector<1024xf32>
    %reduce_sum3A_6 = vector.multi_reduction <add>, %mul3A, %reduce_sum3A [1] : vector<1024x128xf32> to vector<1024xf32>
    %broadcast_in_dim3A = vector.shape_cast %reduce_sum3A_6 : vector<1024xf32> to vector<1024x1xf32>
    %sqrt3A = math.sqrt %broadcast_in_dim3A : vector<1024x1xf32>
    %max3A = arith.constant 9.99999996E-13 : f32
    %max3A_7 = vector.broadcast %max3A : f32 to vector<1024x1xf32>
    %max3A_8 = arith.maximumf %sqrt3A, %max3A_7 : vector<1024x1xf32>
    %div3A = vector.broadcast %max3A_8 : vector<1024x1xf32> to vector<1024x128xf32>
    %div3A_9 = arith.divf %dot_general3A_5, %div3A : vector<1024x128xf32>
    %swap3A = arith.constant 0 : index
    %swap3A_10 = arith.constant 0 : index
    %swap3A_11 = vector.load %arg2[%swap3A, %swap3A_10] : memref<1024x128xf32, #tpu.memory_space<vmem>>, vector<1024x128xf32>
    tpu.vector_store %arg2[%swap3A, %swap3A_10], %div3A_9 {strides = array<i32>} : memref<1024x128xf32, #tpu.memory_space<vmem>>, vector<1024x128xf32>,
    return
  }
}

</mosaic_0001>

<sc_bundles>
// kernel: kernel.21.cloned.1.call-start
scs
__scs_entry_jumppad:
0x0: {  	(pc) =	sbr.rel $0x88, $3  }
0x1: {  	(tag) =	ssettag $0x0;
	lr =	simm.s32 $0x1  }
0x2: {  	[smem:$0x3F8E] =	sst lr;
	_ =	strace $0xD0000000  }
0x3: {  	_ = 	snop  }
0x4: {  	_ = 	snop  }
0x5: {  	_ = 	snop  }
0x6: {  	_ = 	snop  }
0x7: {  	_ = 	snop  }
__scs_overlays_trampoline_lowered:
0x8: {  	[smem:$0x3F9D] =	sst s0  }
0x9: {  	[smem:$0x3F9E] =	sst s1  }
0xa: {  	[smem:$0x3F9F] =	sst s2  }
0xb: {  	[smem:$0x3FA0] =	sst s3  }
0xc: {  	[smem:$0x3FA1] =	sst s4  }
0xd: {  	[smem:$0x3FA2] =	sst s5  }
0xe: {  	[smem:$0x3FA3] =	sst s6  }
0xf: {  	[smem:$0x3FA4] =	sst s7  }
0x10: {  	[smem:$0x3FA5] =	sst s8  }
0x11: {  	[smem:$0x3FA6] =	sst s9;
	s0 =	simm.s32 @!p0 $0x0  }
0x12: {  	s1 =	sld [smem:$0x3F8C];
	s0 =	simm.s32 @p0 $0x1  }
0x13: {  	[smem:$0x3FA7] =	sst s0;
	s0 =	simm.s32 @!p1 $0x0  }
0x14: {  	s2 =	sld [smem:$0x3F8B];
	s0 =	simm.s32 @p1 $0x1  }
0x15: {  	[smem:$0x3FA8] =	sst s0;
	s0 =	simm.s32 @!p2 $0x0  }
0x16: {  	s3 =	sld [smem:$0x3FDB];
	s0 =	simm.s32 @p2 $0x1  }
0x17: {  	s4 =	simm.s32 $0x1BF5;
	[smem:$0x3FAA] =	sst s0  }
0x18: {  	s0 =	sld [smem:$0x3F8D];
	_ =	swait.ge [sflag:s4], $0x0  }
0x19: {  	s7 =	sld [smem:$0x3F8E]  }
0x1a: {  	s8 =	sadd.s32 $0xFFFFE003, lr  }
0x1b: {  	s9 =	sadd.s32 $0xFFFFFEF7, lr;
	s5 =	simm.s32 $0xFFFFFFFF;
	p2 =	slt.u32 s8, $0xFFFFF086  }
0x1c: {  	p1 =	slt.u32 s9, $0xF7A;
	s5 =	simm.s32 @!p2 $0x0  }
0x1d: {  	s5 =	simm.s32 @p1 $0x1;
	p0 =	seq.s32 s7, s2  }
0x1e: {  	s7 =	smul.u32 @!p0 $0xF7A, s2;
	p2 =	seq.s32 @!p0 s5, $0x0  }
0x1f: {  	s9 =	smul.u32 $0xF7A, s1;
	s8 =	simm.s32 @!p0 $0x1BF5;
	p2 =	por !p2, p0  }
0x20: {  	[sflag:s8] =	ssyncset.s32 @!p0 $0xFFFFF086;
	s6 =	sadd.s32 @!p0 s3, s7;
	s7 =	simm.s32 @!p0 $0x108  }
0x21: {  	s3 =	sadd.s32 s3, s9;
	s6 =	sadd.s32 @!p0 $0x88, s6;
	s7 =	simm.s32 @p2 $0x1082  }
0x22: {  	[simem:s7], [sflag:s8] =	dma.local @!p0 [hbm:s6], $0xF7A  }
0x23: {  	s9 =	sor.u32 $0xD0000000, s2;
	s6 =	simm.s32 $0x108;
	_ =	swait.ge @!p0 [sflag:s8], $0x0  }
0x24: {  	s3 =	sadd.s32 $0x88, s3;
	s6 =	simm.s32 @!p1 $0x1082;
	[sflag:s4] =	ssyncset.s32 $0xFFFFF086  }
0x25: {  	[simem:s6], [sflag:s4] =	dma.local [hbm:s3], $0xF7A  }
0x26: {  	[smem:$0x3F8E] =	sst s1;
	(tag) =	ssettag s2;
	_ =	strace s9  }
0x27: {  	s1 =	sld [smem:$0x3F9E]  }
0x28: {  	s2 =	sld [smem:$0x3F9F]  }
0x29: {  	s4 =	sld [smem:$0x3FA1]  }
0x2a: {  	p0 =	seq.s32 s5, $0x0;
	s5 =	sld [smem:$0x3FA2]  }
0x2b: {  	s6 =	sld [smem:$0x3FA3]  }
0x2c: {  	s7 =	sld [smem:$0x3FA4]  }
0x2d: {  	s3 =	simm.s32 $0x108;
	s8 =	sld [smem:$0x3FA5]  }
0x2e: {  	s3 =	simm.s32 @!p0 $0x1082;
	s9 =	sld [smem:$0x3FA6]  }
0x2f: {  	lr =	sadd.s32 s0, s3;
	s0 =	sld [smem:$0x3F9D]  }
0x30: {  	s3 =	sld [smem:$0x3FA0]  }
0x31: {  	[smem:$0x3FA9] =	sst s10  }
0x32: {  	s10 =	sld [smem:$0x3FA7];
	_ =	sdelay $0x3  }
0x33: {  	p0 =	seq.s32 s10, $0x1;
	s10 =	sld [smem:$0x3FA9];
	_ =	sdelay $0x3  }
0x34: {  	[smem:$0x3FA9] =	sst s10  }
0x35: {  	s10 =	sld [smem:$0x3FA8];
	_ =	sdelay $0x3  }
0x36: {  	p1 =	seq.s32 s10, $0x1;
	s10 =	sld [smem:$0x3FA9];
	_ =	sdelay $0x3  }
0x37: {  	[smem:$0x3FA9] =	sst s10  }
0x38: {  	s10 =	sld [smem:$0x3FAA]  }
0x39: {  	_ = 	snop;
	(pc) =	sbr.ind lr, $3  }
0x3a: {  	_ = 	snop  }
0x3b: {  	_ = 	snop  }
0x3c: {  	p2 =	seq.s32 s10, $0x1;
	s10 =	sld [smem:$0x3FA9]  }
0x3d: {  	_ =	shalt  }
0x3e: {  	_ =	shalt  }
0x3f: {  	_ =	shalt  }
0x40: {  	_ =	shalt  }
0x41: {  	_ =	shalt  }
0x42: {  	_ =	shalt  }
0x43: {  	_ =	shalt  }
0x44: {  	_ =	shalt  }
0x45: {  	_ =	shalt  }
0x46: {  	_ =	shalt  }
0x47: {  	_ =	shalt  }
0x48: {  	_ =	shalt  }
0x49: {  	_ =	shalt  }
0x4a: {  	_ =	shalt  }
0x4b: {  	_ =	shalt  }
0x4c: {  	_ =	shalt  }
0x4d: {  	_ =	shalt  }
0x4e: {  	_ =	shalt  }
0x4f: {  	_ =	shalt  }
0x50: {  	_ =	shalt  }
0x51: {  	_ =	shalt  }
0x52: {  	_ =	shalt  }
0x53: {  	_ =	shalt  }
0x54: {  	_ =	shalt  }
0x55: {  	_ =	shalt  }
0x56: {  	_ =	shalt  }
0x57: {  	_ =	shalt  }
0x58: {  	_ =	shalt  }
0x59: {  	_ =	shalt  }
0x5a: {  	_ =	shalt  }
0x5b: {  	_ =	shalt  }
0x5c: {  	_ =	shalt  }
0x5d: {  	_ =	shalt  }
0x5e: {  	_ =	shalt  }
0x5f: {  	_ =	shalt  }
0x60: {  	_ =	shalt  }
0x61: {  	_ =	shalt  }
0x62: {  	_ =	shalt  }
0x63: {  	_ =	shalt  }
0x64: {  	_ =	shalt  }
0x65: {  	_ =	shalt  }
0x66: {  	_ =	shalt  }
0x67: {  	_ =	shalt  }
0x68: {  	_ =	shalt  }
0x69: {  	_ =	shalt  }
0x6a: {  	_ =	shalt  }
0x6b: {  	_ =	shalt  }
0x6c: {  	_ =	shalt  }
0x6d: {  	_ =	shalt  }
0x6e: {  	_ =	shalt  }
0x6f: {  	_ =	shalt  }
0x70: {  	_ =	shalt  }
0x71: {  	_ =	shalt  }
0x72: {  	_ =	shalt  }
0x73: {  	_ =	shalt  }
0x74: {  	_ =	shalt  }
0x75: {  	_ =	shalt  }
0x76: {  	_ =	shalt  }
0x77: {  	_ =	shalt  }
0x78: {  	_ =	shalt  }
0x79: {  	_ =	shalt  }
0x7a: {  	_ =	shalt  }
0x7b: {  	_ =	shalt  }
0x7c: {  	_ =	shalt  }
0x7d: {  	_ =	shalt  }
0x7e: {  	_ =	shalt  }
0x7f: {  	_ =	shalt  }
0x80: {  	_ =	shalt  }
0x81: {  	_ =	shalt  }
0x82: {  	_ =	shalt  }
0x83: {  	_ =	shalt  }
0x84: {  	_ =	shalt  }
0x85: {  	_ =	shalt  }
0x86: {  	_ =	shalt  }
0x87: {  	_ =	shalt  }
.Lfunc_end0:
.L_simem_size_0:
called_computation_lowered:
.L_overlay_start_0:
0x88: {  	s2 =	sld [smem:$0x3FD9]  }
0x89: {  	s3 =	sld [smem:$0x3FFE];
	_ =	sdelay $0x1  }
0x8a: {  	s1 =	srdreg.scid  }
0x8b: {  	s0 =	sand.u32 $0x1, s1  }
0x8c: {  	s17 =	sshll.u32 s0, $0xA;
	s2 =	sadd.s32 s3, s2  }
0x8d: {  	s2 =	sadd.s32 s2, s17  }
0x8e: {  	[smem:$0x3FB5] =	sst s2  }
0x8f: {  	_ = 	snop  }
0x90: {  	(tm) =	ssettm $0x1  }
0x91: {  	s18 =	sld [smem:$0x3FFB];
	_ =	sdelay $0x3  }
0x92: {  	_ =	strace s18  }
0x93: {  	s2 =	sld [smem:$0x3FFC];
	_ =	sdelay $0x3  }
0x94: {  	_ =	strace s2  }
0x95: {  	s2 =	sld [smem:$0x3FFD];
	_ =	sdelay $0x3  }
0x96: {  	_ =	strace s2  }
0x97: {  	_ =	strace $0x8FFFFFFF  }
0x98: {  	s19 =	sld [smem:$0x3FDB];
	_ =	sdelay $0x1  }
0x99: {  	s20 =	simm.s32 $_scs_section_size  }
0x9a: {  	s4 =	simm.s32 $_size__tile_overlayer_lowered;
	s5 =	simm.s32 $_tile_overlayer_lowered  }
0x9b: {  	s6 =	simm.s32 $0x1BFF;
	s21 =	sshll.u32 s5, $0x1;
	s3 =	sadd.s32 s20, s19  }
0x9c: {  	s22 =	simm.s32 $0x0;
	s4 =	sshll.u32 s4, $0x1;
	s5 =	sadd.s32 s21, s3  }
0x9d: {  	[timem:s22], [sflag:s6] =	dma.local [hbm:s5], s4  }
0x9e: {  	_ =	swait.ge [sflag:s6], s4  }
0x9f: {  	s4 =	ssub.s32 $0x0, s4;
	[sflag:s6] =	ssyncset.done $0x0  }
0xa0: {  	[sflag:s6] =	ssyncadd.s32 s4;
	_ =	sdelay $0x1  }
0xa1: {  	s23 =	simm.s32 $0x1B8B  }
0xa2: {  	_ =	swait.ge [sflag:s23], $0x1  }
0xa3: {  	[sflag:s23] =	ssyncset.done $0x0  }
0xa4: {  	[sflag:s23] =	ssyncadd.s32 $0xFFFFFFFF  }
0xa5: {  	s4 =	sld [smem:$0x0]  }
0xa6: {  	s5 =	sand.u32 $0xFFFFFFFE, s1  }
0xa7: {  	p0 =	sne.s32 s1, s5  }
0xa8: {  	s5 =	sshll.u32 @p0 s5, $0xE  }
0xa9: {  	s5 =	sadd.s32 @p0 $0x11B8D, s5;
	s6 =	sshll.u32 @p0 s4, $0x11  }
0xaa: {  	s5 =	sor.u32 @p0 s6, s5  }
0xab: {  	[sflag:s5] =	ssyncadd.remote.s32 @p0 $0x1;
	_ =	sdelay $0x1  }
0xac: {  	s5 =	simm.s32 @p0 $0x1B8D  }
0xad: {  	_ =	swait.eq @p0 [sflag:s5], $0x1  }
0xae: {  	[sflag:s5] =	ssyncadd.s32 @p0 $0xFFFFFFFF  }
0xaf: {  	s6 =	sshll.u32 @!p0 s1, $0xE  }
0xb0: {  	s6 =	sor.u32 @!p0 $0x4000, s6;
	s5 =	simm.s32 @!p0 $0x1B8D  }
0xb1: {  	s4 =	sshll.u32 @!p0 s4, $0x11;
	s6 =	sadd.s32 @!p0 $0x11B8D, s6;
	_ =	swait.eq @!p0 [sflag:s5], $0x1  }
0xb2: {  	s4 =	sor.u32 @!p0 s4, s6;
	[sflag:s5] =	ssyncadd.s32 @!p0 $0xFFFFFFFF  }
0xb3: {  	s25 =	simm.s32 $0x1B8E;
	s24 =	sld [smem:$0x3FFE];
	[sflag:s4] =	ssyncadd.remote.s32 @!p0 $0x1  }
0xb4: {  	s26 =	simm.s32 $execute0_lowered;
	[smem:$0x3FD2] =	sst s25  }
0xb5: {  	s5 =	sshll.u32 s26, $0x1;
	_ =	strace $0x8000004C;
	[dreg:$0x1] =	wrdreg $0xFFFFFFFF  }
0xb6: {  	s28 =	simm.s32 $_size_execute0_lowered;
	s3 =	sadd.s32 s3, s5;
	[dreg:$0x0] =	wrdreg $0x0  }
0xb7: {  	s5 =	sshll.u32 s28, $0x1;
	[dreg:$0x2] =	wrdreg s3  }
0xb8: {  	[dreg:$0x3] =	wrdreg s5  }
0xb9: {  	[dreg:$0x4] =	wrdreg $0xC0  }
0xba: {  	_ =	task [dreg:s22], $0x5FFFF  }
0xbb: {  	[dreg:$0x1] =	wrdreg $0xFFFFFFFF  }
0xbc: {  	[dreg:$0x0] =	wrdreg $0x60  }
0xbd: {  	[dreg:$0x2] =	wrdreg s24  }
0xbe: {  	[dreg:$0x3] =	wrdreg $0x9  }
0xbf: {  	_ =	task.clear_ibuf [dreg:s22], $0x4FFFF;
	_ =	strace $0x9000004C  }
0xc0: {  	s29 =	simm.s32 $0x9;
	_ =	strace $0x8000004E  }
0xc1: {  	_ =	swait.ge [sflag:s29], $0x1  }
0xc2: {  	[sflag:s29] =	ssyncadd.s32 $0xFFFFFFFF  }
0xc3: {  	_ =	strace $0x9000004E  }
0xc4: {  	_ =	sfence  }
0xc5: {  	s30 =	sld [smem:$0x0];
	_ =	sdelay $0x2  }
0xc6: {  	s31 =	sshll.u32 s1, $0xD;
	s1 =	sshrl.u32 s1, $0x2  }
0xc7: {  	s4 =	sand.u32 $0x4000, s31;
	s1 =	sadd.s32 s1, s30  }
0xc8: {  	s0 =	sor.u32 s4, s0;
	s1 =	sshll.u32 s1, $0x11  }
0xc9: {  	s0 =	sor.u32 s1, s0  }
0xca: {  	s0 =	sadd.s32 $0x8F2B, s0  }
0xcb: {  	[sflag:s0] =	ssyncadd.remote.s32 $0x1  }
0xcc: {  	_ =	sfence.sel $0xFFFF  }
0xcd: {  	[dreg:$0x0] =	wrdreg $0xFFFFFFFF;
	(pc) =	sbr.abs _section_cstart, $3  }
0xce: {  	[dreg:$0x1] =	wrdreg $0xFFFFFFFF  }
0xcf: {  	_ =	task.clear_ibuf [dreg:s22], $0x2FFFF;
	_ =	strace $0x9FFFFFFF  }
0xd0: {  	(tm) =	ssettm $0x7FFFFFFF  }
0xd1: {  	_ =	shalt  }
tec
execute0_lowered:
.L_overlay_start_1:
0x0: {  	(tag) =	ssettag $0x1  }
0x1: {  	s1 =	srdreg.scid  }
0x2: {  	s0 =	stileid.u32;
	s12 =	sand.u32 $0x1, s1  }
0x3: {  	s31 =	sshll.u32 s0, $0xA;
	s2 =	sshll.u32 s12, $0x9  }
0x4: {  	s11 =	sor.u32 s2, s31  }
0x5: {  	s10 =	rddreg [dreg:$0x0];
	s2 =	simm.s32 $0x0;
	s3 =	sshrl.u32 s11, $0x3  }
0x6: {  	s4 =	simm.s32 $0x5;
	[smem:$0x7FF] =	sst s2;
	s3 =	sadd.s32 s3, s10  }
0x7: {  	s1 =	rddreg [dreg:$0x1];
	_ =	strace $0x8000004D;
	s3 =	sadd.s32 $0x15EA00, s3  }
0x8: {  	[tilespmem:s2], [sflag:$0x5] =	stream.linear.gather [hbm4b:s3+s2], $0x200, $0x38;
	[tilespmem:$0x10200] =	vst v63  }
0x9: {  	_ =	swait.ge [sflag:s4], $0x200  }
0xa: {  	s6 =	simm.s32 $0x100;
	[sflag:s4] =	ssyncset.done $0x0  }
0xb: {  	s7 =	simm.s32 $0x200;
	s5 =	sadd.s32 $0xA200, s10;
	[sflag:s4] =	ssyncadd.s32 $0xFFFFFE00  }
0xc: {  	[tilespmem:s7], [sflag:$0x1] =	stream.indirect.gather [hbm4b:s5+s6], $0x80, s2, s6, $0xb8;
	[tilespmem:$0x10200] =	vst v63  }
0xd: {  	s8 =	simm.s32 $0x8200;
	s9 =	simm.s32 $0x1  }
0xe: {  	[tilespmem:s8], [sflag:$0x2] =	stream.indirect.gather [hbm4b:s5+s6], $0x80, s6, s6, $0xb8;
	[tilespmem:$0x10200] =	vst v63  }
0xf: {  	s14 =	ssub.s32 $0x2, s12;
	s11 =	sshll.u32 s11, $0x4;
	_ =	swait.ge [sflag:s9], $0x8000  }
0x10: {  	s15 =	sshrl.u32 s14, $0x1;
	s13 =	sadd.s32 s11, s10;
	[sflag:s9] =	ssyncset.done $0x0  }
0x11: {  	s11 =	simm.s32 $0x2;
	s10 =	sadd.s32 $0x15F200, s13;
	[sflag:s9] =	ssyncadd.s32 $0xFFFF8000  }
0x12: {  	[hbm4b:s10+s2] =	stream.linear.scatter [tilespmem:s7], [sflag:$0x3], $0x8000, $0x38;
	[tilespmem:$0x10200] =	vst v63  }
0x13: {  	s14 =	ssub.s32 s14, s15;
	_ =	swait.ge [sflag:s11], $0x8000  }
0x14: {  	s15 =	smax.u32 s14, $0x1;
	s12 =	sadd.s32 $0x160200, s13;
	[sflag:s11] =	ssyncset.done $0x0  }
0x15: {  	s13 =	simm.s32 $0x3;
	p0 =	sne.s32 s15, $0x1;
	[sflag:s11] =	ssyncadd.s32 $0xFFFF8000  }
0x16: {  	[hbm4b:s12+s2] =	stream.linear.scatter [tilespmem:s8], [sflag:$0x4], $0x8000, $0x38;
	[tilespmem:$0x10200] =	vst v63  }
.Ltmp0:
0x17: {  	_ =	swait.ge [sflag:s13], $0x8000;
	(pc) =	sbr.rel @!p0 .LBB2_2-.Ltmp0, $4  }
0x18: {  	[sflag:s13] =	ssyncset.done $0x0  }
0x19: {  	s14 =	simm.s32 $0x4;
	[sflag:s13] =	ssyncadd.s32 $0xFFFF8000  }
0x1a: {  	_ =	swait.ge [sflag:s14], $0x8000  }
0x1b: {  	s15 =	sadd.s32 $0xFFFFFFFF, s15;
	[sflag:s14] =	ssyncset.done $0x0  }
.LBB2_1:
0x1c: {  	p0 =	sne.s32 s15, $0x1;
	s15 =	sadd.s32 $0xFFFFFFFF, s15;
	[sflag:s14] =	ssyncadd.s32 $0xFFFF8000  }
0x1d: {  	[tilespmem:s2], [sflag:$0x5] =	stream.linear.gather [hbm4b:s3+s2], $0x200, $0x38;
	[tilespmem:$0x10200] =	vst v63  }
0x1e: {  	_ =	swait.ge [sflag:s4], $0x200  }
0x1f: {  	[sflag:s4] =	ssyncset.done $0x0  }
0x20: {  	[sflag:s4] =	ssyncadd.s32 $0xFFFFFE00  }
0x21: {  	[tilespmem:s7], [sflag:$0x1] =	stream.indirect.gather [hbm4b:s5+s6], $0x80, s2, s6, $0xb8;
	[tilespmem:$0x10200] =	vst v63  }
0x22: {  	_ = 	snop  }
0x23: {  	[tilespmem:s8], [sflag:$0x2] =	stream.indirect.gather [hbm4b:s5+s6], $0x80, s6, s6, $0xb8;
	[tilespmem:$0x10200] =	vst v63  }
0x24: {  	_ =	swait.ge [sflag:s9], $0x8000  }
0x25: {  	[sflag:s9] =	ssyncset.done $0x0  }
0x26: {  	[sflag:s9] =	ssyncadd.s32 $0xFFFF8000  }
0x27: {  	[hbm4b:s10+s2] =	stream.linear.scatter [tilespmem:s7], [sflag:$0x3], $0x8000, $0x38;
	[tilespmem:$0x10200] =	vst v63  }
0x28: {  	_ =	swait.ge [sflag:s11], $0x8000  }
0x29: {  	[sflag:s11] =	ssyncset.done $0x0  }
0x2a: {  	[sflag:s11] =	ssyncadd.s32 $0xFFFF8000  }
0x2b: {  	[hbm4b:s12+s2] =	stream.linear.scatter [tilespmem:s8], [sflag:$0x4], $0x8000, $0x38;
	[tilespmem:$0x10200] =	vst v63  }
.Ltmp1:
0x2c: {  	_ =	swait.ge [sflag:s13], $0x8000;
	(pc) =	sbr.rel @p0 .LBB2_1-.Ltmp1, $4  }
0x2d: {  	[sflag:s13] =	ssyncset.done $0x0  }
0x2e: {  	[sflag:s13] =	ssyncadd.s32 $0xFFFF8000  }
0x2f: {  	_ =	swait.ge [sflag:s14], $0x8000  }
0x30: {  	[sflag:s14] =	ssyncset.done $0x0  }
.LBB2_2:
0x31: {  	[sflag:s14] =	ssyncadd.s32 $0xFFFF8000  }
0x32: {  	_ =	sfence.sel $0x180000  }
0x33: {  	[bflag:$0x0] =	sbarrier.arrive $0xFFFF  }
0x34: {  	p0 =	sne.s32 s0, $0x0;
	_ =	strace $0x9000004D  }
0x35: {  	s0 =	sadd.s32 @!p0 $0x100000, s1;
	[bflag:$0x2] =	sbarrier.arrive $0xFFFF  }
0x36: {  	[sflag:s0] =	ssyncadd.tile.s32 @!p0 $0x1;
	_ =	shalt  }
.Lfunc_end2:
_tile_overlayer_lowered:
.L_overlay_start_2:
0x37: {  	(tag) =	ssettag $0x2  }
0x38: {  	s0 =	rddreg [dreg:$0x0];
	s2 =	stileid.u32  }
0x39: {  	s1 =	rddreg [dreg:$0x1];
	p0 =	sne.s32 s2, $0x0  }
0x3a: {  	s3 =	rddreg [dreg:$0x2];
	[bflag:$0x3] =	sbarrier.arrive $0xFFFF;
	s2 =	simm.s32 @!p0 $0x1C05  }
0x3b: {  	[timem:s3], [sflag:s2] =	dma.local @!p0 [hbm:s0], s1  }
0x3c: {  	s0 =	simm.s32 @!p0 $0x5  }
0x3d: {  	_ =	swait.ge @!p0 [sflag:s0], s1  }
0x3e: {  	s1 =	ssub.s32 @!p0 $0x0, s1;
	[sflag:s0] =	ssyncset.done @!p0 $0x0  }
0x3f: {  	[sflag:s0] =	ssyncadd.s32 @!p0 s1  }
0x40: {  	[bflag:$0x3] =	sbarrier.arrive $0xFFFF  }
0x41: {  	_ =	shalt  }

// kernel: kernel.24.cloned.1.call-start
scs
__scs_entry_jumppad:
0x0: {  	(pc) =	sbr.rel $0x88, $3  }
0x1: {  	(tag) =	ssettag $0x0;
	lr =	simm.s32 $0x1  }
0x2: {  	[smem:$0x3F8E] =	sst lr;
	_ =	strace $0xD0000000  }
0x3: {  	_ = 	snop  }
0x4: {  	_ = 	snop  }
0x5: {  	_ = 	snop  }
0x6: {  	_ = 	snop  }
0x7: {  	_ = 	snop  }
__scs_overlays_trampoline_lowered:
0x8: {  	[smem:$0x3F9D] =	sst s0  }
0x9: {  	[smem:$0x3F9E] =	sst s1  }
0xa: {  	[smem:$0x3F9F] =	sst s2  }
0xb: {  	[smem:$0x3FA0] =	sst s3  }
0xc: {  	[smem:$0x3FA1] =	sst s4  }
0xd: {  	[smem:$0x3FA2] =	sst s5  }
0xe: {  	[smem:$0x3FA3] =	sst s6  }
0xf: {  	[smem:$0x3FA4] =	sst s7  }
0x10: {  	[smem:$0x3FA5] =	sst s8  }
0x11: {  	[smem:$0x3FA6] =	sst s9;
	s0 =	simm.s32 @!p0 $0x0  }
0x12: {  	s1 =	sld [smem:$0x3F8C];
	s0 =	simm.s32 @p0 $0x1  }
0x13: {  	[smem:$0x3FA7] =	sst s0;
	s0 =	simm.s32 @!p1 $0x0  }
0x14: {  	s2 =	sld [smem:$0x3F8B];
	s0 =	simm.s32 @p1 $0x1  }
0x15: {  	[smem:$0x3FA8] =	sst s0;
	s0 =	simm.s32 @!p2 $0x0  }
0x16: {  	s3 =	sld [smem:$0x3FDB];
	s0 =	simm.s32 @p2 $0x1  }
0x17: {  	s4 =	simm.s32 $0x1BF5;
	[smem:$0x3FAA] =	sst s0  }
0x18: {  	s0 =	sld [smem:$0x3F8D];
	_ =	swait.ge [sflag:s4], $0x0  }
0x19: {  	s7 =	sld [smem:$0x3F8E]  }
0x1a: {  	s8 =	sadd.s32 $0xFFFFE003, lr  }
0x1b: {  	s9 =	sadd.s32 $0xFFFFFEF7, lr;
	s5 =	simm.s32 $0xFFFFFFFF;
	p2 =	slt.u32 s8, $0xFFFFF086  }
0x1c: {  	p1 =	slt.u32 s9, $0xF7A;
	s5 =	simm.s32 @!p2 $0x0  }
0x1d: {  	s5 =	simm.s32 @p1 $0x1;
	p0 =	seq.s32 s7, s2  }
0x1e: {  	s7 =	smul.u32 @!p0 $0xF7A, s2;
	p2 =	seq.s32 @!p0 s5, $0x0  }
0x1f: {  	s9 =	smul.u32 $0xF7A, s1;
	s8 =	simm.s32 @!p0 $0x1BF5;
	p2 =	por !p2, p0  }
0x20: {  	[sflag:s8] =	ssyncset.s32 @!p0 $0xFFFFF086;
	s6 =	sadd.s32 @!p0 s3, s7;
	s7 =	simm.s32 @!p0 $0x108  }
0x21: {  	s3 =	sadd.s32 s3, s9;
	s6 =	sadd.s32 @!p0 $0x88, s6;
	s7 =	simm.s32 @p2 $0x1082  }
0x22: {  	[simem:s7], [sflag:s8] =	dma.local @!p0 [hbm:s6], $0xF7A  }
0x23: {  	s9 =	sor.u32 $0xD0000000, s2;
	s6 =	simm.s32 $0x108;
	_ =	swait.ge @!p0 [sflag:s8], $0x0  }
0x24: {  	s3 =	sadd.s32 $0x88, s3;
	s6 =	simm.s32 @!p1 $0x1082;
	[sflag:s4] =	ssyncset.s32 $0xFFFFF086  }
0x25: {  	[simem:s6], [sflag:s4] =	dma.local [hbm:s3], $0xF7A  }
0x26: {  	[smem:$0x3F8E] =	sst s1;
	(tag) =	ssettag s2;
	_ =	strace s9  }
0x27: {  	s1 =	sld [smem:$0x3F9E]  }
0x28: {  	s2 =	sld [smem:$0x3F9F]  }
0x29: {  	s4 =	sld [smem:$0x3FA1]  }
0x2a: {  	p0 =	seq.s32 s5, $0x0;
	s5 =	sld [smem:$0x3FA2]  }
0x2b: {  	s6 =	sld [smem:$0x3FA3]  }
0x2c: {  	s7 =	sld [smem:$0x3FA4]  }
0x2d: {  	s3 =	simm.s32 $0x108;
	s8 =	sld [smem:$0x3FA5]  }
0x2e: {  	s3 =	simm.s32 @!p0 $0x1082;
	s9 =	sld [smem:$0x3FA6]  }
0x2f: {  	lr =	sadd.s32 s0, s3;
	s0 =	sld [smem:$0x3F9D]  }
0x30: {  	s3 =	sld [smem:$0x3FA0]  }
0x31: {  	[smem:$0x3FA9] =	sst s10  }
0x32: {  	s10 =	sld [smem:$0x3FA7];
	_ =	sdelay $0x3  }
0x33: {  	p0 =	seq.s32 s10, $0x1;
	s10 =	sld [smem:$0x3FA9];
	_ =	sdelay $0x3  }
0x34: {  	[smem:$0x3FA9] =	sst s10  }
0x35: {  	s10 =	sld [smem:$0x3FA8];
	_ =	sdelay $0x3  }
0x36: {  	p1 =	seq.s32 s10, $0x1;
	s10 =	sld [smem:$0x3FA9];
	_ =	sdelay $0x3  }
0x37: {  	[smem:$0x3FA9] =	sst s10  }
0x38: {  	s10 =	sld [smem:$0x3FAA]  }
0x39: {  	_ = 	snop;
	(pc) =	sbr.ind lr, $3  }
0x3a: {  	_ = 	snop  }
0x3b: {  	_ = 	snop  }
0x3c: {  	p2 =	seq.s32 s10, $0x1;
	s10 =	sld [smem:$0x3FA9]  }
0x3d: {  	_ =	shalt  }
0x3e: {  	_ =	shalt  }
0x3f: {  	_ =	shalt  }
0x40: {  	_ =	shalt  }
0x41: {  	_ =	shalt  }
0x42: {  	_ =	shalt  }
0x43: {  	_ =	shalt  }
0x44: {  	_ =	shalt  }
0x45: {  	_ =	shalt  }
0x46: {  	_ =	shalt  }
0x47: {  	_ =	shalt  }
0x48: {  	_ =	shalt  }
0x49: {  	_ =	shalt  }
0x4a: {  	_ =	shalt  }
0x4b: {  	_ =	shalt  }
0x4c: {  	_ =	shalt  }
0x4d: {  	_ =	shalt  }
0x4e: {  	_ =	shalt  }
0x4f: {  	_ =	shalt  }
0x50: {  	_ =	shalt  }
0x51: {  	_ =	shalt  }
0x52: {  	_ =	shalt  }
0x53: {  	_ =	shalt  }
0x54: {  	_ =	shalt  }
0x55: {  	_ =	shalt  }
0x56: {  	_ =	shalt  }
0x57: {  	_ =	shalt  }
0x58: {  	_ =	shalt  }
0x59: {  	_ =	shalt  }
0x5a: {  	_ =	shalt  }
0x5b: {  	_ =	shalt  }
0x5c: {  	_ =	shalt  }
0x5d: {  	_ =	shalt  }
0x5e: {  	_ =	shalt  }
0x5f: {  	_ =	shalt  }
0x60: {  	_ =	shalt  }
0x61: {  	_ =	shalt  }
0x62: {  	_ =	shalt  }
0x63: {  	_ =	shalt  }
0x64: {  	_ =	shalt  }
0x65: {  	_ =	shalt  }
0x66: {  	_ =	shalt  }
0x67: {  	_ =	shalt  }
0x68: {  	_ =	shalt  }
0x69: {  	_ =	shalt  }
0x6a: {  	_ =	shalt  }
0x6b: {  	_ =	shalt  }
0x6c: {  	_ =	shalt  }
0x6d: {  	_ =	shalt  }
0x6e: {  	_ =	shalt  }
0x6f: {  	_ =	shalt  }
0x70: {  	_ =	shalt  }
0x71: {  	_ =	shalt  }
0x72: {  	_ =	shalt  }
0x73: {  	_ =	shalt  }
0x74: {  	_ =	shalt  }
0x75: {  	_ =	shalt  }
0x76: {  	_ =	shalt  }
0x77: {  	_ =	shalt  }
0x78: {  	_ =	shalt  }
0x79: {  	_ =	shalt  }
0x7a: {  	_ =	shalt  }
0x7b: {  	_ =	shalt  }
0x7c: {  	_ =	shalt  }
0x7d: {  	_ =	shalt  }
0x7e: {  	_ =	shalt  }
0x7f: {  	_ =	shalt  }
0x80: {  	_ =	shalt  }
0x81: {  	_ =	shalt  }
0x82: {  	_ =	shalt  }
0x83: {  	_ =	shalt  }
0x84: {  	_ =	shalt  }
0x85: {  	_ =	shalt  }
0x86: {  	_ =	shalt  }
0x87: {  	_ =	shalt  }
.Lfunc_end0:
.L_simem_size_0:
called_computation.1_lowered:
.L_overlay_start_0:
0x88: {  	s2 =	sld [smem:$0x3FD9]  }
0x89: {  	s3 =	sld [smem:$0x3FFE];
	_ =	sdelay $0x1  }
0x8a: {  	s1 =	srdreg.scid  }
0x8b: {  	s0 =	sand.u32 $0x1, s1  }
0x8c: {  	s16 =	sshll.u32 s0, $0xA;
	s2 =	sadd.s32 s3, s2  }
0x8d: {  	s2 =	sadd.s32 s2, s16  }
0x8e: {  	[smem:$0x3FB5] =	sst s2  }
0x8f: {  	_ = 	snop  }
0x90: {  	(tm) =	ssettm $0x1  }
0x91: {  	s17 =	sld [smem:$0x3FFB];
	_ =	sdelay $0x3  }
0x92: {  	_ =	strace s17  }
0x93: {  	s2 =	sld [smem:$0x3FFC];
	_ =	sdelay $0x3  }
0x94: {  	_ =	strace s2  }
0x95: {  	s2 =	sld [smem:$0x3FFD];
	_ =	sdelay $0x3  }
0x96: {  	_ =	strace s2  }
0x97: {  	_ =	strace $0x8FFFFFFF  }
0x98: {  	s18 =	sld [smem:$0x3FDB];
	_ =	sdelay $0x1  }
0x99: {  	s19 =	simm.s32 $_scs_section_size  }
0x9a: {  	s4 =	simm.s32 $_size__tile_overlayer_lowered;
	s5 =	simm.s32 $_tile_overlayer_lowered  }
0x9b: {  	s22 =	simm.s32 $0x1BFF;
	s21 =	sshll.u32 s5, $0x1;
	s2 =	sadd.s32 s19, s18  }
0x9c: {  	s6 =	simm.s32 $0x0;
	s20 =	sshll.u32 s4, $0x1;
	s4 =	sadd.s32 s21, s2  }
0x9d: {  	[timem:s6], [sflag:s22] =	dma.local [hbm:s4], s20  }
0x9e: {  	_ =	swait.ge [sflag:s22], s20  }
0x9f: {  	s3 =	ssub.s32 $0x0, s20;
	[sflag:s22] =	ssyncset.done $0x0  }
0xa0: {  	[sflag:s22] =	ssyncadd.s32 s3;
	_ =	sdelay $0x1  }
0xa1: {  	s23 =	simm.s32 $0x1B8B  }
0xa2: {  	_ =	swait.ge [sflag:s23], $0x1  }
0xa3: {  	[sflag:s23] =	ssyncset.done $0x0  }
0xa4: {  	s25 =	simm.s32 $0x1B8E;
	s24 =	sld [smem:$0x3FFE];
	[sflag:s23] =	ssyncadd.s32 $0xFFFFFFFF  }
0xa5: {  	s26 =	simm.s32 $execute0_lowered;
	[smem:$0x3FD2] =	sst s25  }
0xa6: {  	s4 =	sshll.u32 s26, $0x1;
	_ =	strace $0x80000046;
	[dreg:$0x1] =	wrdreg $0xFFFFFFFF  }
0xa7: {  	s28 =	simm.s32 $_size_execute0_lowered;
	s2 =	sadd.s32 s2, s4;
	[dreg:$0x0] =	wrdreg $0x0  }
0xa8: {  	s4 =	sshll.u32 s28, $0x1;
	[dreg:$0x2] =	wrdreg s2  }
0xa9: {  	[dreg:$0x3] =	wrdreg s4  }
0xaa: {  	[dreg:$0x4] =	wrdreg $0xC0  }
0xab: {  	_ =	task [dreg:s6], $0x5FFFF  }
0xac: {  	[dreg:$0x1] =	wrdreg $0xFFFFFFFF  }
0xad: {  	[dreg:$0x0] =	wrdreg $0x60  }
0xae: {  	[dreg:$0x2] =	wrdreg s24  }
0xaf: {  	[dreg:$0x3] =	wrdreg $0xB  }
0xb0: {  	_ =	task.clear_ibuf [dreg:s6], $0x4FFFF;
	_ =	strace $0x90000046  }
0xb1: {  	s29 =	simm.s32 $0xB;
	_ =	strace $0x80000048  }
0xb2: {  	_ =	swait.ge [sflag:s29], $0x1  }
0xb3: {  	[sflag:s29] =	ssyncadd.s32 $0xFFFFFFFF  }
0xb4: {  	_ =	strace $0x90000048  }
0xb5: {  	_ =	sfence  }
0xb6: {  	s30 =	sld [smem:$0x0];
	_ =	sdelay $0x2  }
0xb7: {  	s31 =	sshll.u32 s1, $0xD;
	s1 =	sshrl.u32 s1, $0x2  }
0xb8: {  	s3 =	sand.u32 $0x4000, s31;
	s1 =	sadd.s32 s1, s30  }
0xb9: {  	s0 =	sor.u32 s3, s0;
	s1 =	sshll.u32 s1, $0x11  }
0xba: {  	s0 =	sor.u32 s1, s0  }
0xbb: {  	s0 =	sadd.s32 $0x8F2B, s0  }
0xbc: {  	[sflag:s0] =	ssyncadd.remote.s32 $0x1  }
0xbd: {  	_ =	sfence.sel $0xFFFF  }
0xbe: {  	[dreg:$0x0] =	wrdreg $0xFFFFFFFF;
	(pc) =	sbr.abs _section_cstart, $3  }
0xbf: {  	[dreg:$0x1] =	wrdreg $0xFFFFFFFF  }
0xc0: {  	_ =	task.clear_ibuf [dreg:s6], $0x2FFFF;
	_ =	strace $0x9FFFFFFF  }
0xc1: {  	(tm) =	ssettm $0x7FFFFFFF  }
tec
execute0_lowered:
.L_overlay_start_1:
0x0: {  	(tag) =	ssettag $0x1  }
0x1: {  	s1 =	srdreg.scid  }
0x2: {  	s0 =	stileid.u32;
	s12 =	sand.u32 $0x1, s1  }
0x3: {  	s31 =	sshll.u32 s0, $0xA;
	s2 =	sshll.u32 s12, $0x9  }
0x4: {  	s11 =	sor.u32 s2, s31  }
0x5: {  	s10 =	rddreg [dreg:$0x0];
	s2 =	simm.s32 $0x0;
	s3 =	sshrl.u32 s11, $0x3  }
0x6: {  	s4 =	simm.s32 $0x5;
	[smem:$0x7FF] =	sst s2;
	s3 =	sadd.s32 s3, s10  }
0x7: {  	s1 =	rddreg [dreg:$0x1];
	_ =	strace $0x80000047;
	s3 =	sadd.s32 $0xE200, s3  }
0x8: {  	[tilespmem:s2], [sflag:$0x5] =	stream.linear.gather [hbm4b:s3+s2], $0x200, $0x38;
	[tilespmem:$0x10200] =	vst v63  }
0x9: {  	_ =	swait.ge [sflag:s4], $0x200  }
0xa: {  	s6 =	simm.s32 $0x100;
	[sflag:s4] =	ssyncset.done $0x0  }
0xb: {  	s7 =	simm.s32 $0x200;
	s5 =	sadd.s32 $0x6200, s10;
	[sflag:s4] =	ssyncadd.s32 $0xFFFFFE00  }
0xc: {  	[tilespmem:s7], [sflag:$0x1] =	stream.indirect.gather [hbm4b:s5+s6], $0x80, s2, s6, $0xb8;
	[tilespmem:$0x10200] =	vst v63  }
0xd: {  	s8 =	simm.s32 $0x8200;
	s9 =	simm.s32 $0x1  }
0xe: {  	[tilespmem:s8], [sflag:$0x2] =	stream.indirect.gather [hbm4b:s5+s6], $0x80, s6, s6, $0xb8;
	[tilespmem:$0x10200] =	vst v63  }
0xf: {  	s14 =	ssub.s32 $0x2, s12;
	s11 =	sshll.u32 s11, $0x4;
	_ =	swait.ge [sflag:s9], $0x8000  }
0x10: {  	s15 =	sshrl.u32 s14, $0x1;
	s13 =	sadd.s32 s11, s10;
	[sflag:s9] =	ssyncset.done $0x0  }
0x11: {  	s11 =	simm.s32 $0x2;
	s10 =	sadd.s32 $0xEA00, s13;
	[sflag:s9] =	ssyncadd.s32 $0xFFFF8000  }
0x12: {  	[hbm4b:s10+s2] =	stream.linear.scatter [tilespmem:s7], [sflag:$0x3], $0x8000, $0x38;
	[tilespmem:$0x10200] =	vst v63  }
0x13: {  	s14 =	ssub.s32 s14, s15;
	_ =	swait.ge [sflag:s11], $0x8000  }
0x14: {  	s15 =	smax.u32 s14, $0x1;
	s12 =	sadd.s32 $0xFA00, s13;
	[sflag:s11] =	ssyncset.done $0x0  }
0x15: {  	s13 =	simm.s32 $0x3;
	p0 =	sne.s32 s15, $0x1;
	[sflag:s11] =	ssyncadd.s32 $0xFFFF8000  }
0x16: {  	[hbm4b:s12+s2] =	stream.linear.scatter [tilespmem:s8], [sflag:$0x4], $0x8000, $0x38;
	[tilespmem:$0x10200] =	vst v63  }
.Ltmp0:
0x17: {  	_ =	swait.ge [sflag:s13], $0x8000;
	(pc) =	sbr.rel @!p0 .LBB2_2-.Ltmp0, $4  }
0x18: {  	[sflag:s13] =	ssyncset.done $0x0  }
0x19: {  	s14 =	simm.s32 $0x4;
	[sflag:s13] =	ssyncadd.s32 $0xFFFF8000  }
0x1a: {  	_ =	swait.ge [sflag:s14], $0x8000  }
0x1b: {  	s15 =	sadd.s32 $0xFFFFFFFF, s15;
	[sflag:s14] =	ssyncset.done $0x0  }
.LBB2_1:
0x1c: {  	p0 =	sne.s32 s15, $0x1;
	s15 =	sadd.s32 $0xFFFFFFFF, s15;
	[sflag:s14] =	ssyncadd.s32 $0xFFFF8000  }
0x1d: {  	[tilespmem:s2], [sflag:$0x5] =	stream.linear.gather [hbm4b:s3+s2], $0x200, $0x38;
	[tilespmem:$0x10200] =	vst v63  }
0x1e: {  	_ =	swait.ge [sflag:s4], $0x200  }
0x1f: {  	[sflag:s4] =	ssyncset.done $0x0  }
0x20: {  	[sflag:s4] =	ssyncadd.s32 $0xFFFFFE00  }
0x21: {  	[tilespmem:s7], [sflag:$0x1] =	stream.indirect.gather [hbm4b:s5+s6], $0x80, s2, s6, $0xb8;
	[tilespmem:$0x10200] =	vst v63  }
0x22: {  	_ = 	snop  }
0x23: {  	[tilespmem:s8], [sflag:$0x2] =	stream.indirect.gather [hbm4b:s5+s6], $0x80, s6, s6, $0xb8;
	[tilespmem:$0x10200] =	vst v63  }
0x24: {  	_ =	swait.ge [sflag:s9], $0x8000  }
0x25: {  	[sflag:s9] =	ssyncset.done $0x0  }
0x26: {  	[sflag:s9] =	ssyncadd.s32 $0xFFFF8000  }
0x27: {  	[hbm4b:s10+s2] =	stream.linear.scatter [tilespmem:s7], [sflag:$0x3], $0x8000, $0x38;
	[tilespmem:$0x10200] =	vst v63  }
0x28: {  	_ =	swait.ge [sflag:s11], $0x8000  }
0x29: {  	[sflag:s11] =	ssyncset.done $0x0  }
0x2a: {  	[sflag:s11] =	ssyncadd.s32 $0xFFFF8000  }
0x2b: {  	[hbm4b:s12+s2] =	stream.linear.scatter [tilespmem:s8], [sflag:$0x4], $0x8000, $0x38;
	[tilespmem:$0x10200] =	vst v63  }
.Ltmp1:
0x2c: {  	_ =	swait.ge [sflag:s13], $0x8000;
	(pc) =	sbr.rel @p0 .LBB2_1-.Ltmp1, $4  }
0x2d: {  	[sflag:s13] =	ssyncset.done $0x0  }
0x2e: {  	[sflag:s13] =	ssyncadd.s32 $0xFFFF8000  }
0x2f: {  	_ =	swait.ge [sflag:s14], $0x8000  }
0x30: {  	[sflag:s14] =	ssyncset.done $0x0  }
.LBB2_2:
0x31: {  	[sflag:s14] =	ssyncadd.s32 $0xFFFF8000  }
0x32: {  	_ =	sfence.sel $0x180000  }
0x33: {  	[bflag:$0x0] =	sbarrier.arrive $0xFFFF  }
0x34: {  	p0 =	sne.s32 s0, $0x0;
	_ =	strace $0x90000047  }
0x35: {  	s0 =	sadd.s32 @!p0 $0x100000, s1;
	[bflag:$0x2] =	sbarrier.arrive $0xFFFF  }
0x36: {  	[sflag:s0] =	ssyncadd.tile.s32 @!p0 $0x1;
	_ =	shalt  }
.Lfunc_end2:
_tile_overlayer_lowered:
.L_overlay_start_2:
0x37: {  	(tag) =	ssettag $0x2  }
0x38: {  	s0 =	rddreg [dreg:$0x0];
	s2 =	stileid.u32  }
0x39: {  	s1 =	rddreg [dreg:$0x1];
	p0 =	sne.s32 s2, $0x0  }
0x3a: {  	s3 =	rddreg [dreg:$0x2];
	[bflag:$0x3] =	sbarrier.arrive $0xFFFF;
	s2 =	simm.s32 @!p0 $0x1C05  }
0x3b: {  	[timem:s3], [sflag:s2] =	dma.local @!p0 [hbm:s0], s1  }
0x3c: {  	s0 =	simm.s32 @!p0 $0x5  }
0x3d: {  	_ =	swait.ge @!p0 [sflag:s0], s1  }
0x3e: {  	s1 =	ssub.s32 @!p0 $0x0, s1;
	[sflag:s0] =	ssyncset.done @!p0 $0x0  }
0x3f: {  	[sflag:s0] =	ssyncadd.s32 @!p0 s1  }
0x40: {  	[bflag:$0x3] =	sbarrier.arrive $0xFFFF  }
0x41: {  	_ =	shalt  }

// kernel: kernel.27.cloned.1.call-start
scs
__scs_entry_jumppad:
0x0: {  	(pc) =	sbr.rel $0x88, $3  }
0x1: {  	(tag) =	ssettag $0x0;
	lr =	simm.s32 $0x1  }
0x2: {  	[smem:$0x3F8E] =	sst lr;
	_ =	strace $0xD0000000  }
0x3: {  	_ = 	snop  }
0x4: {  	_ = 	snop  }
0x5: {  	_ = 	snop  }
0x6: {  	_ = 	snop  }
0x7: {  	_ = 	snop  }
__scs_overlays_trampoline_lowered:
0x8: {  	[smem:$0x3F9D] =	sst s0  }
0x9: {  	[smem:$0x3F9E] =	sst s1  }
0xa: {  	[smem:$0x3F9F] =	sst s2  }
0xb: {  	[smem:$0x3FA0] =	sst s3  }
0xc: {  	[smem:$0x3FA1] =	sst s4  }
0xd: {  	[smem:$0x3FA2] =	sst s5  }
0xe: {  	[smem:$0x3FA3] =	sst s6  }
0xf: {  	[smem:$0x3FA4] =	sst s7  }
0x10: {  	[smem:$0x3FA5] =	sst s8  }
0x11: {  	[smem:$0x3FA6] =	sst s9;
	s0 =	simm.s32 @!p0 $0x0  }
0x12: {  	s1 =	sld [smem:$0x3F8C];
	s0 =	simm.s32 @p0 $0x1  }
0x13: {  	[smem:$0x3FA7] =	sst s0;
	s0 =	simm.s32 @!p1 $0x0  }
0x14: {  	s2 =	sld [smem:$0x3F8B];
	s0 =	simm.s32 @p1 $0x1  }
0x15: {  	[smem:$0x3FA8] =	sst s0;
	s0 =	simm.s32 @!p2 $0x0  }
0x16: {  	s3 =	sld [smem:$0x3FDB];
	s0 =	simm.s32 @p2 $0x1  }
0x17: {  	s4 =	simm.s32 $0x1BF5;
	[smem:$0x3FAA] =	sst s0  }
0x18: {  	s0 =	sld [smem:$0x3F8D];
	_ =	swait.ge [sflag:s4], $0x0  }
0x19: {  	s7 =	sld [smem:$0x3F8E]  }
0x1a: {  	s8 =	sadd.s32 $0xFFFFE003, lr  }
0x1b: {  	s9 =	sadd.s32 $0xFFFFFEF7, lr;
	s5 =	simm.s32 $0xFFFFFFFF;
	p2 =	slt.u32 s8, $0xFFFFF086  }
0x1c: {  	p1 =	slt.u32 s9, $0xF7A;
	s5 =	simm.s32 @!p2 $0x0  }
0x1d: {  	s5 =	simm.s32 @p1 $0x1;
	p0 =	seq.s32 s7, s2  }
0x1e: {  	s7 =	smul.u32 @!p0 $0xF7A, s2;
	p2 =	seq.s32 @!p0 s5, $0x0  }
0x1f: {  	s9 =	smul.u32 $0xF7A, s1;
	s8 =	simm.s32 @!p0 $0x1BF5;
	p2 =	por !p2, p0  }
0x20: {  	[sflag:s8] =	ssyncset.s32 @!p0 $0xFFFFF086;
	s6 =	sadd.s32 @!p0 s3, s7;
	s7 =	simm.s32 @!p0 $0x108  }
0x21: {  	s3 =	sadd.s32 s3, s9;
	s6 =	sadd.s32 @!p0 $0x88, s6;
	s7 =	simm.s32 @p2 $0x1082  }
0x22: {  	[simem:s7], [sflag:s8] =	dma.local @!p0 [hbm:s6], $0xF7A  }
0x23: {  	s9 =	sor.u32 $0xD0000000, s2;
	s6 =	simm.s32 $0x108;
	_ =	swait.ge @!p0 [sflag:s8], $0x0  }
0x24: {  	s3 =	sadd.s32 $0x88, s3;
	s6 =	simm.s32 @!p1 $0x1082;
	[sflag:s4] =	ssyncset.s32 $0xFFFFF086  }
0x25: {  	[simem:s6], [sflag:s4] =	dma.local [hbm:s3], $0xF7A  }
0x26: {  	[smem:$0x3F8E] =	sst s1;
	(tag) =	ssettag s2;
	_ =	strace s9  }
0x27: {  	s1 =	sld [smem:$0x3F9E]  }
0x28: {  	s2 =	sld [smem:$0x3F9F]  }
0x29: {  	s4 =	sld [smem:$0x3FA1]  }
0x2a: {  	p0 =	seq.s32 s5, $0x0;
	s5 =	sld [smem:$0x3FA2]  }
0x2b: {  	s6 =	sld [smem:$0x3FA3]  }
0x2c: {  	s7 =	sld [smem:$0x3FA4]  }
0x2d: {  	s3 =	simm.s32 $0x108;
	s8 =	sld [smem:$0x3FA5]  }
0x2e: {  	s3 =	simm.s32 @!p0 $0x1082;
	s9 =	sld [smem:$0x3FA6]  }
0x2f: {  	lr =	sadd.s32 s0, s3;
	s0 =	sld [smem:$0x3F9D]  }
0x30: {  	s3 =	sld [smem:$0x3FA0]  }
0x31: {  	[smem:$0x3FA9] =	sst s10  }
0x32: {  	s10 =	sld [smem:$0x3FA7];
	_ =	sdelay $0x3  }
0x33: {  	p0 =	seq.s32 s10, $0x1;
	s10 =	sld [smem:$0x3FA9];
	_ =	sdelay $0x3  }
0x34: {  	[smem:$0x3FA9] =	sst s10  }
0x35: {  	s10 =	sld [smem:$0x3FA8];
	_ =	sdelay $0x3  }
0x36: {  	p1 =	seq.s32 s10, $0x1;
	s10 =	sld [smem:$0x3FA9];
	_ =	sdelay $0x3  }
0x37: {  	[smem:$0x3FA9] =	sst s10  }
0x38: {  	s10 =	sld [smem:$0x3FAA]  }
0x39: {  	_ = 	snop;
	(pc) =	sbr.ind lr, $3  }
0x3a: {  	_ = 	snop  }
0x3b: {  	_ = 	snop  }
0x3c: {  	p2 =	seq.s32 s10, $0x1;
	s10 =	sld [smem:$0x3FA9]  }
0x3d: {  	_ =	shalt  }
0x3e: {  	_ =	shalt  }
0x3f: {  	_ =	shalt  }
0x40: {  	_ =	shalt  }
0x41: {  	_ =	shalt  }
0x42: {  	_ =	shalt  }
0x43: {  	_ =	shalt  }
0x44: {  	_ =	shalt  }
0x45: {  	_ =	shalt  }
0x46: {  	_ =	shalt  }
0x47: {  	_ =	shalt  }
0x48: {  	_ =	shalt  }
0x49: {  	_ =	shalt  }
0x4a: {  	_ =	shalt  }
0x4b: {  	_ =	shalt  }
0x4c: {  	_ =	shalt  }
0x4d: {  	_ =	shalt  }
0x4e: {  	_ =	shalt  }
0x4f: {  	_ =	shalt  }
0x50: {  	_ =	shalt  }
0x51: {  	_ =	shalt  }
0x52: {  	_ =	shalt  }
0x53: {  	_ =	shalt  }
0x54: {  	_ =	shalt  }
0x55: {  	_ =	shalt  }
0x56: {  	_ =	shalt  }
0x57: {  	_ =	shalt  }
0x58: {  	_ =	shalt  }
0x59: {  	_ =	shalt  }
0x5a: {  	_ =	shalt  }
0x5b: {  	_ =	shalt  }
0x5c: {  	_ =	shalt  }
0x5d: {  	_ =	shalt  }
0x5e: {  	_ =	shalt  }
0x5f: {  	_ =	shalt  }
0x60: {  	_ =	shalt  }
0x61: {  	_ =	shalt  }
0x62: {  	_ =	shalt  }
0x63: {  	_ =	shalt  }
0x64: {  	_ =	shalt  }
0x65: {  	_ =	shalt  }
0x66: {  	_ =	shalt  }
0x67: {  	_ =	shalt  }
0x68: {  	_ =	shalt  }
0x69: {  	_ =	shalt  }
0x6a: {  	_ =	shalt  }
0x6b: {  	_ =	shalt  }
0x6c: {  	_ =	shalt  }
0x6d: {  	_ =	shalt  }
0x6e: {  	_ =	shalt  }
0x6f: {  	_ =	shalt  }
0x70: {  	_ =	shalt  }
0x71: {  	_ =	shalt  }
0x72: {  	_ =	shalt  }
0x73: {  	_ =	shalt  }
0x74: {  	_ =	shalt  }
0x75: {  	_ =	shalt  }
0x76: {  	_ =	shalt  }
0x77: {  	_ =	shalt  }
0x78: {  	_ =	shalt  }
0x79: {  	_ =	shalt  }
0x7a: {  	_ =	shalt  }
0x7b: {  	_ =	shalt  }
0x7c: {  	_ =	shalt  }
0x7d: {  	_ =	shalt  }
0x7e: {  	_ =	shalt  }
0x7f: {  	_ =	shalt  }
0x80: {  	_ =	shalt  }
0x81: {  	_ =	shalt  }
0x82: {  	_ =	shalt  }
0x83: {  	_ =	shalt  }
0x84: {  	_ =	shalt  }
0x85: {  	_ =	shalt  }
0x86: {  	_ =	shalt  }
0x87: {  	_ =	shalt  }
.Lfunc_end0:
.L_simem_size_0:
called_computation.2_lowered:
.L_overlay_start_0:
0x88: {  	s2 =	sld [smem:$0x3FD9]  }
0x89: {  	s3 =	sld [smem:$0x3FFE];
	_ =	sdelay $0x1  }
0x8a: {  	s1 =	srdreg.scid  }
0x8b: {  	s0 =	sand.u32 $0x1, s1  }
0x8c: {  	s17 =	sshll.u32 s0, $0xA;
	s2 =	sadd.s32 s3, s2  }
0x8d: {  	s2 =	sadd.s32 s2, s17  }
0x8e: {  	[smem:$0x3FB5] =	sst s2  }
0x8f: {  	_ = 	snop  }
0x90: {  	(tm) =	ssettm $0x1  }
0x91: {  	s18 =	sld [smem:$0x3FFB];
	_ =	sdelay $0x3  }
0x92: {  	_ =	strace s18  }
0x93: {  	s2 =	sld [smem:$0x3FFC];
	_ =	sdelay $0x3  }
0x94: {  	_ =	strace s2  }
0x95: {  	s2 =	sld [smem:$0x3FFD];
	_ =	sdelay $0x3  }
0x96: {  	_ =	strace s2  }
0x97: {  	_ =	strace $0x8FFFFFFF  }
0x98: {  	s19 =	sld [smem:$0x3FDB];
	_ =	sdelay $0x1  }
0x99: {  	s20 =	simm.s32 $_scs_section_size  }
0x9a: {  	s4 =	simm.s32 $_size__tile_overlayer_lowered;
	s5 =	simm.s32 $_tile_overlayer_lowered  }
0x9b: {  	s6 =	simm.s32 $0x1BFF;
	s21 =	sshll.u32 s5, $0x1;
	s3 =	sadd.s32 s20, s19  }
0x9c: {  	s22 =	simm.s32 $0x0;
	s4 =	sshll.u32 s4, $0x1;
	s5 =	sadd.s32 s21, s3  }
0x9d: {  	[timem:s22], [sflag:s6] =	dma.local [hbm:s5], s4  }
0x9e: {  	_ =	swait.ge [sflag:s6], s4  }
0x9f: {  	s4 =	ssub.s32 $0x0, s4;
	[sflag:s6] =	ssyncset.done $0x0  }
0xa0: {  	[sflag:s6] =	ssyncadd.s32 s4;
	_ =	sdelay $0x1  }
0xa1: {  	s23 =	simm.s32 $0x1B8B  }
0xa2: {  	_ =	swait.ge [sflag:s23], $0x1  }
0xa3: {  	[sflag:s23] =	ssyncset.done $0x0  }
0xa4: {  	[sflag:s23] =	ssyncadd.s32 $0xFFFFFFFF  }
0xa5: {  	s4 =	sld [smem:$0x0]  }
0xa6: {  	s5 =	sand.u32 $0xFFFFFFFE, s1  }
0xa7: {  	p0 =	sne.s32 s1, s5  }
0xa8: {  	s5 =	sshll.u32 @p0 s5, $0xE  }
0xa9: {  	s5 =	sadd.s32 @p0 $0x11B8D, s5;
	s6 =	sshll.u32 @p0 s4, $0x11  }
0xaa: {  	s5 =	sor.u32 @p0 s6, s5  }
0xab: {  	[sflag:s5] =	ssyncadd.remote.s32 @p0 $0x1;
	_ =	sdelay $0x1  }
0xac: {  	s5 =	simm.s32 @p0 $0x1B8D  }
0xad: {  	_ =	swait.eq @p0 [sflag:s5], $0x1  }
0xae: {  	[sflag:s5] =	ssyncadd.s32 @p0 $0xFFFFFFFF  }
0xaf: {  	s6 =	sshll.u32 @!p0 s1, $0xE  }
0xb0: {  	s6 =	sor.u32 @!p0 $0x4000, s6;
	s5 =	simm.s32 @!p0 $0x1B8D  }
0xb1: {  	s4 =	sshll.u32 @!p0 s4, $0x11;
	s6 =	sadd.s32 @!p0 $0x11B8D, s6;
	_ =	swait.eq @!p0 [sflag:s5], $0x1  }
0xb2: {  	s4 =	sor.u32 @!p0 s4, s6;
	[sflag:s5] =	ssyncadd.s32 @!p0 $0xFFFFFFFF  }
0xb3: {  	s25 =	simm.s32 $0x1B8E;
	s24 =	sld [smem:$0x3FFE];
	[sflag:s4] =	ssyncadd.remote.s32 @!p0 $0x1  }
0xb4: {  	s26 =	simm.s32 $execute0_lowered;
	[smem:$0x3FD2] =	sst s25  }
0xb5: {  	s5 =	sshll.u32 s26, $0x1;
	_ =	strace $0x8000004F;
	[dreg:$0x1] =	wrdreg $0xFFFFFFFF  }
0xb6: {  	s28 =	simm.s32 $_size_execute0_lowered;
	s3 =	sadd.s32 s3, s5;
	[dreg:$0x0] =	wrdreg $0x0  }
0xb7: {  	s5 =	sshll.u32 s28, $0x1;
	[dreg:$0x2] =	wrdreg s3  }
0xb8: {  	[dreg:$0x3] =	wrdreg s5  }
0xb9: {  	[dreg:$0x4] =	wrdreg $0xC0  }
0xba: {  	_ =	task [dreg:s22], $0x5FFFF  }
0xbb: {  	[dreg:$0x1] =	wrdreg $0xFFFFFFFF  }
0xbc: {  	[dreg:$0x0] =	wrdreg $0x60  }
0xbd: {  	[dreg:$0x2] =	wrdreg s24  }
0xbe: {  	[dreg:$0x3] =	wrdreg $0xA  }
0xbf: {  	_ =	task.clear_ibuf [dreg:s22], $0x4FFFF;
	_ =	strace $0x9000004F  }
0xc0: {  	s29 =	simm.s32 $0xA;
	_ =	strace $0x80000051  }
0xc1: {  	_ =	swait.ge [sflag:s29], $0x1  }
0xc2: {  	[sflag:s29] =	ssyncadd.s32 $0xFFFFFFFF  }
0xc3: {  	_ =	strace $0x90000051  }
0xc4: {  	_ =	sfence  }
0xc5: {  	s30 =	sld [smem:$0x0];
	_ =	sdelay $0x2  }
0xc6: {  	s31 =	sshll.u32 s1, $0xD;
	s1 =	sshrl.u32 s1, $0x2  }
0xc7: {  	s4 =	sand.u32 $0x4000, s31;
	s1 =	sadd.s32 s1, s30  }
0xc8: {  	s0 =	sor.u32 s4, s0;
	s1 =	sshll.u32 s1, $0x11  }
0xc9: {  	s0 =	sor.u32 s1, s0  }
0xca: {  	s0 =	sadd.s32 $0x8F2B, s0  }
0xcb: {  	[sflag:s0] =	ssyncadd.remote.s32 $0x1  }
0xcc: {  	_ =	sfence.sel $0xFFFF  }
0xcd: {  	[dreg:$0x0] =	wrdreg $0xFFFFFFFF;
	(pc) =	sbr.abs _section_cstart, $3  }
0xce: {  	[dreg:$0x1] =	wrdreg $0xFFFFFFFF  }
0xcf: {  	_ =	task.clear_ibuf [dreg:s22], $0x2FFFF;
	_ =	strace $0x9FFFFFFF  }
0xd0: {  	(tm) =	ssettm $0x7FFFFFFF  }
0xd1: {  	_ =	shalt  }
tec
execute0_lowered:
.L_overlay_start_1:
0x0: {  	(tag) =	ssettag $0x1  }
0x1: {  	s0 =	srdreg.scid  }
0x2: {  	s1 =	stileid.u32;
	s0 =	sand.u32 $0x1, s0  }
0x3: {  	s1 =	sshll.u32 s1, $0xA;
	s2 =	sshll.u32 s0, $0x9  }
0x4: {  	s4 =	rddreg [dreg:$0x0];
	s21 =	simm.s32 $0x200;
	s1 =	sor.u32 s2, s1  }
0x5: {  	s23 =	simm.s32 $0x8200;
	s13 =	simm.s32 $0x1;
	s3 =	sshrl.u32 s1, $0x3  }
0x6: {  	s2 =	simm.s32 $0x0;
	s1 =	sshll.u32 s1, $0x6;
	s3 =	sadd.s32 s3, s4  }
0x7: {  	[smem:$0x7FF] =	sst s2;
	s1 =	sadd.s32 s1, s4;
	s3 =	sadd.s32 $0x15EA00, s3  }
0x8: {  	_ =	strace $0x80000050;
	s25 =	sadd.s32 $0x1AF200, s1;
	[dreg:$0x2] =	wrdreg s3  }
0x9: {  	s14 =	simm.s32 $0x3;
	s26 =	sadd.s32 $0x1B0200, s1;
	[dreg:$0x3] =	wrdreg s25  }
0xa: {  	s15 =	simm.s32 $0x2;
	s5 =	sadd.s32 $0x1B1200, s1;
	[dreg:$0x4] =	wrdreg s26  }
0xb: {  	s16 =	simm.s32 $0x4;
	s28 =	sadd.s32 $0x1B2200, s1;
	[dreg:$0x5] =	wrdreg s5  }
0xc: {  	s0 =	ssub.s32 $0x2, s0;
	s29 =	sadd.s32 $0x1B3200, s1;
	[dreg:$0x6] =	wrdreg s28  }
0xd: {  	s6 =	sshrl.u32 s0, $0x1;
	s30 =	sadd.s32 $0x1B4200, s1;
	[dreg:$0x7] =	wrdreg s29  }
0xe: {  	v2 =	vlaneseq.u32;
	s0 =	ssub.s32 s0, s6;
	s31 =	sadd.s32 $0x1B5200, s1;
	[dreg:$0x8] =	wrdreg s30  }
0xf: {  	vm0 =	vmmov $0xffff;
	v1 =	vshrl.u32 v2, $0x3;
	s1 =	sadd.s32 $0x1B6200, s1;
	s3 =	sadd.s32 $0x19F200, s4;
	[dreg:$0x9] =	wrdreg s31  }
0x10: {  	v0 =	vand.u32 $0x7, v2;
	v2 =	vor.u32 $0x8, v2;
	v1 =	vmul.u32 $0x8, v1;
	s4 =	sadd.s32 $0x19F300, s4;
	[dreg:$0xa] =	wrdreg s1;
	s5 =	smax.u32 s0, $0x1  }
.LBB2_1:
0x11: {  	s17 =	rddreg [dreg:$0x2];
	s8 =	simm.s32 $0x5  }
0x12: {  	[tilespmem:s2], [sflag:$0x5] =	stream.linear.gather [hbm4b:s17+s2], $0x200, $0x38;
	[tilespmem:$0x10200] =	vst v63  }
0x13: {  	_ =	swait.ge [sflag:s8], $0x200  }
0x14: {  	[sflag:s8] =	ssyncset.done $0x0  }
0x15: {  	[sflag:s8] =	ssyncadd.s32 $0xFFFFFE00  }
0x16: {  	v3 =	vld [tilespmem:$0x0];
	_ =	sdelay $0x4  }
0x17: {  	v4 =	vshll.u32 v3, $0x2  }
0x18: {  	v3 =	vand.u32 $0x7, v3;
	v4 =	vand.u32 $0xFFFFFFE0, v4  }
0x19: {  	v3 =	vor.u32 v3, v4  }
0x1a: {  	v4 =	vperm.xlane v3, v0;
	_ =	sdelay $0x1  }
0x1b: {  	v4 =	vadd.s32 v1, v4;
	_ =	sdelay $0x1  }
0x1c: {  	v3 =	vperm.xlane v3, v2;
	_ =	sdelay $0x1  }
0x1d: {  	v3 =	vadd.s32 v1, v3  }
0x1e: {  	[tilespmem:s21], [sflag:$0x1] =	stream.indirect_vreg.gather [hbm4b:s3+s2], $0x80, v4, vm0, $0xb8;
	[tilespmem:$0x10200] =	vst v63  }
0x1f: {  	s0 =	simm.s32 $0xA00  }
0x20: {  	[tilespmem:s0], [sflag:$0x1] =	stream.indirect_vreg.gather [hbm4b:s4+s2], $0x80, v4, vm0, $0xb8;
	[tilespmem:$0x10200] =	vst v63  }
0x21: {  	s9 =	simm.s32 $0x1200  }
0x22: {  	[tilespmem:s9], [sflag:$0x1] =	stream.indirect_vreg.gather [hbm4b:s3+s2], $0x80, v3, vm0, $0xb8;
	[tilespmem:$0x10200] =	vst v63  }
0x23: {  	s10 =	simm.s32 $0x1A00  }
0x24: {  	[tilespmem:s10], [sflag:$0x1] =	stream.indirect_vreg.gather [hbm4b:s4+s2], $0x80, v3, vm0, $0xb8;
	[tilespmem:$0x10200] =	vst v63  }
0x25: {  	v3 =	vld [tilespmem:$0x10];
	_ =	sdelay $0x4  }
0x26: {  	v33 =	vshll.u32 v3, $0x2  }
0x27: {  	v3 =	vand.u32 $0x7, v3;
	v4 =	vand.u32 $0xFFFFFFE0, v33  }
0x28: {  	v3 =	vor.u32 v3, v4  }
0x29: {  	v4 =	vperm.xlane v3, v0;
	_ =	sdelay $0x1  }
0x2a: {  	v4 =	vadd.s32 v1, v4;
	_ =	sdelay $0x1  }
0x2b: {  	v3 =	vperm.xlane v3, v2;
	_ =	sdelay $0x1  }
0x2c: {  	s11 =	simm.s32 $0x2200;
	v3 =	vadd.s32 v1, v3  }
0x2d: {  	[tilespmem:s11], [sflag:$0x1] =	stream.indirect_vreg.gather [hbm4b:s3+s2], $0x80, v4, vm0, $0xb8;
	[tilespmem:$0x10200] =	vst v63  }
0x2e: {  	s12 =	simm.s32 $0x2A00  }
0x2f: {  	[tilespmem:s12], [sflag:$0x1] =	stream.indirect_vreg.gather [hbm4b:s4+s2], $0x80, v4, vm0, $0xb8;
	[tilespmem:$0x10200] =	vst v63  }
0x30: {  	s17 =	simm.s32 $0x3200  }
0x31: {  	[tilespmem:s17], [sflag:$0x1] =	stream.indirect_vreg.gather [hbm4b:s3+s2], $0x80, v3, vm0, $0xb8;
	[tilespmem:$0x10200] =	vst v63  }
0x32: {  	s18 =	simm.s32 $0x3A00  }
0x33: {  	[tilespmem:s18], [sflag:$0x1] =	stream.indirect_vreg.gather [hbm4b:s4+s2], $0x80, v3, vm0, $0xb8;
	[tilespmem:$0x10200] =	vst v63  }
0x34: {  	v3 =	vld [tilespmem:$0x20];
	_ =	sdelay $0x4  }
0x35: {  	v34 =	vshll.u32 v3, $0x2  }
0x36: {  	v3 =	vand.u32 $0x7, v3;
	v4 =	vand.u32 $0xFFFFFFE0, v34  }
0x37: {  	v3 =	vor.u32 v3, v4  }
0x38: {  	v4 =	vperm.xlane v3, v0;
	_ =	sdelay $0x1  }
0x39: {  	v4 =	vadd.s32 v1, v4;
	_ =	sdelay $0x1  }
0x3a: {  	v3 =	vperm.xlane v3, v2;
	_ =	sdelay $0x1  }
0x3b: {  	s19 =	simm.s32 $0x4200;
	v3 =	vadd.s32 v1, v3  }
0x3c: {  	[tilespmem:s19], [sflag:$0x1] =	stream.indirect_vreg.gather [hbm4b:s3+s2], $0x80, v4, vm0, $0xb8;
	[tilespmem:$0x10200] =	vst v63  }
0x3d: {  	s20 =	simm.s32 $0x4A00  }
0x3e: {  	[tilespmem:s20], [sflag:$0x1] =	stream.indirect_vreg.gather [hbm4b:s4+s2], $0x80, v4, vm0, $0xb8;
	[tilespmem:$0x10200] =	vst v63  }
0x3f: {  	s22 =	simm.s32 $0x5200  }
0x40: {  	[tilespmem:s22], [sflag:$0x1] =	stream.indirect_vreg.gather [hbm4b:s3+s2], $0x80, v3, vm0, $0xb8;
	[tilespmem:$0x10200] =	vst v63  }
0x41: {  	s24 =	simm.s32 $0x5A00  }
0x42: {  	[tilespmem:s24], [sflag:$0x1] =	stream.indirect_vreg.gather [hbm4b:s4+s2], $0x80, v3, vm0, $0xb8;
	[tilespmem:$0x10200] =	vst v63  }
0x43: {  	v3 =	vld [tilespmem:$0x30];
	_ =	sdelay $0x4  }
0x44: {  	v35 =	vshll.u32 v3, $0x2  }
0x45: {  	v3 =	vand.u32 $0x7, v3;
	v4 =	vand.u32 $0xFFFFFFE0, v35  }
0x46: {  	v3 =	vor.u32 v3, v4  }
0x47: {  	v4 =	vperm.xlane v3, v0;
	_ =	sdelay $0x1  }
0x48: {  	v4 =	vadd.s32 v1, v4;
	_ =	sdelay $0x1  }
0x49: {  	v3 =	vperm.xlane v3, v2;
	_ =	sdelay $0x1  }
0x4a: {  	s25 =	simm.s32 $0x6200;
	v3 =	vadd.s32 v1, v3  }
0x4b: {  	[tilespmem:s25], [sflag:$0x1] =	stream.indirect_vreg.gather [hbm4b:s3+s2], $0x80, v4, vm0, $0xb8;
	[tilespmem:$0x10200] =	vst v63  }
0x4c: {  	s26 =	simm.s32 $0x6A00  }
0x4d: {  	[tilespmem:s26], [sflag:$0x1] =	stream.indirect_vreg.gather [hbm4b:s4+s2], $0x80, v4, vm0, $0xb8;
	[tilespmem:$0x10200] =	vst v63  }
0x4e: {  	s28 =	simm.s32 $0x7200  }
0x4f: {  	[tilespmem:s28], [sflag:$0x1] =	stream.indirect_vreg.gather [hbm4b:s3+s2], $0x80, v3, vm0, $0xb8;
	[tilespmem:$0x10200] =	vst v63  }
0x50: {  	s29 =	simm.s32 $0x7A00  }
0x51: {  	[tilespmem:s29], [sflag:$0x1] =	stream.indirect_vreg.gather [hbm4b:s4+s2], $0x80, v3, vm0, $0xb8;
	[tilespmem:$0x10200] =	vst v63  }
0x52: {  	v3 =	vld [tilespmem:$0x40];
	_ =	sdelay $0x4  }
0x53: {  	v36 =	vshll.u32 v3, $0x2  }
0x54: {  	v3 =	vand.u32 $0x7, v3;
	v4 =	vand.u32 $0xFFFFFFE0, v36  }
0x55: {  	v3 =	vor.u32 v3, v4  }
0x56: {  	v4 =	vperm.xlane v3, v0;
	_ =	sdelay $0x1  }
0x57: {  	v4 =	vadd.s32 v1, v4;
	_ =	sdelay $0x1  }
0x58: {  	v3 =	vperm.xlane v3, v2;
	_ =	sdelay $0x1  }
0x59: {  	v3 =	vadd.s32 v1, v3  }
0x5a: {  	[tilespmem:s23], [sflag:$0x2] =	stream.indirect_vreg.gather [hbm4b:s3+s2], $0x80, v4, vm0, $0xb8;
	[tilespmem:$0x10200] =	vst v63  }
0x5b: {  	s30 =	simm.s32 $0x8A00  }
0x5c: {  	[tilespmem:s30], [sflag:$0x2] =	stream.indirect_vreg.gather [hbm4b:s4+s2], $0x80, v4, vm0, $0xb8;
	[tilespmem:$0x10200] =	vst v63  }
0x5d: {  	s31 =	simm.s32 $0x9200  }
0x5e: {  	[tilespmem:s31], [sflag:$0x2] =	stream.indirect_vreg.gather [hbm4b:s3+s2], $0x80, v3, vm0, $0xb8;
	[tilespmem:$0x10200] =	vst v63  }
0x5f: {  	s6 =	simm.s32 $0x9A00  }
0x60: {  	[tilespmem:s6], [sflag:$0x2] =	stream.indirect_vreg.gather [hbm4b:s4+s2], $0x80, v3, vm0, $0xb8;
	[tilespmem:$0x10200] =	vst v63  }
0x61: {  	v3 =	vld [tilespmem:$0x50];
	_ =	sdelay $0x4  }
0x62: {  	v37 =	vshll.u32 v3, $0x2  }
0x63: {  	v3 =	vand.u32 $0x7, v3;
	v4 =	vand.u32 $0xFFFFFFE0, v37  }
0x64: {  	v3 =	vor.u32 v3, v4  }
0x65: {  	v4 =	vperm.xlane v3, v0;
	_ =	sdelay $0x1  }
0x66: {  	v4 =	vadd.s32 v1, v4;
	_ =	sdelay $0x1  }
0x67: {  	v3 =	vperm.xlane v3, v2;
	_ =	sdelay $0x1  }
0x68: {  	s7 =	simm.s32 $0xA200;
	v3 =	vadd.s32 v1, v3  }
0x69: {  	[tilespmem:s7], [sflag:$0x2] =	stream.indirect_vreg.gather [hbm4b:s3+s2], $0x80, v4, vm0, $0xb8;
	[tilespmem:$0x10200] =	vst v63  }
0x6a: {  	s9 =	simm.s32 $0xAA00  }
0x6b: {  	[tilespmem:s9], [sflag:$0x2] =	stream.indirect_vreg.gather [hbm4b:s4+s2], $0x80, v4, vm0, $0xb8;
	[tilespmem:$0x10200] =	vst v63  }
0x6c: {  	s10 =	simm.s32 $0xB200  }
0x6d: {  	[tilespmem:s10], [sflag:$0x2] =	stream.indirect_vreg.gather [hbm4b:s3+s2], $0x80, v3, vm0, $0xb8;
	[tilespmem:$0x10200] =	vst v63  }
0x6e: {  	s20 =	simm.s32 $0xBA00  }
0x6f: {  	[tilespmem:s20], [sflag:$0x2] =	stream.indirect_vreg.gather [hbm4b:s4+s2], $0x80, v3, vm0, $0xb8;
	[tilespmem:$0x10200] =	vst v63  }
0x70: {  	v3 =	vld [tilespmem:$0x60];
	_ =	sdelay $0x4  }
0x71: {  	v38 =	vshll.u32 v3, $0x2  }
0x72: {  	v3 =	vand.u32 $0x7, v3;
	v4 =	vand.u32 $0xFFFFFFE0, v38  }
0x73: {  	v3 =	vor.u32 v3, v4  }
0x74: {  	v4 =	vperm.xlane v3, v0;
	_ =	sdelay $0x1  }
0x75: {  	v4 =	vadd.s32 v1, v4;
	_ =	sdelay $0x1  }
0x76: {  	v3 =	vperm.xlane v3, v2;
	_ =	sdelay $0x1  }
0x77: {  	s22 =	simm.s32 $0xC200;
	v3 =	vadd.s32 v1, v3  }
0x78: {  	[tilespmem:s22], [sflag:$0x2] =	stream.indirect_vreg.gather [hbm4b:s3+s2], $0x80, v4, vm0, $0xb8;
	[tilespmem:$0x10200] =	vst v63  }
0x79: {  	s25 =	simm.s32 $0xCA00  }
0x7a: {  	[tilespmem:s25], [sflag:$0x2] =	stream.indirect_vreg.gather [hbm4b:s4+s2], $0x80, v4, vm0, $0xb8;
	[tilespmem:$0x10200] =	vst v63  }
0x7b: {  	s26 =	simm.s32 $0xD200  }
0x7c: {  	[tilespmem:s26], [sflag:$0x2] =	stream.indirect_vreg.gather [hbm4b:s3+s2], $0x80, v3, vm0, $0xb8;
	[tilespmem:$0x10200] =	vst v63  }
0x7d: {  	s0 =	simm.s32 $0xDA00  }
0x7e: {  	[tilespmem:s0], [sflag:$0x2] =	stream.indirect_vreg.gather [hbm4b:s4+s2], $0x80, v3, vm0, $0xb8;
	[tilespmem:$0x10200] =	vst v63  }
0x7f: {  	v3 =	vld [tilespmem:$0x70];
	_ =	sdelay $0x4  }
0x80: {  	v39 =	vshll.u32 v3, $0x2  }
0x81: {  	v3 =	vand.u32 $0x7, v3;
	v4 =	vand.u32 $0xFFFFFFE0, v39  }
0x82: {  	v3 =	vor.u32 v3, v4  }
0x83: {  	v4 =	vperm.xlane v3, v0;
	_ =	sdelay $0x1  }
0x84: {  	v4 =	vadd.s32 v1, v4;
	_ =	sdelay $0x1  }
0x85: {  	v3 =	vperm.xlane v3, v2;
	_ =	sdelay $0x1  }
0x86: {  	s7 =	simm.s32 $0xE200;
	v3 =	vadd.s32 v1, v3  }
0x87: {  	[tilespmem:s7], [sflag:$0x2] =	stream.indirect_vreg.gather [hbm4b:s3+s2], $0x80, v4, vm0, $0xb8;
	[tilespmem:$0x10200] =	vst v63  }
0x88: {  	s9 =	simm.s32 $0xEA00  }
0x89: {  	[tilespmem:s9], [sflag:$0x2] =	stream.indirect_vreg.gather [hbm4b:s4+s2], $0x80, v4, vm0, $0xb8;
	[tilespmem:$0x10200] =	vst v63  }
0x8a: {  	s10 =	simm.s32 $0xF200  }
0x8b: {  	[tilespmem:s10], [sflag:$0x2] =	stream.indirect_vreg.gather [hbm4b:s3+s2], $0x80, v3, vm0, $0xb8;
	[tilespmem:$0x10200] =	vst v63  }
0x8c: {  	s22 =	simm.s32 $0xFA00  }
0x8d: {  	[tilespmem:s22], [sflag:$0x2] =	stream.indirect_vreg.gather [hbm4b:s4+s2], $0x80, v3, vm0, $0xb8;
	[tilespmem:$0x10200] =	vst v63  }
0x8e: {  	_ =	swait.ge [sflag:s13], $0x8000  }
0x8f: {  	[sflag:s13] =	ssyncset.done $0x0  }
0x90: {  	s25 =	rddreg [dreg:$0x3];
	[sflag:s13] =	ssyncadd.s32 $0xFFFF8000  }
0x91: {  	[hbm4b:s25+s2] =	stream.linear.scatter [tilespmem:s21], [sflag:$0x3], $0x8000, $0x38;
	[tilespmem:$0x10200] =	vst v63  }
0x92: {  	_ =	swait.ge [sflag:s14], $0x8000  }
0x93: {  	[sflag:s14] =	ssyncset.done $0x0  }
0x94: {  	[sflag:s14] =	ssyncadd.s32 $0xFFFF8000  }
0x95: {  	v3 =	vld [tilespmem:$0x80];
	_ =	sdelay $0x4  }
0x96: {  	v40 =	vshll.u32 v3, $0x2  }
0x97: {  	v3 =	vand.u32 $0x7, v3;
	v4 =	vand.u32 $0xFFFFFFE0, v40  }
0x98: {  	v3 =	vor.u32 v3, v4  }
0x99: {  	v4 =	vperm.xlane v3, v0;
	_ =	sdelay $0x1  }
0x9a: {  	v4 =	vadd.s32 v1, v4;
	_ =	sdelay $0x1  }
0x9b: {  	v3 =	vperm.xlane v3, v2;
	_ =	sdelay $0x1  }
0x9c: {  	v3 =	vadd.s32 v1, v3  }
0x9d: {  	[tilespmem:s21], [sflag:$0x1] =	stream.indirect_vreg.gather [hbm4b:s3+s2], $0x80, v4, vm0, $0xb8;
	[tilespmem:$0x10200] =	vst v63  }
0x9e: {  	s1 =	simm.s32 $0xA00  }
0x9f: {  	[tilespmem:s1], [sflag:$0x1] =	stream.indirect_vreg.gather [hbm4b:s4+s2], $0x80, v4, vm0, $0xb8;
	[tilespmem:$0x10200] =	vst v63  }
0xa0: {  	s7 =	simm.s32 $0x1200  }
0xa1: {  	[tilespmem:s7], [sflag:$0x1] =	stream.indirect_vreg.gather [hbm4b:s3+s2], $0x80, v3, vm0, $0xb8;
	[tilespmem:$0x10200] =	vst v63  }
0xa2: {  	s8 =	simm.s32 $0x1A00  }
0xa3: {  	[tilespmem:s8], [sflag:$0x1] =	stream.indirect_vreg.gather [hbm4b:s4+s2], $0x80, v3, vm0, $0xb8;
	[tilespmem:$0x10200] =	vst v63  }
0xa4: {  	v3 =	vld [tilespmem:$0x90];
	_ =	sdelay $0x4  }
0xa5: {  	v41 =	vshll.u32 v3, $0x2  }
0xa6: {  	v3 =	vand.u32 $0x7, v3;
	v4 =	vand.u32 $0xFFFFFFE0, v41  }
0xa7: {  	v3 =	vor.u32 v3, v4  }
0xa8: {  	v4 =	vperm.xlane v3, v0;
	_ =	sdelay $0x1  }
0xa9: {  	v4 =	vadd.s32 v1, v4;
	_ =	sdelay $0x1  }
0xaa: {  	v3 =	vperm.xlane v3, v2;
	_ =	sdelay $0x1  }
0xab: {  	s8 =	simm.s32 $0x2200;
	v3 =	vadd.s32 v1, v3  }
0xac: {  	[tilespmem:s8], [sflag:$0x1] =	stream.indirect_vreg.gather [hbm4b:s3+s2], $0x80, v4, vm0, $0xb8;
	[tilespmem:$0x10200] =	vst v63  }
0xad: {  	s9 =	simm.s32 $0x2A00  }
0xae: {  	[tilespmem:s9], [sflag:$0x1] =	stream.indirect_vreg.gather [hbm4b:s4+s2], $0x80, v4, vm0, $0xb8;
	[tilespmem:$0x10200] =	vst v63  }
0xaf: {  	s10 =	simm.s32 $0x3200  }
0xb0: {  	[tilespmem:s10], [sflag:$0x1] =	stream.indirect_vreg.gather [hbm4b:s3+s2], $0x80, v3, vm0, $0xb8;
	[tilespmem:$0x10200] =	vst v63  }
0xb1: {  	s18 =	simm.s32 $0x3A00  }
0xb2: {  	[tilespmem:s18], [sflag:$0x1] =	stream.indirect_vreg.gather [hbm4b:s4+s2], $0x80, v3, vm0, $0xb8;
	[tilespmem:$0x10200] =	vst v63  }
0xb3: {  	v3 =	vld [tilespmem:$0xA0];
	_ =	sdelay $0x4  }
0xb4: {  	v42 =	vshll.u32 v3, $0x2  }
0xb5: {  	v3 =	vand.u32 $0x7, v3;
	v4 =	vand.u32 $0xFFFFFFE0, v42  }
0xb6: {  	v3 =	vor.u32 v3, v4  }
0xb7: {  	v4 =	vperm.xlane v3, v0;
	_ =	sdelay $0x1  }
0xb8: {  	v4 =	vadd.s32 v1, v4;
	_ =	sdelay $0x1  }
0xb9: {  	v3 =	vperm.xlane v3, v2;
	_ =	sdelay $0x1  }
0xba: {  	s11 =	simm.s32 $0x4200;
	v3 =	vadd.s32 v1, v3  }
0xbb: {  	[tilespmem:s11], [sflag:$0x1] =	stream.indirect_vreg.gather [hbm4b:s3+s2], $0x80, v4, vm0, $0xb8;
	[tilespmem:$0x10200] =	vst v63  }
0xbc: {  	s12 =	simm.s32 $0x4A00  }
0xbd: {  	[tilespmem:s12], [sflag:$0x1] =	stream.indirect_vreg.gather [hbm4b:s4+s2], $0x80, v4, vm0, $0xb8;
	[tilespmem:$0x10200] =	vst v63  }
0xbe: {  	s25 =	simm.s32 $0x5200  }
0xbf: {  	[tilespmem:s25], [sflag:$0x1] =	stream.indirect_vreg.gather [hbm4b:s3+s2], $0x80, v3, vm0, $0xb8;
	[tilespmem:$0x10200] =	vst v63  }
0xc0: {  	s19 =	simm.s32 $0x5A00  }
0xc1: {  	[tilespmem:s19], [sflag:$0x1] =	stream.indirect_vreg.gather [hbm4b:s4+s2], $0x80, v3, vm0, $0xb8;
	[tilespmem:$0x10200] =	vst v63  }
0xc2: {  	v3 =	vld [tilespmem:$0xB0];
	_ =	sdelay $0x4  }
0xc3: {  	v43 =	vshll.u32 v3, $0x2  }
0xc4: {  	v3 =	vand.u32 $0x7, v3;
	v4 =	vand.u32 $0xFFFFFFE0, v43  }
0xc5: {  	v3 =	vor.u32 v3, v4  }
0xc6: {  	v4 =	vperm.xlane v3, v0;
	_ =	sdelay $0x1  }
0xc7: {  	v4 =	vadd.s32 v1, v4;
	_ =	sdelay $0x1  }
0xc8: {  	v3 =	vperm.xlane v3, v2;
	_ =	sdelay $0x1  }
0xc9: {  	s18 =	simm.s32 $0x6200;
	v3 =	vadd.s32 v1, v3  }
0xca: {  	[tilespmem:s18], [sflag:$0x1] =	stream.indirect_vreg.gather [hbm4b:s3+s2], $0x80, v4, vm0, $0xb8;
	[tilespmem:$0x10200] =	vst v63  }
0xcb: {  	s11 =	simm.s32 $0x6A00  }
0xcc: {  	[tilespmem:s11], [sflag:$0x1] =	stream.indirect_vreg.gather [hbm4b:s4+s2], $0x80, v4, vm0, $0xb8;
	[tilespmem:$0x10200] =	vst v63  }
0xcd: {  	s12 =	simm.s32 $0x7200  }
0xce: {  	[tilespmem:s12], [sflag:$0x1] =	stream.indirect_vreg.gather [hbm4b:s3+s2], $0x80, v3, vm0, $0xb8;
	[tilespmem:$0x10200] =	vst v63  }
0xcf: {  	s19 =	simm.s32 $0x7A00  }
0xd0: {  	[tilespmem:s19], [sflag:$0x1] =	stream.indirect_vreg.gather [hbm4b:s4+s2], $0x80, v3, vm0, $0xb8;
	[tilespmem:$0x10200] =	vst v63  }
0xd1: {  	_ =	swait.ge [sflag:s15], $0x8000  }
0xd2: {  	[sflag:s15] =	ssyncset.done $0x0  }
0xd3: {  	s26 =	rddreg [dreg:$0x4];
	[sflag:s15] =	ssyncadd.s32 $0xFFFF8000  }
0xd4: {  	[hbm4b:s26+s2] =	stream.linear.scatter [tilespmem:s23], [sflag:$0x4], $0x8000, $0x38;
	[tilespmem:$0x10200] =	vst v63  }
0xd5: {  	_ =	swait.ge [sflag:s16], $0x8000  }
0xd6: {  	[sflag:s16] =	ssyncset.done $0x0  }
0xd7: {  	[sflag:s16] =	ssyncadd.s32 $0xFFFF8000  }
0xd8: {  	v3 =	vld [tilespmem:$0xC0];
	_ =	sdelay $0x4  }
0xd9: {  	v44 =	vshll.u32 v3, $0x2  }
0xda: {  	v3 =	vand.u32 $0x7, v3;
	v4 =	vand.u32 $0xFFFFFFE0, v44  }
0xdb: {  	v3 =	vor.u32 v3, v4  }
0xdc: {  	v4 =	vperm.xlane v3, v0;
	_ =	sdelay $0x1  }
0xdd: {  	v4 =	vadd.s32 v1, v4;
	_ =	sdelay $0x1  }
0xde: {  	v3 =	vperm.xlane v3, v2;
	_ =	sdelay $0x1  }
0xdf: {  	v3 =	vadd.s32 v1, v3  }
0xe0: {  	[tilespmem:s23], [sflag:$0x2] =	stream.indirect_vreg.gather [hbm4b:s3+s2], $0x80, v4, vm0, $0xb8;
	[tilespmem:$0x10200] =	vst v63  }
0xe1: {  	s0 =	simm.s32 $0x8A00  }
0xe2: {  	[tilespmem:s0], [sflag:$0x2] =	stream.indirect_vreg.gather [hbm4b:s4+s2], $0x80, v4, vm0, $0xb8;
	[tilespmem:$0x10200] =	vst v63  }
0xe3: {  	s1 =	simm.s32 $0x9200  }
0xe4: {  	[tilespmem:s1], [sflag:$0x2] =	stream.indirect_vreg.gather [hbm4b:s3+s2], $0x80, v3, vm0, $0xb8;
	[tilespmem:$0x10200] =	vst v63  }
0xe5: {  	s6 =	simm.s32 $0x9A00  }
0xe6: {  	[tilespmem:s6], [sflag:$0x2] =	stream.indirect_vreg.gather [hbm4b:s4+s2], $0x80, v3, vm0, $0xb8;
	[tilespmem:$0x10200] =	vst v63  }
0xe7: {  	v3 =	vld [tilespmem:$0xD0];
	_ =	sdelay $0x4  }
0xe8: {  	v45 =	vshll.u32 v3, $0x2  }
0xe9: {  	v3 =	vand.u32 $0x7, v3;
	v4 =	vand.u32 $0xFFFFFFE0, v45  }
0xea: {  	v3 =	vor.u32 v3, v4  }
0xeb: {  	v4 =	vperm.xlane v3, v0;
	_ =	sdelay $0x1  }
0xec: {  	v4 =	vadd.s32 v1, v4;
	_ =	sdelay $0x1  }
0xed: {  	v3 =	vperm.xlane v3, v2;
	_ =	sdelay $0x1  }
0xee: {  	s6 =	simm.s32 $0xA200;
	v3 =	vadd.s32 v1, v3  }
0xef: {  	[tilespmem:s6], [sflag:$0x2] =	stream.indirect_vreg.gather [hbm4b:s3+s2], $0x80, v4, vm0, $0xb8;
	[tilespmem:$0x10200] =	vst v63  }
0xf0: {  	s31 =	simm.s32 $0xAA00  }
0xf1: {  	[tilespmem:s31], [sflag:$0x2] =	stream.indirect_vreg.gather [hbm4b:s4+s2], $0x80, v4, vm0, $0xb8;
	[tilespmem:$0x10200] =	vst v63  }
0xf2: {  	s28 =	simm.s32 $0xB200  }
0xf3: {  	[tilespmem:s28], [sflag:$0x2] =	stream.indirect_vreg.gather [hbm4b:s3+s2], $0x80, v3, vm0, $0xb8;
	[tilespmem:$0x10200] =	vst v63  }
0xf4: {  	s24 =	simm.s32 $0xBA00  }
0xf5: {  	[tilespmem:s24], [sflag:$0x2] =	stream.indirect_vreg.gather [hbm4b:s4+s2], $0x80, v3, vm0, $0xb8;
	[tilespmem:$0x10200] =	vst v63  }
0xf6: {  	v3 =	vld [tilespmem:$0xE0];
	_ =	sdelay $0x4  }
0xf7: {  	v46 =	vshll.u32 v3, $0x2  }
0xf8: {  	v3 =	vand.u32 $0x7, v3;
	v4 =	vand.u32 $0xFFFFFFE0, v46  }
0xf9: {  	v3 =	vor.u32 v3, v4  }
0xfa: {  	v4 =	vperm.xlane v3, v0;
	_ =	sdelay $0x1  }
0xfb: {  	v4 =	vadd.s32 v1, v4;
	_ =	sdelay $0x1  }
0xfc: {  	v3 =	vperm.xlane v3, v2;
	_ =	sdelay $0x1  }
0xfd: {  	s29 =	simm.s32 $0xC200;
	v3 =	vadd.s32 v1, v3  }
0xfe: {  	[tilespmem:s29], [sflag:$0x2] =	stream.indirect_vreg.gather [hbm4b:s3+s2], $0x80, v4, vm0, $0xb8;
	[tilespmem:$0x10200] =	vst v63  }
0xff: {  	s30 =	simm.s32 $0xCA00  }
0x100: {  	[tilespmem:s30], [sflag:$0x2] =	stream.indirect_vreg.gather [hbm4b:s4+s2], $0x80, v4, vm0, $0xb8;
	[tilespmem:$0x10200] =	vst v63  }
0x101: {  	s29 =	simm.s32 $0xD200  }
0x102: {  	[tilespmem:s29], [sflag:$0x2] =	stream.indirect_vreg.gather [hbm4b:s3+s2], $0x80, v3, vm0, $0xb8;
	[tilespmem:$0x10200] =	vst v63  }
0x103: {  	s20 =	simm.s32 $0xDA00  }
0x104: {  	[tilespmem:s20], [sflag:$0x2] =	stream.indirect_vreg.gather [hbm4b:s4+s2], $0x80, v3, vm0, $0xb8;
	[tilespmem:$0x10200] =	vst v63  }
0x105: {  	v3 =	vld [tilespmem:$0xF0];
	_ =	sdelay $0x4  }
0x106: {  	v47 =	vshll.u32 v3, $0x2  }
0x107: {  	v3 =	vand.u32 $0x7, v3;
	v4 =	vand.u32 $0xFFFFFFE0, v47  }
0x108: {  	v3 =	vor.u32 v3, v4  }
0x109: {  	v4 =	vperm.xlane v3, v0;
	_ =	sdelay $0x1  }
0x10a: {  	v4 =	vadd.s32 v1, v4;
	_ =	sdelay $0x1  }
0x10b: {  	v3 =	vperm.xlane v3, v2;
	_ =	sdelay $0x1  }
0x10c: {  	s30 =	simm.s32 $0xE200;
	v3 =	vadd.s32 v1, v3  }
0x10d: {  	[tilespmem:s30], [sflag:$0x2] =	stream.indirect_vreg.gather [hbm4b:s3+s2], $0x80, v4, vm0, $0xb8;
	[tilespmem:$0x10200] =	vst v63  }
0x10e: {  	s20 =	simm.s32 $0xEA00  }
0x10f: {  	[tilespmem:s20], [sflag:$0x2] =	stream.indirect_vreg.gather [hbm4b:s4+s2], $0x80, v4, vm0, $0xb8;
	[tilespmem:$0x10200] =	vst v63  }
0x110: {  	s28 =	simm.s32 $0xF200  }
0x111: {  	[tilespmem:s28], [sflag:$0x2] =	stream.indirect_vreg.gather [hbm4b:s3+s2], $0x80, v3, vm0, $0xb8;
	[tilespmem:$0x10200] =	vst v63  }
0x112: {  	s22 =	simm.s32 $0xFA00  }
0x113: {  	[tilespmem:s22], [sflag:$0x2] =	stream.indirect_vreg.gather [hbm4b:s4+s2], $0x80, v3, vm0, $0xb8;
	[tilespmem:$0x10200] =	vst v63  }
0x114: {  	_ =	swait.ge [sflag:s13], $0x8000  }
0x115: {  	[sflag:s13] =	ssyncset.done $0x0  }
0x116: {  	s22 =	rddreg [dreg:$0x5];
	[sflag:s13] =	ssyncadd.s32 $0xFFFF8000  }
0x117: {  	[hbm4b:s22+s2] =	stream.linear.scatter [tilespmem:s21], [sflag:$0x3], $0x8000, $0x38;
	[tilespmem:$0x10200] =	vst v63  }
0x118: {  	_ =	swait.ge [sflag:s14], $0x8000  }
0x119: {  	[sflag:s14] =	ssyncset.done $0x0  }
0x11a: {  	[sflag:s14] =	ssyncadd.s32 $0xFFFF8000  }
0x11b: {  	v3 =	vld [tilespmem:$0x100];
	_ =	sdelay $0x4  }
0x11c: {  	v48 =	vshll.u32 v3, $0x2  }
0x11d: {  	v3 =	vand.u32 $0x7, v3;
	v4 =	vand.u32 $0xFFFFFFE0, v48  }
0x11e: {  	v3 =	vor.u32 v3, v4  }
0x11f: {  	v4 =	vperm.xlane v3, v0;
	_ =	sdelay $0x1  }
0x120: {  	v4 =	vadd.s32 v1, v4;
	_ =	sdelay $0x1  }
0x121: {  	v3 =	vperm.xlane v3, v2;
	_ =	sdelay $0x1  }
0x122: {  	v3 =	vadd.s32 v1, v3  }
0x123: {  	[tilespmem:s21], [sflag:$0x1] =	stream.indirect_vreg.gather [hbm4b:s3+s2], $0x80, v4, vm0, $0xb8;
	[tilespmem:$0x10200] =	vst v63  }
0x124: {  	s22 =	simm.s32 $0xA00  }
0x125: {  	[tilespmem:s22], [sflag:$0x1] =	stream.indirect_vreg.gather [hbm4b:s4+s2], $0x80, v4, vm0, $0xb8;
	[tilespmem:$0x10200] =	vst v63  }
0x126: {  	_ = 	snop  }
0x127: {  	[tilespmem:s7], [sflag:$0x1] =	stream.indirect_vreg.gather [hbm4b:s3+s2], $0x80, v3, vm0, $0xb8;
	[tilespmem:$0x10200] =	vst v63  }
0x128: {  	s22 =	simm.s32 $0x1A00  }
0x129: {  	[tilespmem:s22], [sflag:$0x1] =	stream.indirect_vreg.gather [hbm4b:s4+s2], $0x80, v3, vm0, $0xb8;
	[tilespmem:$0x10200] =	vst v63  }
0x12a: {  	v3 =	vld [tilespmem:$0x110];
	_ =	sdelay $0x4  }
0x12b: {  	v49 =	vshll.u32 v3, $0x2  }
0x12c: {  	v3 =	vand.u32 $0x7, v3;
	v4 =	vand.u32 $0xFFFFFFE0, v49  }
0x12d: {  	v3 =	vor.u32 v3, v4  }
0x12e: {  	v4 =	vperm.xlane v3, v0;
	_ =	sdelay $0x1  }
0x12f: {  	v4 =	vadd.s32 v1, v4;
	_ =	sdelay $0x1  }
0x130: {  	v3 =	vperm.xlane v3, v2;
	_ =	sdelay $0x1  }
0x131: {  	v3 =	vadd.s32 v1, v3  }
0x132: {  	[tilespmem:s8], [sflag:$0x1] =	stream.indirect_vreg.gather [hbm4b:s3+s2], $0x80, v4, vm0, $0xb8;
	[tilespmem:$0x10200] =	vst v63  }
0x133: {  	_ = 	snop  }
0x134: {  	[tilespmem:s9], [sflag:$0x1] =	stream.indirect_vreg.gather [hbm4b:s4+s2], $0x80, v4, vm0, $0xb8;
	[tilespmem:$0x10200] =	vst v63  }
0x135: {  	_ = 	snop  }
0x136: {  	[tilespmem:s10], [sflag:$0x1] =	stream.indirect_vreg.gather [hbm4b:s3+s2], $0x80, v3, vm0, $0xb8;
	[tilespmem:$0x10200] =	vst v63  }
0x137: {  	s22 =	simm.s32 $0x3A00  }
0x138: {  	[tilespmem:s22], [sflag:$0x1] =	stream.indirect_vreg.gather [hbm4b:s4+s2], $0x80, v3, vm0, $0xb8;
	[tilespmem:$0x10200] =	vst v63  }
0x139: {  	v3 =	vld [tilespmem:$0x120];
	_ =	sdelay $0x4  }
0x13a: {  	v50 =	vshll.u32 v3, $0x2  }
0x13b: {  	v3 =	vand.u32 $0x7, v3;
	v4 =	vand.u32 $0xFFFFFFE0, v50  }
0x13c: {  	v3 =	vor.u32 v3, v4  }
0x13d: {  	v4 =	vperm.xlane v3, v0;
	_ =	sdelay $0x1  }
0x13e: {  	v4 =	vadd.s32 v1, v4;
	_ =	sdelay $0x1  }
0x13f: {  	v3 =	vperm.xlane v3, v2;
	_ =	sdelay $0x1  }
0x140: {  	s22 =	simm.s32 $0x4200;
	v3 =	vadd.s32 v1, v3  }
0x141: {  	[tilespmem:s22], [sflag:$0x1] =	stream.indirect_vreg.gather [hbm4b:s3+s2], $0x80, v4, vm0, $0xb8;
	[tilespmem:$0x10200] =	vst v63  }
0x142: {  	s22 =	simm.s32 $0x4A00  }
0x143: {  	[tilespmem:s22], [sflag:$0x1] =	stream.indirect_vreg.gather [hbm4b:s4+s2], $0x80, v4, vm0, $0xb8;
	[tilespmem:$0x10200] =	vst v63  }
0x144: {  	_ = 	snop  }
0x145: {  	[tilespmem:s25], [sflag:$0x1] =	stream.indirect_vreg.gather [hbm4b:s3+s2], $0x80, v3, vm0, $0xb8;
	[tilespmem:$0x10200] =	vst v63  }
0x146: {  	s22 =	simm.s32 $0x5A00  }
0x147: {  	[tilespmem:s22], [sflag:$0x1] =	stream.indirect_vreg.gather [hbm4b:s4+s2], $0x80, v3, vm0, $0xb8;
	[tilespmem:$0x10200] =	vst v63  }
0x148: {  	v3 =	vld [tilespmem:$0x130];
	_ =	sdelay $0x4  }
0x149: {  	v51 =	vshll.u32 v3, $0x2  }
0x14a: {  	v3 =	vand.u32 $0x7, v3;
	v4 =	vand.u32 $0xFFFFFFE0, v51  }
0x14b: {  	v3 =	vor.u32 v3, v4  }
0x14c: {  	v4 =	vperm.xlane v3, v0;
	_ =	sdelay $0x1  }
0x14d: {  	v4 =	vadd.s32 v1, v4;
	_ =	sdelay $0x1  }
0x14e: {  	v3 =	vperm.xlane v3, v2;
	_ =	sdelay $0x1  }
0x14f: {  	v3 =	vadd.s32 v1, v3  }
0x150: {  	[tilespmem:s18], [sflag:$0x1] =	stream.indirect_vreg.gather [hbm4b:s3+s2], $0x80, v4, vm0, $0xb8;
	[tilespmem:$0x10200] =	vst v63  }
0x151: {  	_ = 	snop  }
0x152: {  	[tilespmem:s11], [sflag:$0x1] =	stream.indirect_vreg.gather [hbm4b:s4+s2], $0x80, v4, vm0, $0xb8;
	[tilespmem:$0x10200] =	vst v63  }
0x153: {  	_ = 	snop  }
0x154: {  	[tilespmem:s12], [sflag:$0x1] =	stream.indirect_vreg.gather [hbm4b:s3+s2], $0x80, v3, vm0, $0xb8;
	[tilespmem:$0x10200] =	vst v63  }
0x155: {  	_ = 	snop  }
0x156: {  	[tilespmem:s19], [sflag:$0x1] =	stream.indirect_vreg.gather [hbm4b:s4+s2], $0x80, v3, vm0, $0xb8;
	[tilespmem:$0x10200] =	vst v63  }
0x157: {  	_ =	swait.ge [sflag:s15], $0x8000  }
0x158: {  	[sflag:s15] =	ssyncset.done $0x0  }
0x159: {  	s22 =	rddreg [dreg:$0x6];
	[sflag:s15] =	ssyncadd.s32 $0xFFFF8000  }
0x15a: {  	[hbm4b:s22+s2] =	stream.linear.scatter [tilespmem:s23], [sflag:$0x4], $0x8000, $0x38;
	[tilespmem:$0x10200] =	vst v63  }
0x15b: {  	_ =	swait.ge [sflag:s16], $0x8000  }
0x15c: {  	[sflag:s16] =	ssyncset.done $0x0  }
0x15d: {  	[sflag:s16] =	ssyncadd.s32 $0xFFFF8000  }
0x15e: {  	v3 =	vld [tilespmem:$0x140];
	_ =	sdelay $0x4  }
0x15f: {  	v52 =	vshll.u32 v3, $0x2  }
0x160: {  	v3 =	vand.u32 $0x7, v3;
	v4 =	vand.u32 $0xFFFFFFE0, v52  }
0x161: {  	v3 =	vor.u32 v3, v4  }
0x162: {  	v4 =	vperm.xlane v3, v0;
	_ =	sdelay $0x1  }
0x163: {  	v4 =	vadd.s32 v1, v4;
	_ =	sdelay $0x1  }
0x164: {  	v3 =	vperm.xlane v3, v2;
	_ =	sdelay $0x1  }
0x165: {  	v3 =	vadd.s32 v1, v3  }
0x166: {  	[tilespmem:s23], [sflag:$0x2] =	stream.indirect_vreg.gather [hbm4b:s3+s2], $0x80, v4, vm0, $0xb8;
	[tilespmem:$0x10200] =	vst v63  }
0x167: {  	_ = 	snop  }
0x168: {  	[tilespmem:s0], [sflag:$0x2] =	stream.indirect_vreg.gather [hbm4b:s4+s2], $0x80, v4, vm0, $0xb8;
	[tilespmem:$0x10200] =	vst v63  }
0x169: {  	_ = 	snop  }
0x16a: {  	[tilespmem:s1], [sflag:$0x2] =	stream.indirect_vreg.gather [hbm4b:s3+s2], $0x80, v3, vm0, $0xb8;
	[tilespmem:$0x10200] =	vst v63  }
0x16b: {  	s22 =	simm.s32 $0x9A00  }
0x16c: {  	[tilespmem:s22], [sflag:$0x2] =	stream.indirect_vreg.gather [hbm4b:s4+s2], $0x80, v3, vm0, $0xb8;
	[tilespmem:$0x10200] =	vst v63  }
0x16d: {  	v3 =	vld [tilespmem:$0x150];
	_ =	sdelay $0x4  }
0x16e: {  	v53 =	vshll.u32 v3, $0x2  }
0x16f: {  	v3 =	vand.u32 $0x7, v3;
	v4 =	vand.u32 $0xFFFFFFE0, v53  }
0x170: {  	v3 =	vor.u32 v3, v4  }
0x171: {  	v4 =	vperm.xlane v3, v0;
	_ =	sdelay $0x1  }
0x172: {  	v4 =	vadd.s32 v1, v4;
	_ =	sdelay $0x1  }
0x173: {  	v3 =	vperm.xlane v3, v2;
	_ =	sdelay $0x1  }
0x174: {  	v3 =	vadd.s32 v1, v3  }
0x175: {  	[tilespmem:s6], [sflag:$0x2] =	stream.indirect_vreg.gather [hbm4b:s3+s2], $0x80, v4, vm0, $0xb8;
	[tilespmem:$0x10200] =	vst v63  }
0x176: {  	s31 =	simm.s32 $0xAA00  }
0x177: {  	[tilespmem:s31], [sflag:$0x2] =	stream.indirect_vreg.gather [hbm4b:s4+s2], $0x80, v4, vm0, $0xb8;
	[tilespmem:$0x10200] =	vst v63  }
0x178: {  	s22 =	simm.s32 $0xB200  }
0x179: {  	[tilespmem:s22], [sflag:$0x2] =	stream.indirect_vreg.gather [hbm4b:s3+s2], $0x80, v3, vm0, $0xb8;
	[tilespmem:$0x10200] =	vst v63  }
0x17a: {  	s22 =	simm.s32 $0xBA00  }
0x17b: {  	[tilespmem:s22], [sflag:$0x2] =	stream.indirect_vreg.gather [hbm4b:s4+s2], $0x80, v3, vm0, $0xb8;
	[tilespmem:$0x10200] =	vst v63  }
0x17c: {  	v3 =	vld [tilespmem:$0x160];
	_ =	sdelay $0x4  }
0x17d: {  	v54 =	vshll.u32 v3, $0x2  }
0x17e: {  	v3 =	vand.u32 $0x7, v3;
	v4 =	vand.u32 $0xFFFFFFE0, v54  }
0x17f: {  	v3 =	vor.u32 v3, v4  }
0x180: {  	v4 =	vperm.xlane v3, v0;
	_ =	sdelay $0x1  }
0x181: {  	v4 =	vadd.s32 v1, v4;
	_ =	sdelay $0x1  }
0x182: {  	v3 =	vperm.xlane v3, v2;
	_ =	sdelay $0x1  }
0x183: {  	s24 =	simm.s32 $0xC200;
	v3 =	vadd.s32 v1, v3  }
0x184: {  	[tilespmem:s24], [sflag:$0x2] =	stream.indirect_vreg.gather [hbm4b:s3+s2], $0x80, v4, vm0, $0xb8;
	[tilespmem:$0x10200] =	vst v63  }
0x185: {  	s26 =	simm.s32 $0xCA00  }
0x186: {  	[tilespmem:s26], [sflag:$0x2] =	stream.indirect_vreg.gather [hbm4b:s4+s2], $0x80, v4, vm0, $0xb8;
	[tilespmem:$0x10200] =	vst v63  }
0x187: {  	s29 =	simm.s32 $0xD200  }
0x188: {  	[tilespmem:s29], [sflag:$0x2] =	stream.indirect_vreg.gather [hbm4b:s3+s2], $0x80, v3, vm0, $0xb8;
	[tilespmem:$0x10200] =	vst v63  }
0x189: {  	s26 =	simm.s32 $0xDA00  }
0x18a: {  	[tilespmem:s26], [sflag:$0x2] =	stream.indirect_vreg.gather [hbm4b:s4+s2], $0x80, v3, vm0, $0xb8;
	[tilespmem:$0x10200] =	vst v63  }
0x18b: {  	v3 =	vld [tilespmem:$0x170];
	_ =	sdelay $0x4  }
0x18c: {  	v55 =	vshll.u32 v3, $0x2  }
0x18d: {  	v3 =	vand.u32 $0x7, v3;
	v4 =	vand.u32 $0xFFFFFFE0, v55  }
0x18e: {  	v3 =	vor.u32 v3, v4  }
0x18f: {  	v4 =	vperm.xlane v3, v0;
	_ =	sdelay $0x1  }
0x190: {  	v4 =	vadd.s32 v1, v4;
	_ =	sdelay $0x1  }
0x191: {  	v3 =	vperm.xlane v3, v2;
	_ =	sdelay $0x1  }
0x192: {  	s30 =	simm.s32 $0xE200;
	v3 =	vadd.s32 v1, v3  }
0x193: {  	[tilespmem:s30], [sflag:$0x2] =	stream.indirect_vreg.gather [hbm4b:s3+s2], $0x80, v4, vm0, $0xb8;
	[tilespmem:$0x10200] =	vst v63  }
0x194: {  	s20 =	simm.s32 $0xEA00  }
0x195: {  	[tilespmem:s20], [sflag:$0x2] =	stream.indirect_vreg.gather [hbm4b:s4+s2], $0x80, v4, vm0, $0xb8;
	[tilespmem:$0x10200] =	vst v63  }
0x196: {  	s28 =	simm.s32 $0xF200  }
0x197: {  	[tilespmem:s28], [sflag:$0x2] =	stream.indirect_vreg.gather [hbm4b:s3+s2], $0x80, v3, vm0, $0xb8;
	[tilespmem:$0x10200] =	vst v63  }
0x198: {  	s28 =	simm.s32 $0xFA00  }
0x199: {  	[tilespmem:s28], [sflag:$0x2] =	stream.indirect_vreg.gather [hbm4b:s4+s2], $0x80, v3, vm0, $0xb8;
	[tilespmem:$0x10200] =	vst v63  }
0x19a: {  	_ =	swait.ge [sflag:s13], $0x8000  }
0x19b: {  	[sflag:s13] =	ssyncset.done $0x0  }
0x19c: {  	s17 =	rddreg [dreg:$0x7];
	[sflag:s13] =	ssyncadd.s32 $0xFFFF8000  }
0x19d: {  	[hbm4b:s17+s2] =	stream.linear.scatter [tilespmem:s21], [sflag:$0x3], $0x8000, $0x38;
	[tilespmem:$0x10200] =	vst v63  }
0x19e: {  	_ =	swait.ge [sflag:s14], $0x8000  }
0x19f: {  	[sflag:s14] =	ssyncset.done $0x0  }
0x1a0: {  	[sflag:s14] =	ssyncadd.s32 $0xFFFF8000  }
0x1a1: {  	v3 =	vld [tilespmem:$0x180];
	_ =	sdelay $0x4  }
0x1a2: {  	v56 =	vshll.u32 v3, $0x2  }
0x1a3: {  	v3 =	vand.u32 $0x7, v3;
	v4 =	vand.u32 $0xFFFFFFE0, v56  }
0x1a4: {  	v3 =	vor.u32 v3, v4  }
0x1a5: {  	v4 =	vperm.xlane v3, v0;
	_ =	sdelay $0x1  }
0x1a6: {  	v4 =	vadd.s32 v1, v4;
	_ =	sdelay $0x1  }
0x1a7: {  	v3 =	vperm.xlane v3, v2;
	_ =	sdelay $0x1  }
0x1a8: {  	v3 =	vadd.s32 v1, v3  }
0x1a9: {  	[tilespmem:s21], [sflag:$0x1] =	stream.indirect_vreg.gather [hbm4b:s3+s2], $0x80, v4, vm0, $0xb8;
	[tilespmem:$0x10200] =	vst v63  }
0x1aa: {  	s17 =	simm.s32 $0xA00  }
0x1ab: {  	[tilespmem:s17], [sflag:$0x1] =	stream.indirect_vreg.gather [hbm4b:s4+s2], $0x80, v4, vm0, $0xb8;
	[tilespmem:$0x10200] =	vst v63  }
0x1ac: {  	s7 =	simm.s32 $0x1200  }
0x1ad: {  	[tilespmem:s7], [sflag:$0x1] =	stream.indirect_vreg.gather [hbm4b:s3+s2], $0x80, v3, vm0, $0xb8;
	[tilespmem:$0x10200] =	vst v63  }
0x1ae: {  	s17 =	simm.s32 $0x1A00  }
0x1af: {  	[tilespmem:s17], [sflag:$0x1] =	stream.indirect_vreg.gather [hbm4b:s4+s2], $0x80, v3, vm0, $0xb8;
	[tilespmem:$0x10200] =	vst v63  }
0x1b0: {  	v3 =	vld [tilespmem:$0x190];
	_ =	sdelay $0x4  }
0x1b1: {  	v57 =	vshll.u32 v3, $0x2  }
0x1b2: {  	v3 =	vand.u32 $0x7, v3;
	v4 =	vand.u32 $0xFFFFFFE0, v57  }
0x1b3: {  	v3 =	vor.u32 v3, v4  }
0x1b4: {  	v4 =	vperm.xlane v3, v0;
	_ =	sdelay $0x1  }
0x1b5: {  	v4 =	vadd.s32 v1, v4;
	_ =	sdelay $0x1  }
0x1b6: {  	v3 =	vperm.xlane v3, v2;
	_ =	sdelay $0x1  }
0x1b7: {  	s8 =	simm.s32 $0x2200;
	v3 =	vadd.s32 v1, v3  }
0x1b8: {  	[tilespmem:s8], [sflag:$0x1] =	stream.indirect_vreg.gather [hbm4b:s3+s2], $0x80, v4, vm0, $0xb8;
	[tilespmem:$0x10200] =	vst v63  }
0x1b9: {  	s9 =	simm.s32 $0x2A00  }
0x1ba: {  	[tilespmem:s9], [sflag:$0x1] =	stream.indirect_vreg.gather [hbm4b:s4+s2], $0x80, v4, vm0, $0xb8;
	[tilespmem:$0x10200] =	vst v63  }
0x1bb: {  	s10 =	simm.s32 $0x3200  }
0x1bc: {  	[tilespmem:s10], [sflag:$0x1] =	stream.indirect_vreg.gather [hbm4b:s3+s2], $0x80, v3, vm0, $0xb8;
	[tilespmem:$0x10200] =	vst v63  }
0x1bd: {  	s17 =	simm.s32 $0x3A00  }
0x1be: {  	[tilespmem:s17], [sflag:$0x1] =	stream.indirect_vreg.gather [hbm4b:s4+s2], $0x80, v3, vm0, $0xb8;
	[tilespmem:$0x10200] =	vst v63  }
0x1bf: {  	v3 =	vld [tilespmem:$0x1A0];
	_ =	sdelay $0x4  }
0x1c0: {  	v58 =	vshll.u32 v3, $0x2  }
0x1c1: {  	v3 =	vand.u32 $0x7, v3;
	v4 =	vand.u32 $0xFFFFFFE0, v58  }
0x1c2: {  	v3 =	vor.u32 v3, v4  }
0x1c3: {  	v4 =	vperm.xlane v3, v0;
	_ =	sdelay $0x1  }
0x1c4: {  	v4 =	vadd.s32 v1, v4;
	_ =	sdelay $0x1  }
0x1c5: {  	v3 =	vperm.xlane v3, v2;
	_ =	sdelay $0x1  }
0x1c6: {  	s8 =	simm.s32 $0x4200;
	v3 =	vadd.s32 v1, v3  }
0x1c7: {  	[tilespmem:s8], [sflag:$0x1] =	stream.indirect_vreg.gather [hbm4b:s3+s2], $0x80, v4, vm0, $0xb8;
	[tilespmem:$0x10200] =	vst v63  }
0x1c8: {  	s9 =	simm.s32 $0x4A00  }
0x1c9: {  	[tilespmem:s9], [sflag:$0x1] =	stream.indirect_vreg.gather [hbm4b:s4+s2], $0x80, v4, vm0, $0xb8;
	[tilespmem:$0x10200] =	vst v63  }
0x1ca: {  	s25 =	simm.s32 $0x5200  }
0x1cb: {  	[tilespmem:s25], [sflag:$0x1] =	stream.indirect_vreg.gather [hbm4b:s3+s2], $0x80, v3, vm0, $0xb8;
	[tilespmem:$0x10200] =	vst v63  }
0x1cc: {  	s10 =	simm.s32 $0x5A00  }
0x1cd: {  	[tilespmem:s10], [sflag:$0x1] =	stream.indirect_vreg.gather [hbm4b:s4+s2], $0x80, v3, vm0, $0xb8;
	[tilespmem:$0x10200] =	vst v63  }
0x1ce: {  	v3 =	vld [tilespmem:$0x1B0];
	_ =	sdelay $0x4  }
0x1cf: {  	v59 =	vshll.u32 v3, $0x2  }
0x1d0: {  	v3 =	vand.u32 $0x7, v3;
	v4 =	vand.u32 $0xFFFFFFE0, v59  }
0x1d1: {  	v3 =	vor.u32 v3, v4  }
0x1d2: {  	v4 =	vperm.xlane v3, v0;
	_ =	sdelay $0x1  }
0x1d3: {  	v4 =	vadd.s32 v1, v4;
	_ =	sdelay $0x1  }
0x1d4: {  	v3 =	vperm.xlane v3, v2;
	_ =	sdelay $0x1  }
0x1d5: {  	s18 =	simm.s32 $0x6200;
	v3 =	vadd.s32 v1, v3  }
0x1d6: {  	[tilespmem:s18], [sflag:$0x1] =	stream.indirect_vreg.gather [hbm4b:s3+s2], $0x80, v4, vm0, $0xb8;
	[tilespmem:$0x10200] =	vst v63  }
0x1d7: {  	s11 =	simm.s32 $0x6A00  }
0x1d8: {  	[tilespmem:s11], [sflag:$0x1] =	stream.indirect_vreg.gather [hbm4b:s4+s2], $0x80, v4, vm0, $0xb8;
	[tilespmem:$0x10200] =	vst v63  }
0x1d9: {  	s12 =	simm.s32 $0x7200  }
0x1da: {  	[tilespmem:s12], [sflag:$0x1] =	stream.indirect_vreg.gather [hbm4b:s3+s2], $0x80, v3, vm0, $0xb8;
	[tilespmem:$0x10200] =	vst v63  }
0x1db: {  	s19 =	simm.s32 $0x7A00  }
0x1dc: {  	[tilespmem:s19], [sflag:$0x1] =	stream.indirect_vreg.gather [hbm4b:s4+s2], $0x80, v3, vm0, $0xb8;
	[tilespmem:$0x10200] =	vst v63  }
0x1dd: {  	_ =	swait.ge [sflag:s15], $0x8000  }
0x1de: {  	[sflag:s15] =	ssyncset.done $0x0  }
0x1df: {  	s12 =	rddreg [dreg:$0x8];
	[sflag:s15] =	ssyncadd.s32 $0xFFFF8000  }
0x1e0: {  	[hbm4b:s12+s2] =	stream.linear.scatter [tilespmem:s23], [sflag:$0x4], $0x8000, $0x38;
	[tilespmem:$0x10200] =	vst v63  }
0x1e1: {  	_ =	swait.ge [sflag:s16], $0x8000  }
0x1e2: {  	[sflag:s16] =	ssyncset.done $0x0  }
0x1e3: {  	[sflag:s16] =	ssyncadd.s32 $0xFFFF8000  }
0x1e4: {  	v3 =	vld [tilespmem:$0x1C0];
	_ =	sdelay $0x4  }
0x1e5: {  	v60 =	vshll.u32 v3, $0x2  }
0x1e6: {  	v3 =	vand.u32 $0x7, v3;
	v4 =	vand.u32 $0xFFFFFFE0, v60  }
0x1e7: {  	v3 =	vor.u32 v3, v4  }
0x1e8: {  	v4 =	vperm.xlane v3, v0;
	_ =	sdelay $0x1  }
0x1e9: {  	v4 =	vadd.s32 v1, v4;
	_ =	sdelay $0x1  }
0x1ea: {  	v3 =	vperm.xlane v3, v2;
	_ =	sdelay $0x1  }
0x1eb: {  	v3 =	vadd.s32 v1, v3  }
0x1ec: {  	[tilespmem:s23], [sflag:$0x2] =	stream.indirect_vreg.gather [hbm4b:s3+s2], $0x80, v4, vm0, $0xb8;
	[tilespmem:$0x10200] =	vst v63  }
0x1ed: {  	s0 =	simm.s32 $0x8A00  }
0x1ee: {  	[tilespmem:s0], [sflag:$0x2] =	stream.indirect_vreg.gather [hbm4b:s4+s2], $0x80, v4, vm0, $0xb8;
	[tilespmem:$0x10200] =	vst v63  }
0x1ef: {  	s1 =	simm.s32 $0x9200  }
0x1f0: {  	[tilespmem:s1], [sflag:$0x2] =	stream.indirect_vreg.gather [hbm4b:s3+s2], $0x80, v3, vm0, $0xb8;
	[tilespmem:$0x10200] =	vst v63  }
0x1f1: {  	s18 =	simm.s32 $0x9A00  }
0x1f2: {  	[tilespmem:s18], [sflag:$0x2] =	stream.indirect_vreg.gather [hbm4b:s4+s2], $0x80, v3, vm0, $0xb8;
	[tilespmem:$0x10200] =	vst v63  }
0x1f3: {  	v3 =	vld [tilespmem:$0x1D0];
	_ =	sdelay $0x4  }
0x1f4: {  	v61 =	vshll.u32 v3, $0x2  }
0x1f5: {  	v3 =	vand.u32 $0x7, v3;
	v4 =	vand.u32 $0xFFFFFFE0, v61  }
0x1f6: {  	v3 =	vor.u32 v3, v4  }
0x1f7: {  	v4 =	vperm.xlane v3, v0;
	_ =	sdelay $0x1  }
0x1f8: {  	v4 =	vadd.s32 v1, v4;
	_ =	sdelay $0x1  }
0x1f9: {  	v3 =	vperm.xlane v3, v2;
	_ =	sdelay $0x1  }
0x1fa: {  	s6 =	simm.s32 $0xA200;
	v3 =	vadd.s32 v1, v3  }
0x1fb: {  	[tilespmem:s6], [sflag:$0x2] =	stream.indirect_vreg.gather [hbm4b:s3+s2], $0x80, v4, vm0, $0xb8;
	[tilespmem:$0x10200] =	vst v63  }
0x1fc: {  	s31 =	simm.s32 $0xAA00  }
0x1fd: {  	[tilespmem:s31], [sflag:$0x2] =	stream.indirect_vreg.gather [hbm4b:s4+s2], $0x80, v4, vm0, $0xb8;
	[tilespmem:$0x10200] =	vst v63  }
0x1fe: {  	s19 =	simm.s32 $0xB200  }
0x1ff: {  	[tilespmem:s19], [sflag:$0x2] =	stream.indirect_vreg.gather [hbm4b:s3+s2], $0x80, v3, vm0, $0xb8;
	[tilespmem:$0x10200] =	vst v63  }
0x200: {  	s25 =	simm.s32 $0xBA00  }
0x201: {  	[tilespmem:s25], [sflag:$0x2] =	stream.indirect_vreg.gather [hbm4b:s4+s2], $0x80, v3, vm0, $0xb8;
	[tilespmem:$0x10200] =	vst v63  }
0x202: {  	v3 =	vld [tilespmem:$0x1E0];
	_ =	sdelay $0x4  }
0x203: {  	v62 =	vshll.u32 v3, $0x2  }
0x204: {  	v3 =	vand.u32 $0x7, v3;
	v4 =	vand.u32 $0xFFFFFFE0, v62  }
0x205: {  	v3 =	vor.u32 v3, v4  }
0x206: {  	v4 =	vperm.xlane v3, v0;
	_ =	sdelay $0x1  }
0x207: {  	v4 =	vadd.s32 v1, v4;
	_ =	sdelay $0x1  }
0x208: {  	v3 =	vperm.xlane v3, v2;
	_ =	sdelay $0x1  }
0x209: {  	s22 =	simm.s32 $0xC200;
	v3 =	vadd.s32 v1, v3  }
0x20a: {  	[tilespmem:s22], [sflag:$0x2] =	stream.indirect_vreg.gather [hbm4b:s3+s2], $0x80, v4, vm0, $0xb8;
	[tilespmem:$0x10200] =	vst v63  }
0x20b: {  	s24 =	simm.s32 $0xCA00  }
0x20c: {  	[tilespmem:s24], [sflag:$0x2] =	stream.indirect_vreg.gather [hbm4b:s4+s2], $0x80, v4, vm0, $0xb8;
	[tilespmem:$0x10200] =	vst v63  }
0x20d: {  	s29 =	simm.s32 $0xD200  }
0x20e: {  	[tilespmem:s29], [sflag:$0x2] =	stream.indirect_vreg.gather [hbm4b:s3+s2], $0x80, v3, vm0, $0xb8;
	[tilespmem:$0x10200] =	vst v63  }
0x20f: {  	s29 =	simm.s32 $0xDA00  }
0x210: {  	[tilespmem:s29], [sflag:$0x2] =	stream.indirect_vreg.gather [hbm4b:s4+s2], $0x80, v3, vm0, $0xb8;
	[tilespmem:$0x10200] =	vst v63  }
0x211: {  	v3 =	vld [tilespmem:$0x1F0];
	_ =	sdelay $0x4  }
0x212: {  	v63 =	vshll.u32 v3, $0x2  }
0x213: {  	v3 =	vand.u32 $0x7, v3;
	v4 =	vand.u32 $0xFFFFFFE0, v63  }
0x214: {  	v3 =	vor.u32 v3, v4  }
0x215: {  	v4 =	vperm.xlane v3, v0;
	_ =	sdelay $0x1  }
0x216: {  	v4 =	vadd.s32 v1, v4;
	_ =	sdelay $0x1  }
0x217: {  	v3 =	vperm.xlane v3, v2;
	_ =	sdelay $0x1  }
0x218: {  	s30 =	simm.s32 $0xE200;
	v3 =	vadd.s32 v1, v3  }
0x219: {  	[tilespmem:s30], [sflag:$0x2] =	stream.indirect_vreg.gather [hbm4b:s3+s2], $0x80, v4, vm0, $0xb8;
	[tilespmem:$0x10200] =	vst v63  }
0x21a: {  	s26 =	simm.s32 $0xEA00  }
0x21b: {  	[tilespmem:s26], [sflag:$0x2] =	stream.indirect_vreg.gather [hbm4b:s4+s2], $0x80, v4, vm0, $0xb8;
	[tilespmem:$0x10200] =	vst v63  }
0x21c: {  	s20 =	simm.s32 $0xF200  }
0x21d: {  	[tilespmem:s20], [sflag:$0x2] =	stream.indirect_vreg.gather [hbm4b:s3+s2], $0x80, v3, vm0, $0xb8;
	[tilespmem:$0x10200] =	vst v63  }
0x21e: {  	s28 =	simm.s32 $0xFA00  }
0x21f: {  	[tilespmem:s28], [sflag:$0x2] =	stream.indirect_vreg.gather [hbm4b:s4+s2], $0x80, v3, vm0, $0xb8;
	[tilespmem:$0x10200] =	vst v63  }
0x220: {  	_ =	swait.ge [sflag:s13], $0x8000  }
0x221: {  	[sflag:s13] =	ssyncset.done $0x0  }
0x222: {  	s30 =	rddreg [dreg:$0x9];
	[sflag:s13] =	ssyncadd.s32 $0xFFFF8000  }
0x223: {  	[hbm4b:s30+s2] =	stream.linear.scatter [tilespmem:s21], [sflag:$0x3], $0x8000, $0x38;
	[tilespmem:$0x10200] =	vst v63  }
0x224: {  	_ =	swait.ge [sflag:s15], $0x8000  }
0x225: {  	[sflag:s15] =	ssyncset.done $0x0  }
0x226: {  	s31 =	rddreg [dreg:$0xa];
	[sflag:s15] =	ssyncadd.s32 $0xFFFF8000  }
0x227: {  	[hbm4b:s31+s2] =	stream.linear.scatter [tilespmem:s23], [sflag:$0x4], $0x8000, $0x38;
	[tilespmem:$0x10200] =	vst v63  }
0x228: {  	p0 =	sne.s32 s5, $0x1;
	_ =	swait.ge [sflag:s14], $0x8000  }
.Ltmp0:
0x229: {  	[sflag:s14] =	ssyncset.done $0x0;
	(pc) =	sbr.rel @p0 .LBB2_1-.Ltmp0, $4  }
0x22a: {  	[sflag:s14] =	ssyncadd.s32 $0xFFFF8000  }
0x22b: {  	_ =	swait.ge [sflag:s16], $0x8000  }
0x22c: {  	[sflag:s16] =	ssyncset.done $0x0  }
0x22d: {  	s5 =	sadd.s32 $0xFFFFFFFF, s5;
	[sflag:s16] =	ssyncadd.s32 $0xFFFF8000  }
0x22e: {  	_ =	sfence.sel $0x180000  }
0x22f: {  	[bflag:$0x0] =	sbarrier.arrive $0xFFFF  }
0x230: {  	_ =	strace $0x90000050  }
0x231: {  	s0 =	stileid.u32;
	[bflag:$0x2] =	sbarrier.arrive $0xFFFF  }
0x232: {  	p0 =	sne.s32 s0, $0x0;
	s0 =	rddreg [dreg:$0x1]  }
0x233: {  	s0 =	sadd.s32 @!p0 $0x100000, s0  }
0x234: {  	[sflag:s0] =	ssyncadd.tile.s32 @!p0 $0x1;
	_ =	shalt  }
.Lfunc_end2:
_tile_overlayer_lowered:
.L_overlay_start_2:
0x235: {  	(tag) =	ssettag $0x2  }
0x236: {  	s0 =	rddreg [dreg:$0x0];
	s2 =	stileid.u32  }
0x237: {  	s1 =	rddreg [dreg:$0x1];
	p0 =	sne.s32 s2, $0x0  }
0x238: {  	s3 =	rddreg [dreg:$0x2];
	[bflag:$0x3] =	sbarrier.arrive $0xFFFF;
	s2 =	simm.s32 @!p0 $0x1C05  }
0x239: {  	[timem:s3], [sflag:s2] =	dma.local @!p0 [hbm:s0], s1  }
0x23a: {  	s0 =	simm.s32 @!p0 $0x5  }
0x23b: {  	_ =	swait.ge @!p0 [sflag:s0], s1  }
0x23c: {  	s1 =	ssub.s32 @!p0 $0x0, s1;
	[sflag:s0] =	ssyncset.done @!p0 $0x0  }
0x23d: {  	[sflag:s0] =	ssyncadd.s32 @!p0 s1  }
0x23e: {  	[bflag:$0x3] =	sbarrier.arrive $0xFFFF  }
0x23f: {  	_ =	shalt  }

// kernel: kernel.30.cloned.1.call-start
scs
__scs_entry_jumppad:
0x0: {  	(pc) =	sbr.rel $0x88, $3  }
0x1: {  	(tag) =	ssettag $0x0;
	lr =	simm.s32 $0x1  }
0x2: {  	[smem:$0x3F8E] =	sst lr;
	_ =	strace $0xD0000000  }
0x3: {  	_ = 	snop  }
0x4: {  	_ = 	snop  }
0x5: {  	_ = 	snop  }
0x6: {  	_ = 	snop  }
0x7: {  	_ = 	snop  }
__scs_overlays_trampoline_lowered:
0x8: {  	[smem:$0x3F9D] =	sst s0  }
0x9: {  	[smem:$0x3F9E] =	sst s1  }
0xa: {  	[smem:$0x3F9F] =	sst s2  }
0xb: {  	[smem:$0x3FA0] =	sst s3  }
0xc: {  	[smem:$0x3FA1] =	sst s4  }
0xd: {  	[smem:$0x3FA2] =	sst s5  }
0xe: {  	[smem:$0x3FA3] =	sst s6  }
0xf: {  	[smem:$0x3FA4] =	sst s7  }
0x10: {  	[smem:$0x3FA5] =	sst s8  }
0x11: {  	[smem:$0x3FA6] =	sst s9;
	s0 =	simm.s32 @!p0 $0x0  }
0x12: {  	s1 =	sld [smem:$0x3F8C];
	s0 =	simm.s32 @p0 $0x1  }
0x13: {  	[smem:$0x3FA7] =	sst s0;
	s0 =	simm.s32 @!p1 $0x0  }
0x14: {  	s2 =	sld [smem:$0x3F8B];
	s0 =	simm.s32 @p1 $0x1  }
0x15: {  	[smem:$0x3FA8] =	sst s0;
	s0 =	simm.s32 @!p2 $0x0  }
0x16: {  	s3 =	sld [smem:$0x3FDB];
	s0 =	simm.s32 @p2 $0x1  }
0x17: {  	s4 =	simm.s32 $0x1BF5;
	[smem:$0x3FAA] =	sst s0  }
0x18: {  	s0 =	sld [smem:$0x3F8D];
	_ =	swait.ge [sflag:s4], $0x0  }
0x19: {  	s7 =	sld [smem:$0x3F8E]  }
0x1a: {  	s8 =	sadd.s32 $0xFFFFE003, lr  }
0x1b: {  	s9 =	sadd.s32 $0xFFFFFEF7, lr;
	s5 =	simm.s32 $0xFFFFFFFF;
	p2 =	slt.u32 s8, $0xFFFFF086  }
0x1c: {  	p1 =	slt.u32 s9, $0xF7A;
	s5 =	simm.s32 @!p2 $0x0  }
0x1d: {  	s5 =	simm.s32 @p1 $0x1;
	p0 =	seq.s32 s7, s2  }
0x1e: {  	s7 =	smul.u32 @!p0 $0xF7A, s2;
	p2 =	seq.s32 @!p0 s5, $0x0  }
0x1f: {  	s9 =	smul.u32 $0xF7A, s1;
	s8 =	simm.s32 @!p0 $0x1BF5;
	p2 =	por !p2, p0  }
0x20: {  	[sflag:s8] =	ssyncset.s32 @!p0 $0xFFFFF086;
	s6 =	sadd.s32 @!p0 s3, s7;
	s7 =	simm.s32 @!p0 $0x108  }
0x21: {  	s3 =	sadd.s32 s3, s9;
	s6 =	sadd.s32 @!p0 $0x88, s6;
	s7 =	simm.s32 @p2 $0x1082  }
0x22: {  	[simem:s7], [sflag:s8] =	dma.local @!p0 [hbm:s6], $0xF7A  }
0x23: {  	s9 =	sor.u32 $0xD0000000, s2;
	s6 =	simm.s32 $0x108;
	_ =	swait.ge @!p0 [sflag:s8], $0x0  }
0x24: {  	s3 =	sadd.s32 $0x88, s3;
	s6 =	simm.s32 @!p1 $0x1082;
	[sflag:s4] =	ssyncset.s32 $0xFFFFF086  }
0x25: {  	[simem:s6], [sflag:s4] =	dma.local [hbm:s3], $0xF7A  }
0x26: {  	[smem:$0x3F8E] =	sst s1;
	(tag) =	ssettag s2;
	_ =	strace s9  }
0x27: {  	s1 =	sld [smem:$0x3F9E]  }
0x28: {  	s2 =	sld [smem:$0x3F9F]  }
0x29: {  	s4 =	sld [smem:$0x3FA1]  }
0x2a: {  	p0 =	seq.s32 s5, $0x0;
	s5 =	sld [smem:$0x3FA2]  }
0x2b: {  	s6 =	sld [smem:$0x3FA3]  }
0x2c: {  	s7 =	sld [smem:$0x3FA4]  }
0x2d: {  	s3 =	simm.s32 $0x108;
	s8 =	sld [smem:$0x3FA5]  }
0x2e: {  	s3 =	simm.s32 @!p0 $0x1082;
	s9 =	sld [smem:$0x3FA6]  }
0x2f: {  	lr =	sadd.s32 s0, s3;
	s0 =	sld [smem:$0x3F9D]  }
0x30: {  	s3 =	sld [smem:$0x3FA0]  }
0x31: {  	[smem:$0x3FA9] =	sst s10  }
0x32: {  	s10 =	sld [smem:$0x3FA7];
	_ =	sdelay $0x3  }
0x33: {  	p0 =	seq.s32 s10, $0x1;
	s10 =	sld [smem:$0x3FA9];
	_ =	sdelay $0x3  }
0x34: {  	[smem:$0x3FA9] =	sst s10  }
0x35: {  	s10 =	sld [smem:$0x3FA8];
	_ =	sdelay $0x3  }
0x36: {  	p1 =	seq.s32 s10, $0x1;
	s10 =	sld [smem:$0x3FA9];
	_ =	sdelay $0x3  }
0x37: {  	[smem:$0x3FA9] =	sst s10  }
0x38: {  	s10 =	sld [smem:$0x3FAA]  }
0x39: {  	_ = 	snop;
	(pc) =	sbr.ind lr, $3  }
0x3a: {  	_ = 	snop  }
0x3b: {  	_ = 	snop  }
0x3c: {  	p2 =	seq.s32 s10, $0x1;
	s10 =	sld [smem:$0x3FA9]  }
0x3d: {  	_ =	shalt  }
0x3e: {  	_ =	shalt  }
0x3f: {  	_ =	shalt  }
0x40: {  	_ =	shalt  }
0x41: {  	_ =	shalt  }
0x42: {  	_ =	shalt  }
0x43: {  	_ =	shalt  }
0x44: {  	_ =	shalt  }
0x45: {  	_ =	shalt  }
0x46: {  	_ =	shalt  }
0x47: {  	_ =	shalt  }
0x48: {  	_ =	shalt  }
0x49: {  	_ =	shalt  }
0x4a: {  	_ =	shalt  }
0x4b: {  	_ =	shalt  }
0x4c: {  	_ =	shalt  }
0x4d: {  	_ =	shalt  }
0x4e: {  	_ =	shalt  }
0x4f: {  	_ =	shalt  }
0x50: {  	_ =	shalt  }
0x51: {  	_ =	shalt  }
0x52: {  	_ =	shalt  }
0x53: {  	_ =	shalt  }
0x54: {  	_ =	shalt  }
0x55: {  	_ =	shalt  }
0x56: {  	_ =	shalt  }
0x57: {  	_ =	shalt  }
0x58: {  	_ =	shalt  }
0x59: {  	_ =	shalt  }
0x5a: {  	_ =	shalt  }
0x5b: {  	_ =	shalt  }
0x5c: {  	_ =	shalt  }
0x5d: {  	_ =	shalt  }
0x5e: {  	_ =	shalt  }
0x5f: {  	_ =	shalt  }
0x60: {  	_ =	shalt  }
0x61: {  	_ =	shalt  }
0x62: {  	_ =	shalt  }
0x63: {  	_ =	shalt  }
0x64: {  	_ =	shalt  }
0x65: {  	_ =	shalt  }
0x66: {  	_ =	shalt  }
0x67: {  	_ =	shalt  }
0x68: {  	_ =	shalt  }
0x69: {  	_ =	shalt  }
0x6a: {  	_ =	shalt  }
0x6b: {  	_ =	shalt  }
0x6c: {  	_ =	shalt  }
0x6d: {  	_ =	shalt  }
0x6e: {  	_ =	shalt  }
0x6f: {  	_ =	shalt  }
0x70: {  	_ =	shalt  }
0x71: {  	_ =	shalt  }
0x72: {  	_ =	shalt  }
0x73: {  	_ =	shalt  }
0x74: {  	_ =	shalt  }
0x75: {  	_ =	shalt  }
0x76: {  	_ =	shalt  }
0x77: {  	_ =	shalt  }
0x78: {  	_ =	shalt  }
0x79: {  	_ =	shalt  }
0x7a: {  	_ =	shalt  }
0x7b: {  	_ =	shalt  }
0x7c: {  	_ =	shalt  }
0x7d: {  	_ =	shalt  }
0x7e: {  	_ =	shalt  }
0x7f: {  	_ =	shalt  }
0x80: {  	_ =	shalt  }
0x81: {  	_ =	shalt  }
0x82: {  	_ =	shalt  }
0x83: {  	_ =	shalt  }
0x84: {  	_ =	shalt  }
0x85: {  	_ =	shalt  }
0x86: {  	_ =	shalt  }
0x87: {  	_ =	shalt  }
.Lfunc_end0:
.L_simem_size_0:
called_computation.3_lowered:
.L_overlay_start_0:
0x88: {  	s2 =	sld [smem:$0x3FD9]  }
0x89: {  	s3 =	sld [smem:$0x3FFE];
	_ =	sdelay $0x1  }
0x8a: {  	s1 =	srdreg.scid  }
0x8b: {  	s0 =	sand.u32 $0x1, s1  }
0x8c: {  	s17 =	sshll.u32 s0, $0xA;
	s2 =	sadd.s32 s3, s2  }
0x8d: {  	s2 =	sadd.s32 s2, s17  }
0x8e: {  	[smem:$0x3FB5] =	sst s2  }
0x8f: {  	_ = 	snop  }
0x90: {  	(tm) =	ssettm $0x1  }
0x91: {  	s18 =	sld [smem:$0x3FFB];
	_ =	sdelay $0x3  }
0x92: {  	_ =	strace s18  }
0x93: {  	s2 =	sld [smem:$0x3FFC];
	_ =	sdelay $0x3  }
0x94: {  	_ =	strace s2  }
0x95: {  	s2 =	sld [smem:$0x3FFD];
	_ =	sdelay $0x3  }
0x96: {  	_ =	strace s2  }
0x97: {  	_ =	strace $0x8FFFFFFF  }
0x98: {  	s19 =	sld [smem:$0x3FDB];
	_ =	sdelay $0x1  }
0x99: {  	s20 =	simm.s32 $_scs_section_size  }
0x9a: {  	s4 =	simm.s32 $_size__tile_overlayer_lowered;
	s5 =	simm.s32 $_tile_overlayer_lowered  }
0x9b: {  	s6 =	simm.s32 $0x1BFF;
	s21 =	sshll.u32 s5, $0x1;
	s3 =	sadd.s32 s20, s19  }
0x9c: {  	s22 =	simm.s32 $0x0;
	s4 =	sshll.u32 s4, $0x1;
	s5 =	sadd.s32 s21, s3  }
0x9d: {  	[timem:s22], [sflag:s6] =	dma.local [hbm:s5], s4  }
0x9e: {  	_ =	swait.ge [sflag:s6], s4  }
0x9f: {  	s4 =	ssub.s32 $0x0, s4;
	[sflag:s6] =	ssyncset.done $0x0  }
0xa0: {  	[sflag:s6] =	ssyncadd.s32 s4;
	_ =	sdelay $0x1  }
0xa1: {  	s23 =	simm.s32 $0x1B8B  }
0xa2: {  	_ =	swait.ge [sflag:s23], $0x1  }
0xa3: {  	[sflag:s23] =	ssyncset.done $0x0  }
0xa4: {  	[sflag:s23] =	ssyncadd.s32 $0xFFFFFFFF  }
0xa5: {  	s4 =	sld [smem:$0x0]  }
0xa6: {  	s5 =	sand.u32 $0xFFFFFFFE, s1  }
0xa7: {  	p0 =	sne.s32 s1, s5  }
0xa8: {  	s5 =	sshll.u32 @p0 s5, $0xE  }
0xa9: {  	s5 =	sadd.s32 @p0 $0x11B8D, s5;
	s6 =	sshll.u32 @p0 s4, $0x11  }
0xaa: {  	s5 =	sor.u32 @p0 s6, s5  }
0xab: {  	[sflag:s5] =	ssyncadd.remote.s32 @p0 $0x1;
	_ =	sdelay $0x1  }
0xac: {  	s5 =	simm.s32 @p0 $0x1B8D  }
0xad: {  	_ =	swait.eq @p0 [sflag:s5], $0x1  }
0xae: {  	[sflag:s5] =	ssyncadd.s32 @p0 $0xFFFFFFFF  }
0xaf: {  	s6 =	sshll.u32 @!p0 s1, $0xE  }
0xb0: {  	s6 =	sor.u32 @!p0 $0x4000, s6;
	s5 =	simm.s32 @!p0 $0x1B8D  }
0xb1: {  	s4 =	sshll.u32 @!p0 s4, $0x11;
	s6 =	sadd.s32 @!p0 $0x11B8D, s6;
	_ =	swait.eq @!p0 [sflag:s5], $0x1  }
0xb2: {  	s4 =	sor.u32 @!p0 s4, s6;
	[sflag:s5] =	ssyncadd.s32 @!p0 $0xFFFFFFFF  }
0xb3: {  	s25 =	simm.s32 $0x1B8E;
	s24 =	sld [smem:$0x3FFE];
	[sflag:s4] =	ssyncadd.remote.s32 @!p0 $0x1  }
0xb4: {  	s26 =	simm.s32 $execute0_lowered;
	[smem:$0x3FD2] =	sst s25  }
0xb5: {  	s5 =	sshll.u32 s26, $0x1;
	_ =	strace $0x80000049;
	[dreg:$0x1] =	wrdreg $0xFFFFFFFF  }
0xb6: {  	s28 =	simm.s32 $_size_execute0_lowered;
	s3 =	sadd.s32 s3, s5;
	[dreg:$0x0] =	wrdreg $0x0  }
0xb7: {  	s5 =	sshll.u32 s28, $0x1;
	[dreg:$0x2] =	wrdreg s3  }
0xb8: {  	[dreg:$0x3] =	wrdreg s5  }
0xb9: {  	[dreg:$0x4] =	wrdreg $0xC0  }
0xba: {  	_ =	task [dreg:s22], $0x5FFFF  }
0xbb: {  	[dreg:$0x1] =	wrdreg $0xFFFFFFFF  }
0xbc: {  	[dreg:$0x0] =	wrdreg $0x60  }
0xbd: {  	[dreg:$0x2] =	wrdreg s24  }
0xbe: {  	[dreg:$0x3] =	wrdreg $0xC  }
0xbf: {  	_ =	task.clear_ibuf [dreg:s22], $0x4FFFF;
	_ =	strace $0x90000049  }
0xc0: {  	s29 =	simm.s32 $0xC;
	_ =	strace $0x8000004B  }
0xc1: {  	_ =	swait.ge [sflag:s29], $0x1  }
0xc2: {  	[sflag:s29] =	ssyncadd.s32 $0xFFFFFFFF  }
0xc3: {  	_ =	strace $0x9000004B  }
0xc4: {  	_ =	sfence  }
0xc5: {  	s30 =	sld [smem:$0x0];
	_ =	sdelay $0x2  }
0xc6: {  	s31 =	sshll.u32 s1, $0xD;
	s1 =	sshrl.u32 s1, $0x2  }
0xc7: {  	s4 =	sand.u32 $0x4000, s31;
	s1 =	sadd.s32 s1, s30  }
0xc8: {  	s0 =	sor.u32 s4, s0;
	s1 =	sshll.u32 s1, $0x11  }
0xc9: {  	s0 =	sor.u32 s1, s0  }
0xca: {  	s0 =	sadd.s32 $0x8F2B, s0  }
0xcb: {  	[sflag:s0] =	ssyncadd.remote.s32 $0x1  }
0xcc: {  	_ =	sfence.sel $0xFFFF  }
0xcd: {  	[dreg:$0x0] =	wrdreg $0xFFFFFFFF;
	(pc) =	sbr.abs _section_cstart, $3  }
0xce: {  	[dreg:$0x1] =	wrdreg $0xFFFFFFFF  }
0xcf: {  	_ =	task.clear_ibuf [dreg:s22], $0x2FFFF;
	_ =	strace $0x9FFFFFFF  }
0xd0: {  	(tm) =	ssettm $0x7FFFFFFF  }
0xd1: {  	_ =	shalt  }
tec
execute0_lowered:
.L_overlay_start_1:
0x0: {  	(tag) =	ssettag $0x1  }
0x1: {  	s0 =	srdreg.scid  }
0x2: {  	s1 =	stileid.u32;
	s0 =	sand.u32 $0x1, s0  }
0x3: {  	s1 =	sshll.u32 s1, $0xA;
	s2 =	sshll.u32 s0, $0x9  }
0x4: {  	s4 =	rddreg [dreg:$0x0];
	s21 =	simm.s32 $0x200;
	s1 =	sor.u32 s2, s1  }
0x5: {  	s23 =	simm.s32 $0x8200;
	s13 =	simm.s32 $0x1;
	s3 =	sshrl.u32 s1, $0x3  }
0x6: {  	s2 =	simm.s32 $0x0;
	s1 =	sshll.u32 s1, $0x6;
	s3 =	sadd.s32 s3, s4  }
0x7: {  	[smem:$0x7FF] =	sst s2;
	s1 =	sadd.s32 s1, s4;
	s3 =	sadd.s32 $0xE200, s3  }
0x8: {  	_ =	strace $0x8000004A;
	s25 =	sadd.s32 $0x5EA00, s1;
	[dreg:$0x2] =	wrdreg s3  }
0x9: {  	s14 =	simm.s32 $0x3;
	s26 =	sadd.s32 $0x5FA00, s1;
	[dreg:$0x3] =	wrdreg s25  }
0xa: {  	s15 =	simm.s32 $0x2;
	s5 =	sadd.s32 $0x60A00, s1;
	[dreg:$0x4] =	wrdreg s26  }
0xb: {  	s16 =	simm.s32 $0x4;
	s28 =	sadd.s32 $0x61A00, s1;
	[dreg:$0x5] =	wrdreg s5  }
0xc: {  	s0 =	ssub.s32 $0x2, s0;
	s29 =	sadd.s32 $0x62A00, s1;
	[dreg:$0x6] =	wrdreg s28  }
0xd: {  	s6 =	sshrl.u32 s0, $0x1;
	s30 =	sadd.s32 $0x63A00, s1;
	[dreg:$0x7] =	wrdreg s29  }
0xe: {  	v2 =	vlaneseq.u32;
	s0 =	ssub.s32 s0, s6;
	s31 =	sadd.s32 $0x64A00, s1;
	[dreg:$0x8] =	wrdreg s30  }
0xf: {  	vm0 =	vmmov $0xffff;
	v1 =	vshrl.u32 v2, $0x3;
	s1 =	sadd.s32 $0x65A00, s1;
	s3 =	sadd.s32 $0x4EA00, s4;
	[dreg:$0x9] =	wrdreg s31  }
0x10: {  	v0 =	vand.u32 $0x7, v2;
	v2 =	vor.u32 $0x8, v2;
	v1 =	vmul.u32 $0x8, v1;
	s4 =	sadd.s32 $0x4EB00, s4;
	[dreg:$0xa] =	wrdreg s1;
	s5 =	smax.u32 s0, $0x1  }
.LBB2_1:
0x11: {  	s17 =	rddreg [dreg:$0x2];
	s8 =	simm.s32 $0x5  }
0x12: {  	[tilespmem:s2], [sflag:$0x5] =	stream.linear.gather [hbm4b:s17+s2], $0x200, $0x38;
	[tilespmem:$0x10200] =	vst v63  }
0x13: {  	_ =	swait.ge [sflag:s8], $0x200  }
0x14: {  	[sflag:s8] =	ssyncset.done $0x0  }
0x15: {  	[sflag:s8] =	ssyncadd.s32 $0xFFFFFE00  }
0x16: {  	v3 =	vld [tilespmem:$0x0];
	_ =	sdelay $0x4  }
0x17: {  	v4 =	vshll.u32 v3, $0x2  }
0x18: {  	v3 =	vand.u32 $0x7, v3;
	v4 =	vand.u32 $0xFFFFFFE0, v4  }
0x19: {  	v3 =	vor.u32 v3, v4  }
0x1a: {  	v4 =	vperm.xlane v3, v0;
	_ =	sdelay $0x1  }
0x1b: {  	v4 =	vadd.s32 v1, v4;
	_ =	sdelay $0x1  }
0x1c: {  	v3 =	vperm.xlane v3, v2;
	_ =	sdelay $0x1  }
0x1d: {  	v3 =	vadd.s32 v1, v3  }
0x1e: {  	[tilespmem:s21], [sflag:$0x1] =	stream.indirect_vreg.gather [hbm4b:s3+s2], $0x80, v4, vm0, $0xb8;
	[tilespmem:$0x10200] =	vst v63  }
0x1f: {  	s0 =	simm.s32 $0xA00  }
0x20: {  	[tilespmem:s0], [sflag:$0x1] =	stream.indirect_vreg.gather [hbm4b:s4+s2], $0x80, v4, vm0, $0xb8;
	[tilespmem:$0x10200] =	vst v63  }
0x21: {  	s9 =	simm.s32 $0x1200  }
0x22: {  	[tilespmem:s9], [sflag:$0x1] =	stream.indirect_vreg.gather [hbm4b:s3+s2], $0x80, v3, vm0, $0xb8;
	[tilespmem:$0x10200] =	vst v63  }
0x23: {  	s10 =	simm.s32 $0x1A00  }
0x24: {  	[tilespmem:s10], [sflag:$0x1] =	stream.indirect_vreg.gather [hbm4b:s4+s2], $0x80, v3, vm0, $0xb8;
	[tilespmem:$0x10200] =	vst v63  }
0x25: {  	v3 =	vld [tilespmem:$0x10];
	_ =	sdelay $0x4  }
0x26: {  	v33 =	vshll.u32 v3, $0x2  }
0x27: {  	v3 =	vand.u32 $0x7, v3;
	v4 =	vand.u32 $0xFFFFFFE0, v33  }
0x28: {  	v3 =	vor.u32 v3, v4  }
0x29: {  	v4 =	vperm.xlane v3, v0;
	_ =	sdelay $0x1  }
0x2a: {  	v4 =	vadd.s32 v1, v4;
	_ =	sdelay $0x1  }
0x2b: {  	v3 =	vperm.xlane v3, v2;
	_ =	sdelay $0x1  }
0x2c: {  	s11 =	simm.s32 $0x2200;
	v3 =	vadd.s32 v1, v3  }
0x2d: {  	[tilespmem:s11], [sflag:$0x1] =	stream.indirect_vreg.gather [hbm4b:s3+s2], $0x80, v4, vm0, $0xb8;
	[tilespmem:$0x10200] =	vst v63  }
0x2e: {  	s12 =	simm.s32 $0x2A00  }
0x2f: {  	[tilespmem:s12], [sflag:$0x1] =	stream.indirect_vreg.gather [hbm4b:s4+s2], $0x80, v4, vm0, $0xb8;
	[tilespmem:$0x10200] =	vst v63  }
0x30: {  	s17 =	simm.s32 $0x3200  }
0x31: {  	[tilespmem:s17], [sflag:$0x1] =	stream.indirect_vreg.gather [hbm4b:s3+s2], $0x80, v3, vm0, $0xb8;
	[tilespmem:$0x10200] =	vst v63  }
0x32: {  	s18 =	simm.s32 $0x3A00  }
0x33: {  	[tilespmem:s18], [sflag:$0x1] =	stream.indirect_vreg.gather [hbm4b:s4+s2], $0x80, v3, vm0, $0xb8;
	[tilespmem:$0x10200] =	vst v63  }
0x34: {  	v3 =	vld [tilespmem:$0x20];
	_ =	sdelay $0x4  }
0x35: {  	v34 =	vshll.u32 v3, $0x2  }
0x36: {  	v3 =	vand.u32 $0x7, v3;
	v4 =	vand.u32 $0xFFFFFFE0, v34  }
0x37: {  	v3 =	vor.u32 v3, v4  }
0x38: {  	v4 =	vperm.xlane v3, v0;
	_ =	sdelay $0x1  }
0x39: {  	v4 =	vadd.s32 v1, v4;
	_ =	sdelay $0x1  }
0x3a: {  	v3 =	vperm.xlane v3, v2;
	_ =	sdelay $0x1  }
0x3b: {  	s19 =	simm.s32 $0x4200;
	v3 =	vadd.s32 v1, v3  }
0x3c: {  	[tilespmem:s19], [sflag:$0x1] =	stream.indirect_vreg.gather [hbm4b:s3+s2], $0x80, v4, vm0, $0xb8;
	[tilespmem:$0x10200] =	vst v63  }
0x3d: {  	s20 =	simm.s32 $0x4A00  }
0x3e: {  	[tilespmem:s20], [sflag:$0x1] =	stream.indirect_vreg.gather [hbm4b:s4+s2], $0x80, v4, vm0, $0xb8;
	[tilespmem:$0x10200] =	vst v63  }
0x3f: {  	s22 =	simm.s32 $0x5200  }
0x40: {  	[tilespmem:s22], [sflag:$0x1] =	stream.indirect_vreg.gather [hbm4b:s3+s2], $0x80, v3, vm0, $0xb8;
	[tilespmem:$0x10200] =	vst v63  }
0x41: {  	s24 =	simm.s32 $0x5A00  }
0x42: {  	[tilespmem:s24], [sflag:$0x1] =	stream.indirect_vreg.gather [hbm4b:s4+s2], $0x80, v3, vm0, $0xb8;
	[tilespmem:$0x10200] =	vst v63  }
0x43: {  	v3 =	vld [tilespmem:$0x30];
	_ =	sdelay $0x4  }
0x44: {  	v35 =	vshll.u32 v3, $0x2  }
0x45: {  	v3 =	vand.u32 $0x7, v3;
	v4 =	vand.u32 $0xFFFFFFE0, v35  }
0x46: {  	v3 =	vor.u32 v3, v4  }
0x47: {  	v4 =	vperm.xlane v3, v0;
	_ =	sdelay $0x1  }
0x48: {  	v4 =	vadd.s32 v1, v4;
	_ =	sdelay $0x1  }
0x49: {  	v3 =	vperm.xlane v3, v2;
	_ =	sdelay $0x1  }
0x4a: {  	s25 =	simm.s32 $0x6200;
	v3 =	vadd.s32 v1, v3  }
0x4b: {  	[tilespmem:s25], [sflag:$0x1] =	stream.indirect_vreg.gather [hbm4b:s3+s2], $0x80, v4, vm0, $0xb8;
	[tilespmem:$0x10200] =	vst v63  }
0x4c: {  	s26 =	simm.s32 $0x6A00  }
0x4d: {  	[tilespmem:s26], [sflag:$0x1] =	stream.indirect_vreg.gather [hbm4b:s4+s2], $0x80, v4, vm0, $0xb8;
	[tilespmem:$0x10200] =	vst v63  }
0x4e: {  	s28 =	simm.s32 $0x7200  }
0x4f: {  	[tilespmem:s28], [sflag:$0x1] =	stream.indirect_vreg.gather [hbm4b:s3+s2], $0x80, v3, vm0, $0xb8;
	[tilespmem:$0x10200] =	vst v63  }
0x50: {  	s29 =	simm.s32 $0x7A00  }
0x51: {  	[tilespmem:s29], [sflag:$0x1] =	stream.indirect_vreg.gather [hbm4b:s4+s2], $0x80, v3, vm0, $0xb8;
	[tilespmem:$0x10200] =	vst v63  }
0x52: {  	v3 =	vld [tilespmem:$0x40];
	_ =	sdelay $0x4  }
0x53: {  	v36 =	vshll.u32 v3, $0x2  }
0x54: {  	v3 =	vand.u32 $0x7, v3;
	v4 =	vand.u32 $0xFFFFFFE0, v36  }
0x55: {  	v3 =	vor.u32 v3, v4  }
0x56: {  	v4 =	vperm.xlane v3, v0;
	_ =	sdelay $0x1  }
0x57: {  	v4 =	vadd.s32 v1, v4;
	_ =	sdelay $0x1  }
0x58: {  	v3 =	vperm.xlane v3, v2;
	_ =	sdelay $0x1  }
0x59: {  	v3 =	vadd.s32 v1, v3  }
0x5a: {  	[tilespmem:s23], [sflag:$0x2] =	stream.indirect_vreg.gather [hbm4b:s3+s2], $0x80, v4, vm0, $0xb8;
	[tilespmem:$0x10200] =	vst v63  }
0x5b: {  	s30 =	simm.s32 $0x8A00  }
0x5c: {  	[tilespmem:s30], [sflag:$0x2] =	stream.indirect_vreg.gather [hbm4b:s4+s2], $0x80, v4, vm0, $0xb8;
	[tilespmem:$0x10200] =	vst v63  }
0x5d: {  	s31 =	simm.s32 $0x9200  }
0x5e: {  	[tilespmem:s31], [sflag:$0x2] =	stream.indirect_vreg.gather [hbm4b:s3+s2], $0x80, v3, vm0, $0xb8;
	[tilespmem:$0x10200] =	vst v63  }
0x5f: {  	s6 =	simm.s32 $0x9A00  }
0x60: {  	[tilespmem:s6], [sflag:$0x2] =	stream.indirect_vreg.gather [hbm4b:s4+s2], $0x80, v3, vm0, $0xb8;
	[tilespmem:$0x10200] =	vst v63  }
0x61: {  	v3 =	vld [tilespmem:$0x50];
	_ =	sdelay $0x4  }
0x62: {  	v37 =	vshll.u32 v3, $0x2  }
0x63: {  	v3 =	vand.u32 $0x7, v3;
	v4 =	vand.u32 $0xFFFFFFE0, v37  }
0x64: {  	v3 =	vor.u32 v3, v4  }
0x65: {  	v4 =	vperm.xlane v3, v0;
	_ =	sdelay $0x1  }
0x66: {  	v4 =	vadd.s32 v1, v4;
	_ =	sdelay $0x1  }
0x67: {  	v3 =	vperm.xlane v3, v2;
	_ =	sdelay $0x1  }
0x68: {  	s7 =	simm.s32 $0xA200;
	v3 =	vadd.s32 v1, v3  }
0x69: {  	[tilespmem:s7], [sflag:$0x2] =	stream.indirect_vreg.gather [hbm4b:s3+s2], $0x80, v4, vm0, $0xb8;
	[tilespmem:$0x10200] =	vst v63  }
0x6a: {  	s9 =	simm.s32 $0xAA00  }
0x6b: {  	[tilespmem:s9], [sflag:$0x2] =	stream.indirect_vreg.gather [hbm4b:s4+s2], $0x80, v4, vm0, $0xb8;
	[tilespmem:$0x10200] =	vst v63  }
0x6c: {  	s10 =	simm.s32 $0xB200  }
0x6d: {  	[tilespmem:s10], [sflag:$0x2] =	stream.indirect_vreg.gather [hbm4b:s3+s2], $0x80, v3, vm0, $0xb8;
	[tilespmem:$0x10200] =	vst v63  }
0x6e: {  	s20 =	simm.s32 $0xBA00  }
0x6f: {  	[tilespmem:s20], [sflag:$0x2] =	stream.indirect_vreg.gather [hbm4b:s4+s2], $0x80, v3, vm0, $0xb8;
	[tilespmem:$0x10200] =	vst v63  }
0x70: {  	v3 =	vld [tilespmem:$0x60];
	_ =	sdelay $0x4  }
0x71: {  	v38 =	vshll.u32 v3, $0x2  }
0x72: {  	v3 =	vand.u32 $0x7, v3;
	v4 =	vand.u32 $0xFFFFFFE0, v38  }
0x73: {  	v3 =	vor.u32 v3, v4  }
0x74: {  	v4 =	vperm.xlane v3, v0;
	_ =	sdelay $0x1  }
0x75: {  	v4 =	vadd.s32 v1, v4;
	_ =	sdelay $0x1  }
0x76: {  	v3 =	vperm.xlane v3, v2;
	_ =	sdelay $0x1  }
0x77: {  	s22 =	simm.s32 $0xC200;
	v3 =	vadd.s32 v1, v3  }
0x78: {  	[tilespmem:s22], [sflag:$0x2] =	stream.indirect_vreg.gather [hbm4b:s3+s2], $0x80, v4, vm0, $0xb8;
	[tilespmem:$0x10200] =	vst v63  }
0x79: {  	s25 =	simm.s32 $0xCA00  }
0x7a: {  	[tilespmem:s25], [sflag:$0x2] =	stream.indirect_vreg.gather [hbm4b:s4+s2], $0x80, v4, vm0, $0xb8;
	[tilespmem:$0x10200] =	vst v63  }
0x7b: {  	s26 =	simm.s32 $0xD200  }
0x7c: {  	[tilespmem:s26], [sflag:$0x2] =	stream.indirect_vreg.gather [hbm4b:s3+s2], $0x80, v3, vm0, $0xb8;
	[tilespmem:$0x10200] =	vst v63  }
0x7d: {  	s0 =	simm.s32 $0xDA00  }
0x7e: {  	[tilespmem:s0], [sflag:$0x2] =	stream.indirect_vreg.gather [hbm4b:s4+s2], $0x80, v3, vm0, $0xb8;
	[tilespmem:$0x10200] =	vst v63  }
0x7f: {  	v3 =	vld [tilespmem:$0x70];
	_ =	sdelay $0x4  }
0x80: {  	v39 =	vshll.u32 v3, $0x2  }
0x81: {  	v3 =	vand.u32 $0x7, v3;
	v4 =	vand.u32 $0xFFFFFFE0, v39  }
0x82: {  	v3 =	vor.u32 v3, v4  }
0x83: {  	v4 =	vperm.xlane v3, v0;
	_ =	sdelay $0x1  }
0x84: {  	v4 =	vadd.s32 v1, v4;
	_ =	sdelay $0x1  }
0x85: {  	v3 =	vperm.xlane v3, v2;
	_ =	sdelay $0x1  }
0x86: {  	s7 =	simm.s32 $0xE200;
	v3 =	vadd.s32 v1, v3  }
0x87: {  	[tilespmem:s7], [sflag:$0x2] =	stream.indirect_vreg.gather [hbm4b:s3+s2], $0x80, v4, vm0, $0xb8;
	[tilespmem:$0x10200] =	vst v63  }
0x88: {  	s9 =	simm.s32 $0xEA00  }
0x89: {  	[tilespmem:s9], [sflag:$0x2] =	stream.indirect_vreg.gather [hbm4b:s4+s2], $0x80, v4, vm0, $0xb8;
	[tilespmem:$0x10200] =	vst v63  }
0x8a: {  	s10 =	simm.s32 $0xF200  }
0x8b: {  	[tilespmem:s10], [sflag:$0x2] =	stream.indirect_vreg.gather [hbm4b:s3+s2], $0x80, v3, vm0, $0xb8;
	[tilespmem:$0x10200] =	vst v63  }
0x8c: {  	s22 =	simm.s32 $0xFA00  }
0x8d: {  	[tilespmem:s22], [sflag:$0x2] =	stream.indirect_vreg.gather [hbm4b:s4+s2], $0x80, v3, vm0, $0xb8;
	[tilespmem:$0x10200] =	vst v63  }
0x8e: {  	_ =	swait.ge [sflag:s13], $0x8000  }
0x8f: {  	[sflag:s13] =	ssyncset.done $0x0  }
0x90: {  	s25 =	rddreg [dreg:$0x3];
	[sflag:s13] =	ssyncadd.s32 $0xFFFF8000  }
0x91: {  	[hbm4b:s25+s2] =	stream.linear.scatter [tilespmem:s21], [sflag:$0x3], $0x8000, $0x38;
	[tilespmem:$0x10200] =	vst v63  }
0x92: {  	_ =	swait.ge [sflag:s14], $0x8000  }
0x93: {  	[sflag:s14] =	ssyncset.done $0x0  }
0x94: {  	[sflag:s14] =	ssyncadd.s32 $0xFFFF8000  }
0x95: {  	v3 =	vld [tilespmem:$0x80];
	_ =	sdelay $0x4  }
0x96: {  	v40 =	vshll.u32 v3, $0x2  }
0x97: {  	v3 =	vand.u32 $0x7, v3;
	v4 =	vand.u32 $0xFFFFFFE0, v40  }
0x98: {  	v3 =	vor.u32 v3, v4  }
0x99: {  	v4 =	vperm.xlane v3, v0;
	_ =	sdelay $0x1  }
0x9a: {  	v4 =	vadd.s32 v1, v4;
	_ =	sdelay $0x1  }
0x9b: {  	v3 =	vperm.xlane v3, v2;
	_ =	sdelay $0x1  }
0x9c: {  	v3 =	vadd.s32 v1, v3  }
0x9d: {  	[tilespmem:s21], [sflag:$0x1] =	stream.indirect_vreg.gather [hbm4b:s3+s2], $0x80, v4, vm0, $0xb8;
	[tilespmem:$0x10200] =	vst v63  }
0x9e: {  	s1 =	simm.s32 $0xA00  }
0x9f: {  	[tilespmem:s1], [sflag:$0x1] =	stream.indirect_vreg.gather [hbm4b:s4+s2], $0x80, v4, vm0, $0xb8;
	[tilespmem:$0x10200] =	vst v63  }
0xa0: {  	s7 =	simm.s32 $0x1200  }
0xa1: {  	[tilespmem:s7], [sflag:$0x1] =	stream.indirect_vreg.gather [hbm4b:s3+s2], $0x80, v3, vm0, $0xb8;
	[tilespmem:$0x10200] =	vst v63  }
0xa2: {  	s8 =	simm.s32 $0x1A00  }
0xa3: {  	[tilespmem:s8], [sflag:$0x1] =	stream.indirect_vreg.gather [hbm4b:s4+s2], $0x80, v3, vm0, $0xb8;
	[tilespmem:$0x10200] =	vst v63  }
0xa4: {  	v3 =	vld [tilespmem:$0x90];
	_ =	sdelay $0x4  }
0xa5: {  	v41 =	vshll.u32 v3, $0x2  }
0xa6: {  	v3 =	vand.u32 $0x7, v3;
	v4 =	vand.u32 $0xFFFFFFE0, v41  }
0xa7: {  	v3 =	vor.u32 v3, v4  }
0xa8: {  	v4 =	vperm.xlane v3, v0;
	_ =	sdelay $0x1  }
0xa9: {  	v4 =	vadd.s32 v1, v4;
	_ =	sdelay $0x1  }
0xaa: {  	v3 =	vperm.xlane v3, v2;
	_ =	sdelay $0x1  }
0xab: {  	s8 =	simm.s32 $0x2200;
	v3 =	vadd.s32 v1, v3  }
0xac: {  	[tilespmem:s8], [sflag:$0x1] =	stream.indirect_vreg.gather [hbm4b:s3+s2], $0x80, v4, vm0, $0xb8;
	[tilespmem:$0x10200] =	vst v63  }
0xad: {  	s9 =	simm.s32 $0x2A00  }
0xae: {  	[tilespmem:s9], [sflag:$0x1] =	stream.indirect_vreg.gather [hbm4b:s4+s2], $0x80, v4, vm0, $0xb8;
	[tilespmem:$0x10200] =	vst v63  }
0xaf: {  	s10 =	simm.s32 $0x3200  }
0xb0: {  	[tilespmem:s10], [sflag:$0x1] =	stream.indirect_vreg.gather [hbm4b:s3+s2], $0x80, v3, vm0, $0xb8;
	[tilespmem:$0x10200] =	vst v63  }
0xb1: {  	s18 =	simm.s32 $0x3A00  }
0xb2: {  	[tilespmem:s18], [sflag:$0x1] =	stream.indirect_vreg.gather [hbm4b:s4+s2], $0x80, v3, vm0, $0xb8;
	[tilespmem:$0x10200] =	vst v63  }
0xb3: {  	v3 =	vld [tilespmem:$0xA0];
	_ =	sdelay $0x4  }
0xb4: {  	v42 =	vshll.u32 v3, $0x2  }
0xb5: {  	v3 =	vand.u32 $0x7, v3;
	v4 =	vand.u32 $0xFFFFFFE0, v42  }
0xb6: {  	v3 =	vor.u32 v3, v4  }
0xb7: {  	v4 =	vperm.xlane v3, v0;
	_ =	sdelay $0x1  }
0xb8: {  	v4 =	vadd.s32 v1, v4;
	_ =	sdelay $0x1  }
0xb9: {  	v3 =	vperm.xlane v3, v2;
	_ =	sdelay $0x1  }
0xba: {  	s11 =	simm.s32 $0x4200;
	v3 =	vadd.s32 v1, v3  }
0xbb: {  	[tilespmem:s11], [sflag:$0x1] =	stream.indirect_vreg.gather [hbm4b:s3+s2], $0x80, v4, vm0, $0xb8;
	[tilespmem:$0x10200] =	vst v63  }
0xbc: {  	s12 =	simm.s32 $0x4A00  }
0xbd: {  	[tilespmem:s12], [sflag:$0x1] =	stream.indirect_vreg.gather [hbm4b:s4+s2], $0x80, v4, vm0, $0xb8;
	[tilespmem:$0x10200] =	vst v63  }
0xbe: {  	s25 =	simm.s32 $0x5200  }
0xbf: {  	[tilespmem:s25], [sflag:$0x1] =	stream.indirect_vreg.gather [hbm4b:s3+s2], $0x80, v3, vm0, $0xb8;
	[tilespmem:$0x10200] =	vst v63  }
0xc0: {  	s19 =	simm.s32 $0x5A00  }
0xc1: {  	[tilespmem:s19], [sflag:$0x1] =	stream.indirect_vreg.gather [hbm4b:s4+s2], $0x80, v3, vm0, $0xb8;
	[tilespmem:$0x10200] =	vst v63  }
0xc2: {  	v3 =	vld [tilespmem:$0xB0];
	_ =	sdelay $0x4  }
0xc3: {  	v43 =	vshll.u32 v3, $0x2  }
0xc4: {  	v3 =	vand.u32 $0x7, v3;
	v4 =	vand.u32 $0xFFFFFFE0, v43  }
0xc5: {  	v3 =	vor.u32 v3, v4  }
0xc6: {  	v4 =	vperm.xlane v3, v0;
	_ =	sdelay $0x1  }
0xc7: {  	v4 =	vadd.s32 v1, v4;
	_ =	sdelay $0x1  }
0xc8: {  	v3 =	vperm.xlane v3, v2;
	_ =	sdelay $0x1  }
0xc9: {  	s18 =	simm.s32 $0x6200;
	v3 =	vadd.s32 v1, v3  }
0xca: {  	[tilespmem:s18], [sflag:$0x1] =	stream.indirect_vreg.gather [hbm4b:s3+s2], $0x80, v4, vm0, $0xb8;
	[tilespmem:$0x10200] =	vst v63  }
0xcb: {  	s11 =	simm.s32 $0x6A00  }
0xcc: {  	[tilespmem:s11], [sflag:$0x1] =	stream.indirect_vreg.gather [hbm4b:s4+s2], $0x80, v4, vm0, $0xb8;
	[tilespmem:$0x10200] =	vst v63  }
0xcd: {  	s12 =	simm.s32 $0x7200  }
0xce: {  	[tilespmem:s12], [sflag:$0x1] =	stream.indirect_vreg.gather [hbm4b:s3+s2], $0x80, v3, vm0, $0xb8;
	[tilespmem:$0x10200] =	vst v63  }
0xcf: {  	s19 =	simm.s32 $0x7A00  }
0xd0: {  	[tilespmem:s19], [sflag:$0x1] =	stream.indirect_vreg.gather [hbm4b:s4+s2], $0x80, v3, vm0, $0xb8;
	[tilespmem:$0x10200] =	vst v63  }
0xd1: {  	_ =	swait.ge [sflag:s15], $0x8000  }
0xd2: {  	[sflag:s15] =	ssyncset.done $0x0  }
0xd3: {  	s26 =	rddreg [dreg:$0x4];
	[sflag:s15] =	ssyncadd.s32 $0xFFFF8000  }
0xd4: {  	[hbm4b:s26+s2] =	stream.linear.scatter [tilespmem:s23], [sflag:$0x4], $0x8000, $0x38;
	[tilespmem:$0x10200] =	vst v63  }
0xd5: {  	_ =	swait.ge [sflag:s16], $0x8000  }
0xd6: {  	[sflag:s16] =	ssyncset.done $0x0  }
0xd7: {  	[sflag:s16] =	ssyncadd.s32 $0xFFFF8000  }
0xd8: {  	v3 =	vld [tilespmem:$0xC0];
	_ =	sdelay $0x4  }
0xd9: {  	v44 =	vshll.u32 v3, $0x2  }
0xda: {  	v3 =	vand.u32 $0x7, v3;
	v4 =	vand.u32 $0xFFFFFFE0, v44  }
0xdb: {  	v3 =	vor.u32 v3, v4  }
0xdc: {  	v4 =	vperm.xlane v3, v0;
	_ =	sdelay $0x1  }
0xdd: {  	v4 =	vadd.s32 v1, v4;
	_ =	sdelay $0x1  }
0xde: {  	v3 =	vperm.xlane v3, v2;
	_ =	sdelay $0x1  }
0xdf: {  	v3 =	vadd.s32 v1, v3  }
0xe0: {  	[tilespmem:s23], [sflag:$0x2] =	stream.indirect_vreg.gather [hbm4b:s3+s2], $0x80, v4, vm0, $0xb8;
	[tilespmem:$0x10200] =	vst v63  }
0xe1: {  	s0 =	simm.s32 $0x8A00  }
0xe2: {  	[tilespmem:s0], [sflag:$0x2] =	stream.indirect_vreg.gather [hbm4b:s4+s2], $0x80, v4, vm0, $0xb8;
	[tilespmem:$0x10200] =	vst v63  }
0xe3: {  	s1 =	simm.s32 $0x9200  }
0xe4: {  	[tilespmem:s1], [sflag:$0x2] =	stream.indirect_vreg.gather [hbm4b:s3+s2], $0x80, v3, vm0, $0xb8;
	[tilespmem:$0x10200] =	vst v63  }
0xe5: {  	s6 =	simm.s32 $0x9A00  }
0xe6: {  	[tilespmem:s6], [sflag:$0x2] =	stream.indirect_vreg.gather [hbm4b:s4+s2], $0x80, v3, vm0, $0xb8;
	[tilespmem:$0x10200] =	vst v63  }
0xe7: {  	v3 =	vld [tilespmem:$0xD0];
	_ =	sdelay $0x4  }
0xe8: {  	v45 =	vshll.u32 v3, $0x2  }
0xe9: {  	v3 =	vand.u32 $0x7, v3;
	v4 =	vand.u32 $0xFFFFFFE0, v45  }
0xea: {  	v3 =	vor.u32 v3, v4  }
0xeb: {  	v4 =	vperm.xlane v3, v0;
	_ =	sdelay $0x1  }
0xec: {  	v4 =	vadd.s32 v1, v4;
	_ =	sdelay $0x1  }
0xed: {  	v3 =	vperm.xlane v3, v2;
	_ =	sdelay $0x1  }
0xee: {  	s6 =	simm.s32 $0xA200;
	v3 =	vadd.s32 v1, v3  }
0xef: {  	[tilespmem:s6], [sflag:$0x2] =	stream.indirect_vreg.gather [hbm4b:s3+s2], $0x80, v4, vm0, $0xb8;
	[tilespmem:$0x10200] =	vst v63  }
0xf0: {  	s31 =	simm.s32 $0xAA00  }
0xf1: {  	[tilespmem:s31], [sflag:$0x2] =	stream.indirect_vreg.gather [hbm4b:s4+s2], $0x80, v4, vm0, $0xb8;
	[tilespmem:$0x10200] =	vst v63  }
0xf2: {  	s28 =	simm.s32 $0xB200  }
0xf3: {  	[tilespmem:s28], [sflag:$0x2] =	stream.indirect_vreg.gather [hbm4b:s3+s2], $0x80, v3, vm0, $0xb8;
	[tilespmem:$0x10200] =	vst v63  }
0xf4: {  	s24 =	simm.s32 $0xBA00  }
0xf5: {  	[tilespmem:s24], [sflag:$0x2] =	stream.indirect_vreg.gather [hbm4b:s4+s2], $0x80, v3, vm0, $0xb8;
	[tilespmem:$0x10200] =	vst v63  }
0xf6: {  	v3 =	vld [tilespmem:$0xE0];
	_ =	sdelay $0x4  }
0xf7: {  	v46 =	vshll.u32 v3, $0x2  }
0xf8: {  	v3 =	vand.u32 $0x7, v3;
	v4 =	vand.u32 $0xFFFFFFE0, v46  }
0xf9: {  	v3 =	vor.u32 v3, v4  }
0xfa: {  	v4 =	vperm.xlane v3, v0;
	_ =	sdelay $0x1  }
0xfb: {  	v4 =	vadd.s32 v1, v4;
	_ =	sdelay $0x1  }
0xfc: {  	v3 =	vperm.xlane v3, v2;
	_ =	sdelay $0x1  }
0xfd: {  	s29 =	simm.s32 $0xC200;
	v3 =	vadd.s32 v1, v3  }
0xfe: {  	[tilespmem:s29], [sflag:$0x2] =	stream.indirect_vreg.gather [hbm4b:s3+s2], $0x80, v4, vm0, $0xb8;
	[tilespmem:$0x10200] =	vst v63  }
0xff: {  	s30 =	simm.s32 $0xCA00  }
0x100: {  	[tilespmem:s30], [sflag:$0x2] =	stream.indirect_vreg.gather [hbm4b:s4+s2], $0x80, v4, vm0, $0xb8;
	[tilespmem:$0x10200] =	vst v63  }
0x101: {  	s29 =	simm.s32 $0xD200  }
0x102: {  	[tilespmem:s29], [sflag:$0x2] =	stream.indirect_vreg.gather [hbm4b:s3+s2], $0x80, v3, vm0, $0xb8;
	[tilespmem:$0x10200] =	vst v63  }
0x103: {  	s20 =	simm.s32 $0xDA00  }
0x104: {  	[tilespmem:s20], [sflag:$0x2] =	stream.indirect_vreg.gather [hbm4b:s4+s2], $0x80, v3, vm0, $0xb8;
	[tilespmem:$0x10200] =	vst v63  }
0x105: {  	v3 =	vld [tilespmem:$0xF0];
	_ =	sdelay $0x4  }
0x106: {  	v47 =	vshll.u32 v3, $0x2  }
0x107: {  	v3 =	vand.u32 $0x7, v3;
	v4 =	vand.u32 $0xFFFFFFE0, v47  }
0x108: {  	v3 =	vor.u32 v3, v4  }
0x109: {  	v4 =	vperm.xlane v3, v0;
	_ =	sdelay $0x1  }
0x10a: {  	v4 =	vadd.s32 v1, v4;
	_ =	sdelay $0x1  }
0x10b: {  	v3 =	vperm.xlane v3, v2;
	_ =	sdelay $0x1  }
0x10c: {  	s30 =	simm.s32 $0xE200;
	v3 =	vadd.s32 v1, v3  }
0x10d: {  	[tilespmem:s30], [sflag:$0x2] =	stream.indirect_vreg.gather [hbm4b:s3+s2], $0x80, v4, vm0, $0xb8;
	[tilespmem:$0x10200] =	vst v63  }
0x10e: {  	s20 =	simm.s32 $0xEA00  }
0x10f: {  	[tilespmem:s20], [sflag:$0x2] =	stream.indirect_vreg.gather [hbm4b:s4+s2], $0x80, v4, vm0, $0xb8;
	[tilespmem:$0x10200] =	vst v63  }
0x110: {  	s28 =	simm.s32 $0xF200  }
0x111: {  	[tilespmem:s28], [sflag:$0x2] =	stream.indirect_vreg.gather [hbm4b:s3+s2], $0x80, v3, vm0, $0xb8;
	[tilespmem:$0x10200] =	vst v63  }
0x112: {  	s22 =	simm.s32 $0xFA00  }
0x113: {  	[tilespmem:s22], [sflag:$0x2] =	stream.indirect_vreg.gather [hbm4b:s4+s2], $0x80, v3, vm0, $0xb8;
	[tilespmem:$0x10200] =	vst v63  }
0x114: {  	_ =	swait.ge [sflag:s13], $0x8000  }
0x115: {  	[sflag:s13] =	ssyncset.done $0x0  }
0x116: {  	s22 =	rddreg [dreg:$0x5];
	[sflag:s13] =	ssyncadd.s32 $0xFFFF8000  }
0x117: {  	[hbm4b:s22+s2] =	stream.linear.scatter [tilespmem:s21], [sflag:$0x3], $0x8000, $0x38;
	[tilespmem:$0x10200] =	vst v63  }
0x118: {  	_ =	swait.ge [sflag:s14], $0x8000  }
0x119: {  	[sflag:s14] =	ssyncset.done $0x0  }
0x11a: {  	[sflag:s14] =	ssyncadd.s32 $0xFFFF8000  }
0x11b: {  	v3 =	vld [tilespmem:$0x100];
	_ =	sdelay $0x4  }
0x11c: {  	v48 =	vshll.u32 v3, $0x2  }
0x11d: {  	v3 =	vand.u32 $0x7, v3;
	v4 =	vand.u32 $0xFFFFFFE0, v48  }
0x11e: {  	v3 =	vor.u32 v3, v4  }
0x11f: {  	v4 =	vperm.xlane v3, v0;
	_ =	sdelay $0x1  }
0x120: {  	v4 =	vadd.s32 v1, v4;
	_ =	sdelay $0x1  }
0x121: {  	v3 =	vperm.xlane v3, v2;
	_ =	sdelay $0x1  }
0x122: {  	v3 =	vadd.s32 v1, v3  }
0x123: {  	[tilespmem:s21], [sflag:$0x1] =	stream.indirect_vreg.gather [hbm4b:s3+s2], $0x80, v4, vm0, $0xb8;
	[tilespmem:$0x10200] =	vst v63  }
0x124: {  	s22 =	simm.s32 $0xA00  }
0x125: {  	[tilespmem:s22], [sflag:$0x1] =	stream.indirect_vreg.gather [hbm4b:s4+s2], $0x80, v4, vm0, $0xb8;
	[tilespmem:$0x10200] =	vst v63  }
0x126: {  	_ = 	snop  }
0x127: {  	[tilespmem:s7], [sflag:$0x1] =	stream.indirect_vreg.gather [hbm4b:s3+s2], $0x80, v3, vm0, $0xb8;
	[tilespmem:$0x10200] =	vst v63  }
0x128: {  	s22 =	simm.s32 $0x1A00  }
0x129: {  	[tilespmem:s22], [sflag:$0x1] =	stream.indirect_vreg.gather [hbm4b:s4+s2], $0x80, v3, vm0, $0xb8;
	[tilespmem:$0x10200] =	vst v63  }
0x12a: {  	v3 =	vld [tilespmem:$0x110];
	_ =	sdelay $0x4  }
0x12b: {  	v49 =	vshll.u32 v3, $0x2  }
0x12c: {  	v3 =	vand.u32 $0x7, v3;
	v4 =	vand.u32 $0xFFFFFFE0, v49  }
0x12d: {  	v3 =	vor.u32 v3, v4  }
0x12e: {  	v4 =	vperm.xlane v3, v0;
	_ =	sdelay $0x1  }
0x12f: {  	v4 =	vadd.s32 v1, v4;
	_ =	sdelay $0x1  }
0x130: {  	v3 =	vperm.xlane v3, v2;
	_ =	sdelay $0x1  }
0x131: {  	v3 =	vadd.s32 v1, v3  }
0x132: {  	[tilespmem:s8], [sflag:$0x1] =	stream.indirect_vreg.gather [hbm4b:s3+s2], $0x80, v4, vm0, $0xb8;
	[tilespmem:$0x10200] =	vst v63  }
0x133: {  	_ = 	snop  }
0x134: {  	[tilespmem:s9], [sflag:$0x1] =	stream.indirect_vreg.gather [hbm4b:s4+s2], $0x80, v4, vm0, $0xb8;
	[tilespmem:$0x10200] =	vst v63  }
0x135: {  	_ = 	snop  }
0x136: {  	[tilespmem:s10], [sflag:$0x1] =	stream.indirect_vreg.gather [hbm4b:s3+s2], $0x80, v3, vm0, $0xb8;
	[tilespmem:$0x10200] =	vst v63  }
0x137: {  	s22 =	simm.s32 $0x3A00  }
0x138: {  	[tilespmem:s22], [sflag:$0x1] =	stream.indirect_vreg.gather [hbm4b:s4+s2], $0x80, v3, vm0, $0xb8;
	[tilespmem:$0x10200] =	vst v63  }
0x139: {  	v3 =	vld [tilespmem:$0x120];
	_ =	sdelay $0x4  }
0x13a: {  	v50 =	vshll.u32 v3, $0x2  }
0x13b: {  	v3 =	vand.u32 $0x7, v3;
	v4 =	vand.u32 $0xFFFFFFE0, v50  }
0x13c: {  	v3 =	vor.u32 v3, v4  }
0x13d: {  	v4 =	vperm.xlane v3, v0;
	_ =	sdelay $0x1  }
0x13e: {  	v4 =	vadd.s32 v1, v4;
	_ =	sdelay $0x1  }
0x13f: {  	v3 =	vperm.xlane v3, v2;
	_ =	sdelay $0x1  }
0x140: {  	s22 =	simm.s32 $0x4200;
	v3 =	vadd.s32 v1, v3  }
0x141: {  	[tilespmem:s22], [sflag:$0x1] =	stream.indirect_vreg.gather [hbm4b:s3+s2], $0x80, v4, vm0, $0xb8;
	[tilespmem:$0x10200] =	vst v63  }
0x142: {  	s22 =	simm.s32 $0x4A00  }
0x143: {  	[tilespmem:s22], [sflag:$0x1] =	stream.indirect_vreg.gather [hbm4b:s4+s2], $0x80, v4, vm0, $0xb8;
	[tilespmem:$0x10200] =	vst v63  }
0x144: {  	_ = 	snop  }
0x145: {  	[tilespmem:s25], [sflag:$0x1] =	stream.indirect_vreg.gather [hbm4b:s3+s2], $0x80, v3, vm0, $0xb8;
	[tilespmem:$0x10200] =	vst v63  }
0x146: {  	s22 =	simm.s32 $0x5A00  }
0x147: {  	[tilespmem:s22], [sflag:$0x1] =	stream.indirect_vreg.gather [hbm4b:s4+s2], $0x80, v3, vm0, $0xb8;
	[tilespmem:$0x10200] =	vst v63  }
0x148: {  	v3 =	vld [tilespmem:$0x130];
	_ =	sdelay $0x4  }
0x149: {  	v51 =	vshll.u32 v3, $0x2  }
0x14a: {  	v3 =	vand.u32 $0x7, v3;
	v4 =	vand.u32 $0xFFFFFFE0, v51  }
0x14b: {  	v3 =	vor.u32 v3, v4  }
0x14c: {  	v4 =	vperm.xlane v3, v0;
	_ =	sdelay $0x1  }
0x14d: {  	v4 =	vadd.s32 v1, v4;
	_ =	sdelay $0x1  }
0x14e: {  	v3 =	vperm.xlane v3, v2;
	_ =	sdelay $0x1  }
0x14f: {  	v3 =	vadd.s32 v1, v3  }
0x150: {  	[tilespmem:s18], [sflag:$0x1] =	stream.indirect_vreg.gather [hbm4b:s3+s2], $0x80, v4, vm0, $0xb8;
	[tilespmem:$0x10200] =	vst v63  }
0x151: {  	_ = 	snop  }
0x152: {  	[tilespmem:s11], [sflag:$0x1] =	stream.indirect_vreg.gather [hbm4b:s4+s2], $0x80, v4, vm0, $0xb8;
	[tilespmem:$0x10200] =	vst v63  }
0x153: {  	_ = 	snop  }
0x154: {  	[tilespmem:s12], [sflag:$0x1] =	stream.indirect_vreg.gather [hbm4b:s3+s2], $0x80, v3, vm0, $0xb8;
	[tilespmem:$0x10200] =	vst v63  }
0x155: {  	_ = 	snop  }
0x156: {  	[tilespmem:s19], [sflag:$0x1] =	stream.indirect_vreg.gather [hbm4b:s4+s2], $0x80, v3, vm0, $0xb8;
	[tilespmem:$0x10200] =	vst v63  }
0x157: {  	_ =	swait.ge [sflag:s15], $0x8000  }
0x158: {  	[sflag:s15] =	ssyncset.done $0x0  }
0x159: {  	s22 =	rddreg [dreg:$0x6];
	[sflag:s15] =	ssyncadd.s32 $0xFFFF8000  }
0x15a: {  	[hbm4b:s22+s2] =	stream.linear.scatter [tilespmem:s23], [sflag:$0x4], $0x8000, $0x38;
	[tilespmem:$0x10200] =	vst v63  }
0x15b: {  	_ =	swait.ge [sflag:s16], $0x8000  }
0x15c: {  	[sflag:s16] =	ssyncset.done $0x0  }
0x15d: {  	[sflag:s16] =	ssyncadd.s32 $0xFFFF8000  }
0x15e: {  	v3 =	vld [tilespmem:$0x140];
	_ =	sdelay $0x4  }
0x15f: {  	v52 =	vshll.u32 v3, $0x2  }
0x160: {  	v3 =	vand.u32 $0x7, v3;
	v4 =	vand.u32 $0xFFFFFFE0, v52  }
0x161: {  	v3 =	vor.u32 v3, v4  }
0x162: {  	v4 =	vperm.xlane v3, v0;
	_ =	sdelay $0x1  }
0x163: {  	v4 =	vadd.s32 v1, v4;
	_ =	sdelay $0x1  }
0x164: {  	v3 =	vperm.xlane v3, v2;
	_ =	sdelay $0x1  }
0x165: {  	v3 =	vadd.s32 v1, v3  }
0x166: {  	[tilespmem:s23], [sflag:$0x2] =	stream.indirect_vreg.gather [hbm4b:s3+s2], $0x80, v4, vm0, $0xb8;
	[tilespmem:$0x10200] =	vst v63  }
0x167: {  	_ = 	snop  }
0x168: {  	[tilespmem:s0], [sflag:$0x2] =	stream.indirect_vreg.gather [hbm4b:s4+s2], $0x80, v4, vm0, $0xb8;
	[tilespmem:$0x10200] =	vst v63  }
0x169: {  	_ = 	snop  }
0x16a: {  	[tilespmem:s1], [sflag:$0x2] =	stream.indirect_vreg.gather [hbm4b:s3+s2], $0x80, v3, vm0, $0xb8;
	[tilespmem:$0x10200] =	vst v63  }
0x16b: {  	s22 =	simm.s32 $0x9A00  }
0x16c: {  	[tilespmem:s22], [sflag:$0x2] =	stream.indirect_vreg.gather [hbm4b:s4+s2], $0x80, v3, vm0, $0xb8;
	[tilespmem:$0x10200] =	vst v63  }
0x16d: {  	v3 =	vld [tilespmem:$0x150];
	_ =	sdelay $0x4  }
0x16e: {  	v53 =	vshll.u32 v3, $0x2  }
0x16f: {  	v3 =	vand.u32 $0x7, v3;
	v4 =	vand.u32 $0xFFFFFFE0, v53  }
0x170: {  	v3 =	vor.u32 v3, v4  }
0x171: {  	v4 =	vperm.xlane v3, v0;
	_ =	sdelay $0x1  }
0x172: {  	v4 =	vadd.s32 v1, v4;
	_ =	sdelay $0x1  }
0x173: {  	v3 =	vperm.xlane v3, v2;
	_ =	sdelay $0x1  }
0x174: {  	v3 =	vadd.s32 v1, v3  }
0x175: {  	[tilespmem:s6], [sflag:$0x2] =	stream.indirect_vreg.gather [hbm4b:s3+s2], $0x80, v4, vm0, $0xb8;
	[tilespmem:$0x10200] =	vst v63  }
0x176: {  	s31 =	simm.s32 $0xAA00  }
0x177: {  	[tilespmem:s31], [sflag:$0x2] =	stream.indirect_vreg.gather [hbm4b:s4+s2], $0x80, v4, vm0, $0xb8;
	[tilespmem:$0x10200] =	vst v63  }
0x178: {  	s22 =	simm.s32 $0xB200  }
0x179: {  	[tilespmem:s22], [sflag:$0x2] =	stream.indirect_vreg.gather [hbm4b:s3+s2], $0x80, v3, vm0, $0xb8;
	[tilespmem:$0x10200] =	vst v63  }
0x17a: {  	s22 =	simm.s32 $0xBA00  }
0x17b: {  	[tilespmem:s22], [sflag:$0x2] =	stream.indirect_vreg.gather [hbm4b:s4+s2], $0x80, v3, vm0, $0xb8;
	[tilespmem:$0x10200] =	vst v63  }
0x17c: {  	v3 =	vld [tilespmem:$0x160];
	_ =	sdelay $0x4  }
0x17d: {  	v54 =	vshll.u32 v3, $0x2  }
0x17e: {  	v3 =	vand.u32 $0x7, v3;
	v4 =	vand.u32 $0xFFFFFFE0, v54  }
0x17f: {  	v3 =	vor.u32 v3, v4  }
0x180: {  	v4 =	vperm.xlane v3, v0;
	_ =	sdelay $0x1  }
0x181: {  	v4 =	vadd.s32 v1, v4;
	_ =	sdelay $0x1  }
0x182: {  	v3 =	vperm.xlane v3, v2;
	_ =	sdelay $0x1  }
0x183: {  	s24 =	simm.s32 $0xC200;
	v3 =	vadd.s32 v1, v3  }
0x184: {  	[tilespmem:s24], [sflag:$0x2] =	stream.indirect_vreg.gather [hbm4b:s3+s2], $0x80, v4, vm0, $0xb8;
	[tilespmem:$0x10200] =	vst v63  }
0x185: {  	s26 =	simm.s32 $0xCA00  }
0x186: {  	[tilespmem:s26], [sflag:$0x2] =	stream.indirect_vreg.gather [hbm4b:s4+s2], $0x80, v4, vm0, $0xb8;
	[tilespmem:$0x10200] =	vst v63  }
0x187: {  	s29 =	simm.s32 $0xD200  }
0x188: {  	[tilespmem:s29], [sflag:$0x2] =	stream.indirect_vreg.gather [hbm4b:s3+s2], $0x80, v3, vm0, $0xb8;
	[tilespmem:$0x10200] =	vst v63  }
0x189: {  	s26 =	simm.s32 $0xDA00  }
0x18a: {  	[tilespmem:s26], [sflag:$0x2] =	stream.indirect_vreg.gather [hbm4b:s4+s2], $0x80, v3, vm0, $0xb8;
	[tilespmem:$0x10200] =	vst v63  }
0x18b: {  	v3 =	vld [tilespmem:$0x170];
	_ =	sdelay $0x4  }
0x18c: {  	v55 =	vshll.u32 v3, $0x2  }
0x18d: {  	v3 =	vand.u32 $0x7, v3;
	v4 =	vand.u32 $0xFFFFFFE0, v55  }
0x18e: {  	v3 =	vor.u32 v3, v4  }
0x18f: {  	v4 =	vperm.xlane v3, v0;
	_ =	sdelay $0x1  }
0x190: {  	v4 =	vadd.s32 v1, v4;
	_ =	sdelay $0x1  }
0x191: {  	v3 =	vperm.xlane v3, v2;
	_ =	sdelay $0x1  }
0x192: {  	s30 =	simm.s32 $0xE200;
	v3 =	vadd.s32 v1, v3  }
0x193: {  	[tilespmem:s30], [sflag:$0x2] =	stream.indirect_vreg.gather [hbm4b:s3+s2], $0x80, v4, vm0, $0xb8;
	[tilespmem:$0x10200] =	vst v63  }
0x194: {  	s20 =	simm.s32 $0xEA00  }
0x195: {  	[tilespmem:s20], [sflag:$0x2] =	stream.indirect_vreg.gather [hbm4b:s4+s2], $0x80, v4, vm0, $0xb8;
	[tilespmem:$0x10200] =	vst v63  }
0x196: {  	s28 =	simm.s32 $0xF200  }
0x197: {  	[tilespmem:s28], [sflag:$0x2] =	stream.indirect_vreg.gather [hbm4b:s3+s2], $0x80, v3, vm0, $0xb8;
	[tilespmem:$0x10200] =	vst v63  }
0x198: {  	s28 =	simm.s32 $0xFA00  }
0x199: {  	[tilespmem:s28], [sflag:$0x2] =	stream.indirect_vreg.gather [hbm4b:s4+s2], $0x80, v3, vm0, $0xb8;
	[tilespmem:$0x10200] =	vst v63  }
0x19a: {  	_ =	swait.ge [sflag:s13], $0x8000  }
0x19b: {  	[sflag:s13] =	ssyncset.done $0x0  }
0x19c: {  	s17 =	rddreg [dreg:$0x7];
	[sflag:s13] =	ssyncadd.s32 $0xFFFF8000  }
0x19d: {  	[hbm4b:s17+s2] =	stream.linear.scatter [tilespmem:s21], [sflag:$0x3], $0x8000, $0x38;
	[tilespmem:$0x10200] =	vst v63  }
0x19e: {  	_ =	swait.ge [sflag:s14], $0x8000  }
0x19f: {  	[sflag:s14] =	ssyncset.done $0x0  }
0x1a0: {  	[sflag:s14] =	ssyncadd.s32 $0xFFFF8000  }
0x1a1: {  	v3 =	vld [tilespmem:$0x180];
	_ =	sdelay $0x4  }
0x1a2: {  	v56 =	vshll.u32 v3, $0x2  }
0x1a3: {  	v3 =	vand.u32 $0x7, v3;
	v4 =	vand.u32 $0xFFFFFFE0, v56  }
0x1a4: {  	v3 =	vor.u32 v3, v4  }
0x1a5: {  	v4 =	vperm.xlane v3, v0;
	_ =	sdelay $0x1  }
0x1a6: {  	v4 =	vadd.s32 v1, v4;
	_ =	sdelay $0x1  }
0x1a7: {  	v3 =	vperm.xlane v3, v2;
	_ =	sdelay $0x1  }
0x1a8: {  	v3 =	vadd.s32 v1, v3  }
0x1a9: {  	[tilespmem:s21], [sflag:$0x1] =	stream.indirect_vreg.gather [hbm4b:s3+s2], $0x80, v4, vm0, $0xb8;
	[tilespmem:$0x10200] =	vst v63  }
0x1aa: {  	s17 =	simm.s32 $0xA00  }
0x1ab: {  	[tilespmem:s17], [sflag:$0x1] =	stream.indirect_vreg.gather [hbm4b:s4+s2], $0x80, v4, vm0, $0xb8;
	[tilespmem:$0x10200] =	vst v63  }
0x1ac: {  	s7 =	simm.s32 $0x1200  }
0x1ad: {  	[tilespmem:s7], [sflag:$0x1] =	stream.indirect_vreg.gather [hbm4b:s3+s2], $0x80, v3, vm0, $0xb8;
	[tilespmem:$0x10200] =	vst v63  }
0x1ae: {  	s17 =	simm.s32 $0x1A00  }
0x1af: {  	[tilespmem:s17], [sflag:$0x1] =	stream.indirect_vreg.gather [hbm4b:s4+s2], $0x80, v3, vm0, $0xb8;
	[tilespmem:$0x10200] =	vst v63  }
0x1b0: {  	v3 =	vld [tilespmem:$0x190];
	_ =	sdelay $0x4  }
0x1b1: {  	v57 =	vshll.u32 v3, $0x2  }
0x1b2: {  	v3 =	vand.u32 $0x7, v3;
	v4 =	vand.u32 $0xFFFFFFE0, v57  }
0x1b3: {  	v3 =	vor.u32 v3, v4  }
0x1b4: {  	v4 =	vperm.xlane v3, v0;
	_ =	sdelay $0x1  }
0x1b5: {  	v4 =	vadd.s32 v1, v4;
	_ =	sdelay $0x1  }
0x1b6: {  	v3 =	vperm.xlane v3, v2;
	_ =	sdelay $0x1  }
0x1b7: {  	s8 =	simm.s32 $0x2200;
	v3 =	vadd.s32 v1, v3  }
0x1b8: {  	[tilespmem:s8], [sflag:$0x1] =	stream.indirect_vreg.gather [hbm4b:s3+s2], $0x80, v4, vm0, $0xb8;
	[tilespmem:$0x10200] =	vst v63  }
0x1b9: {  	s9 =	simm.s32 $0x2A00  }
0x1ba: {  	[tilespmem:s9], [sflag:$0x1] =	stream.indirect_vreg.gather [hbm4b:s4+s2], $0x80, v4, vm0, $0xb8;
	[tilespmem:$0x10200] =	vst v63  }
0x1bb: {  	s10 =	simm.s32 $0x3200  }
0x1bc: {  	[tilespmem:s10], [sflag:$0x1] =	stream.indirect_vreg.gather [hbm4b:s3+s2], $0x80, v3, vm0, $0xb8;
	[tilespmem:$0x10200] =	vst v63  }
0x1bd: {  	s17 =	simm.s32 $0x3A00  }
0x1be: {  	[tilespmem:s17], [sflag:$0x1] =	stream.indirect_vreg.gather [hbm4b:s4+s2], $0x80, v3, vm0, $0xb8;
	[tilespmem:$0x10200] =	vst v63  }
0x1bf: {  	v3 =	vld [tilespmem:$0x1A0];
	_ =	sdelay $0x4  }
0x1c0: {  	v58 =	vshll.u32 v3, $0x2  }
0x1c1: {  	v3 =	vand.u32 $0x7, v3;
	v4 =	vand.u32 $0xFFFFFFE0, v58  }
0x1c2: {  	v3 =	vor.u32 v3, v4  }
0x1c3: {  	v4 =	vperm.xlane v3, v0;
	_ =	sdelay $0x1  }
0x1c4: {  	v4 =	vadd.s32 v1, v4;
	_ =	sdelay $0x1  }
0x1c5: {  	v3 =	vperm.xlane v3, v2;
	_ =	sdelay $0x1  }
0x1c6: {  	s8 =	simm.s32 $0x4200;
	v3 =	vadd.s32 v1, v3  }
0x1c7: {  	[tilespmem:s8], [sflag:$0x1] =	stream.indirect_vreg.gather [hbm4b:s3+s2], $0x80, v4, vm0, $0xb8;
	[tilespmem:$0x10200] =	vst v63  }
0x1c8: {  	s9 =	simm.s32 $0x4A00  }
0x1c9: {  	[tilespmem:s9], [sflag:$0x1] =	stream.indirect_vreg.gather [hbm4b:s4+s2], $0x80, v4, vm0, $0xb8;
	[tilespmem:$0x10200] =	vst v63  }
0x1ca: {  	s25 =	simm.s32 $0x5200  }
0x1cb: {  	[tilespmem:s25], [sflag:$0x1] =	stream.indirect_vreg.gather [hbm4b:s3+s2], $0x80, v3, vm0, $0xb8;
	[tilespmem:$0x10200] =	vst v63  }
0x1cc: {  	s10 =	simm.s32 $0x5A00  }
0x1cd: {  	[tilespmem:s10], [sflag:$0x1] =	stream.indirect_vreg.gather [hbm4b:s4+s2], $0x80, v3, vm0, $0xb8;
	[tilespmem:$0x10200] =	vst v63  }
0x1ce: {  	v3 =	vld [tilespmem:$0x1B0];
	_ =	sdelay $0x4  }
0x1cf: {  	v59 =	vshll.u32 v3, $0x2  }
0x1d0: {  	v3 =	vand.u32 $0x7, v3;
	v4 =	vand.u32 $0xFFFFFFE0, v59  }
0x1d1: {  	v3 =	vor.u32 v3, v4  }
0x1d2: {  	v4 =	vperm.xlane v3, v0;
	_ =	sdelay $0x1  }
0x1d3: {  	v4 =	vadd.s32 v1, v4;
	_ =	sdelay $0x1  }
0x1d4: {  	v3 =	vperm.xlane v3, v2;
	_ =	sdelay $0x1  }
0x1d5: {  	s18 =	simm.s32 $0x6200;
	v3 =	vadd.s32 v1, v3  }
0x1d6: {  	[tilespmem:s18], [sflag:$0x1] =	stream.indirect_vreg.gather [hbm4b:s3+s2], $0x80, v4, vm0, $0xb8;
	[tilespmem:$0x10200] =	vst v63  }
0x1d7: {  	s11 =	simm.s32 $0x6A00  }
0x1d8: {  	[tilespmem:s11], [sflag:$0x1] =	stream.indirect_vreg.gather [hbm4b:s4+s2], $0x80, v4, vm0, $0xb8;
	[tilespmem:$0x10200] =	vst v63  }
0x1d9: {  	s12 =	simm.s32 $0x7200  }
0x1da: {  	[tilespmem:s12], [sflag:$0x1] =	stream.indirect_vreg.gather [hbm4b:s3+s2], $0x80, v3, vm0, $0xb8;
	[tilespmem:$0x10200] =	vst v63  }
0x1db: {  	s19 =	simm.s32 $0x7A00  }
0x1dc: {  	[tilespmem:s19], [sflag:$0x1] =	stream.indirect_vreg.gather [hbm4b:s4+s2], $0x80, v3, vm0, $0xb8;
	[tilespmem:$0x10200] =	vst v63  }
0x1dd: {  	_ =	swait.ge [sflag:s15], $0x8000  }
0x1de: {  	[sflag:s15] =	ssyncset.done $0x0  }
0x1df: {  	s12 =	rddreg [dreg:$0x8];
	[sflag:s15] =	ssyncadd.s32 $0xFFFF8000  }
0x1e0: {  	[hbm4b:s12+s2] =	stream.linear.scatter [tilespmem:s23], [sflag:$0x4], $0x8000, $0x38;
	[tilespmem:$0x10200] =	vst v63  }
0x1e1: {  	_ =	swait.ge [sflag:s16], $0x8000  }
0x1e2: {  	[sflag:s16] =	ssyncset.done $0x0  }
0x1e3: {  	[sflag:s16] =	ssyncadd.s32 $0xFFFF8000  }
0x1e4: {  	v3 =	vld [tilespmem:$0x1C0];
	_ =	sdelay $0x4  }
0x1e5: {  	v60 =	vshll.u32 v3, $0x2  }
0x1e6: {  	v3 =	vand.u32 $0x7, v3;
	v4 =	vand.u32 $0xFFFFFFE0, v60  }
0x1e7: {  	v3 =	vor.u32 v3, v4  }
0x1e8: {  	v4 =	vperm.xlane v3, v0;
	_ =	sdelay $0x1  }
0x1e9: {  	v4 =	vadd.s32 v1, v4;
	_ =	sdelay $0x1  }
0x1ea: {  	v3 =	vperm.xlane v3, v2;
	_ =	sdelay $0x1  }
0x1eb: {  	v3 =	vadd.s32 v1, v3  }
0x1ec: {  	[tilespmem:s23], [sflag:$0x2] =	stream.indirect_vreg.gather [hbm4b:s3+s2], $0x80, v4, vm0, $0xb8;
	[tilespmem:$0x10200] =	vst v63  }
0x1ed: {  	s0 =	simm.s32 $0x8A00  }
0x1ee: {  	[tilespmem:s0], [sflag:$0x2] =	stream.indirect_vreg.gather [hbm4b:s4+s2], $0x80, v4, vm0, $0xb8;
	[tilespmem:$0x10200] =	vst v63  }
0x1ef: {  	s1 =	simm.s32 $0x9200  }
0x1f0: {  	[tilespmem:s1], [sflag:$0x2] =	stream.indirect_vreg.gather [hbm4b:s3+s2], $0x80, v3, vm0, $0xb8;
	[tilespmem:$0x10200] =	vst v63  }
0x1f1: {  	s18 =	simm.s32 $0x9A00  }
0x1f2: {  	[tilespmem:s18], [sflag:$0x2] =	stream.indirect_vreg.gather [hbm4b:s4+s2], $0x80, v3, vm0, $0xb8;
	[tilespmem:$0x10200] =	vst v63  }
0x1f3: {  	v3 =	vld [tilespmem:$0x1D0];
	_ =	sdelay $0x4  }
0x1f4: {  	v61 =	vshll.u32 v3, $0x2  }
0x1f5: {  	v3 =	vand.u32 $0x7, v3;
	v4 =	vand.u32 $0xFFFFFFE0, v61  }
0x1f6: {  	v3 =	vor.u32 v3, v4  }
0x1f7: {  	v4 =	vperm.xlane v3, v0;
	_ =	sdelay $0x1  }
0x1f8: {  	v4 =	vadd.s32 v1, v4;
	_ =	sdelay $0x1  }
0x1f9: {  	v3 =	vperm.xlane v3, v2;
	_ =	sdelay $0x1  }
0x1fa: {  	s6 =	simm.s32 $0xA200;
	v3 =	vadd.s32 v1, v3  }
0x1fb: {  	[tilespmem:s6], [sflag:$0x2] =	stream.indirect_vreg.gather [hbm4b:s3+s2], $0x80, v4, vm0, $0xb8;
	[tilespmem:$0x10200] =	vst v63  }
0x1fc: {  	s31 =	simm.s32 $0xAA00  }
0x1fd: {  	[tilespmem:s31], [sflag:$0x2] =	stream.indirect_vreg.gather [hbm4b:s4+s2], $0x80, v4, vm0, $0xb8;
	[tilespmem:$0x10200] =	vst v63  }
0x1fe: {  	s19 =	simm.s32 $0xB200  }
0x1ff: {  	[tilespmem:s19], [sflag:$0x2] =	stream.indirect_vreg.gather [hbm4b:s3+s2], $0x80, v3, vm0, $0xb8;
	[tilespmem:$0x10200] =	vst v63  }
0x200: {  	s25 =	simm.s32 $0xBA00  }
0x201: {  	[tilespmem:s25], [sflag:$0x2] =	stream.indirect_vreg.gather [hbm4b:s4+s2], $0x80, v3, vm0, $0xb8;
	[tilespmem:$0x10200] =	vst v63  }
0x202: {  	v3 =	vld [tilespmem:$0x1E0];
	_ =	sdelay $0x4  }
0x203: {  	v62 =	vshll.u32 v3, $0x2  }
0x204: {  	v3 =	vand.u32 $0x7, v3;
	v4 =	vand.u32 $0xFFFFFFE0, v62  }
0x205: {  	v3 =	vor.u32 v3, v4  }
0x206: {  	v4 =	vperm.xlane v3, v0;
	_ =	sdelay $0x1  }
0x207: {  	v4 =	vadd.s32 v1, v4;
	_ =	sdelay $0x1  }
0x208: {  	v3 =	vperm.xlane v3, v2;
	_ =	sdelay $0x1  }
0x209: {  	s22 =	simm.s32 $0xC200;
	v3 =	vadd.s32 v1, v3  }
0x20a: {  	[tilespmem:s22], [sflag:$0x2] =	stream.indirect_vreg.gather [hbm4b:s3+s2], $0x80, v4, vm0, $0xb8;
	[tilespmem:$0x10200] =	vst v63  }
0x20b: {  	s24 =	simm.s32 $0xCA00  }
0x20c: {  	[tilespmem:s24], [sflag:$0x2] =	stream.indirect_vreg.gather [hbm4b:s4+s2], $0x80, v4, vm0, $0xb8;
	[tilespmem:$0x10200] =	vst v63  }
0x20d: {  	s29 =	simm.s32 $0xD200  }
0x20e: {  	[tilespmem:s29], [sflag:$0x2] =	stream.indirect_vreg.gather [hbm4b:s3+s2], $0x80, v3, vm0, $0xb8;
	[tilespmem:$0x10200] =	vst v63  }
0x20f: {  	s29 =	simm.s32 $0xDA00  }
0x210: {  	[tilespmem:s29], [sflag:$0x2] =	stream.indirect_vreg.gather [hbm4b:s4+s2], $0x80, v3, vm0, $0xb8;
	[tilespmem:$0x10200] =	vst v63  }
0x211: {  	v3 =	vld [tilespmem:$0x1F0];
	_ =	sdelay $0x4  }
0x212: {  	v63 =	vshll.u32 v3, $0x2  }
0x213: {  	v3 =	vand.u32 $0x7, v3;
	v4 =	vand.u32 $0xFFFFFFE0, v63  }
0x214: {  	v3 =	vor.u32 v3, v4  }
0x215: {  	v4 =	vperm.xlane v3, v0;
	_ =	sdelay $0x1  }
0x216: {  	v4 =	vadd.s32 v1, v4;
	_ =	sdelay $0x1  }
0x217: {  	v3 =	vperm.xlane v3, v2;
	_ =	sdelay $0x1  }
0x218: {  	s30 =	simm.s32 $0xE200;
	v3 =	vadd.s32 v1, v3  }
0x219: {  	[tilespmem:s30], [sflag:$0x2] =	stream.indirect_vreg.gather [hbm4b:s3+s2], $0x80, v4, vm0, $0xb8;
	[tilespmem:$0x10200] =	vst v63  }
0x21a: {  	s26 =	simm.s32 $0xEA00  }
0x21b: {  	[tilespmem:s26], [sflag:$0x2] =	stream.indirect_vreg.gather [hbm4b:s4+s2], $0x80, v4, vm0, $0xb8;
	[tilespmem:$0x10200] =	vst v63  }
0x21c: {  	s20 =	simm.s32 $0xF200  }
0x21d: {  	[tilespmem:s20], [sflag:$0x2] =	stream.indirect_vreg.gather [hbm4b:s3+s2], $0x80, v3, vm0, $0xb8;
	[tilespmem:$0x10200] =	vst v63  }
0x21e: {  	s28 =	simm.s32 $0xFA00  }
0x21f: {  	[tilespmem:s28], [sflag:$0x2] =	stream.indirect_vreg.gather [hbm4b:s4+s2], $0x80, v3, vm0, $0xb8;
	[tilespmem:$0x10200] =	vst v63  }
0x220: {  	_ =	swait.ge [sflag:s13], $0x8000  }
0x221: {  	[sflag:s13] =	ssyncset.done $0x0  }
0x222: {  	s30 =	rddreg [dreg:$0x9];
	[sflag:s13] =	ssyncadd.s32 $0xFFFF8000  }
0x223: {  	[hbm4b:s30+s2] =	stream.linear.scatter [tilespmem:s21], [sflag:$0x3], $0x8000, $0x38;
	[tilespmem:$0x10200] =	vst v63  }
0x224: {  	_ =	swait.ge [sflag:s15], $0x8000  }
0x225: {  	[sflag:s15] =	ssyncset.done $0x0  }
0x226: {  	s31 =	rddreg [dreg:$0xa];
	[sflag:s15] =	ssyncadd.s32 $0xFFFF8000  }
0x227: {  	[hbm4b:s31+s2] =	stream.linear.scatter [tilespmem:s23], [sflag:$0x4], $0x8000, $0x38;
	[tilespmem:$0x10200] =	vst v63  }
0x228: {  	p0 =	sne.s32 s5, $0x1;
	_ =	swait.ge [sflag:s14], $0x8000  }
.Ltmp0:
0x229: {  	[sflag:s14] =	ssyncset.done $0x0;
	(pc) =	sbr.rel @p0 .LBB2_1-.Ltmp0, $4  }
0x22a: {  	[sflag:s14] =	ssyncadd.s32 $0xFFFF8000  }
0x22b: {  	_ =	swait.ge [sflag:s16], $0x8000  }
0x22c: {  	[sflag:s16] =	ssyncset.done $0x0  }
0x22d: {  	s5 =	sadd.s32 $0xFFFFFFFF, s5;
	[sflag:s16] =	ssyncadd.s32 $0xFFFF8000  }
0x22e: {  	_ =	sfence.sel $0x180000  }
0x22f: {  	[bflag:$0x0] =	sbarrier.arrive $0xFFFF  }
0x230: {  	_ =	strace $0x9000004A  }
0x231: {  	s0 =	stileid.u32;
	[bflag:$0x2] =	sbarrier.arrive $0xFFFF  }
0x232: {  	p0 =	sne.s32 s0, $0x0;
	s0 =	rddreg [dreg:$0x1]  }
0x233: {  	s0 =	sadd.s32 @!p0 $0x100000, s0  }
0x234: {  	[sflag:s0] =	ssyncadd.tile.s32 @!p0 $0x1;
	_ =	shalt  }
.Lfunc_end2:
_tile_overlayer_lowered:
.L_overlay_start_2:
0x235: {  	(tag) =	ssettag $0x2  }
0x236: {  	s0 =	rddreg [dreg:$0x0];
	s2 =	stileid.u32  }
0x237: {  	s1 =	rddreg [dreg:$0x1];
	p0 =	sne.s32 s2, $0x0  }
0x238: {  	s3 =	rddreg [dreg:$0x2];
	[bflag:$0x3] =	sbarrier.arrive $0xFFFF;
	s2 =	simm.s32 @!p0 $0x1C05  }
0x239: {  	[timem:s3], [sflag:s2] =	dma.local @!p0 [hbm:s0], s1  }
0x23a: {  	s0 =	simm.s32 @!p0 $0x5  }
0x23b: {  	_ =	swait.ge @!p0 [sflag:s0], s1  }
0x23c: {  	s1 =	ssub.s32 @!p0 $0x0, s1;
	[sflag:s0] =	ssyncset.done @!p0 $0x0  }
0x23d: {  	[sflag:s0] =	ssyncadd.s32 @!p0 s1  }
0x23e: {  	[bflag:$0x3] =	sbarrier.arrive $0xFFFF  }
0x23f: {  	_ =	shalt  }

// kernel: kernel.33.cloned.1.call-start
scs
__scs_entry_jumppad:
0x0: {  	(pc) =	sbr.rel $0x88, $3  }
0x1: {  	(tag) =	ssettag $0x0;
	lr =	simm.s32 $0x1  }
0x2: {  	[smem:$0x3F8E] =	sst lr;
	_ =	strace $0xD0000000  }
0x3: {  	_ = 	snop  }
0x4: {  	_ = 	snop  }
0x5: {  	_ = 	snop  }
0x6: {  	_ = 	snop  }
0x7: {  	_ = 	snop  }
__scs_overlays_trampoline_lowered:
0x8: {  	[smem:$0x3F9D] =	sst s0  }
0x9: {  	[smem:$0x3F9E] =	sst s1  }
0xa: {  	[smem:$0x3F9F] =	sst s2  }
0xb: {  	[smem:$0x3FA0] =	sst s3  }
0xc: {  	[smem:$0x3FA1] =	sst s4  }
0xd: {  	[smem:$0x3FA2] =	sst s5  }
0xe: {  	[smem:$0x3FA3] =	sst s6  }
0xf: {  	[smem:$0x3FA4] =	sst s7  }
0x10: {  	[smem:$0x3FA5] =	sst s8  }
0x11: {  	[smem:$0x3FA6] =	sst s9;
	s0 =	simm.s32 @!p0 $0x0  }
0x12: {  	s1 =	sld [smem:$0x3F8C];
	s0 =	simm.s32 @p0 $0x1  }
0x13: {  	[smem:$0x3FA7] =	sst s0;
	s0 =	simm.s32 @!p1 $0x0  }
0x14: {  	s2 =	sld [smem:$0x3F8B];
	s0 =	simm.s32 @p1 $0x1  }
0x15: {  	[smem:$0x3FA8] =	sst s0;
	s0 =	simm.s32 @!p2 $0x0  }
0x16: {  	s3 =	sld [smem:$0x3FDB];
	s0 =	simm.s32 @p2 $0x1  }
0x17: {  	s4 =	simm.s32 $0x1BF5;
	[smem:$0x3FAA] =	sst s0  }
0x18: {  	s0 =	sld [smem:$0x3F8D];
	_ =	swait.ge [sflag:s4], $0x0  }
0x19: {  	s7 =	sld [smem:$0x3F8E]  }
0x1a: {  	s8 =	sadd.s32 $0xFFFFE003, lr  }
0x1b: {  	s9 =	sadd.s32 $0xFFFFFEF7, lr;
	s5 =	simm.s32 $0xFFFFFFFF;
	p2 =	slt.u32 s8, $0xFFFFF086  }
0x1c: {  	p1 =	slt.u32 s9, $0xF7A;
	s5 =	simm.s32 @!p2 $0x0  }
0x1d: {  	s5 =	simm.s32 @p1 $0x1;
	p0 =	seq.s32 s7, s2  }
0x1e: {  	s7 =	smul.u32 @!p0 $0xF7A, s2;
	p2 =	seq.s32 @!p0 s5, $0x0  }
0x1f: {  	s9 =	smul.u32 $0xF7A, s1;
	s8 =	simm.s32 @!p0 $0x1BF5;
	p2 =	por !p2, p0  }
0x20: {  	[sflag:s8] =	ssyncset.s32 @!p0 $0xFFFFF086;
	s6 =	sadd.s32 @!p0 s3, s7;
	s7 =	simm.s32 @!p0 $0x108  }
0x21: {  	s3 =	sadd.s32 s3, s9;
	s6 =	sadd.s32 @!p0 $0x88, s6;
	s7 =	simm.s32 @p2 $0x1082  }
0x22: {  	[simem:s7], [sflag:s8] =	dma.local @!p0 [hbm:s6], $0xF7A  }
0x23: {  	s9 =	sor.u32 $0xD0000000, s2;
	s6 =	simm.s32 $0x108;
	_ =	swait.ge @!p0 [sflag:s8], $0x0  }
0x24: {  	s3 =	sadd.s32 $0x88, s3;
	s6 =	simm.s32 @!p1 $0x1082;
	[sflag:s4] =	ssyncset.s32 $0xFFFFF086  }
0x25: {  	[simem:s6], [sflag:s4] =	dma.local [hbm:s3], $0xF7A  }
0x26: {  	[smem:$0x3F8E] =	sst s1;
	(tag) =	ssettag s2;
	_ =	strace s9  }
0x27: {  	s1 =	sld [smem:$0x3F9E]  }
0x28: {  	s2 =	sld [smem:$0x3F9F]  }
0x29: {  	s4 =	sld [smem:$0x3FA1]  }
0x2a: {  	p0 =	seq.s32 s5, $0x0;
	s5 =	sld [smem:$0x3FA2]  }
0x2b: {  	s6 =	sld [smem:$0x3FA3]  }
0x2c: {  	s7 =	sld [smem:$0x3FA4]  }
0x2d: {  	s3 =	simm.s32 $0x108;
	s8 =	sld [smem:$0x3FA5]  }
0x2e: {  	s3 =	simm.s32 @!p0 $0x1082;
	s9 =	sld [smem:$0x3FA6]  }
0x2f: {  	lr =	sadd.s32 s0, s3;
	s0 =	sld [smem:$0x3F9D]  }
0x30: {  	s3 =	sld [smem:$0x3FA0]  }
0x31: {  	[smem:$0x3FA9] =	sst s10  }
0x32: {  	s10 =	sld [smem:$0x3FA7];
	_ =	sdelay $0x3  }
0x33: {  	p0 =	seq.s32 s10, $0x1;
	s10 =	sld [smem:$0x3FA9];
	_ =	sdelay $0x3  }
0x34: {  	[smem:$0x3FA9] =	sst s10  }
0x35: {  	s10 =	sld [smem:$0x3FA8];
	_ =	sdelay $0x3  }
0x36: {  	p1 =	seq.s32 s10, $0x1;
	s10 =	sld [smem:$0x3FA9];
	_ =	sdelay $0x3  }
0x37: {  	[smem:$0x3FA9] =	sst s10  }
0x38: {  	s10 =	sld [smem:$0x3FAA]  }
0x39: {  	_ = 	snop;
	(pc) =	sbr.ind lr, $3  }
0x3a: {  	_ = 	snop  }
0x3b: {  	_ = 	snop  }
0x3c: {  	p2 =	seq.s32 s10, $0x1;
	s10 =	sld [smem:$0x3FA9]  }
0x3d: {  	_ =	shalt  }
0x3e: {  	_ =	shalt  }
0x3f: {  	_ =	shalt  }
0x40: {  	_ =	shalt  }
0x41: {  	_ =	shalt  }
0x42: {  	_ =	shalt  }
0x43: {  	_ =	shalt  }
0x44: {  	_ =	shalt  }
0x45: {  	_ =	shalt  }
0x46: {  	_ =	shalt  }
0x47: {  	_ =	shalt  }
0x48: {  	_ =	shalt  }
0x49: {  	_ =	shalt  }
0x4a: {  	_ =	shalt  }
0x4b: {  	_ =	shalt  }
0x4c: {  	_ =	shalt  }
0x4d: {  	_ =	shalt  }
0x4e: {  	_ =	shalt  }
0x4f: {  	_ =	shalt  }
0x50: {  	_ =	shalt  }
0x51: {  	_ =	shalt  }
0x52: {  	_ =	shalt  }
0x53: {  	_ =	shalt  }
0x54: {  	_ =	shalt  }
0x55: {  	_ =	shalt  }
0x56: {  	_ =	shalt  }
0x57: {  	_ =	shalt  }
0x58: {  	_ =	shalt  }
0x59: {  	_ =	shalt  }
0x5a: {  	_ =	shalt  }
0x5b: {  	_ =	shalt  }
0x5c: {  	_ =	shalt  }
0x5d: {  	_ =	shalt  }
0x5e: {  	_ =	shalt  }
0x5f: {  	_ =	shalt  }
0x60: {  	_ =	shalt  }
0x61: {  	_ =	shalt  }
0x62: {  	_ =	shalt  }
0x63: {  	_ =	shalt  }
0x64: {  	_ =	shalt  }
0x65: {  	_ =	shalt  }
0x66: {  	_ =	shalt  }
0x67: {  	_ =	shalt  }
0x68: {  	_ =	shalt  }
0x69: {  	_ =	shalt  }
0x6a: {  	_ =	shalt  }
0x6b: {  	_ =	shalt  }
0x6c: {  	_ =	shalt  }
0x6d: {  	_ =	shalt  }
0x6e: {  	_ =	shalt  }
0x6f: {  	_ =	shalt  }
0x70: {  	_ =	shalt  }
0x71: {  	_ =	shalt  }
0x72: {  	_ =	shalt  }
0x73: {  	_ =	shalt  }
0x74: {  	_ =	shalt  }
0x75: {  	_ =	shalt  }
0x76: {  	_ =	shalt  }
0x77: {  	_ =	shalt  }
0x78: {  	_ =	shalt  }
0x79: {  	_ =	shalt  }
0x7a: {  	_ =	shalt  }
0x7b: {  	_ =	shalt  }
0x7c: {  	_ =	shalt  }
0x7d: {  	_ =	shalt  }
0x7e: {  	_ =	shalt  }
0x7f: {  	_ =	shalt  }
0x80: {  	_ =	shalt  }
0x81: {  	_ =	shalt  }
0x82: {  	_ =	shalt  }
0x83: {  	_ =	shalt  }
0x84: {  	_ =	shalt  }
0x85: {  	_ =	shalt  }
0x86: {  	_ =	shalt  }
0x87: {  	_ =	shalt  }
.Lfunc_end0:
.L_simem_size_0:
called_computation.4_lowered:
.L_overlay_start_0:
0x88: {  	s2 =	sld [smem:$0x3FD9]  }
0x89: {  	s3 =	sld [smem:$0x3FFE];
	_ =	sdelay $0x1  }
0x8a: {  	s1 =	srdreg.scid  }
0x8b: {  	s0 =	sand.u32 $0x1, s1  }
0x8c: {  	s17 =	sshll.u32 s0, $0xA;
	s2 =	sadd.s32 s3, s2  }
0x8d: {  	s2 =	sadd.s32 s2, s17  }
0x8e: {  	[smem:$0x3FB5] =	sst s2  }
0x8f: {  	_ = 	snop  }
0x90: {  	(tm) =	ssettm $0x1  }
0x91: {  	s18 =	sld [smem:$0x3FFB];
	_ =	sdelay $0x3  }
0x92: {  	_ =	strace s18  }
0x93: {  	s2 =	sld [smem:$0x3FFC];
	_ =	sdelay $0x3  }
0x94: {  	_ =	strace s2  }
0x95: {  	s2 =	sld [smem:$0x3FFD];
	_ =	sdelay $0x3  }
0x96: {  	_ =	strace s2  }
0x97: {  	_ =	strace $0x8FFFFFFF  }
0x98: {  	s19 =	sld [smem:$0x3FDB];
	_ =	sdelay $0x1  }
0x99: {  	s20 =	simm.s32 $_scs_section_size  }
0x9a: {  	s4 =	simm.s32 $_size__tile_overlayer_lowered;
	s5 =	simm.s32 $_tile_overlayer_lowered  }
0x9b: {  	s6 =	simm.s32 $0x1BFF;
	s21 =	sshll.u32 s5, $0x1;
	s3 =	sadd.s32 s20, s19  }
0x9c: {  	s22 =	simm.s32 $0x0;
	s4 =	sshll.u32 s4, $0x1;
	s5 =	sadd.s32 s21, s3  }
0x9d: {  	[timem:s22], [sflag:s6] =	dma.local [hbm:s5], s4  }
0x9e: {  	_ =	swait.ge [sflag:s6], s4  }
0x9f: {  	s4 =	ssub.s32 $0x0, s4;
	[sflag:s6] =	ssyncset.done $0x0  }
0xa0: {  	[sflag:s6] =	ssyncadd.s32 s4;
	_ =	sdelay $0x1  }
0xa1: {  	s23 =	simm.s32 $0x1B8B  }
0xa2: {  	_ =	swait.ge [sflag:s23], $0x1  }
0xa3: {  	[sflag:s23] =	ssyncset.done $0x0  }
0xa4: {  	[sflag:s23] =	ssyncadd.s32 $0xFFFFFFFF  }
0xa5: {  	s4 =	sld [smem:$0x0]  }
0xa6: {  	s5 =	sand.u32 $0xFFFFFFFE, s1  }
0xa7: {  	p0 =	sne.s32 s1, s5  }
0xa8: {  	s5 =	sshll.u32 @p0 s5, $0xE  }
0xa9: {  	s5 =	sadd.s32 @p0 $0x11B8D, s5;
	s6 =	sshll.u32 @p0 s4, $0x11  }
0xaa: {  	s5 =	sor.u32 @p0 s6, s5  }
0xab: {  	[sflag:s5] =	ssyncadd.remote.s32 @p0 $0x1;
	_ =	sdelay $0x1  }
0xac: {  	s5 =	simm.s32 @p0 $0x1B8D  }
0xad: {  	_ =	swait.eq @p0 [sflag:s5], $0x1  }
0xae: {  	[sflag:s5] =	ssyncadd.s32 @p0 $0xFFFFFFFF  }
0xaf: {  	s6 =	sshll.u32 @!p0 s1, $0xE  }
0xb0: {  	s6 =	sor.u32 @!p0 $0x4000, s6;
	s5 =	simm.s32 @!p0 $0x1B8D  }
0xb1: {  	s4 =	sshll.u32 @!p0 s4, $0x11;
	s6 =	sadd.s32 @!p0 $0x11B8D, s6;
	_ =	swait.eq @!p0 [sflag:s5], $0x1  }
0xb2: {  	s4 =	sor.u32 @!p0 s4, s6;
	[sflag:s5] =	ssyncadd.s32 @!p0 $0xFFFFFFFF  }
0xb3: {  	s25 =	simm.s32 $0x1B8E;
	s24 =	sld [smem:$0x3FFE];
	[sflag:s4] =	ssyncadd.remote.s32 @!p0 $0x1  }
0xb4: {  	s26 =	simm.s32 $execute0_lowered;
	[smem:$0x3FD2] =	sst s25  }
0xb5: {  	s5 =	sshll.u32 s26, $0x1;
	_ =	strace $0x80000055;
	[dreg:$0x1] =	wrdreg $0xFFFFFFFF  }
0xb6: {  	s28 =	simm.s32 $_size_execute0_lowered;
	s3 =	sadd.s32 s3, s5;
	[dreg:$0x0] =	wrdreg $0x0  }
0xb7: {  	s5 =	sshll.u32 s28, $0x1;
	[dreg:$0x2] =	wrdreg s3  }
0xb8: {  	[dreg:$0x3] =	wrdreg s5  }
0xb9: {  	[dreg:$0x4] =	wrdreg $0xC0  }
0xba: {  	_ =	task [dreg:s22], $0x5FFFF  }
0xbb: {  	[dreg:$0x1] =	wrdreg $0xFFFFFFFF  }
0xbc: {  	[dreg:$0x0] =	wrdreg $0x60  }
0xbd: {  	[dreg:$0x2] =	wrdreg s24  }
0xbe: {  	[dreg:$0x3] =	wrdreg $0x9  }
0xbf: {  	_ =	task.clear_ibuf [dreg:s22], $0x4FFFF;
	_ =	strace $0x90000055  }
0xc0: {  	s29 =	simm.s32 $0x9;
	_ =	strace $0x80000057  }
0xc1: {  	_ =	swait.ge [sflag:s29], $0x1  }
0xc2: {  	[sflag:s29] =	ssyncadd.s32 $0xFFFFFFFF  }
0xc3: {  	_ =	strace $0x90000057  }
0xc4: {  	_ =	sfence  }
0xc5: {  	s30 =	sld [smem:$0x0];
	_ =	sdelay $0x2  }
0xc6: {  	s31 =	sshll.u32 s1, $0xD;
	s1 =	sshrl.u32 s1, $0x2  }
0xc7: {  	s4 =	sand.u32 $0x4000, s31;
	s1 =	sadd.s32 s1, s30  }
0xc8: {  	s0 =	sor.u32 s4, s0;
	s1 =	sshll.u32 s1, $0x11  }
0xc9: {  	s0 =	sor.u32 s1, s0  }
0xca: {  	s0 =	sadd.s32 $0x8F2B, s0  }
0xcb: {  	[sflag:s0] =	ssyncadd.remote.s32 $0x1  }
0xcc: {  	_ =	sfence.sel $0xFFFF  }
0xcd: {  	[dreg:$0x0] =	wrdreg $0xFFFFFFFF;
	(pc) =	sbr.abs _section_cstart, $3  }
0xce: {  	[dreg:$0x1] =	wrdreg $0xFFFFFFFF  }
0xcf: {  	_ =	task.clear_ibuf [dreg:s22], $0x2FFFF;
	_ =	strace $0x9FFFFFFF  }
0xd0: {  	(tm) =	ssettm $0x7FFFFFFF  }
0xd1: {  	_ =	shalt  }
tec
execute0_lowered:
.L_overlay_start_1:
0x0: {  	(tag) =	ssettag $0x1  }
0x1: {  	s0 =	srdreg.scid  }
0x2: {  	s1 =	stileid.u32;
	s0 =	sand.u32 $0x1, s0  }
0x3: {  	s1 =	sshll.u32 s1, $0xA;
	s2 =	sshll.u32 s0, $0x9  }
0x4: {  	s4 =	rddreg [dreg:$0x0];
	s21 =	simm.s32 $0x200;
	s1 =	sor.u32 s2, s1  }
0x5: {  	s23 =	simm.s32 $0x8200;
	s13 =	simm.s32 $0x1;
	s3 =	sshrl.u32 s1, $0x3  }
0x6: {  	s2 =	simm.s32 $0x0;
	s1 =	sshll.u32 s1, $0x6;
	s3 =	sadd.s32 s3, s4  }
0x7: {  	[smem:$0x7FF] =	sst s2;
	s1 =	sadd.s32 s1, s4;
	s3 =	sadd.s32 $0x15EA00, s3  }
0x8: {  	_ =	strace $0x80000056;
	s25 =	sadd.s32 $0x1AF200, s1;
	[dreg:$0x2] =	wrdreg s3  }
0x9: {  	s14 =	simm.s32 $0x3;
	s26 =	sadd.s32 $0x1B0200, s1;
	[dreg:$0x3] =	wrdreg s25  }
0xa: {  	s15 =	simm.s32 $0x2;
	s5 =	sadd.s32 $0x1B1200, s1;
	[dreg:$0x4] =	wrdreg s26  }
0xb: {  	s16 =	simm.s32 $0x4;
	s28 =	sadd.s32 $0x1B2200, s1;
	[dreg:$0x5] =	wrdreg s5  }
0xc: {  	s0 =	ssub.s32 $0x2, s0;
	s29 =	sadd.s32 $0x1B3200, s1;
	[dreg:$0x6] =	wrdreg s28  }
0xd: {  	s6 =	sshrl.u32 s0, $0x1;
	s30 =	sadd.s32 $0x1B4200, s1;
	[dreg:$0x7] =	wrdreg s29  }
0xe: {  	v2 =	vlaneseq.u32;
	s0 =	ssub.s32 s0, s6;
	s31 =	sadd.s32 $0x1B5200, s1;
	[dreg:$0x8] =	wrdreg s30  }
0xf: {  	vm0 =	vmmov $0xffff;
	v1 =	vshrl.u32 v2, $0x3;
	s1 =	sadd.s32 $0x1B6200, s1;
	s3 =	sadd.s32 $0x19F200, s4;
	[dreg:$0x9] =	wrdreg s31  }
0x10: {  	v0 =	vand.u32 $0x7, v2;
	v2 =	vor.u32 $0x8, v2;
	v1 =	vmul.u32 $0x8, v1;
	s4 =	sadd.s32 $0x19F300, s4;
	[dreg:$0xa] =	wrdreg s1;
	s5 =	smax.u32 s0, $0x1  }
.LBB2_1:
0x11: {  	s17 =	rddreg [dreg:$0x2];
	s8 =	simm.s32 $0x5  }
0x12: {  	[tilespmem:s2], [sflag:$0x5] =	stream.linear.gather [hbm4b:s17+s2], $0x200, $0x38;
	[tilespmem:$0x10200] =	vst v63  }
0x13: {  	_ =	swait.ge [sflag:s8], $0x200  }
0x14: {  	[sflag:s8] =	ssyncset.done $0x0  }
0x15: {  	[sflag:s8] =	ssyncadd.s32 $0xFFFFFE00  }
0x16: {  	v3 =	vld [tilespmem:$0x0];
	_ =	sdelay $0x4  }
0x17: {  	v4 =	vshll.u32 v3, $0x2  }
0x18: {  	v3 =	vand.u32 $0x7, v3;
	v4 =	vand.u32 $0xFFFFFFE0, v4  }
0x19: {  	v3 =	vor.u32 v3, v4  }
0x1a: {  	v4 =	vperm.xlane v3, v0;
	_ =	sdelay $0x1  }
0x1b: {  	v4 =	vadd.s32 v1, v4;
	_ =	sdelay $0x1  }
0x1c: {  	v3 =	vperm.xlane v3, v2;
	_ =	sdelay $0x1  }
0x1d: {  	v3 =	vadd.s32 v1, v3  }
0x1e: {  	[tilespmem:s21], [sflag:$0x1] =	stream.indirect_vreg.gather [hbm4b:s3+s2], $0x80, v4, vm0, $0xb8;
	[tilespmem:$0x10200] =	vst v63  }
0x1f: {  	s0 =	simm.s32 $0xA00  }
0x20: {  	[tilespmem:s0], [sflag:$0x1] =	stream.indirect_vreg.gather [hbm4b:s4+s2], $0x80, v4, vm0, $0xb8;
	[tilespmem:$0x10200] =	vst v63  }
0x21: {  	s9 =	simm.s32 $0x1200  }
0x22: {  	[tilespmem:s9], [sflag:$0x1] =	stream.indirect_vreg.gather [hbm4b:s3+s2], $0x80, v3, vm0, $0xb8;
	[tilespmem:$0x10200] =	vst v63  }
0x23: {  	s10 =	simm.s32 $0x1A00  }
0x24: {  	[tilespmem:s10], [sflag:$0x1] =	stream.indirect_vreg.gather [hbm4b:s4+s2], $0x80, v3, vm0, $0xb8;
	[tilespmem:$0x10200] =	vst v63  }
0x25: {  	v3 =	vld [tilespmem:$0x10];
	_ =	sdelay $0x4  }
0x26: {  	v33 =	vshll.u32 v3, $0x2  }
0x27: {  	v3 =	vand.u32 $0x7, v3;
	v4 =	vand.u32 $0xFFFFFFE0, v33  }
0x28: {  	v3 =	vor.u32 v3, v4  }
0x29: {  	v4 =	vperm.xlane v3, v0;
	_ =	sdelay $0x1  }
0x2a: {  	v4 =	vadd.s32 v1, v4;
	_ =	sdelay $0x1  }
0x2b: {  	v3 =	vperm.xlane v3, v2;
	_ =	sdelay $0x1  }
0x2c: {  	s11 =	simm.s32 $0x2200;
	v3 =	vadd.s32 v1, v3  }
0x2d: {  	[tilespmem:s11], [sflag:$0x1] =	stream.indirect_vreg.gather [hbm4b:s3+s2], $0x80, v4, vm0, $0xb8;
	[tilespmem:$0x10200] =	vst v63  }
0x2e: {  	s12 =	simm.s32 $0x2A00  }
0x2f: {  	[tilespmem:s12], [sflag:$0x1] =	stream.indirect_vreg.gather [hbm4b:s4+s2], $0x80, v4, vm0, $0xb8;
	[tilespmem:$0x10200] =	vst v63  }
0x30: {  	s17 =	simm.s32 $0x3200  }
0x31: {  	[tilespmem:s17], [sflag:$0x1] =	stream.indirect_vreg.gather [hbm4b:s3+s2], $0x80, v3, vm0, $0xb8;
	[tilespmem:$0x10200] =	vst v63  }
0x32: {  	s18 =	simm.s32 $0x3A00  }
0x33: {  	[tilespmem:s18], [sflag:$0x1] =	stream.indirect_vreg.gather [hbm4b:s4+s2], $0x80, v3, vm0, $0xb8;
	[tilespmem:$0x10200] =	vst v63  }
0x34: {  	v3 =	vld [tilespmem:$0x20];
	_ =	sdelay $0x4  }
0x35: {  	v34 =	vshll.u32 v3, $0x2  }
0x36: {  	v3 =	vand.u32 $0x7, v3;
	v4 =	vand.u32 $0xFFFFFFE0, v34  }
0x37: {  	v3 =	vor.u32 v3, v4  }
0x38: {  	v4 =	vperm.xlane v3, v0;
	_ =	sdelay $0x1  }
0x39: {  	v4 =	vadd.s32 v1, v4;
	_ =	sdelay $0x1  }
0x3a: {  	v3 =	vperm.xlane v3, v2;
	_ =	sdelay $0x1  }
0x3b: {  	s19 =	simm.s32 $0x4200;
	v3 =	vadd.s32 v1, v3  }
0x3c: {  	[tilespmem:s19], [sflag:$0x1] =	stream.indirect_vreg.gather [hbm4b:s3+s2], $0x80, v4, vm0, $0xb8;
	[tilespmem:$0x10200] =	vst v63  }
0x3d: {  	s20 =	simm.s32 $0x4A00  }
0x3e: {  	[tilespmem:s20], [sflag:$0x1] =	stream.indirect_vreg.gather [hbm4b:s4+s2], $0x80, v4, vm0, $0xb8;
	[tilespmem:$0x10200] =	vst v63  }
0x3f: {  	s22 =	simm.s32 $0x5200  }
0x40: {  	[tilespmem:s22], [sflag:$0x1] =	stream.indirect_vreg.gather [hbm4b:s3+s2], $0x80, v3, vm0, $0xb8;
	[tilespmem:$0x10200] =	vst v63  }
0x41: {  	s24 =	simm.s32 $0x5A00  }
0x42: {  	[tilespmem:s24], [sflag:$0x1] =	stream.indirect_vreg.gather [hbm4b:s4+s2], $0x80, v3, vm0, $0xb8;
	[tilespmem:$0x10200] =	vst v63  }
0x43: {  	v3 =	vld [tilespmem:$0x30];
	_ =	sdelay $0x4  }
0x44: {  	v35 =	vshll.u32 v3, $0x2  }
0x45: {  	v3 =	vand.u32 $0x7, v3;
	v4 =	vand.u32 $0xFFFFFFE0, v35  }
0x46: {  	v3 =	vor.u32 v3, v4  }
0x47: {  	v4 =	vperm.xlane v3, v0;
	_ =	sdelay $0x1  }
0x48: {  	v4 =	vadd.s32 v1, v4;
	_ =	sdelay $0x1  }
0x49: {  	v3 =	vperm.xlane v3, v2;
	_ =	sdelay $0x1  }
0x4a: {  	s25 =	simm.s32 $0x6200;
	v3 =	vadd.s32 v1, v3  }
0x4b: {  	[tilespmem:s25], [sflag:$0x1] =	stream.indirect_vreg.gather [hbm4b:s3+s2], $0x80, v4, vm0, $0xb8;
	[tilespmem:$0x10200] =	vst v63  }
0x4c: {  	s26 =	simm.s32 $0x6A00  }
0x4d: {  	[tilespmem:s26], [sflag:$0x1] =	stream.indirect_vreg.gather [hbm4b:s4+s2], $0x80, v4, vm0, $0xb8;
	[tilespmem:$0x10200] =	vst v63  }
0x4e: {  	s28 =	simm.s32 $0x7200  }
0x4f: {  	[tilespmem:s28], [sflag:$0x1] =	stream.indirect_vreg.gather [hbm4b:s3+s2], $0x80, v3, vm0, $0xb8;
	[tilespmem:$0x10200] =	vst v63  }
0x50: {  	s29 =	simm.s32 $0x7A00  }
0x51: {  	[tilespmem:s29], [sflag:$0x1] =	stream.indirect_vreg.gather [hbm4b:s4+s2], $0x80, v3, vm0, $0xb8;
	[tilespmem:$0x10200] =	vst v63  }
0x52: {  	v3 =	vld [tilespmem:$0x40];
	_ =	sdelay $0x4  }
0x53: {  	v36 =	vshll.u32 v3, $0x2  }
0x54: {  	v3 =	vand.u32 $0x7, v3;
	v4 =	vand.u32 $0xFFFFFFE0, v36  }
0x55: {  	v3 =	vor.u32 v3, v4  }
0x56: {  	v4 =	vperm.xlane v3, v0;
	_ =	sdelay $0x1  }
0x57: {  	v4 =	vadd.s32 v1, v4;
	_ =	sdelay $0x1  }
0x58: {  	v3 =	vperm.xlane v3, v2;
	_ =	sdelay $0x1  }
0x59: {  	v3 =	vadd.s32 v1, v3  }
0x5a: {  	[tilespmem:s23], [sflag:$0x2] =	stream.indirect_vreg.gather [hbm4b:s3+s2], $0x80, v4, vm0, $0xb8;
	[tilespmem:$0x10200] =	vst v63  }
0x5b: {  	s30 =	simm.s32 $0x8A00  }
0x5c: {  	[tilespmem:s30], [sflag:$0x2] =	stream.indirect_vreg.gather [hbm4b:s4+s2], $0x80, v4, vm0, $0xb8;
	[tilespmem:$0x10200] =	vst v63  }
0x5d: {  	s31 =	simm.s32 $0x9200  }
0x5e: {  	[tilespmem:s31], [sflag:$0x2] =	stream.indirect_vreg.gather [hbm4b:s3+s2], $0x80, v3, vm0, $0xb8;
	[tilespmem:$0x10200] =	vst v63  }
0x5f: {  	s6 =	simm.s32 $0x9A00  }
0x60: {  	[tilespmem:s6], [sflag:$0x2] =	stream.indirect_vreg.gather [hbm4b:s4+s2], $0x80, v3, vm0, $0xb8;
	[tilespmem:$0x10200] =	vst v63  }
0x61: {  	v3 =	vld [tilespmem:$0x50];
	_ =	sdelay $0x4  }
0x62: {  	v37 =	vshll.u32 v3, $0x2  }
0x63: {  	v3 =	vand.u32 $0x7, v3;
	v4 =	vand.u32 $0xFFFFFFE0, v37  }
0x64: {  	v3 =	vor.u32 v3, v4  }
0x65: {  	v4 =	vperm.xlane v3, v0;
	_ =	sdelay $0x1  }
0x66: {  	v4 =	vadd.s32 v1, v4;
	_ =	sdelay $0x1  }
0x67: {  	v3 =	vperm.xlane v3, v2;
	_ =	sdelay $0x1  }
0x68: {  	s7 =	simm.s32 $0xA200;
	v3 =	vadd.s32 v1, v3  }
0x69: {  	[tilespmem:s7], [sflag:$0x2] =	stream.indirect_vreg.gather [hbm4b:s3+s2], $0x80, v4, vm0, $0xb8;
	[tilespmem:$0x10200] =	vst v63  }
0x6a: {  	s9 =	simm.s32 $0xAA00  }
0x6b: {  	[tilespmem:s9], [sflag:$0x2] =	stream.indirect_vreg.gather [hbm4b:s4+s2], $0x80, v4, vm0, $0xb8;
	[tilespmem:$0x10200] =	vst v63  }
0x6c: {  	s10 =	simm.s32 $0xB200  }
0x6d: {  	[tilespmem:s10], [sflag:$0x2] =	stream.indirect_vreg.gather [hbm4b:s3+s2], $0x80, v3, vm0, $0xb8;
	[tilespmem:$0x10200] =	vst v63  }
0x6e: {  	s20 =	simm.s32 $0xBA00  }
0x6f: {  	[tilespmem:s20], [sflag:$0x2] =	stream.indirect_vreg.gather [hbm4b:s4+s2], $0x80, v3, vm0, $0xb8;
	[tilespmem:$0x10200] =	vst v63  }
0x70: {  	v3 =	vld [tilespmem:$0x60];
	_ =	sdelay $0x4  }
0x71: {  	v38 =	vshll.u32 v3, $0x2  }
0x72: {  	v3 =	vand.u32 $0x7, v3;
	v4 =	vand.u32 $0xFFFFFFE0, v38  }
0x73: {  	v3 =	vor.u32 v3, v4  }
0x74: {  	v4 =	vperm.xlane v3, v0;
	_ =	sdelay $0x1  }
0x75: {  	v4 =	vadd.s32 v1, v4;
	_ =	sdelay $0x1  }
0x76: {  	v3 =	vperm.xlane v3, v2;
	_ =	sdelay $0x1  }
0x77: {  	s22 =	simm.s32 $0xC200;
	v3 =	vadd.s32 v1, v3  }
0x78: {  	[tilespmem:s22], [sflag:$0x2] =	stream.indirect_vreg.gather [hbm4b:s3+s2], $0x80, v4, vm0, $0xb8;
	[tilespmem:$0x10200] =	vst v63  }
0x79: {  	s25 =	simm.s32 $0xCA00  }
0x7a: {  	[tilespmem:s25], [sflag:$0x2] =	stream.indirect_vreg.gather [hbm4b:s4+s2], $0x80, v4, vm0, $0xb8;
	[tilespmem:$0x10200] =	vst v63  }
0x7b: {  	s26 =	simm.s32 $0xD200  }
0x7c: {  	[tilespmem:s26], [sflag:$0x2] =	stream.indirect_vreg.gather [hbm4b:s3+s2], $0x80, v3, vm0, $0xb8;
	[tilespmem:$0x10200] =	vst v63  }
0x7d: {  	s0 =	simm.s32 $0xDA00  }
0x7e: {  	[tilespmem:s0], [sflag:$0x2] =	stream.indirect_vreg.gather [hbm4b:s4+s2], $0x80, v3, vm0, $0xb8;
	[tilespmem:$0x10200] =	vst v63  }
0x7f: {  	v3 =	vld [tilespmem:$0x70];
	_ =	sdelay $0x4  }
0x80: {  	v39 =	vshll.u32 v3, $0x2  }
0x81: {  	v3 =	vand.u32 $0x7, v3;
	v4 =	vand.u32 $0xFFFFFFE0, v39  }
0x82: {  	v3 =	vor.u32 v3, v4  }
0x83: {  	v4 =	vperm.xlane v3, v0;
	_ =	sdelay $0x1  }
0x84: {  	v4 =	vadd.s32 v1, v4;
	_ =	sdelay $0x1  }
0x85: {  	v3 =	vperm.xlane v3, v2;
	_ =	sdelay $0x1  }
0x86: {  	s7 =	simm.s32 $0xE200;
	v3 =	vadd.s32 v1, v3  }
0x87: {  	[tilespmem:s7], [sflag:$0x2] =	stream.indirect_vreg.gather [hbm4b:s3+s2], $0x80, v4, vm0, $0xb8;
	[tilespmem:$0x10200] =	vst v63  }
0x88: {  	s9 =	simm.s32 $0xEA00  }
0x89: {  	[tilespmem:s9], [sflag:$0x2] =	stream.indirect_vreg.gather [hbm4b:s4+s2], $0x80, v4, vm0, $0xb8;
	[tilespmem:$0x10200] =	vst v63  }
0x8a: {  	s10 =	simm.s32 $0xF200  }
0x8b: {  	[tilespmem:s10], [sflag:$0x2] =	stream.indirect_vreg.gather [hbm4b:s3+s2], $0x80, v3, vm0, $0xb8;
	[tilespmem:$0x10200] =	vst v63  }
0x8c: {  	s22 =	simm.s32 $0xFA00  }
0x8d: {  	[tilespmem:s22], [sflag:$0x2] =	stream.indirect_vreg.gather [hbm4b:s4+s2], $0x80, v3, vm0, $0xb8;
	[tilespmem:$0x10200] =	vst v63  }
0x8e: {  	_ =	swait.ge [sflag:s13], $0x8000  }
0x8f: {  	[sflag:s13] =	ssyncset.done $0x0  }
0x90: {  	s25 =	rddreg [dreg:$0x3];
	[sflag:s13] =	ssyncadd.s32 $0xFFFF8000  }
0x91: {  	[hbm4b:s25+s2] =	stream.linear.scatter [tilespmem:s21], [sflag:$0x3], $0x8000, $0x38;
	[tilespmem:$0x10200] =	vst v63  }
0x92: {  	_ =	swait.ge [sflag:s14], $0x8000  }
0x93: {  	[sflag:s14] =	ssyncset.done $0x0  }
0x94: {  	[sflag:s14] =	ssyncadd.s32 $0xFFFF8000  }
0x95: {  	v3 =	vld [tilespmem:$0x80];
	_ =	sdelay $0x4  }
0x96: {  	v40 =	vshll.u32 v3, $0x2  }
0x97: {  	v3 =	vand.u32 $0x7, v3;
	v4 =	vand.u32 $0xFFFFFFE0, v40  }
0x98: {  	v3 =	vor.u32 v3, v4  }
0x99: {  	v4 =	vperm.xlane v3, v0;
	_ =	sdelay $0x1  }
0x9a: {  	v4 =	vadd.s32 v1, v4;
	_ =	sdelay $0x1  }
0x9b: {  	v3 =	vperm.xlane v3, v2;
	_ =	sdelay $0x1  }
0x9c: {  	v3 =	vadd.s32 v1, v3  }
0x9d: {  	[tilespmem:s21], [sflag:$0x1] =	stream.indirect_vreg.gather [hbm4b:s3+s2], $0x80, v4, vm0, $0xb8;
	[tilespmem:$0x10200] =	vst v63  }
0x9e: {  	s1 =	simm.s32 $0xA00  }
0x9f: {  	[tilespmem:s1], [sflag:$0x1] =	stream.indirect_vreg.gather [hbm4b:s4+s2], $0x80, v4, vm0, $0xb8;
	[tilespmem:$0x10200] =	vst v63  }
0xa0: {  	s7 =	simm.s32 $0x1200  }
0xa1: {  	[tilespmem:s7], [sflag:$0x1] =	stream.indirect_vreg.gather [hbm4b:s3+s2], $0x80, v3, vm0, $0xb8;
	[tilespmem:$0x10200] =	vst v63  }
0xa2: {  	s8 =	simm.s32 $0x1A00  }
0xa3: {  	[tilespmem:s8], [sflag:$0x1] =	stream.indirect_vreg.gather [hbm4b:s4+s2], $0x80, v3, vm0, $0xb8;
	[tilespmem:$0x10200] =	vst v63  }
0xa4: {  	v3 =	vld [tilespmem:$0x90];
	_ =	sdelay $0x4  }
0xa5: {  	v41 =	vshll.u32 v3, $0x2  }
0xa6: {  	v3 =	vand.u32 $0x7, v3;
	v4 =	vand.u32 $0xFFFFFFE0, v41  }
0xa7: {  	v3 =	vor.u32 v3, v4  }
0xa8: {  	v4 =	vperm.xlane v3, v0;
	_ =	sdelay $0x1  }
0xa9: {  	v4 =	vadd.s32 v1, v4;
	_ =	sdelay $0x1  }
0xaa: {  	v3 =	vperm.xlane v3, v2;
	_ =	sdelay $0x1  }
0xab: {  	s8 =	simm.s32 $0x2200;
	v3 =	vadd.s32 v1, v3  }
0xac: {  	[tilespmem:s8], [sflag:$0x1] =	stream.indirect_vreg.gather [hbm4b:s3+s2], $0x80, v4, vm0, $0xb8;
	[tilespmem:$0x10200] =	vst v63  }
0xad: {  	s9 =	simm.s32 $0x2A00  }
0xae: {  	[tilespmem:s9], [sflag:$0x1] =	stream.indirect_vreg.gather [hbm4b:s4+s2], $0x80, v4, vm0, $0xb8;
	[tilespmem:$0x10200] =	vst v63  }
0xaf: {  	s10 =	simm.s32 $0x3200  }
0xb0: {  	[tilespmem:s10], [sflag:$0x1] =	stream.indirect_vreg.gather [hbm4b:s3+s2], $0x80, v3, vm0, $0xb8;
	[tilespmem:$0x10200] =	vst v63  }
0xb1: {  	s18 =	simm.s32 $0x3A00  }
0xb2: {  	[tilespmem:s18], [sflag:$0x1] =	stream.indirect_vreg.gather [hbm4b:s4+s2], $0x80, v3, vm0, $0xb8;
	[tilespmem:$0x10200] =	vst v63  }
0xb3: {  	v3 =	vld [tilespmem:$0xA0];
	_ =	sdelay $0x4  }
0xb4: {  	v42 =	vshll.u32 v3, $0x2  }
0xb5: {  	v3 =	vand.u32 $0x7, v3;
	v4 =	vand.u32 $0xFFFFFFE0, v42  }
0xb6: {  	v3 =	vor.u32 v3, v4  }
0xb7: {  	v4 =	vperm.xlane v3, v0;
	_ =	sdelay $0x1  }
0xb8: {  	v4 =	vadd.s32 v1, v4;
	_ =	sdelay $0x1  }
0xb9: {  	v3 =	vperm.xlane v3, v2;
	_ =	sdelay $0x1  }
0xba: {  	s11 =	simm.s32 $0x4200;
	v3 =	vadd.s32 v1, v3  }
0xbb: {  	[tilespmem:s11], [sflag:$0x1] =	stream.indirect_vreg.gather [hbm4b:s3+s2], $0x80, v4, vm0, $0xb8;
	[tilespmem:$0x10200] =	vst v63  }
0xbc: {  	s12 =	simm.s32 $0x4A00  }
0xbd: {  	[tilespmem:s12], [sflag:$0x1] =	stream.indirect_vreg.gather [hbm4b:s4+s2], $0x80, v4, vm0, $0xb8;
	[tilespmem:$0x10200] =	vst v63  }
0xbe: {  	s25 =	simm.s32 $0x5200  }
0xbf: {  	[tilespmem:s25], [sflag:$0x1] =	stream.indirect_vreg.gather [hbm4b:s3+s2], $0x80, v3, vm0, $0xb8;
	[tilespmem:$0x10200] =	vst v63  }
0xc0: {  	s19 =	simm.s32 $0x5A00  }
0xc1: {  	[tilespmem:s19], [sflag:$0x1] =	stream.indirect_vreg.gather [hbm4b:s4+s2], $0x80, v3, vm0, $0xb8;
	[tilespmem:$0x10200] =	vst v63  }
0xc2: {  	v3 =	vld [tilespmem:$0xB0];
	_ =	sdelay $0x4  }
0xc3: {  	v43 =	vshll.u32 v3, $0x2  }
0xc4: {  	v3 =	vand.u32 $0x7, v3;
	v4 =	vand.u32 $0xFFFFFFE0, v43  }
0xc5: {  	v3 =	vor.u32 v3, v4  }
0xc6: {  	v4 =	vperm.xlane v3, v0;
	_ =	sdelay $0x1  }
0xc7: {  	v4 =	vadd.s32 v1, v4;
	_ =	sdelay $0x1  }
0xc8: {  	v3 =	vperm.xlane v3, v2;
	_ =	sdelay $0x1  }
0xc9: {  	s18 =	simm.s32 $0x6200;
	v3 =	vadd.s32 v1, v3  }
0xca: {  	[tilespmem:s18], [sflag:$0x1] =	stream.indirect_vreg.gather [hbm4b:s3+s2], $0x80, v4, vm0, $0xb8;
	[tilespmem:$0x10200] =	vst v63  }
0xcb: {  	s11 =	simm.s32 $0x6A00  }
0xcc: {  	[tilespmem:s11], [sflag:$0x1] =	stream.indirect_vreg.gather [hbm4b:s4+s2], $0x80, v4, vm0, $0xb8;
	[tilespmem:$0x10200] =	vst v63  }
0xcd: {  	s12 =	simm.s32 $0x7200  }
0xce: {  	[tilespmem:s12], [sflag:$0x1] =	stream.indirect_vreg.gather [hbm4b:s3+s2], $0x80, v3, vm0, $0xb8;
	[tilespmem:$0x10200] =	vst v63  }
0xcf: {  	s19 =	simm.s32 $0x7A00  }
0xd0: {  	[tilespmem:s19], [sflag:$0x1] =	stream.indirect_vreg.gather [hbm4b:s4+s2], $0x80, v3, vm0, $0xb8;
	[tilespmem:$0x10200] =	vst v63  }
0xd1: {  	_ =	swait.ge [sflag:s15], $0x8000  }
0xd2: {  	[sflag:s15] =	ssyncset.done $0x0  }
0xd3: {  	s26 =	rddreg [dreg:$0x4];
	[sflag:s15] =	ssyncadd.s32 $0xFFFF8000  }
0xd4: {  	[hbm4b:s26+s2] =	stream.linear.scatter [tilespmem:s23], [sflag:$0x4], $0x8000, $0x38;
	[tilespmem:$0x10200] =	vst v63  }
0xd5: {  	_ =	swait.ge [sflag:s16], $0x8000  }
0xd6: {  	[sflag:s16] =	ssyncset.done $0x0  }
0xd7: {  	[sflag:s16] =	ssyncadd.s32 $0xFFFF8000  }
0xd8: {  	v3 =	vld [tilespmem:$0xC0];
	_ =	sdelay $0x4  }
0xd9: {  	v44 =	vshll.u32 v3, $0x2  }
0xda: {  	v3 =	vand.u32 $0x7, v3;
	v4 =	vand.u32 $0xFFFFFFE0, v44  }
0xdb: {  	v3 =	vor.u32 v3, v4  }
0xdc: {  	v4 =	vperm.xlane v3, v0;
	_ =	sdelay $0x1  }
0xdd: {  	v4 =	vadd.s32 v1, v4;
	_ =	sdelay $0x1  }
0xde: {  	v3 =	vperm.xlane v3, v2;
	_ =	sdelay $0x1  }
0xdf: {  	v3 =	vadd.s32 v1, v3  }
0xe0: {  	[tilespmem:s23], [sflag:$0x2] =	stream.indirect_vreg.gather [hbm4b:s3+s2], $0x80, v4, vm0, $0xb8;
	[tilespmem:$0x10200] =	vst v63  }
0xe1: {  	s0 =	simm.s32 $0x8A00  }
0xe2: {  	[tilespmem:s0], [sflag:$0x2] =	stream.indirect_vreg.gather [hbm4b:s4+s2], $0x80, v4, vm0, $0xb8;
	[tilespmem:$0x10200] =	vst v63  }
0xe3: {  	s1 =	simm.s32 $0x9200  }
0xe4: {  	[tilespmem:s1], [sflag:$0x2] =	stream.indirect_vreg.gather [hbm4b:s3+s2], $0x80, v3, vm0, $0xb8;
	[tilespmem:$0x10200] =	vst v63  }
0xe5: {  	s6 =	simm.s32 $0x9A00  }
0xe6: {  	[tilespmem:s6], [sflag:$0x2] =	stream.indirect_vreg.gather [hbm4b:s4+s2], $0x80, v3, vm0, $0xb8;
	[tilespmem:$0x10200] =	vst v63  }
0xe7: {  	v3 =	vld [tilespmem:$0xD0];
	_ =	sdelay $0x4  }
0xe8: {  	v45 =	vshll.u32 v3, $0x2  }
0xe9: {  	v3 =	vand.u32 $0x7, v3;
	v4 =	vand.u32 $0xFFFFFFE0, v45  }
0xea: {  	v3 =	vor.u32 v3, v4  }
0xeb: {  	v4 =	vperm.xlane v3, v0;
	_ =	sdelay $0x1  }
0xec: {  	v4 =	vadd.s32 v1, v4;
	_ =	sdelay $0x1  }
0xed: {  	v3 =	vperm.xlane v3, v2;
	_ =	sdelay $0x1  }
0xee: {  	s6 =	simm.s32 $0xA200;
	v3 =	vadd.s32 v1, v3  }
0xef: {  	[tilespmem:s6], [sflag:$0x2] =	stream.indirect_vreg.gather [hbm4b:s3+s2], $0x80, v4, vm0, $0xb8;
	[tilespmem:$0x10200] =	vst v63  }
0xf0: {  	s31 =	simm.s32 $0xAA00  }
0xf1: {  	[tilespmem:s31], [sflag:$0x2] =	stream.indirect_vreg.gather [hbm4b:s4+s2], $0x80, v4, vm0, $0xb8;
	[tilespmem:$0x10200] =	vst v63  }
0xf2: {  	s28 =	simm.s32 $0xB200  }
0xf3: {  	[tilespmem:s28], [sflag:$0x2] =	stream.indirect_vreg.gather [hbm4b:s3+s2], $0x80, v3, vm0, $0xb8;
	[tilespmem:$0x10200] =	vst v63  }
0xf4: {  	s24 =	simm.s32 $0xBA00  }
0xf5: {  	[tilespmem:s24], [sflag:$0x2] =	stream.indirect_vreg.gather [hbm4b:s4+s2], $0x80, v3, vm0, $0xb8;
	[tilespmem:$0x10200] =	vst v63  }
0xf6: {  	v3 =	vld [tilespmem:$0xE0];
	_ =	sdelay $0x4  }
0xf7: {  	v46 =	vshll.u32 v3, $0x2  }
0xf8: {  	v3 =	vand.u32 $0x7, v3;
	v4 =	vand.u32 $0xFFFFFFE0, v46  }
0xf9: {  	v3 =	vor.u32 v3, v4  }
0xfa: {  	v4 =	vperm.xlane v3, v0;
	_ =	sdelay $0x1  }
0xfb: {  	v4 =	vadd.s32 v1, v4;
	_ =	sdelay $0x1  }
0xfc: {  	v3 =	vperm.xlane v3, v2;
	_ =	sdelay $0x1  }
0xfd: {  	s29 =	simm.s32 $0xC200;
	v3 =	vadd.s32 v1, v3  }
0xfe: {  	[tilespmem:s29], [sflag:$0x2] =	stream.indirect_vreg.gather [hbm4b:s3+s2], $0x80, v4, vm0, $0xb8;
	[tilespmem:$0x10200] =	vst v63  }
0xff: {  	s30 =	simm.s32 $0xCA00  }
0x100: {  	[tilespmem:s30], [sflag:$0x2] =	stream.indirect_vreg.gather [hbm4b:s4+s2], $0x80, v4, vm0, $0xb8;
	[tilespmem:$0x10200] =	vst v63  }
0x101: {  	s29 =	simm.s32 $0xD200  }
0x102: {  	[tilespmem:s29], [sflag:$0x2] =	stream.indirect_vreg.gather [hbm4b:s3+s2], $0x80, v3, vm0, $0xb8;
	[tilespmem:$0x10200] =	vst v63  }
0x103: {  	s20 =	simm.s32 $0xDA00  }
0x104: {  	[tilespmem:s20], [sflag:$0x2] =	stream.indirect_vreg.gather [hbm4b:s4+s2], $0x80, v3, vm0, $0xb8;
	[tilespmem:$0x10200] =	vst v63  }
0x105: {  	v3 =	vld [tilespmem:$0xF0];
	_ =	sdelay $0x4  }
0x106: {  	v47 =	vshll.u32 v3, $0x2  }
0x107: {  	v3 =	vand.u32 $0x7, v3;
	v4 =	vand.u32 $0xFFFFFFE0, v47  }
0x108: {  	v3 =	vor.u32 v3, v4  }
0x109: {  	v4 =	vperm.xlane v3, v0;
	_ =	sdelay $0x1  }
0x10a: {  	v4 =	vadd.s32 v1, v4;
	_ =	sdelay $0x1  }
0x10b: {  	v3 =	vperm.xlane v3, v2;
	_ =	sdelay $0x1  }
0x10c: {  	s30 =	simm.s32 $0xE200;
	v3 =	vadd.s32 v1, v3  }
0x10d: {  	[tilespmem:s30], [sflag:$0x2] =	stream.indirect_vreg.gather [hbm4b:s3+s2], $0x80, v4, vm0, $0xb8;
	[tilespmem:$0x10200] =	vst v63  }
0x10e: {  	s20 =	simm.s32 $0xEA00  }
0x10f: {  	[tilespmem:s20], [sflag:$0x2] =	stream.indirect_vreg.gather [hbm4b:s4+s2], $0x80, v4, vm0, $0xb8;
	[tilespmem:$0x10200] =	vst v63  }
0x110: {  	s28 =	simm.s32 $0xF200  }
0x111: {  	[tilespmem:s28], [sflag:$0x2] =	stream.indirect_vreg.gather [hbm4b:s3+s2], $0x80, v3, vm0, $0xb8;
	[tilespmem:$0x10200] =	vst v63  }
0x112: {  	s22 =	simm.s32 $0xFA00  }
0x113: {  	[tilespmem:s22], [sflag:$0x2] =	stream.indirect_vreg.gather [hbm4b:s4+s2], $0x80, v3, vm0, $0xb8;
	[tilespmem:$0x10200] =	vst v63  }
0x114: {  	_ =	swait.ge [sflag:s13], $0x8000  }
0x115: {  	[sflag:s13] =	ssyncset.done $0x0  }
0x116: {  	s22 =	rddreg [dreg:$0x5];
	[sflag:s13] =	ssyncadd.s32 $0xFFFF8000  }
0x117: {  	[hbm4b:s22+s2] =	stream.linear.scatter [tilespmem:s21], [sflag:$0x3], $0x8000, $0x38;
	[tilespmem:$0x10200] =	vst v63  }
0x118: {  	_ =	swait.ge [sflag:s14], $0x8000  }
0x119: {  	[sflag:s14] =	ssyncset.done $0x0  }
0x11a: {  	[sflag:s14] =	ssyncadd.s32 $0xFFFF8000  }
0x11b: {  	v3 =	vld [tilespmem:$0x100];
	_ =	sdelay $0x4  }
0x11c: {  	v48 =	vshll.u32 v3, $0x2  }
0x11d: {  	v3 =	vand.u32 $0x7, v3;
	v4 =	vand.u32 $0xFFFFFFE0, v48  }
0x11e: {  	v3 =	vor.u32 v3, v4  }
0x11f: {  	v4 =	vperm.xlane v3, v0;
	_ =	sdelay $0x1  }
0x120: {  	v4 =	vadd.s32 v1, v4;
	_ =	sdelay $0x1  }
0x121: {  	v3 =	vperm.xlane v3, v2;
	_ =	sdelay $0x1  }
0x122: {  	v3 =	vadd.s32 v1, v3  }
0x123: {  	[tilespmem:s21], [sflag:$0x1] =	stream.indirect_vreg.gather [hbm4b:s3+s2], $0x80, v4, vm0, $0xb8;
	[tilespmem:$0x10200] =	vst v63  }
0x124: {  	s22 =	simm.s32 $0xA00  }
0x125: {  	[tilespmem:s22], [sflag:$0x1] =	stream.indirect_vreg.gather [hbm4b:s4+s2], $0x80, v4, vm0, $0xb8;
	[tilespmem:$0x10200] =	vst v63  }
0x126: {  	_ = 	snop  }
0x127: {  	[tilespmem:s7], [sflag:$0x1] =	stream.indirect_vreg.gather [hbm4b:s3+s2], $0x80, v3, vm0, $0xb8;
	[tilespmem:$0x10200] =	vst v63  }
0x128: {  	s22 =	simm.s32 $0x1A00  }
0x129: {  	[tilespmem:s22], [sflag:$0x1] =	stream.indirect_vreg.gather [hbm4b:s4+s2], $0x80, v3, vm0, $0xb8;
	[tilespmem:$0x10200] =	vst v63  }
0x12a: {  	v3 =	vld [tilespmem:$0x110];
	_ =	sdelay $0x4  }
0x12b: {  	v49 =	vshll.u32 v3, $0x2  }
0x12c: {  	v3 =	vand.u32 $0x7, v3;
	v4 =	vand.u32 $0xFFFFFFE0, v49  }
0x12d: {  	v3 =	vor.u32 v3, v4  }
0x12e: {  	v4 =	vperm.xlane v3, v0;
	_ =	sdelay $0x1  }
0x12f: {  	v4 =	vadd.s32 v1, v4;
	_ =	sdelay $0x1  }
0x130: {  	v3 =	vperm.xlane v3, v2;
	_ =	sdelay $0x1  }
0x131: {  	v3 =	vadd.s32 v1, v3  }
0x132: {  	[tilespmem:s8], [sflag:$0x1] =	stream.indirect_vreg.gather [hbm4b:s3+s2], $0x80, v4, vm0, $0xb8;
	[tilespmem:$0x10200] =	vst v63  }
0x133: {  	_ = 	snop  }
0x134: {  	[tilespmem:s9], [sflag:$0x1] =	stream.indirect_vreg.gather [hbm4b:s4+s2], $0x80, v4, vm0, $0xb8;
	[tilespmem:$0x10200] =	vst v63  }
0x135: {  	_ = 	snop  }
0x136: {  	[tilespmem:s10], [sflag:$0x1] =	stream.indirect_vreg.gather [hbm4b:s3+s2], $0x80, v3, vm0, $0xb8;
	[tilespmem:$0x10200] =	vst v63  }
0x137: {  	s22 =	simm.s32 $0x3A00  }
0x138: {  	[tilespmem:s22], [sflag:$0x1] =	stream.indirect_vreg.gather [hbm4b:s4+s2], $0x80, v3, vm0, $0xb8;
	[tilespmem:$0x10200] =	vst v63  }
0x139: {  	v3 =	vld [tilespmem:$0x120];
	_ =	sdelay $0x4  }
0x13a: {  	v50 =	vshll.u32 v3, $0x2  }
0x13b: {  	v3 =	vand.u32 $0x7, v3;
	v4 =	vand.u32 $0xFFFFFFE0, v50  }
0x13c: {  	v3 =	vor.u32 v3, v4  }
0x13d: {  	v4 =	vperm.xlane v3, v0;
	_ =	sdelay $0x1  }
0x13e: {  	v4 =	vadd.s32 v1, v4;
	_ =	sdelay $0x1  }
0x13f: {  	v3 =	vperm.xlane v3, v2;
	_ =	sdelay $0x1  }
0x140: {  	s22 =	simm.s32 $0x4200;
	v3 =	vadd.s32 v1, v3  }
0x141: {  	[tilespmem:s22], [sflag:$0x1] =	stream.indirect_vreg.gather [hbm4b:s3+s2], $0x80, v4, vm0, $0xb8;
	[tilespmem:$0x10200] =	vst v63  }
0x142: {  	s22 =	simm.s32 $0x4A00  }
0x143: {  	[tilespmem:s22], [sflag:$0x1] =	stream.indirect_vreg.gather [hbm4b:s4+s2], $0x80, v4, vm0, $0xb8;
	[tilespmem:$0x10200] =	vst v63  }
0x144: {  	_ = 	snop  }
0x145: {  	[tilespmem:s25], [sflag:$0x1] =	stream.indirect_vreg.gather [hbm4b:s3+s2], $0x80, v3, vm0, $0xb8;
	[tilespmem:$0x10200] =	vst v63  }
0x146: {  	s22 =	simm.s32 $0x5A00  }
0x147: {  	[tilespmem:s22], [sflag:$0x1] =	stream.indirect_vreg.gather [hbm4b:s4+s2], $0x80, v3, vm0, $0xb8;
	[tilespmem:$0x10200] =	vst v63  }
0x148: {  	v3 =	vld [tilespmem:$0x130];
	_ =	sdelay $0x4  }
0x149: {  	v51 =	vshll.u32 v3, $0x2  }
0x14a: {  	v3 =	vand.u32 $0x7, v3;
	v4 =	vand.u32 $0xFFFFFFE0, v51  }
0x14b: {  	v3 =	vor.u32 v3, v4  }
0x14c: {  	v4 =	vperm.xlane v3, v0;
	_ =	sdelay $0x1  }
0x14d: {  	v4 =	vadd.s32 v1, v4;
	_ =	sdelay $0x1  }
0x14e: {  	v3 =	vperm.xlane v3, v2;
	_ =	sdelay $0x1  }
0x14f: {  	v3 =	vadd.s32 v1, v3  }
0x150: {  	[tilespmem:s18], [sflag:$0x1] =	stream.indirect_vreg.gather [hbm4b:s3+s2], $0x80, v4, vm0, $0xb8;
	[tilespmem:$0x10200] =	vst v63  }
0x151: {  	_ = 	snop  }
0x152: {  	[tilespmem:s11], [sflag:$0x1] =	stream.indirect_vreg.gather [hbm4b:s4+s2], $0x80, v4, vm0, $0xb8;
	[tilespmem:$0x10200] =	vst v63  }
0x153: {  	_ = 	snop  }
0x154: {  	[tilespmem:s12], [sflag:$0x1] =	stream.indirect_vreg.gather [hbm4b:s3+s2], $0x80, v3, vm0, $0xb8;
	[tilespmem:$0x10200] =	vst v63  }
0x155: {  	_ = 	snop  }
0x156: {  	[tilespmem:s19], [sflag:$0x1] =	stream.indirect_vreg.gather [hbm4b:s4+s2], $0x80, v3, vm0, $0xb8;
	[tilespmem:$0x10200] =	vst v63  }
0x157: {  	_ =	swait.ge [sflag:s15], $0x8000  }
0x158: {  	[sflag:s15] =	ssyncset.done $0x0  }
0x159: {  	s22 =	rddreg [dreg:$0x6];
	[sflag:s15] =	ssyncadd.s32 $0xFFFF8000  }
0x15a: {  	[hbm4b:s22+s2] =	stream.linear.scatter [tilespmem:s23], [sflag:$0x4], $0x8000, $0x38;
	[tilespmem:$0x10200] =	vst v63  }
0x15b: {  	_ =	swait.ge [sflag:s16], $0x8000  }
0x15c: {  	[sflag:s16] =	ssyncset.done $0x0  }
0x15d: {  	[sflag:s16] =	ssyncadd.s32 $0xFFFF8000  }
0x15e: {  	v3 =	vld [tilespmem:$0x140];
	_ =	sdelay $0x4  }
0x15f: {  	v52 =	vshll.u32 v3, $0x2  }
0x160: {  	v3 =	vand.u32 $0x7, v3;
	v4 =	vand.u32 $0xFFFFFFE0, v52  }
0x161: {  	v3 =	vor.u32 v3, v4  }
0x162: {  	v4 =	vperm.xlane v3, v0;
	_ =	sdelay $0x1  }
0x163: {  	v4 =	vadd.s32 v1, v4;
	_ =	sdelay $0x1  }
0x164: {  	v3 =	vperm.xlane v3, v2;
	_ =	sdelay $0x1  }
0x165: {  	v3 =	vadd.s32 v1, v3  }
0x166: {  	[tilespmem:s23], [sflag:$0x2] =	stream.indirect_vreg.gather [hbm4b:s3+s2], $0x80, v4, vm0, $0xb8;
	[tilespmem:$0x10200] =	vst v63  }
0x167: {  	_ = 	snop  }
0x168: {  	[tilespmem:s0], [sflag:$0x2] =	stream.indirect_vreg.gather [hbm4b:s4+s2], $0x80, v4, vm0, $0xb8;
	[tilespmem:$0x10200] =	vst v63  }
0x169: {  	_ = 	snop  }
0x16a: {  	[tilespmem:s1], [sflag:$0x2] =	stream.indirect_vreg.gather [hbm4b:s3+s2], $0x80, v3, vm0, $0xb8;
	[tilespmem:$0x10200] =	vst v63  }
0x16b: {  	s22 =	simm.s32 $0x9A00  }
0x16c: {  	[tilespmem:s22], [sflag:$0x2] =	stream.indirect_vreg.gather [hbm4b:s4+s2], $0x80, v3, vm0, $0xb8;
	[tilespmem:$0x10200] =	vst v63  }
0x16d: {  	v3 =	vld [tilespmem:$0x150];
	_ =	sdelay $0x4  }
0x16e: {  	v53 =	vshll.u32 v3, $0x2  }
0x16f: {  	v3 =	vand.u32 $0x7, v3;
	v4 =	vand.u32 $0xFFFFFFE0, v53  }
0x170: {  	v3 =	vor.u32 v3, v4  }
0x171: {  	v4 =	vperm.xlane v3, v0;
	_ =	sdelay $0x1  }
0x172: {  	v4 =	vadd.s32 v1, v4;
	_ =	sdelay $0x1  }
0x173: {  	v3 =	vperm.xlane v3, v2;
	_ =	sdelay $0x1  }
0x174: {  	v3 =	vadd.s32 v1, v3  }
0x175: {  	[tilespmem:s6], [sflag:$0x2] =	stream.indirect_vreg.gather [hbm4b:s3+s2], $0x80, v4, vm0, $0xb8;
	[tilespmem:$0x10200] =	vst v63  }
0x176: {  	s31 =	simm.s32 $0xAA00  }
0x177: {  	[tilespmem:s31], [sflag:$0x2] =	stream.indirect_vreg.gather [hbm4b:s4+s2], $0x80, v4, vm0, $0xb8;
	[tilespmem:$0x10200] =	vst v63  }
0x178: {  	s22 =	simm.s32 $0xB200  }
0x179: {  	[tilespmem:s22], [sflag:$0x2] =	stream.indirect_vreg.gather [hbm4b:s3+s2], $0x80, v3, vm0, $0xb8;
	[tilespmem:$0x10200] =	vst v63  }
0x17a: {  	s22 =	simm.s32 $0xBA00  }
0x17b: {  	[tilespmem:s22], [sflag:$0x2] =	stream.indirect_vreg.gather [hbm4b:s4+s2], $0x80, v3, vm0, $0xb8;
	[tilespmem:$0x10200] =	vst v63  }
0x17c: {  	v3 =	vld [tilespmem:$0x160];
	_ =	sdelay $0x4  }
0x17d: {  	v54 =	vshll.u32 v3, $0x2  }
0x17e: {  	v3 =	vand.u32 $0x7, v3;
	v4 =	vand.u32 $0xFFFFFFE0, v54  }
0x17f: {  	v3 =	vor.u32 v3, v4  }
0x180: {  	v4 =	vperm.xlane v3, v0;
	_ =	sdelay $0x1  }
0x181: {  	v4 =	vadd.s32 v1, v4;
	_ =	sdelay $0x1  }
0x182: {  	v3 =	vperm.xlane v3, v2;
	_ =	sdelay $0x1  }
0x183: {  	s24 =	simm.s32 $0xC200;
	v3 =	vadd.s32 v1, v3  }
0x184: {  	[tilespmem:s24], [sflag:$0x2] =	stream.indirect_vreg.gather [hbm4b:s3+s2], $0x80, v4, vm0, $0xb8;
	[tilespmem:$0x10200] =	vst v63  }
0x185: {  	s26 =	simm.s32 $0xCA00  }
0x186: {  	[tilespmem:s26], [sflag:$0x2] =	stream.indirect_vreg.gather [hbm4b:s4+s2], $0x80, v4, vm0, $0xb8;
	[tilespmem:$0x10200] =	vst v63  }
0x187: {  	s29 =	simm.s32 $0xD200  }
0x188: {  	[tilespmem:s29], [sflag:$0x2] =	stream.indirect_vreg.gather [hbm4b:s3+s2], $0x80, v3, vm0, $0xb8;
	[tilespmem:$0x10200] =	vst v63  }
0x189: {  	s26 =	simm.s32 $0xDA00  }
0x18a: {  	[tilespmem:s26], [sflag:$0x2] =	stream.indirect_vreg.gather [hbm4b:s4+s2], $0x80, v3, vm0, $0xb8;
	[tilespmem:$0x10200] =	vst v63  }
0x18b: {  	v3 =	vld [tilespmem:$0x170];
	_ =	sdelay $0x4  }
0x18c: {  	v55 =	vshll.u32 v3, $0x2  }
0x18d: {  	v3 =	vand.u32 $0x7, v3;
	v4 =	vand.u32 $0xFFFFFFE0, v55  }
0x18e: {  	v3 =	vor.u32 v3, v4  }
0x18f: {  	v4 =	vperm.xlane v3, v0;
	_ =	sdelay $0x1  }
0x190: {  	v4 =	vadd.s32 v1, v4;
	_ =	sdelay $0x1  }
0x191: {  	v3 =	vperm.xlane v3, v2;
	_ =	sdelay $0x1  }
0x192: {  	s30 =	simm.s32 $0xE200;
	v3 =	vadd.s32 v1, v3  }
0x193: {  	[tilespmem:s30], [sflag:$0x2] =	stream.indirect_vreg.gather [hbm4b:s3+s2], $0x80, v4, vm0, $0xb8;
	[tilespmem:$0x10200] =	vst v63  }
0x194: {  	s20 =	simm.s32 $0xEA00  }
0x195: {  	[tilespmem:s20], [sflag:$0x2] =	stream.indirect_vreg.gather [hbm4b:s4+s2], $0x80, v4, vm0, $0xb8;
	[tilespmem:$0x10200] =	vst v63  }
0x196: {  	s28 =	simm.s32 $0xF200  }
0x197: {  	[tilespmem:s28], [sflag:$0x2] =	stream.indirect_vreg.gather [hbm4b:s3+s2], $0x80, v3, vm0, $0xb8;
	[tilespmem:$0x10200] =	vst v63  }
0x198: {  	s28 =	simm.s32 $0xFA00  }
0x199: {  	[tilespmem:s28], [sflag:$0x2] =	stream.indirect_vreg.gather [hbm4b:s4+s2], $0x80, v3, vm0, $0xb8;
	[tilespmem:$0x10200] =	vst v63  }
0x19a: {  	_ =	swait.ge [sflag:s13], $0x8000  }
0x19b: {  	[sflag:s13] =	ssyncset.done $0x0  }
0x19c: {  	s17 =	rddreg [dreg:$0x7];
	[sflag:s13] =	ssyncadd.s32 $0xFFFF8000  }
0x19d: {  	[hbm4b:s17+s2] =	stream.linear.scatter [tilespmem:s21], [sflag:$0x3], $0x8000, $0x38;
	[tilespmem:$0x10200] =	vst v63  }
0x19e: {  	_ =	swait.ge [sflag:s14], $0x8000  }
0x19f: {  	[sflag:s14] =	ssyncset.done $0x0  }
0x1a0: {  	[sflag:s14] =	ssyncadd.s32 $0xFFFF8000  }
0x1a1: {  	v3 =	vld [tilespmem:$0x180];
	_ =	sdelay $0x4  }
0x1a2: {  	v56 =	vshll.u32 v3, $0x2  }
0x1a3: {  	v3 =	vand.u32 $0x7, v3;
	v4 =	vand.u32 $0xFFFFFFE0, v56  }
0x1a4: {  	v3 =	vor.u32 v3, v4  }
0x1a5: {  	v4 =	vperm.xlane v3, v0;
	_ =	sdelay $0x1  }
0x1a6: {  	v4 =	vadd.s32 v1, v4;
	_ =	sdelay $0x1  }
0x1a7: {  	v3 =	vperm.xlane v3, v2;
	_ =	sdelay $0x1  }
0x1a8: {  	v3 =	vadd.s32 v1, v3  }
0x1a9: {  	[tilespmem:s21], [sflag:$0x1] =	stream.indirect_vreg.gather [hbm4b:s3+s2], $0x80, v4, vm0, $0xb8;
	[tilespmem:$0x10200] =	vst v63  }
0x1aa: {  	s17 =	simm.s32 $0xA00  }
0x1ab: {  	[tilespmem:s17], [sflag:$0x1] =	stream.indirect_vreg.gather [hbm4b:s4+s2], $0x80, v4, vm0, $0xb8;
	[tilespmem:$0x10200] =	vst v63  }
0x1ac: {  	s7 =	simm.s32 $0x1200  }
0x1ad: {  	[tilespmem:s7], [sflag:$0x1] =	stream.indirect_vreg.gather [hbm4b:s3+s2], $0x80, v3, vm0, $0xb8;
	[tilespmem:$0x10200] =	vst v63  }
0x1ae: {  	s17 =	simm.s32 $0x1A00  }
0x1af: {  	[tilespmem:s17], [sflag:$0x1] =	stream.indirect_vreg.gather [hbm4b:s4+s2], $0x80, v3, vm0, $0xb8;
	[tilespmem:$0x10200] =	vst v63  }
0x1b0: {  	v3 =	vld [tilespmem:$0x190];
	_ =	sdelay $0x4  }
0x1b1: {  	v57 =	vshll.u32 v3, $0x2  }
0x1b2: {  	v3 =	vand.u32 $0x7, v3;
	v4 =	vand.u32 $0xFFFFFFE0, v57  }
0x1b3: {  	v3 =	vor.u32 v3, v4  }
0x1b4: {  	v4 =	vperm.xlane v3, v0;
	_ =	sdelay $0x1  }
0x1b5: {  	v4 =	vadd.s32 v1, v4;
	_ =	sdelay $0x1  }
0x1b6: {  	v3 =	vperm.xlane v3, v2;
	_ =	sdelay $0x1  }
0x1b7: {  	s8 =	simm.s32 $0x2200;
	v3 =	vadd.s32 v1, v3  }
0x1b8: {  	[tilespmem:s8], [sflag:$0x1] =	stream.indirect_vreg.gather [hbm4b:s3+s2], $0x80, v4, vm0, $0xb8;
	[tilespmem:$0x10200] =	vst v63  }
0x1b9: {  	s9 =	simm.s32 $0x2A00  }
0x1ba: {  	[tilespmem:s9], [sflag:$0x1] =	stream.indirect_vreg.gather [hbm4b:s4+s2], $0x80, v4, vm0, $0xb8;
	[tilespmem:$0x10200] =	vst v63  }
0x1bb: {  	s10 =	simm.s32 $0x3200  }
0x1bc: {  	[tilespmem:s10], [sflag:$0x1] =	stream.indirect_vreg.gather [hbm4b:s3+s2], $0x80, v3, vm0, $0xb8;
	[tilespmem:$0x10200] =	vst v63  }
0x1bd: {  	s17 =	simm.s32 $0x3A00  }
0x1be: {  	[tilespmem:s17], [sflag:$0x1] =	stream.indirect_vreg.gather [hbm4b:s4+s2], $0x80, v3, vm0, $0xb8;
	[tilespmem:$0x10200] =	vst v63  }
0x1bf: {  	v3 =	vld [tilespmem:$0x1A0];
	_ =	sdelay $0x4  }
0x1c0: {  	v58 =	vshll.u32 v3, $0x2  }
0x1c1: {  	v3 =	vand.u32 $0x7, v3;
	v4 =	vand.u32 $0xFFFFFFE0, v58  }
0x1c2: {  	v3 =	vor.u32 v3, v4  }
0x1c3: {  	v4 =	vperm.xlane v3, v0;
	_ =	sdelay $0x1  }
0x1c4: {  	v4 =	vadd.s32 v1, v4;
	_ =	sdelay $0x1  }
0x1c5: {  	v3 =	vperm.xlane v3, v2;
	_ =	sdelay $0x1  }
0x1c6: {  	s8 =	simm.s32 $0x4200;
	v3 =	vadd.s32 v1, v3  }
0x1c7: {  	[tilespmem:s8], [sflag:$0x1] =	stream.indirect_vreg.gather [hbm4b:s3+s2], $0x80, v4, vm0, $0xb8;
	[tilespmem:$0x10200] =	vst v63  }
0x1c8: {  	s9 =	simm.s32 $0x4A00  }
0x1c9: {  	[tilespmem:s9], [sflag:$0x1] =	stream.indirect_vreg.gather [hbm4b:s4+s2], $0x80, v4, vm0, $0xb8;
	[tilespmem:$0x10200] =	vst v63  }
0x1ca: {  	s25 =	simm.s32 $0x5200  }
0x1cb: {  	[tilespmem:s25], [sflag:$0x1] =	stream.indirect_vreg.gather [hbm4b:s3+s2], $0x80, v3, vm0, $0xb8;
	[tilespmem:$0x10200] =	vst v63  }
0x1cc: {  	s10 =	simm.s32 $0x5A00  }
0x1cd: {  	[tilespmem:s10], [sflag:$0x1] =	stream.indirect_vreg.gather [hbm4b:s4+s2], $0x80, v3, vm0, $0xb8;
	[tilespmem:$0x10200] =	vst v63  }
0x1ce: {  	v3 =	vld [tilespmem:$0x1B0];
	_ =	sdelay $0x4  }
0x1cf: {  	v59 =	vshll.u32 v3, $0x2  }
0x1d0: {  	v3 =	vand.u32 $0x7, v3;
	v4 =	vand.u32 $0xFFFFFFE0, v59  }
0x1d1: {  	v3 =	vor.u32 v3, v4  }
0x1d2: {  	v4 =	vperm.xlane v3, v0;
	_ =	sdelay $0x1  }
0x1d3: {  	v4 =	vadd.s32 v1, v4;
	_ =	sdelay $0x1  }
0x1d4: {  	v3 =	vperm.xlane v3, v2;
	_ =	sdelay $0x1  }
0x1d5: {  	s18 =	simm.s32 $0x6200;
	v3 =	vadd.s32 v1, v3  }
0x1d6: {  	[tilespmem:s18], [sflag:$0x1] =	stream.indirect_vreg.gather [hbm4b:s3+s2], $0x80, v4, vm0, $0xb8;
	[tilespmem:$0x10200] =	vst v63  }
0x1d7: {  	s11 =	simm.s32 $0x6A00  }
0x1d8: {  	[tilespmem:s11], [sflag:$0x1] =	stream.indirect_vreg.gather [hbm4b:s4+s2], $0x80, v4, vm0, $0xb8;
	[tilespmem:$0x10200] =	vst v63  }
0x1d9: {  	s12 =	simm.s32 $0x7200  }
0x1da: {  	[tilespmem:s12], [sflag:$0x1] =	stream.indirect_vreg.gather [hbm4b:s3+s2], $0x80, v3, vm0, $0xb8;
	[tilespmem:$0x10200] =	vst v63  }
0x1db: {  	s19 =	simm.s32 $0x7A00  }
0x1dc: {  	[tilespmem:s19], [sflag:$0x1] =	stream.indirect_vreg.gather [hbm4b:s4+s2], $0x80, v3, vm0, $0xb8;
	[tilespmem:$0x10200] =	vst v63  }
0x1dd: {  	_ =	swait.ge [sflag:s15], $0x8000  }
0x1de: {  	[sflag:s15] =	ssyncset.done $0x0  }
0x1df: {  	s12 =	rddreg [dreg:$0x8];
	[sflag:s15] =	ssyncadd.s32 $0xFFFF8000  }
0x1e0: {  	[hbm4b:s12+s2] =	stream.linear.scatter [tilespmem:s23], [sflag:$0x4], $0x8000, $0x38;
	[tilespmem:$0x10200] =	vst v63  }
0x1e1: {  	_ =	swait.ge [sflag:s16], $0x8000  }
0x1e2: {  	[sflag:s16] =	ssyncset.done $0x0  }
0x1e3: {  	[sflag:s16] =	ssyncadd.s32 $0xFFFF8000  }
0x1e4: {  	v3 =	vld [tilespmem:$0x1C0];
	_ =	sdelay $0x4  }
0x1e5: {  	v60 =	vshll.u32 v3, $0x2  }
0x1e6: {  	v3 =	vand.u32 $0x7, v3;
	v4 =	vand.u32 $0xFFFFFFE0, v60  }
0x1e7: {  	v3 =	vor.u32 v3, v4  }
0x1e8: {  	v4 =	vperm.xlane v3, v0;
	_ =	sdelay $0x1  }
0x1e9: {  	v4 =	vadd.s32 v1, v4;
	_ =	sdelay $0x1  }
0x1ea: {  	v3 =	vperm.xlane v3, v2;
	_ =	sdelay $0x1  }
0x1eb: {  	v3 =	vadd.s32 v1, v3  }
0x1ec: {  	[tilespmem:s23], [sflag:$0x2] =	stream.indirect_vreg.gather [hbm4b:s3+s2], $0x80, v4, vm0, $0xb8;
	[tilespmem:$0x10200] =	vst v63  }
0x1ed: {  	s0 =	simm.s32 $0x8A00  }
0x1ee: {  	[tilespmem:s0], [sflag:$0x2] =	stream.indirect_vreg.gather [hbm4b:s4+s2], $0x80, v4, vm0, $0xb8;
	[tilespmem:$0x10200] =	vst v63  }
0x1ef: {  	s1 =	simm.s32 $0x9200  }
0x1f0: {  	[tilespmem:s1], [sflag:$0x2] =	stream.indirect_vreg.gather [hbm4b:s3+s2], $0x80, v3, vm0, $0xb8;
	[tilespmem:$0x10200] =	vst v63  }
0x1f1: {  	s18 =	simm.s32 $0x9A00  }
0x1f2: {  	[tilespmem:s18], [sflag:$0x2] =	stream.indirect_vreg.gather [hbm4b:s4+s2], $0x80, v3, vm0, $0xb8;
	[tilespmem:$0x10200] =	vst v63  }
0x1f3: {  	v3 =	vld [tilespmem:$0x1D0];
	_ =	sdelay $0x4  }
0x1f4: {  	v61 =	vshll.u32 v3, $0x2  }
0x1f5: {  	v3 =	vand.u32 $0x7, v3;
	v4 =	vand.u32 $0xFFFFFFE0, v61  }
0x1f6: {  	v3 =	vor.u32 v3, v4  }
0x1f7: {  	v4 =	vperm.xlane v3, v0;
	_ =	sdelay $0x1  }
0x1f8: {  	v4 =	vadd.s32 v1, v4;
	_ =	sdelay $0x1  }
0x1f9: {  	v3 =	vperm.xlane v3, v2;
	_ =	sdelay $0x1  }
0x1fa: {  	s6 =	simm.s32 $0xA200;
	v3 =	vadd.s32 v1, v3  }
0x1fb: {  	[tilespmem:s6], [sflag:$0x2] =	stream.indirect_vreg.gather [hbm4b:s3+s2], $0x80, v4, vm0, $0xb8;
	[tilespmem:$0x10200] =	vst v63  }
0x1fc: {  	s31 =	simm.s32 $0xAA00  }
0x1fd: {  	[tilespmem:s31], [sflag:$0x2] =	stream.indirect_vreg.gather [hbm4b:s4+s2], $0x80, v4, vm0, $0xb8;
	[tilespmem:$0x10200] =	vst v63  }
0x1fe: {  	s19 =	simm.s32 $0xB200  }
0x1ff: {  	[tilespmem:s19], [sflag:$0x2] =	stream.indirect_vreg.gather [hbm4b:s3+s2], $0x80, v3, vm0, $0xb8;
	[tilespmem:$0x10200] =	vst v63  }
0x200: {  	s25 =	simm.s32 $0xBA00  }
0x201: {  	[tilespmem:s25], [sflag:$0x2] =	stream.indirect_vreg.gather [hbm4b:s4+s2], $0x80, v3, vm0, $0xb8;
	[tilespmem:$0x10200] =	vst v63  }
0x202: {  	v3 =	vld [tilespmem:$0x1E0];
	_ =	sdelay $0x4  }
0x203: {  	v62 =	vshll.u32 v3, $0x2  }
0x204: {  	v3 =	vand.u32 $0x7, v3;
	v4 =	vand.u32 $0xFFFFFFE0, v62  }
0x205: {  	v3 =	vor.u32 v3, v4  }
0x206: {  	v4 =	vperm.xlane v3, v0;
	_ =	sdelay $0x1  }
0x207: {  	v4 =	vadd.s32 v1, v4;
	_ =	sdelay $0x1  }
0x208: {  	v3 =	vperm.xlane v3, v2;
	_ =	sdelay $0x1  }
0x209: {  	s22 =	simm.s32 $0xC200;
	v3 =	vadd.s32 v1, v3  }
0x20a: {  	[tilespmem:s22], [sflag:$0x2] =	stream.indirect_vreg.gather [hbm4b:s3+s2], $0x80, v4, vm0, $0xb8;
	[tilespmem:$0x10200] =	vst v63  }
0x20b: {  	s24 =	simm.s32 $0xCA00  }
0x20c: {  	[tilespmem:s24], [sflag:$0x2] =	stream.indirect_vreg.gather [hbm4b:s4+s2], $0x80, v4, vm0, $0xb8;
	[tilespmem:$0x10200] =	vst v63  }
0x20d: {  	s29 =	simm.s32 $0xD200  }
0x20e: {  	[tilespmem:s29], [sflag:$0x2] =	stream.indirect_vreg.gather [hbm4b:s3+s2], $0x80, v3, vm0, $0xb8;
	[tilespmem:$0x10200] =	vst v63  }
0x20f: {  	s29 =	simm.s32 $0xDA00  }
0x210: {  	[tilespmem:s29], [sflag:$0x2] =	stream.indirect_vreg.gather [hbm4b:s4+s2], $0x80, v3, vm0, $0xb8;
	[tilespmem:$0x10200] =	vst v63  }
0x211: {  	v3 =	vld [tilespmem:$0x1F0];
	_ =	sdelay $0x4  }
0x212: {  	v63 =	vshll.u32 v3, $0x2  }
0x213: {  	v3 =	vand.u32 $0x7, v3;
	v4 =	vand.u32 $0xFFFFFFE0, v63  }
0x214: {  	v3 =	vor.u32 v3, v4  }
0x215: {  	v4 =	vperm.xlane v3, v0;
	_ =	sdelay $0x1  }
0x216: {  	v4 =	vadd.s32 v1, v4;
	_ =	sdelay $0x1  }
0x217: {  	v3 =	vperm.xlane v3, v2;
	_ =	sdelay $0x1  }
0x218: {  	s30 =	simm.s32 $0xE200;
	v3 =	vadd.s32 v1, v3  }
0x219: {  	[tilespmem:s30], [sflag:$0x2] =	stream.indirect_vreg.gather [hbm4b:s3+s2], $0x80, v4, vm0, $0xb8;
	[tilespmem:$0x10200] =	vst v63  }
0x21a: {  	s26 =	simm.s32 $0xEA00  }
0x21b: {  	[tilespmem:s26], [sflag:$0x2] =	stream.indirect_vreg.gather [hbm4b:s4+s2], $0x80, v4, vm0, $0xb8;
	[tilespmem:$0x10200] =	vst v63  }
0x21c: {  	s20 =	simm.s32 $0xF200  }
0x21d: {  	[tilespmem:s20], [sflag:$0x2] =	stream.indirect_vreg.gather [hbm4b:s3+s2], $0x80, v3, vm0, $0xb8;
	[tilespmem:$0x10200] =	vst v63  }
0x21e: {  	s28 =	simm.s32 $0xFA00  }
0x21f: {  	[tilespmem:s28], [sflag:$0x2] =	stream.indirect_vreg.gather [hbm4b:s4+s2], $0x80, v3, vm0, $0xb8;
	[tilespmem:$0x10200] =	vst v63  }
0x220: {  	_ =	swait.ge [sflag:s13], $0x8000  }
0x221: {  	[sflag:s13] =	ssyncset.done $0x0  }
0x222: {  	s30 =	rddreg [dreg:$0x9];
	[sflag:s13] =	ssyncadd.s32 $0xFFFF8000  }
0x223: {  	[hbm4b:s30+s2] =	stream.linear.scatter [tilespmem:s21], [sflag:$0x3], $0x8000, $0x38;
	[tilespmem:$0x10200] =	vst v63  }
0x224: {  	_ =	swait.ge [sflag:s15], $0x8000  }
0x225: {  	[sflag:s15] =	ssyncset.done $0x0  }
0x226: {  	s31 =	rddreg [dreg:$0xa];
	[sflag:s15] =	ssyncadd.s32 $0xFFFF8000  }
0x227: {  	[hbm4b:s31+s2] =	stream.linear.scatter [tilespmem:s23], [sflag:$0x4], $0x8000, $0x38;
	[tilespmem:$0x10200] =	vst v63  }
0x228: {  	p0 =	sne.s32 s5, $0x1;
	_ =	swait.ge [sflag:s14], $0x8000  }
.Ltmp0:
0x229: {  	[sflag:s14] =	ssyncset.done $0x0;
	(pc) =	sbr.rel @p0 .LBB2_1-.Ltmp0, $4  }
0x22a: {  	[sflag:s14] =	ssyncadd.s32 $0xFFFF8000  }
0x22b: {  	_ =	swait.ge [sflag:s16], $0x8000  }
0x22c: {  	[sflag:s16] =	ssyncset.done $0x0  }
0x22d: {  	s5 =	sadd.s32 $0xFFFFFFFF, s5;
	[sflag:s16] =	ssyncadd.s32 $0xFFFF8000  }
0x22e: {  	_ =	sfence.sel $0x180000  }
0x22f: {  	[bflag:$0x0] =	sbarrier.arrive $0xFFFF  }
0x230: {  	_ =	strace $0x90000056  }
0x231: {  	s0 =	stileid.u32;
	[bflag:$0x2] =	sbarrier.arrive $0xFFFF  }
0x232: {  	p0 =	sne.s32 s0, $0x0;
	s0 =	rddreg [dreg:$0x1]  }
0x233: {  	s0 =	sadd.s32 @!p0 $0x100000, s0  }
0x234: {  	[sflag:s0] =	ssyncadd.tile.s32 @!p0 $0x1;
	_ =	shalt  }
.Lfunc_end2:
_tile_overlayer_lowered:
.L_overlay_start_2:
0x235: {  	(tag) =	ssettag $0x2  }
0x236: {  	s0 =	rddreg [dreg:$0x0];
	s2 =	stileid.u32  }
0x237: {  	s1 =	rddreg [dreg:$0x1];
	p0 =	sne.s32 s2, $0x0  }
0x238: {  	s3 =	rddreg [dreg:$0x2];
	[bflag:$0x3] =	sbarrier.arrive $0xFFFF;
	s2 =	simm.s32 @!p0 $0x1C05  }
0x239: {  	[timem:s3], [sflag:s2] =	dma.local @!p0 [hbm:s0], s1  }
0x23a: {  	s0 =	simm.s32 @!p0 $0x5  }
0x23b: {  	_ =	swait.ge @!p0 [sflag:s0], s1  }
0x23c: {  	s1 =	ssub.s32 @!p0 $0x0, s1;
	[sflag:s0] =	ssyncset.done @!p0 $0x0  }
0x23d: {  	[sflag:s0] =	ssyncadd.s32 @!p0 s1  }
0x23e: {  	[bflag:$0x3] =	sbarrier.arrive $0xFFFF  }
0x23f: {  	_ =	shalt  }

// kernel: kernel.36.cloned.1.call-start
scs
__scs_entry_jumppad:
0x0: {  	(pc) =	sbr.rel $0x88, $3  }
0x1: {  	(tag) =	ssettag $0x0;
	lr =	simm.s32 $0x1  }
0x2: {  	[smem:$0x3F8E] =	sst lr;
	_ =	strace $0xD0000000  }
0x3: {  	_ = 	snop  }
0x4: {  	_ = 	snop  }
0x5: {  	_ = 	snop  }
0x6: {  	_ = 	snop  }
0x7: {  	_ = 	snop  }
__scs_overlays_trampoline_lowered:
0x8: {  	[smem:$0x3F9D] =	sst s0  }
0x9: {  	[smem:$0x3F9E] =	sst s1  }
0xa: {  	[smem:$0x3F9F] =	sst s2  }
0xb: {  	[smem:$0x3FA0] =	sst s3  }
0xc: {  	[smem:$0x3FA1] =	sst s4  }
0xd: {  	[smem:$0x3FA2] =	sst s5  }
0xe: {  	[smem:$0x3FA3] =	sst s6  }
0xf: {  	[smem:$0x3FA4] =	sst s7  }
0x10: {  	[smem:$0x3FA5] =	sst s8  }
0x11: {  	[smem:$0x3FA6] =	sst s9;
	s0 =	simm.s32 @!p0 $0x0  }
0x12: {  	s1 =	sld [smem:$0x3F8C];
	s0 =	simm.s32 @p0 $0x1  }
0x13: {  	[smem:$0x3FA7] =	sst s0;
	s0 =	simm.s32 @!p1 $0x0  }
0x14: {  	s2 =	sld [smem:$0x3F8B];
	s0 =	simm.s32 @p1 $0x1  }
0x15: {  	[smem:$0x3FA8] =	sst s0;
	s0 =	simm.s32 @!p2 $0x0  }
0x16: {  	s3 =	sld [smem:$0x3FDB];
	s0 =	simm.s32 @p2 $0x1  }
0x17: {  	s4 =	simm.s32 $0x1BF5;
	[smem:$0x3FAA] =	sst s0  }
0x18: {  	s0 =	sld [smem:$0x3F8D];
	_ =	swait.ge [sflag:s4], $0x0  }
0x19: {  	s7 =	sld [smem:$0x3F8E]  }
0x1a: {  	s8 =	sadd.s32 $0xFFFFE003, lr  }
0x1b: {  	s9 =	sadd.s32 $0xFFFFFEF7, lr;
	s5 =	simm.s32 $0xFFFFFFFF;
	p2 =	slt.u32 s8, $0xFFFFF086  }
0x1c: {  	p1 =	slt.u32 s9, $0xF7A;
	s5 =	simm.s32 @!p2 $0x0  }
0x1d: {  	s5 =	simm.s32 @p1 $0x1;
	p0 =	seq.s32 s7, s2  }
0x1e: {  	s7 =	smul.u32 @!p0 $0xF7A, s2;
	p2 =	seq.s32 @!p0 s5, $0x0  }
0x1f: {  	s9 =	smul.u32 $0xF7A, s1;
	s8 =	simm.s32 @!p0 $0x1BF5;
	p2 =	por !p2, p0  }
0x20: {  	[sflag:s8] =	ssyncset.s32 @!p0 $0xFFFFF086;
	s6 =	sadd.s32 @!p0 s3, s7;
	s7 =	simm.s32 @!p0 $0x108  }
0x21: {  	s3 =	sadd.s32 s3, s9;
	s6 =	sadd.s32 @!p0 $0x88, s6;
	s7 =	simm.s32 @p2 $0x1082  }
0x22: {  	[simem:s7], [sflag:s8] =	dma.local @!p0 [hbm:s6], $0xF7A  }
0x23: {  	s9 =	sor.u32 $0xD0000000, s2;
	s6 =	simm.s32 $0x108;
	_ =	swait.ge @!p0 [sflag:s8], $0x0  }
0x24: {  	s3 =	sadd.s32 $0x88, s3;
	s6 =	simm.s32 @!p1 $0x1082;
	[sflag:s4] =	ssyncset.s32 $0xFFFFF086  }
0x25: {  	[simem:s6], [sflag:s4] =	dma.local [hbm:s3], $0xF7A  }
0x26: {  	[smem:$0x3F8E] =	sst s1;
	(tag) =	ssettag s2;
	_ =	strace s9  }
0x27: {  	s1 =	sld [smem:$0x3F9E]  }
0x28: {  	s2 =	sld [smem:$0x3F9F]  }
0x29: {  	s4 =	sld [smem:$0x3FA1]  }
0x2a: {  	p0 =	seq.s32 s5, $0x0;
	s5 =	sld [smem:$0x3FA2]  }
0x2b: {  	s6 =	sld [smem:$0x3FA3]  }
0x2c: {  	s7 =	sld [smem:$0x3FA4]  }
0x2d: {  	s3 =	simm.s32 $0x108;
	s8 =	sld [smem:$0x3FA5]  }
0x2e: {  	s3 =	simm.s32 @!p0 $0x1082;
	s9 =	sld [smem:$0x3FA6]  }
0x2f: {  	lr =	sadd.s32 s0, s3;
	s0 =	sld [smem:$0x3F9D]  }
0x30: {  	s3 =	sld [smem:$0x3FA0]  }
0x31: {  	[smem:$0x3FA9] =	sst s10  }
0x32: {  	s10 =	sld [smem:$0x3FA7];
	_ =	sdelay $0x3  }
0x33: {  	p0 =	seq.s32 s10, $0x1;
	s10 =	sld [smem:$0x3FA9];
	_ =	sdelay $0x3  }
0x34: {  	[smem:$0x3FA9] =	sst s10  }
0x35: {  	s10 =	sld [smem:$0x3FA8];
	_ =	sdelay $0x3  }
0x36: {  	p1 =	seq.s32 s10, $0x1;
	s10 =	sld [smem:$0x3FA9];
	_ =	sdelay $0x3  }
0x37: {  	[smem:$0x3FA9] =	sst s10  }
0x38: {  	s10 =	sld [smem:$0x3FAA]  }
0x39: {  	_ = 	snop;
	(pc) =	sbr.ind lr, $3  }
0x3a: {  	_ = 	snop  }
0x3b: {  	_ = 	snop  }
0x3c: {  	p2 =	seq.s32 s10, $0x1;
	s10 =	sld [smem:$0x3FA9]  }
0x3d: {  	_ =	shalt  }
0x3e: {  	_ =	shalt  }
0x3f: {  	_ =	shalt  }
0x40: {  	_ =	shalt  }
0x41: {  	_ =	shalt  }
0x42: {  	_ =	shalt  }
0x43: {  	_ =	shalt  }
0x44: {  	_ =	shalt  }
0x45: {  	_ =	shalt  }
0x46: {  	_ =	shalt  }
0x47: {  	_ =	shalt  }
0x48: {  	_ =	shalt  }
0x49: {  	_ =	shalt  }
0x4a: {  	_ =	shalt  }
0x4b: {  	_ =	shalt  }
0x4c: {  	_ =	shalt  }
0x4d: {  	_ =	shalt  }
0x4e: {  	_ =	shalt  }
0x4f: {  	_ =	shalt  }
0x50: {  	_ =	shalt  }
0x51: {  	_ =	shalt  }
0x52: {  	_ =	shalt  }
0x53: {  	_ =	shalt  }
0x54: {  	_ =	shalt  }
0x55: {  	_ =	shalt  }
0x56: {  	_ =	shalt  }
0x57: {  	_ =	shalt  }
0x58: {  	_ =	shalt  }
0x59: {  	_ =	shalt  }
0x5a: {  	_ =	shalt  }
0x5b: {  	_ =	shalt  }
0x5c: {  	_ =	shalt  }
0x5d: {  	_ =	shalt  }
0x5e: {  	_ =	shalt  }
0x5f: {  	_ =	shalt  }
0x60: {  	_ =	shalt  }
0x61: {  	_ =	shalt  }
0x62: {  	_ =	shalt  }
0x63: {  	_ =	shalt  }
0x64: {  	_ =	shalt  }
0x65: {  	_ =	shalt  }
0x66: {  	_ =	shalt  }
0x67: {  	_ =	shalt  }
0x68: {  	_ =	shalt  }
0x69: {  	_ =	shalt  }
0x6a: {  	_ =	shalt  }
0x6b: {  	_ =	shalt  }
0x6c: {  	_ =	shalt  }
0x6d: {  	_ =	shalt  }
0x6e: {  	_ =	shalt  }
0x6f: {  	_ =	shalt  }
0x70: {  	_ =	shalt  }
0x71: {  	_ =	shalt  }
0x72: {  	_ =	shalt  }
0x73: {  	_ =	shalt  }
0x74: {  	_ =	shalt  }
0x75: {  	_ =	shalt  }
0x76: {  	_ =	shalt  }
0x77: {  	_ =	shalt  }
0x78: {  	_ =	shalt  }
0x79: {  	_ =	shalt  }
0x7a: {  	_ =	shalt  }
0x7b: {  	_ =	shalt  }
0x7c: {  	_ =	shalt  }
0x7d: {  	_ =	shalt  }
0x7e: {  	_ =	shalt  }
0x7f: {  	_ =	shalt  }
0x80: {  	_ =	shalt  }
0x81: {  	_ =	shalt  }
0x82: {  	_ =	shalt  }
0x83: {  	_ =	shalt  }
0x84: {  	_ =	shalt  }
0x85: {  	_ =	shalt  }
0x86: {  	_ =	shalt  }
0x87: {  	_ =	shalt  }
.Lfunc_end0:
.L_simem_size_0:
called_computation.5_lowered:
.L_overlay_start_0:
0x88: {  	s2 =	sld [smem:$0x3FD9]  }
0x89: {  	s3 =	sld [smem:$0x3FFE];
	_ =	sdelay $0x1  }
0x8a: {  	s1 =	srdreg.scid  }
0x8b: {  	s0 =	sand.u32 $0x1, s1  }
0x8c: {  	s17 =	sshll.u32 s0, $0xA;
	s2 =	sadd.s32 s3, s2  }
0x8d: {  	s2 =	sadd.s32 s2, s17  }
0x8e: {  	[smem:$0x3FB5] =	sst s2  }
0x8f: {  	_ = 	snop  }
0x90: {  	(tm) =	ssettm $0x1  }
0x91: {  	s18 =	sld [smem:$0x3FFB];
	_ =	sdelay $0x3  }
0x92: {  	_ =	strace s18  }
0x93: {  	s2 =	sld [smem:$0x3FFC];
	_ =	sdelay $0x3  }
0x94: {  	_ =	strace s2  }
0x95: {  	s2 =	sld [smem:$0x3FFD];
	_ =	sdelay $0x3  }
0x96: {  	_ =	strace s2  }
0x97: {  	_ =	strace $0x8FFFFFFF  }
0x98: {  	s19 =	sld [smem:$0x3FDB];
	_ =	sdelay $0x1  }
0x99: {  	s20 =	simm.s32 $_scs_section_size  }
0x9a: {  	s4 =	simm.s32 $_size__tile_overlayer_lowered;
	s5 =	simm.s32 $_tile_overlayer_lowered  }
0x9b: {  	s6 =	simm.s32 $0x1BFF;
	s21 =	sshll.u32 s5, $0x1;
	s3 =	sadd.s32 s20, s19  }
0x9c: {  	s22 =	simm.s32 $0x0;
	s4 =	sshll.u32 s4, $0x1;
	s5 =	sadd.s32 s21, s3  }
0x9d: {  	[timem:s22], [sflag:s6] =	dma.local [hbm:s5], s4  }
0x9e: {  	_ =	swait.ge [sflag:s6], s4  }
0x9f: {  	s4 =	ssub.s32 $0x0, s4;
	[sflag:s6] =	ssyncset.done $0x0  }
0xa0: {  	[sflag:s6] =	ssyncadd.s32 s4;
	_ =	sdelay $0x1  }
0xa1: {  	s23 =	simm.s32 $0x1B8B  }
0xa2: {  	_ =	swait.ge [sflag:s23], $0x1  }
0xa3: {  	[sflag:s23] =	ssyncset.done $0x0  }
0xa4: {  	[sflag:s23] =	ssyncadd.s32 $0xFFFFFFFF  }
0xa5: {  	s4 =	sld [smem:$0x0]  }
0xa6: {  	s5 =	sand.u32 $0xFFFFFFFE, s1  }
0xa7: {  	p0 =	sne.s32 s1, s5  }
0xa8: {  	s5 =	sshll.u32 @p0 s5, $0xE  }
0xa9: {  	s5 =	sadd.s32 @p0 $0x11B8D, s5;
	s6 =	sshll.u32 @p0 s4, $0x11  }
0xaa: {  	s5 =	sor.u32 @p0 s6, s5  }
0xab: {  	[sflag:s5] =	ssyncadd.remote.s32 @p0 $0x1;
	_ =	sdelay $0x1  }
0xac: {  	s5 =	simm.s32 @p0 $0x1B8D  }
0xad: {  	_ =	swait.eq @p0 [sflag:s5], $0x1  }
0xae: {  	[sflag:s5] =	ssyncadd.s32 @p0 $0xFFFFFFFF  }
0xaf: {  	s6 =	sshll.u32 @!p0 s1, $0xE  }
0xb0: {  	s6 =	sor.u32 @!p0 $0x4000, s6;
	s5 =	simm.s32 @!p0 $0x1B8D  }
0xb1: {  	s4 =	sshll.u32 @!p0 s4, $0x11;
	s6 =	sadd.s32 @!p0 $0x11B8D, s6;
	_ =	swait.eq @!p0 [sflag:s5], $0x1  }
0xb2: {  	s4 =	sor.u32 @!p0 s4, s6;
	[sflag:s5] =	ssyncadd.s32 @!p0 $0xFFFFFFFF  }
0xb3: {  	s25 =	simm.s32 $0x1B8E;
	s24 =	sld [smem:$0x3FFE];
	[sflag:s4] =	ssyncadd.remote.s32 @!p0 $0x1  }
0xb4: {  	s26 =	simm.s32 $execute0_lowered;
	[smem:$0x3FD2] =	sst s25  }
0xb5: {  	s5 =	sshll.u32 s26, $0x1;
	_ =	strace $0x80000052;
	[dreg:$0x1] =	wrdreg $0xFFFFFFFF  }
0xb6: {  	s28 =	simm.s32 $_size_execute0_lowered;
	s3 =	sadd.s32 s3, s5;
	[dreg:$0x0] =	wrdreg $0x0  }
0xb7: {  	s5 =	sshll.u32 s28, $0x1;
	[dreg:$0x2] =	wrdreg s3  }
0xb8: {  	[dreg:$0x3] =	wrdreg s5  }
0xb9: {  	[dreg:$0x4] =	wrdreg $0xC0  }
0xba: {  	_ =	task [dreg:s22], $0x5FFFF  }
0xbb: {  	[dreg:$0x1] =	wrdreg $0xFFFFFFFF  }
0xbc: {  	[dreg:$0x0] =	wrdreg $0x60  }
0xbd: {  	[dreg:$0x2] =	wrdreg s24  }
0xbe: {  	[dreg:$0x3] =	wrdreg $0xB  }
0xbf: {  	_ =	task.clear_ibuf [dreg:s22], $0x4FFFF;
	_ =	strace $0x90000052  }
0xc0: {  	s29 =	simm.s32 $0xB;
	_ =	strace $0x80000054  }
0xc1: {  	_ =	swait.ge [sflag:s29], $0x1  }
0xc2: {  	[sflag:s29] =	ssyncadd.s32 $0xFFFFFFFF  }
0xc3: {  	_ =	strace $0x90000054  }
0xc4: {  	_ =	sfence  }
0xc5: {  	s30 =	sld [smem:$0x0];
	_ =	sdelay $0x2  }
0xc6: {  	s31 =	sshll.u32 s1, $0xD;
	s1 =	sshrl.u32 s1, $0x2  }
0xc7: {  	s4 =	sand.u32 $0x4000, s31;
	s1 =	sadd.s32 s1, s30  }
0xc8: {  	s0 =	sor.u32 s4, s0;
	s1 =	sshll.u32 s1, $0x11  }
0xc9: {  	s0 =	sor.u32 s1, s0  }
0xca: {  	s0 =	sadd.s32 $0x8F2B, s0  }
0xcb: {  	[sflag:s0] =	ssyncadd.remote.s32 $0x1  }
0xcc: {  	_ =	sfence.sel $0xFFFF  }
0xcd: {  	[dreg:$0x0] =	wrdreg $0xFFFFFFFF;
	(pc) =	sbr.abs _section_cstart, $3  }
0xce: {  	[dreg:$0x1] =	wrdreg $0xFFFFFFFF  }
0xcf: {  	_ =	task.clear_ibuf [dreg:s22], $0x2FFFF;
	_ =	strace $0x9FFFFFFF  }
0xd0: {  	(tm) =	ssettm $0x7FFFFFFF  }
0xd1: {  	_ =	shalt  }
tec
execute0_lowered:
.L_overlay_start_1:
0x0: {  	(tag) =	ssettag $0x1  }
0x1: {  	s0 =	srdreg.scid  }
0x2: {  	s1 =	stileid.u32;
	s0 =	sand.u32 $0x1, s0  }
0x3: {  	s1 =	sshll.u32 s1, $0xA;
	s2 =	sshll.u32 s0, $0x9  }
0x4: {  	s4 =	rddreg [dreg:$0x0];
	s21 =	simm.s32 $0x200;
	s1 =	sor.u32 s2, s1  }
0x5: {  	s23 =	simm.s32 $0x8200;
	s13 =	simm.s32 $0x1;
	s3 =	sshrl.u32 s1, $0x3  }
0x6: {  	s2 =	simm.s32 $0x0;
	s1 =	sshll.u32 s1, $0x6;
	s3 =	sadd.s32 s3, s4  }
0x7: {  	[smem:$0x7FF] =	sst s2;
	s1 =	sadd.s32 s1, s4;
	s3 =	sadd.s32 $0xE200, s3  }
0x8: {  	_ =	strace $0x80000053;
	s25 =	sadd.s32 $0x5EA00, s1;
	[dreg:$0x2] =	wrdreg s3  }
0x9: {  	s14 =	simm.s32 $0x3;
	s26 =	sadd.s32 $0x5FA00, s1;
	[dreg:$0x3] =	wrdreg s25  }
0xa: {  	s15 =	simm.s32 $0x2;
	s5 =	sadd.s32 $0x60A00, s1;
	[dreg:$0x4] =	wrdreg s26  }
0xb: {  	s16 =	simm.s32 $0x4;
	s28 =	sadd.s32 $0x61A00, s1;
	[dreg:$0x5] =	wrdreg s5  }
0xc: {  	s0 =	ssub.s32 $0x2, s0;
	s29 =	sadd.s32 $0x62A00, s1;
	[dreg:$0x6] =	wrdreg s28  }
0xd: {  	s6 =	sshrl.u32 s0, $0x1;
	s30 =	sadd.s32 $0x63A00, s1;
	[dreg:$0x7] =	wrdreg s29  }
0xe: {  	v2 =	vlaneseq.u32;
	s0 =	ssub.s32 s0, s6;
	s31 =	sadd.s32 $0x64A00, s1;
	[dreg:$0x8] =	wrdreg s30  }
0xf: {  	vm0 =	vmmov $0xffff;
	v1 =	vshrl.u32 v2, $0x3;
	s1 =	sadd.s32 $0x65A00, s1;
	s3 =	sadd.s32 $0x4EA00, s4;
	[dreg:$0x9] =	wrdreg s31  }
0x10: {  	v0 =	vand.u32 $0x7, v2;
	v2 =	vor.u32 $0x8, v2;
	v1 =	vmul.u32 $0x8, v1;
	s4 =	sadd.s32 $0x4EB00, s4;
	[dreg:$0xa] =	wrdreg s1;
	s5 =	smax.u32 s0, $0x1  }
.LBB2_1:
0x11: {  	s17 =	rddreg [dreg:$0x2];
	s8 =	simm.s32 $0x5  }
0x12: {  	[tilespmem:s2], [sflag:$0x5] =	stream.linear.gather [hbm4b:s17+s2], $0x200, $0x38;
	[tilespmem:$0x10200] =	vst v63  }
0x13: {  	_ =	swait.ge [sflag:s8], $0x200  }
0x14: {  	[sflag:s8] =	ssyncset.done $0x0  }
0x15: {  	[sflag:s8] =	ssyncadd.s32 $0xFFFFFE00  }
0x16: {  	v3 =	vld [tilespmem:$0x0];
	_ =	sdelay $0x4  }
0x17: {  	v4 =	vshll.u32 v3, $0x2  }
0x18: {  	v3 =	vand.u32 $0x7, v3;
	v4 =	vand.u32 $0xFFFFFFE0, v4  }
0x19: {  	v3 =	vor.u32 v3, v4  }
0x1a: {  	v4 =	vperm.xlane v3, v0;
	_ =	sdelay $0x1  }
0x1b: {  	v4 =	vadd.s32 v1, v4;
	_ =	sdelay $0x1  }
0x1c: {  	v3 =	vperm.xlane v3, v2;
	_ =	sdelay $0x1  }
0x1d: {  	v3 =	vadd.s32 v1, v3  }
0x1e: {  	[tilespmem:s21], [sflag:$0x1] =	stream.indirect_vreg.gather [hbm4b:s3+s2], $0x80, v4, vm0, $0xb8;
	[tilespmem:$0x10200] =	vst v63  }
0x1f: {  	s0 =	simm.s32 $0xA00  }
0x20: {  	[tilespmem:s0], [sflag:$0x1] =	stream.indirect_vreg.gather [hbm4b:s4+s2], $0x80, v4, vm0, $0xb8;
	[tilespmem:$0x10200] =	vst v63  }
0x21: {  	s9 =	simm.s32 $0x1200  }
0x22: {  	[tilespmem:s9], [sflag:$0x1] =	stream.indirect_vreg.gather [hbm4b:s3+s2], $0x80, v3, vm0, $0xb8;
	[tilespmem:$0x10200] =	vst v63  }
0x23: {  	s10 =	simm.s32 $0x1A00  }
0x24: {  	[tilespmem:s10], [sflag:$0x1] =	stream.indirect_vreg.gather [hbm4b:s4+s2], $0x80, v3, vm0, $0xb8;
	[tilespmem:$0x10200] =	vst v63  }
0x25: {  	v3 =	vld [tilespmem:$0x10];
	_ =	sdelay $0x4  }
0x26: {  	v33 =	vshll.u32 v3, $0x2  }
0x27: {  	v3 =	vand.u32 $0x7, v3;
	v4 =	vand.u32 $0xFFFFFFE0, v33  }
0x28: {  	v3 =	vor.u32 v3, v4  }
0x29: {  	v4 =	vperm.xlane v3, v0;
	_ =	sdelay $0x1  }
0x2a: {  	v4 =	vadd.s32 v1, v4;
	_ =	sdelay $0x1  }
0x2b: {  	v3 =	vperm.xlane v3, v2;
	_ =	sdelay $0x1  }
0x2c: {  	s11 =	simm.s32 $0x2200;
	v3 =	vadd.s32 v1, v3  }
0x2d: {  	[tilespmem:s11], [sflag:$0x1] =	stream.indirect_vreg.gather [hbm4b:s3+s2], $0x80, v4, vm0, $0xb8;
	[tilespmem:$0x10200] =	vst v63  }
0x2e: {  	s12 =	simm.s32 $0x2A00  }
0x2f: {  	[tilespmem:s12], [sflag:$0x1] =	stream.indirect_vreg.gather [hbm4b:s4+s2], $0x80, v4, vm0, $0xb8;
	[tilespmem:$0x10200] =	vst v63  }
0x30: {  	s17 =	simm.s32 $0x3200  }
0x31: {  	[tilespmem:s17], [sflag:$0x1] =	stream.indirect_vreg.gather [hbm4b:s3+s2], $0x80, v3, vm0, $0xb8;
	[tilespmem:$0x10200] =	vst v63  }
0x32: {  	s18 =	simm.s32 $0x3A00  }
0x33: {  	[tilespmem:s18], [sflag:$0x1] =	stream.indirect_vreg.gather [hbm4b:s4+s2], $0x80, v3, vm0, $0xb8;
	[tilespmem:$0x10200] =	vst v63  }
0x34: {  	v3 =	vld [tilespmem:$0x20];
	_ =	sdelay $0x4  }
0x35: {  	v34 =	vshll.u32 v3, $0x2  }
0x36: {  	v3 =	vand.u32 $0x7, v3;
	v4 =	vand.u32 $0xFFFFFFE0, v34  }
0x37: {  	v3 =	vor.u32 v3, v4  }
0x38: {  	v4 =	vperm.xlane v3, v0;
	_ =	sdelay $0x1  }
0x39: {  	v4 =	vadd.s32 v1, v4;
	_ =	sdelay $0x1  }
0x3a: {  	v3 =	vperm.xlane v3, v2;
	_ =	sdelay $0x1  }
0x3b: {  	s19 =	simm.s32 $0x4200;
	v3 =	vadd.s32 v1, v3  }
0x3c: {  	[tilespmem:s19], [sflag:$0x1] =	stream.indirect_vreg.gather [hbm4b:s3+s2], $0x80, v4, vm0, $0xb8;
	[tilespmem:$0x10200] =	vst v63  }
0x3d: {  	s20 =	simm.s32 $0x4A00  }
0x3e: {  	[tilespmem:s20], [sflag:$0x1] =	stream.indirect_vreg.gather [hbm4b:s4+s2], $0x80, v4, vm0, $0xb8;
	[tilespmem:$0x10200] =	vst v63  }
0x3f: {  	s22 =	simm.s32 $0x5200  }
0x40: {  	[tilespmem:s22], [sflag:$0x1] =	stream.indirect_vreg.gather [hbm4b:s3+s2], $0x80, v3, vm0, $0xb8;
	[tilespmem:$0x10200] =	vst v63  }
0x41: {  	s24 =	simm.s32 $0x5A00  }
0x42: {  	[tilespmem:s24], [sflag:$0x1] =	stream.indirect_vreg.gather [hbm4b:s4+s2], $0x80, v3, vm0, $0xb8;
	[tilespmem:$0x10200] =	vst v63  }
0x43: {  	v3 =	vld [tilespmem:$0x30];
	_ =	sdelay $0x4  }
0x44: {  	v35 =	vshll.u32 v3, $0x2  }
0x45: {  	v3 =	vand.u32 $0x7, v3;
	v4 =	vand.u32 $0xFFFFFFE0, v35  }
0x46: {  	v3 =	vor.u32 v3, v4  }
0x47: {  	v4 =	vperm.xlane v3, v0;
	_ =	sdelay $0x1  }
0x48: {  	v4 =	vadd.s32 v1, v4;
	_ =	sdelay $0x1  }
0x49: {  	v3 =	vperm.xlane v3, v2;
	_ =	sdelay $0x1  }
0x4a: {  	s25 =	simm.s32 $0x6200;
	v3 =	vadd.s32 v1, v3  }
0x4b: {  	[tilespmem:s25], [sflag:$0x1] =	stream.indirect_vreg.gather [hbm4b:s3+s2], $0x80, v4, vm0, $0xb8;
	[tilespmem:$0x10200] =	vst v63  }
0x4c: {  	s26 =	simm.s32 $0x6A00  }
0x4d: {  	[tilespmem:s26], [sflag:$0x1] =	stream.indirect_vreg.gather [hbm4b:s4+s2], $0x80, v4, vm0, $0xb8;
	[tilespmem:$0x10200] =	vst v63  }
0x4e: {  	s28 =	simm.s32 $0x7200  }
0x4f: {  	[tilespmem:s28], [sflag:$0x1] =	stream.indirect_vreg.gather [hbm4b:s3+s2], $0x80, v3, vm0, $0xb8;
	[tilespmem:$0x10200] =	vst v63  }
0x50: {  	s29 =	simm.s32 $0x7A00  }
0x51: {  	[tilespmem:s29], [sflag:$0x1] =	stream.indirect_vreg.gather [hbm4b:s4+s2], $0x80, v3, vm0, $0xb8;
	[tilespmem:$0x10200] =	vst v63  }
0x52: {  	v3 =	vld [tilespmem:$0x40];
	_ =	sdelay $0x4  }
0x53: {  	v36 =	vshll.u32 v3, $0x2  }
0x54: {  	v3 =	vand.u32 $0x7, v3;
	v4 =	vand.u32 $0xFFFFFFE0, v36  }
0x55: {  	v3 =	vor.u32 v3, v4  }
0x56: {  	v4 =	vperm.xlane v3, v0;
	_ =	sdelay $0x1  }
0x57: {  	v4 =	vadd.s32 v1, v4;
	_ =	sdelay $0x1  }
0x58: {  	v3 =	vperm.xlane v3, v2;
	_ =	sdelay $0x1  }
0x59: {  	v3 =	vadd.s32 v1, v3  }
0x5a: {  	[tilespmem:s23], [sflag:$0x2] =	stream.indirect_vreg.gather [hbm4b:s3+s2], $0x80, v4, vm0, $0xb8;
	[tilespmem:$0x10200] =	vst v63  }
0x5b: {  	s30 =	simm.s32 $0x8A00  }
0x5c: {  	[tilespmem:s30], [sflag:$0x2] =	stream.indirect_vreg.gather [hbm4b:s4+s2], $0x80, v4, vm0, $0xb8;
	[tilespmem:$0x10200] =	vst v63  }
0x5d: {  	s31 =	simm.s32 $0x9200  }
0x5e: {  	[tilespmem:s31], [sflag:$0x2] =	stream.indirect_vreg.gather [hbm4b:s3+s2], $0x80, v3, vm0, $0xb8;
	[tilespmem:$0x10200] =	vst v63  }
0x5f: {  	s6 =	simm.s32 $0x9A00  }
0x60: {  	[tilespmem:s6], [sflag:$0x2] =	stream.indirect_vreg.gather [hbm4b:s4+s2], $0x80, v3, vm0, $0xb8;
	[tilespmem:$0x10200] =	vst v63  }
0x61: {  	v3 =	vld [tilespmem:$0x50];
	_ =	sdelay $0x4  }
0x62: {  	v37 =	vshll.u32 v3, $0x2  }
0x63: {  	v3 =	vand.u32 $0x7, v3;
	v4 =	vand.u32 $0xFFFFFFE0, v37  }
0x64: {  	v3 =	vor.u32 v3, v4  }
0x65: {  	v4 =	vperm.xlane v3, v0;
	_ =	sdelay $0x1  }
0x66: {  	v4 =	vadd.s32 v1, v4;
	_ =	sdelay $0x1  }
0x67: {  	v3 =	vperm.xlane v3, v2;
	_ =	sdelay $0x1  }
0x68: {  	s7 =	simm.s32 $0xA200;
	v3 =	vadd.s32 v1, v3  }
0x69: {  	[tilespmem:s7], [sflag:$0x2] =	stream.indirect_vreg.gather [hbm4b:s3+s2], $0x80, v4, vm0, $0xb8;
	[tilespmem:$0x10200] =	vst v63  }
0x6a: {  	s9 =	simm.s32 $0xAA00  }
0x6b: {  	[tilespmem:s9], [sflag:$0x2] =	stream.indirect_vreg.gather [hbm4b:s4+s2], $0x80, v4, vm0, $0xb8;
	[tilespmem:$0x10200] =	vst v63  }
0x6c: {  	s10 =	simm.s32 $0xB200  }
0x6d: {  	[tilespmem:s10], [sflag:$0x2] =	stream.indirect_vreg.gather [hbm4b:s3+s2], $0x80, v3, vm0, $0xb8;
	[tilespmem:$0x10200] =	vst v63  }
0x6e: {  	s20 =	simm.s32 $0xBA00  }
0x6f: {  	[tilespmem:s20], [sflag:$0x2] =	stream.indirect_vreg.gather [hbm4b:s4+s2], $0x80, v3, vm0, $0xb8;
	[tilespmem:$0x10200] =	vst v63  }
0x70: {  	v3 =	vld [tilespmem:$0x60];
	_ =	sdelay $0x4  }
0x71: {  	v38 =	vshll.u32 v3, $0x2  }
0x72: {  	v3 =	vand.u32 $0x7, v3;
	v4 =	vand.u32 $0xFFFFFFE0, v38  }
0x73: {  	v3 =	vor.u32 v3, v4  }
0x74: {  	v4 =	vperm.xlane v3, v0;
	_ =	sdelay $0x1  }
0x75: {  	v4 =	vadd.s32 v1, v4;
	_ =	sdelay $0x1  }
0x76: {  	v3 =	vperm.xlane v3, v2;
	_ =	sdelay $0x1  }
0x77: {  	s22 =	simm.s32 $0xC200;
	v3 =	vadd.s32 v1, v3  }
0x78: {  	[tilespmem:s22], [sflag:$0x2] =	stream.indirect_vreg.gather [hbm4b:s3+s2], $0x80, v4, vm0, $0xb8;
	[tilespmem:$0x10200] =	vst v63  }
0x79: {  	s25 =	simm.s32 $0xCA00  }
0x7a: {  	[tilespmem:s25], [sflag:$0x2] =	stream.indirect_vreg.gather [hbm4b:s4+s2], $0x80, v4, vm0, $0xb8;
	[tilespmem:$0x10200] =	vst v63  }
0x7b: {  	s26 =	simm.s32 $0xD200  }
0x7c: {  	[tilespmem:s26], [sflag:$0x2] =	stream.indirect_vreg.gather [hbm4b:s3+s2], $0x80, v3, vm0, $0xb8;
	[tilespmem:$0x10200] =	vst v63  }
0x7d: {  	s0 =	simm.s32 $0xDA00  }
0x7e: {  	[tilespmem:s0], [sflag:$0x2] =	stream.indirect_vreg.gather [hbm4b:s4+s2], $0x80, v3, vm0, $0xb8;
	[tilespmem:$0x10200] =	vst v63  }
0x7f: {  	v3 =	vld [tilespmem:$0x70];
	_ =	sdelay $0x4  }
0x80: {  	v39 =	vshll.u32 v3, $0x2  }
0x81: {  	v3 =	vand.u32 $0x7, v3;
	v4 =	vand.u32 $0xFFFFFFE0, v39  }
0x82: {  	v3 =	vor.u32 v3, v4  }
0x83: {  	v4 =	vperm.xlane v3, v0;
	_ =	sdelay $0x1  }
0x84: {  	v4 =	vadd.s32 v1, v4;
	_ =	sdelay $0x1  }
0x85: {  	v3 =	vperm.xlane v3, v2;
	_ =	sdelay $0x1  }
0x86: {  	s7 =	simm.s32 $0xE200;
	v3 =	vadd.s32 v1, v3  }
0x87: {  	[tilespmem:s7], [sflag:$0x2] =	stream.indirect_vreg.gather [hbm4b:s3+s2], $0x80, v4, vm0, $0xb8;
	[tilespmem:$0x10200] =	vst v63  }
0x88: {  	s9 =	simm.s32 $0xEA00  }
0x89: {  	[tilespmem:s9], [sflag:$0x2] =	stream.indirect_vreg.gather [hbm4b:s4+s2], $0x80, v4, vm0, $0xb8;
	[tilespmem:$0x10200] =	vst v63  }
0x8a: {  	s10 =	simm.s32 $0xF200  }
0x8b: {  	[tilespmem:s10], [sflag:$0x2] =	stream.indirect_vreg.gather [hbm4b:s3+s2], $0x80, v3, vm0, $0xb8;
	[tilespmem:$0x10200] =	vst v63  }
0x8c: {  	s22 =	simm.s32 $0xFA00  }
0x8d: {  	[tilespmem:s22], [sflag:$0x2] =	stream.indirect_vreg.gather [hbm4b:s4+s2], $0x80, v3, vm0, $0xb8;
	[tilespmem:$0x10200] =	vst v63  }
0x8e: {  	_ =	swait.ge [sflag:s13], $0x8000  }
0x8f: {  	[sflag:s13] =	ssyncset.done $0x0  }
0x90: {  	s25 =	rddreg [dreg:$0x3];
	[sflag:s13] =	ssyncadd.s32 $0xFFFF8000  }
0x91: {  	[hbm4b:s25+s2] =	stream.linear.scatter [tilespmem:s21], [sflag:$0x3], $0x8000, $0x38;
	[tilespmem:$0x10200] =	vst v63  }
0x92: {  	_ =	swait.ge [sflag:s14], $0x8000  }
0x93: {  	[sflag:s14] =	ssyncset.done $0x0  }
0x94: {  	[sflag:s14] =	ssyncadd.s32 $0xFFFF8000  }
0x95: {  	v3 =	vld [tilespmem:$0x80];
	_ =	sdelay $0x4  }
0x96: {  	v40 =	vshll.u32 v3, $0x2  }
0x97: {  	v3 =	vand.u32 $0x7, v3;
	v4 =	vand.u32 $0xFFFFFFE0, v40  }
0x98: {  	v3 =	vor.u32 v3, v4  }
0x99: {  	v4 =	vperm.xlane v3, v0;
	_ =	sdelay $0x1  }
0x9a: {  	v4 =	vadd.s32 v1, v4;
	_ =	sdelay $0x1  }
0x9b: {  	v3 =	vperm.xlane v3, v2;
	_ =	sdelay $0x1  }
0x9c: {  	v3 =	vadd.s32 v1, v3  }
0x9d: {  	[tilespmem:s21], [sflag:$0x1] =	stream.indirect_vreg.gather [hbm4b:s3+s2], $0x80, v4, vm0, $0xb8;
	[tilespmem:$0x10200] =	vst v63  }
0x9e: {  	s1 =	simm.s32 $0xA00  }
0x9f: {  	[tilespmem:s1], [sflag:$0x1] =	stream.indirect_vreg.gather [hbm4b:s4+s2], $0x80, v4, vm0, $0xb8;
	[tilespmem:$0x10200] =	vst v63  }
0xa0: {  	s7 =	simm.s32 $0x1200  }
0xa1: {  	[tilespmem:s7], [sflag:$0x1] =	stream.indirect_vreg.gather [hbm4b:s3+s2], $0x80, v3, vm0, $0xb8;
	[tilespmem:$0x10200] =	vst v63  }
0xa2: {  	s8 =	simm.s32 $0x1A00  }
0xa3: {  	[tilespmem:s8], [sflag:$0x1] =	stream.indirect_vreg.gather [hbm4b:s4+s2], $0x80, v3, vm0, $0xb8;
	[tilespmem:$0x10200] =	vst v63  }
0xa4: {  	v3 =	vld [tilespmem:$0x90];
	_ =	sdelay $0x4  }
0xa5: {  	v41 =	vshll.u32 v3, $0x2  }
0xa6: {  	v3 =	vand.u32 $0x7, v3;
	v4 =	vand.u32 $0xFFFFFFE0, v41  }
0xa7: {  	v3 =	vor.u32 v3, v4  }
0xa8: {  	v4 =	vperm.xlane v3, v0;
	_ =	sdelay $0x1  }
0xa9: {  	v4 =	vadd.s32 v1, v4;
	_ =	sdelay $0x1  }
0xaa: {  	v3 =	vperm.xlane v3, v2;
	_ =	sdelay $0x1  }
0xab: {  	s8 =	simm.s32 $0x2200;
	v3 =	vadd.s32 v1, v3  }
0xac: {  	[tilespmem:s8], [sflag:$0x1] =	stream.indirect_vreg.gather [hbm4b:s3+s2], $0x80, v4, vm0, $0xb8;
	[tilespmem:$0x10200] =	vst v63  }
0xad: {  	s9 =	simm.s32 $0x2A00  }
0xae: {  	[tilespmem:s9], [sflag:$0x1] =	stream.indirect_vreg.gather [hbm4b:s4+s2], $0x80, v4, vm0, $0xb8;
	[tilespmem:$0x10200] =	vst v63  }
0xaf: {  	s10 =	simm.s32 $0x3200  }
0xb0: {  	[tilespmem:s10], [sflag:$0x1] =	stream.indirect_vreg.gather [hbm4b:s3+s2], $0x80, v3, vm0, $0xb8;
	[tilespmem:$0x10200] =	vst v63  }
0xb1: {  	s18 =	simm.s32 $0x3A00  }
0xb2: {  	[tilespmem:s18], [sflag:$0x1] =	stream.indirect_vreg.gather [hbm4b:s4+s2], $0x80, v3, vm0, $0xb8;
	[tilespmem:$0x10200] =	vst v63  }
0xb3: {  	v3 =	vld [tilespmem:$0xA0];
	_ =	sdelay $0x4  }
0xb4: {  	v42 =	vshll.u32 v3, $0x2  }
0xb5: {  	v3 =	vand.u32 $0x7, v3;
	v4 =	vand.u32 $0xFFFFFFE0, v42  }
0xb6: {  	v3 =	vor.u32 v3, v4  }
0xb7: {  	v4 =	vperm.xlane v3, v0;
	_ =	sdelay $0x1  }
0xb8: {  	v4 =	vadd.s32 v1, v4;
	_ =	sdelay $0x1  }
0xb9: {  	v3 =	vperm.xlane v3, v2;
	_ =	sdelay $0x1  }
0xba: {  	s11 =	simm.s32 $0x4200;
	v3 =	vadd.s32 v1, v3  }
0xbb: {  	[tilespmem:s11], [sflag:$0x1] =	stream.indirect_vreg.gather [hbm4b:s3+s2], $0x80, v4, vm0, $0xb8;
	[tilespmem:$0x10200] =	vst v63  }
0xbc: {  	s12 =	simm.s32 $0x4A00  }
0xbd: {  	[tilespmem:s12], [sflag:$0x1] =	stream.indirect_vreg.gather [hbm4b:s4+s2], $0x80, v4, vm0, $0xb8;
	[tilespmem:$0x10200] =	vst v63  }
0xbe: {  	s25 =	simm.s32 $0x5200  }
0xbf: {  	[tilespmem:s25], [sflag:$0x1] =	stream.indirect_vreg.gather [hbm4b:s3+s2], $0x80, v3, vm0, $0xb8;
	[tilespmem:$0x10200] =	vst v63  }
0xc0: {  	s19 =	simm.s32 $0x5A00  }
0xc1: {  	[tilespmem:s19], [sflag:$0x1] =	stream.indirect_vreg.gather [hbm4b:s4+s2], $0x80, v3, vm0, $0xb8;
	[tilespmem:$0x10200] =	vst v63  }
0xc2: {  	v3 =	vld [tilespmem:$0xB0];
	_ =	sdelay $0x4  }
0xc3: {  	v43 =	vshll.u32 v3, $0x2  }
0xc4: {  	v3 =	vand.u32 $0x7, v3;
	v4 =	vand.u32 $0xFFFFFFE0, v43  }
0xc5: {  	v3 =	vor.u32 v3, v4  }
0xc6: {  	v4 =	vperm.xlane v3, v0;
	_ =	sdelay $0x1  }
0xc7: {  	v4 =	vadd.s32 v1, v4;
	_ =	sdelay $0x1  }
0xc8: {  	v3 =	vperm.xlane v3, v2;
	_ =	sdelay $0x1  }
0xc9: {  	s18 =	simm.s32 $0x6200;
	v3 =	vadd.s32 v1, v3  }
0xca: {  	[tilespmem:s18], [sflag:$0x1] =	stream.indirect_vreg.gather [hbm4b:s3+s2], $0x80, v4, vm0, $0xb8;
	[tilespmem:$0x10200] =	vst v63  }
0xcb: {  	s11 =	simm.s32 $0x6A00  }
0xcc: {  	[tilespmem:s11], [sflag:$0x1] =	stream.indirect_vreg.gather [hbm4b:s4+s2], $0x80, v4, vm0, $0xb8;
	[tilespmem:$0x10200] =	vst v63  }
0xcd: {  	s12 =	simm.s32 $0x7200  }
0xce: {  	[tilespmem:s12], [sflag:$0x1] =	stream.indirect_vreg.gather [hbm4b:s3+s2], $0x80, v3, vm0, $0xb8;
	[tilespmem:$0x10200] =	vst v63  }
0xcf: {  	s19 =	simm.s32 $0x7A00  }
0xd0: {  	[tilespmem:s19], [sflag:$0x1] =	stream.indirect_vreg.gather [hbm4b:s4+s2], $0x80, v3, vm0, $0xb8;
	[tilespmem:$0x10200] =	vst v63  }
0xd1: {  	_ =	swait.ge [sflag:s15], $0x8000  }
0xd2: {  	[sflag:s15] =	ssyncset.done $0x0  }
0xd3: {  	s26 =	rddreg [dreg:$0x4];
	[sflag:s15] =	ssyncadd.s32 $0xFFFF8000  }
0xd4: {  	[hbm4b:s26+s2] =	stream.linear.scatter [tilespmem:s23], [sflag:$0x4], $0x8000, $0x38;
	[tilespmem:$0x10200] =	vst v63  }
0xd5: {  	_ =	swait.ge [sflag:s16], $0x8000  }
0xd6: {  	[sflag:s16] =	ssyncset.done $0x0  }
0xd7: {  	[sflag:s16] =	ssyncadd.s32 $0xFFFF8000  }
0xd8: {  	v3 =	vld [tilespmem:$0xC0];
	_ =	sdelay $0x4  }
0xd9: {  	v44 =	vshll.u32 v3, $0x2  }
0xda: {  	v3 =	vand.u32 $0x7, v3;
	v4 =	vand.u32 $0xFFFFFFE0, v44  }
0xdb: {  	v3 =	vor.u32 v3, v4  }
0xdc: {  	v4 =	vperm.xlane v3, v0;
	_ =	sdelay $0x1  }
0xdd: {  	v4 =	vadd.s32 v1, v4;
	_ =	sdelay $0x1  }
0xde: {  	v3 =	vperm.xlane v3, v2;
	_ =	sdelay $0x1  }
0xdf: {  	v3 =	vadd.s32 v1, v3  }
0xe0: {  	[tilespmem:s23], [sflag:$0x2] =	stream.indirect_vreg.gather [hbm4b:s3+s2], $0x80, v4, vm0, $0xb8;
	[tilespmem:$0x10200] =	vst v63  }
0xe1: {  	s0 =	simm.s32 $0x8A00  }
0xe2: {  	[tilespmem:s0], [sflag:$0x2] =	stream.indirect_vreg.gather [hbm4b:s4+s2], $0x80, v4, vm0, $0xb8;
	[tilespmem:$0x10200] =	vst v63  }
0xe3: {  	s1 =	simm.s32 $0x9200  }
0xe4: {  	[tilespmem:s1], [sflag:$0x2] =	stream.indirect_vreg.gather [hbm4b:s3+s2], $0x80, v3, vm0, $0xb8;
	[tilespmem:$0x10200] =	vst v63  }
0xe5: {  	s6 =	simm.s32 $0x9A00  }
0xe6: {  	[tilespmem:s6], [sflag:$0x2] =	stream.indirect_vreg.gather [hbm4b:s4+s2], $0x80, v3, vm0, $0xb8;
	[tilespmem:$0x10200] =	vst v63  }
0xe7: {  	v3 =	vld [tilespmem:$0xD0];
	_ =	sdelay $0x4  }
0xe8: {  	v45 =	vshll.u32 v3, $0x2  }
0xe9: {  	v3 =	vand.u32 $0x7, v3;
	v4 =	vand.u32 $0xFFFFFFE0, v45  }
0xea: {  	v3 =	vor.u32 v3, v4  }
0xeb: {  	v4 =	vperm.xlane v3, v0;
	_ =	sdelay $0x1  }
0xec: {  	v4 =	vadd.s32 v1, v4;
	_ =	sdelay $0x1  }
0xed: {  	v3 =	vperm.xlane v3, v2;
	_ =	sdelay $0x1  }
0xee: {  	s6 =	simm.s32 $0xA200;
	v3 =	vadd.s32 v1, v3  }
0xef: {  	[tilespmem:s6], [sflag:$0x2] =	stream.indirect_vreg.gather [hbm4b:s3+s2], $0x80, v4, vm0, $0xb8;
	[tilespmem:$0x10200] =	vst v63  }
0xf0: {  	s31 =	simm.s32 $0xAA00  }
0xf1: {  	[tilespmem:s31], [sflag:$0x2] =	stream.indirect_vreg.gather [hbm4b:s4+s2], $0x80, v4, vm0, $0xb8;
	[tilespmem:$0x10200] =	vst v63  }
0xf2: {  	s28 =	simm.s32 $0xB200  }
0xf3: {  	[tilespmem:s28], [sflag:$0x2] =	stream.indirect_vreg.gather [hbm4b:s3+s2], $0x80, v3, vm0, $0xb8;
	[tilespmem:$0x10200] =	vst v63  }
0xf4: {  	s24 =	simm.s32 $0xBA00  }
0xf5: {  	[tilespmem:s24], [sflag:$0x2] =	stream.indirect_vreg.gather [hbm4b:s4+s2], $0x80, v3, vm0, $0xb8;
	[tilespmem:$0x10200] =	vst v63  }
0xf6: {  	v3 =	vld [tilespmem:$0xE0];
	_ =	sdelay $0x4  }
0xf7: {  	v46 =	vshll.u32 v3, $0x2  }
0xf8: {  	v3 =	vand.u32 $0x7, v3;
	v4 =	vand.u32 $0xFFFFFFE0, v46  }
0xf9: {  	v3 =	vor.u32 v3, v4  }
0xfa: {  	v4 =	vperm.xlane v3, v0;
	_ =	sdelay $0x1  }
0xfb: {  	v4 =	vadd.s32 v1, v4;
	_ =	sdelay $0x1  }
0xfc: {  	v3 =	vperm.xlane v3, v2;
	_ =	sdelay $0x1  }
0xfd: {  	s29 =	simm.s32 $0xC200;
	v3 =	vadd.s32 v1, v3  }
0xfe: {  	[tilespmem:s29], [sflag:$0x2] =	stream.indirect_vreg.gather [hbm4b:s3+s2], $0x80, v4, vm0, $0xb8;
	[tilespmem:$0x10200] =	vst v63  }
0xff: {  	s30 =	simm.s32 $0xCA00  }
0x100: {  	[tilespmem:s30], [sflag:$0x2] =	stream.indirect_vreg.gather [hbm4b:s4+s2], $0x80, v4, vm0, $0xb8;
	[tilespmem:$0x10200] =	vst v63  }
0x101: {  	s29 =	simm.s32 $0xD200  }
0x102: {  	[tilespmem:s29], [sflag:$0x2] =	stream.indirect_vreg.gather [hbm4b:s3+s2], $0x80, v3, vm0, $0xb8;
	[tilespmem:$0x10200] =	vst v63  }
0x103: {  	s20 =	simm.s32 $0xDA00  }
0x104: {  	[tilespmem:s20], [sflag:$0x2] =	stream.indirect_vreg.gather [hbm4b:s4+s2], $0x80, v3, vm0, $0xb8;
	[tilespmem:$0x10200] =	vst v63  }
0x105: {  	v3 =	vld [tilespmem:$0xF0];
	_ =	sdelay $0x4  }
0x106: {  	v47 =	vshll.u32 v3, $0x2  }
0x107: {  	v3 =	vand.u32 $0x7, v3;
	v4 =	vand.u32 $0xFFFFFFE0, v47  }
0x108: {  	v3 =	vor.u32 v3, v4  }
0x109: {  	v4 =	vperm.xlane v3, v0;
	_ =	sdelay $0x1  }
0x10a: {  	v4 =	vadd.s32 v1, v4;
	_ =	sdelay $0x1  }
0x10b: {  	v3 =	vperm.xlane v3, v2;
	_ =	sdelay $0x1  }
0x10c: {  	s30 =	simm.s32 $0xE200;
	v3 =	vadd.s32 v1, v3  }
0x10d: {  	[tilespmem:s30], [sflag:$0x2] =	stream.indirect_vreg.gather [hbm4b:s3+s2], $0x80, v4, vm0, $0xb8;
	[tilespmem:$0x10200] =	vst v63  }
0x10e: {  	s20 =	simm.s32 $0xEA00  }
0x10f: {  	[tilespmem:s20], [sflag:$0x2] =	stream.indirect_vreg.gather [hbm4b:s4+s2], $0x80, v4, vm0, $0xb8;
	[tilespmem:$0x10200] =	vst v63  }
0x110: {  	s28 =	simm.s32 $0xF200  }
0x111: {  	[tilespmem:s28], [sflag:$0x2] =	stream.indirect_vreg.gather [hbm4b:s3+s2], $0x80, v3, vm0, $0xb8;
	[tilespmem:$0x10200] =	vst v63  }
0x112: {  	s22 =	simm.s32 $0xFA00  }
0x113: {  	[tilespmem:s22], [sflag:$0x2] =	stream.indirect_vreg.gather [hbm4b:s4+s2], $0x80, v3, vm0, $0xb8;
	[tilespmem:$0x10200] =	vst v63  }
0x114: {  	_ =	swait.ge [sflag:s13], $0x8000  }
0x115: {  	[sflag:s13] =	ssyncset.done $0x0  }
0x116: {  	s22 =	rddreg [dreg:$0x5];
	[sflag:s13] =	ssyncadd.s32 $0xFFFF8000  }
0x117: {  	[hbm4b:s22+s2] =	stream.linear.scatter [tilespmem:s21], [sflag:$0x3], $0x8000, $0x38;
	[tilespmem:$0x10200] =	vst v63  }
0x118: {  	_ =	swait.ge [sflag:s14], $0x8000  }
0x119: {  	[sflag:s14] =	ssyncset.done $0x0  }
0x11a: {  	[sflag:s14] =	ssyncadd.s32 $0xFFFF8000  }
0x11b: {  	v3 =	vld [tilespmem:$0x100];
	_ =	sdelay $0x4  }
0x11c: {  	v48 =	vshll.u32 v3, $0x2  }
0x11d: {  	v3 =	vand.u32 $0x7, v3;
	v4 =	vand.u32 $0xFFFFFFE0, v48  }
0x11e: {  	v3 =	vor.u32 v3, v4  }
0x11f: {  	v4 =	vperm.xlane v3, v0;
	_ =	sdelay $0x1  }
0x120: {  	v4 =	vadd.s32 v1, v4;
	_ =	sdelay $0x1  }
0x121: {  	v3 =	vperm.xlane v3, v2;
	_ =	sdelay $0x1  }
0x122: {  	v3 =	vadd.s32 v1, v3  }
0x123: {  	[tilespmem:s21], [sflag:$0x1] =	stream.indirect_vreg.gather [hbm4b:s3+s2], $0x80, v4, vm0, $0xb8;
	[tilespmem:$0x10200] =	vst v63  }
0x124: {  	s22 =	simm.s32 $0xA00  }
0x125: {  	[tilespmem:s22], [sflag:$0x1] =	stream.indirect_vreg.gather [hbm4b:s4+s2], $0x80, v4, vm0, $0xb8;
	[tilespmem:$0x10200] =	vst v63  }
0x126: {  	_ = 	snop  }
0x127: {  	[tilespmem:s7], [sflag:$0x1] =	stream.indirect_vreg.gather [hbm4b:s3+s2], $0x80, v3, vm0, $0xb8;
	[tilespmem:$0x10200] =	vst v63  }
0x128: {  	s22 =	simm.s32 $0x1A00  }
0x129: {  	[tilespmem:s22], [sflag:$0x1] =	stream.indirect_vreg.gather [hbm4b:s4+s2], $0x80, v3, vm0, $0xb8;
	[tilespmem:$0x10200] =	vst v63  }
0x12a: {  	v3 =	vld [tilespmem:$0x110];
	_ =	sdelay $0x4  }
0x12b: {  	v49 =	vshll.u32 v3, $0x2  }
0x12c: {  	v3 =	vand.u32 $0x7, v3;
	v4 =	vand.u32 $0xFFFFFFE0, v49  }
0x12d: {  	v3 =	vor.u32 v3, v4  }
0x12e: {  	v4 =	vperm.xlane v3, v0;
	_ =	sdelay $0x1  }
0x12f: {  	v4 =	vadd.s32 v1, v4;
	_ =	sdelay $0x1  }
0x130: {  	v3 =	vperm.xlane v3, v2;
	_ =	sdelay $0x1  }
0x131: {  	v3 =	vadd.s32 v1, v3  }
0x132: {  	[tilespmem:s8], [sflag:$0x1] =	stream.indirect_vreg.gather [hbm4b:s3+s2], $0x80, v4, vm0, $0xb8;
	[tilespmem:$0x10200] =	vst v63  }
0x133: {  	_ = 	snop  }
0x134: {  	[tilespmem:s9], [sflag:$0x1] =	stream.indirect_vreg.gather [hbm4b:s4+s2], $0x80, v4, vm0, $0xb8;
	[tilespmem:$0x10200] =	vst v63  }
0x135: {  	_ = 	snop  }
0x136: {  	[tilespmem:s10], [sflag:$0x1] =	stream.indirect_vreg.gather [hbm4b:s3+s2], $0x80, v3, vm0, $0xb8;
	[tilespmem:$0x10200] =	vst v63  }
0x137: {  	s22 =	simm.s32 $0x3A00  }
0x138: {  	[tilespmem:s22], [sflag:$0x1] =	stream.indirect_vreg.gather [hbm4b:s4+s2], $0x80, v3, vm0, $0xb8;
	[tilespmem:$0x10200] =	vst v63  }
0x139: {  	v3 =	vld [tilespmem:$0x120];
	_ =	sdelay $0x4  }
0x13a: {  	v50 =	vshll.u32 v3, $0x2  }
0x13b: {  	v3 =	vand.u32 $0x7, v3;
	v4 =	vand.u32 $0xFFFFFFE0, v50  }
0x13c: {  	v3 =	vor.u32 v3, v4  }
0x13d: {  	v4 =	vperm.xlane v3, v0;
	_ =	sdelay $0x1  }
0x13e: {  	v4 =	vadd.s32 v1, v4;
	_ =	sdelay $0x1  }
0x13f: {  	v3 =	vperm.xlane v3, v2;
	_ =	sdelay $0x1  }
0x140: {  	s22 =	simm.s32 $0x4200;
	v3 =	vadd.s32 v1, v3  }
0x141: {  	[tilespmem:s22], [sflag:$0x1] =	stream.indirect_vreg.gather [hbm4b:s3+s2], $0x80, v4, vm0, $0xb8;
	[tilespmem:$0x10200] =	vst v63  }
0x142: {  	s22 =	simm.s32 $0x4A00  }
0x143: {  	[tilespmem:s22], [sflag:$0x1] =	stream.indirect_vreg.gather [hbm4b:s4+s2], $0x80, v4, vm0, $0xb8;
	[tilespmem:$0x10200] =	vst v63  }
0x144: {  	_ = 	snop  }
0x145: {  	[tilespmem:s25], [sflag:$0x1] =	stream.indirect_vreg.gather [hbm4b:s3+s2], $0x80, v3, vm0, $0xb8;
	[tilespmem:$0x10200] =	vst v63  }
0x146: {  	s22 =	simm.s32 $0x5A00  }
0x147: {  	[tilespmem:s22], [sflag:$0x1] =	stream.indirect_vreg.gather [hbm4b:s4+s2], $0x80, v3, vm0, $0xb8;
	[tilespmem:$0x10200] =	vst v63  }
0x148: {  	v3 =	vld [tilespmem:$0x130];
	_ =	sdelay $0x4  }
0x149: {  	v51 =	vshll.u32 v3, $0x2  }
0x14a: {  	v3 =	vand.u32 $0x7, v3;
	v4 =	vand.u32 $0xFFFFFFE0, v51  }
0x14b: {  	v3 =	vor.u32 v3, v4  }
0x14c: {  	v4 =	vperm.xlane v3, v0;
	_ =	sdelay $0x1  }
0x14d: {  	v4 =	vadd.s32 v1, v4;
	_ =	sdelay $0x1  }
0x14e: {  	v3 =	vperm.xlane v3, v2;
	_ =	sdelay $0x1  }
0x14f: {  	v3 =	vadd.s32 v1, v3  }
0x150: {  	[tilespmem:s18], [sflag:$0x1] =	stream.indirect_vreg.gather [hbm4b:s3+s2], $0x80, v4, vm0, $0xb8;
	[tilespmem:$0x10200] =	vst v63  }
0x151: {  	_ = 	snop  }
0x152: {  	[tilespmem:s11], [sflag:$0x1] =	stream.indirect_vreg.gather [hbm4b:s4+s2], $0x80, v4, vm0, $0xb8;
	[tilespmem:$0x10200] =	vst v63  }
0x153: {  	_ = 	snop  }
0x154: {  	[tilespmem:s12], [sflag:$0x1] =	stream.indirect_vreg.gather [hbm4b:s3+s2], $0x80, v3, vm0, $0xb8;
	[tilespmem:$0x10200] =	vst v63  }
0x155: {  	_ = 	snop  }
0x156: {  	[tilespmem:s19], [sflag:$0x1] =	stream.indirect_vreg.gather [hbm4b:s4+s2], $0x80, v3, vm0, $0xb8;
	[tilespmem:$0x10200] =	vst v63  }
0x157: {  	_ =	swait.ge [sflag:s15], $0x8000  }
0x158: {  	[sflag:s15] =	ssyncset.done $0x0  }
0x159: {  	s22 =	rddreg [dreg:$0x6];
	[sflag:s15] =	ssyncadd.s32 $0xFFFF8000  }
0x15a: {  	[hbm4b:s22+s2] =	stream.linear.scatter [tilespmem:s23], [sflag:$0x4], $0x8000, $0x38;
	[tilespmem:$0x10200] =	vst v63  }
0x15b: {  	_ =	swait.ge [sflag:s16], $0x8000  }
0x15c: {  	[sflag:s16] =	ssyncset.done $0x0  }
0x15d: {  	[sflag:s16] =	ssyncadd.s32 $0xFFFF8000  }
0x15e: {  	v3 =	vld [tilespmem:$0x140];
	_ =	sdelay $0x4  }
0x15f: {  	v52 =	vshll.u32 v3, $0x2  }
0x160: {  	v3 =	vand.u32 $0x7, v3;
	v4 =	vand.u32 $0xFFFFFFE0, v52  }
0x161: {  	v3 =	vor.u32 v3, v4  }
0x162: {  	v4 =	vperm.xlane v3, v0;
	_ =	sdelay $0x1  }
0x163: {  	v4 =	vadd.s32 v1, v4;
	_ =	sdelay $0x1  }
0x164: {  	v3 =	vperm.xlane v3, v2;
	_ =	sdelay $0x1  }
0x165: {  	v3 =	vadd.s32 v1, v3  }
0x166: {  	[tilespmem:s23], [sflag:$0x2] =	stream.indirect_vreg.gather [hbm4b:s3+s2], $0x80, v4, vm0, $0xb8;
	[tilespmem:$0x10200] =	vst v63  }
0x167: {  	_ = 	snop  }
0x168: {  	[tilespmem:s0], [sflag:$0x2] =	stream.indirect_vreg.gather [hbm4b:s4+s2], $0x80, v4, vm0, $0xb8;
	[tilespmem:$0x10200] =	vst v63  }
0x169: {  	_ = 	snop  }
0x16a: {  	[tilespmem:s1], [sflag:$0x2] =	stream.indirect_vreg.gather [hbm4b:s3+s2], $0x80, v3, vm0, $0xb8;
	[tilespmem:$0x10200] =	vst v63  }
0x16b: {  	s22 =	simm.s32 $0x9A00  }
0x16c: {  	[tilespmem:s22], [sflag:$0x2] =	stream.indirect_vreg.gather [hbm4b:s4+s2], $0x80, v3, vm0, $0xb8;
	[tilespmem:$0x10200] =	vst v63  }
0x16d: {  	v3 =	vld [tilespmem:$0x150];
	_ =	sdelay $0x4  }
0x16e: {  	v53 =	vshll.u32 v3, $0x2  }
0x16f: {  	v3 =	vand.u32 $0x7, v3;
	v4 =	vand.u32 $0xFFFFFFE0, v53  }
0x170: {  	v3 =	vor.u32 v3, v4  }
0x171: {  	v4 =	vperm.xlane v3, v0;
	_ =	sdelay $0x1  }
0x172: {  	v4 =	vadd.s32 v1, v4;
	_ =	sdelay $0x1  }
0x173: {  	v3 =	vperm.xlane v3, v2;
	_ =	sdelay $0x1  }
0x174: {  	v3 =	vadd.s32 v1, v3  }
0x175: {  	[tilespmem:s6], [sflag:$0x2] =	stream.indirect_vreg.gather [hbm4b:s3+s2], $0x80, v4, vm0, $0xb8;
	[tilespmem:$0x10200] =	vst v63  }
0x176: {  	s31 =	simm.s32 $0xAA00  }
0x177: {  	[tilespmem:s31], [sflag:$0x2] =	stream.indirect_vreg.gather [hbm4b:s4+s2], $0x80, v4, vm0, $0xb8;
	[tilespmem:$0x10200] =	vst v63  }
0x178: {  	s22 =	simm.s32 $0xB200  }
0x179: {  	[tilespmem:s22], [sflag:$0x2] =	stream.indirect_vreg.gather [hbm4b:s3+s2], $0x80, v3, vm0, $0xb8;
	[tilespmem:$0x10200] =	vst v63  }
0x17a: {  	s22 =	simm.s32 $0xBA00  }
0x17b: {  	[tilespmem:s22], [sflag:$0x2] =	stream.indirect_vreg.gather [hbm4b:s4+s2], $0x80, v3, vm0, $0xb8;
	[tilespmem:$0x10200] =	vst v63  }
0x17c: {  	v3 =	vld [tilespmem:$0x160];
	_ =	sdelay $0x4  }
0x17d: {  	v54 =	vshll.u32 v3, $0x2  }
0x17e: {  	v3 =	vand.u32 $0x7, v3;
	v4 =	vand.u32 $0xFFFFFFE0, v54  }
0x17f: {  	v3 =	vor.u32 v3, v4  }
0x180: {  	v4 =	vperm.xlane v3, v0;
	_ =	sdelay $0x1  }
0x181: {  	v4 =	vadd.s32 v1, v4;
	_ =	sdelay $0x1  }
0x182: {  	v3 =	vperm.xlane v3, v2;
	_ =	sdelay $0x1  }
0x183: {  	s24 =	simm.s32 $0xC200;
	v3 =	vadd.s32 v1, v3  }
0x184: {  	[tilespmem:s24], [sflag:$0x2] =	stream.indirect_vreg.gather [hbm4b:s3+s2], $0x80, v4, vm0, $0xb8;
	[tilespmem:$0x10200] =	vst v63  }
0x185: {  	s26 =	simm.s32 $0xCA00  }
0x186: {  	[tilespmem:s26], [sflag:$0x2] =	stream.indirect_vreg.gather [hbm4b:s4+s2], $0x80, v4, vm0, $0xb8;
	[tilespmem:$0x10200] =	vst v63  }
0x187: {  	s29 =	simm.s32 $0xD200  }
0x188: {  	[tilespmem:s29], [sflag:$0x2] =	stream.indirect_vreg.gather [hbm4b:s3+s2], $0x80, v3, vm0, $0xb8;
	[tilespmem:$0x10200] =	vst v63  }
0x189: {  	s26 =	simm.s32 $0xDA00  }
0x18a: {  	[tilespmem:s26], [sflag:$0x2] =	stream.indirect_vreg.gather [hbm4b:s4+s2], $0x80, v3, vm0, $0xb8;
	[tilespmem:$0x10200] =	vst v63  }
0x18b: {  	v3 =	vld [tilespmem:$0x170];
	_ =	sdelay $0x4  }
0x18c: {  	v55 =	vshll.u32 v3, $0x2  }
0x18d: {  	v3 =	vand.u32 $0x7, v3;
	v4 =	vand.u32 $0xFFFFFFE0, v55  }
0x18e: {  	v3 =	vor.u32 v3, v4  }
0x18f: {  	v4 =	vperm.xlane v3, v0;
	_ =	sdelay $0x1  }
0x190: {  	v4 =	vadd.s32 v1, v4;
	_ =	sdelay $0x1  }
0x191: {  	v3 =	vperm.xlane v3, v2;
	_ =	sdelay $0x1  }
0x192: {  	s30 =	simm.s32 $0xE200;
	v3 =	vadd.s32 v1, v3  }
0x193: {  	[tilespmem:s30], [sflag:$0x2] =	stream.indirect_vreg.gather [hbm4b:s3+s2], $0x80, v4, vm0, $0xb8;
	[tilespmem:$0x10200] =	vst v63  }
0x194: {  	s20 =	simm.s32 $0xEA00  }
0x195: {  	[tilespmem:s20], [sflag:$0x2] =	stream.indirect_vreg.gather [hbm4b:s4+s2], $0x80, v4, vm0, $0xb8;
	[tilespmem:$0x10200] =	vst v63  }
0x196: {  	s28 =	simm.s32 $0xF200  }
0x197: {  	[tilespmem:s28], [sflag:$0x2] =	stream.indirect_vreg.gather [hbm4b:s3+s2], $0x80, v3, vm0, $0xb8;
	[tilespmem:$0x10200] =	vst v63  }
0x198: {  	s28 =	simm.s32 $0xFA00  }
0x199: {  	[tilespmem:s28], [sflag:$0x2] =	stream.indirect_vreg.gather [hbm4b:s4+s2], $0x80, v3, vm0, $0xb8;
	[tilespmem:$0x10200] =	vst v63  }
0x19a: {  	_ =	swait.ge [sflag:s13], $0x8000  }
0x19b: {  	[sflag:s13] =	ssyncset.done $0x0  }
0x19c: {  	s17 =	rddreg [dreg:$0x7];
	[sflag:s13] =	ssyncadd.s32 $0xFFFF8000  }
0x19d: {  	[hbm4b:s17+s2] =	stream.linear.scatter [tilespmem:s21], [sflag:$0x3], $0x8000, $0x38;
	[tilespmem:$0x10200] =	vst v63  }
0x19e: {  	_ =	swait.ge [sflag:s14], $0x8000  }
0x19f: {  	[sflag:s14] =	ssyncset.done $0x0  }
0x1a0: {  	[sflag:s14] =	ssyncadd.s32 $0xFFFF8000  }
0x1a1: {  	v3 =	vld [tilespmem:$0x180];
	_ =	sdelay $0x4  }
0x1a2: {  	v56 =	vshll.u32 v3, $0x2  }
0x1a3: {  	v3 =	vand.u32 $0x7, v3;
	v4 =	vand.u32 $0xFFFFFFE0, v56  }
0x1a4: {  	v3 =	vor.u32 v3, v4  }
0x1a5: {  	v4 =	vperm.xlane v3, v0;
	_ =	sdelay $0x1  }
0x1a6: {  	v4 =	vadd.s32 v1, v4;
	_ =	sdelay $0x1  }
0x1a7: {  	v3 =	vperm.xlane v3, v2;
	_ =	sdelay $0x1  }
0x1a8: {  	v3 =	vadd.s32 v1, v3  }
0x1a9: {  	[tilespmem:s21], [sflag:$0x1] =	stream.indirect_vreg.gather [hbm4b:s3+s2], $0x80, v4, vm0, $0xb8;
	[tilespmem:$0x10200] =	vst v63  }
0x1aa: {  	s17 =	simm.s32 $0xA00  }
0x1ab: {  	[tilespmem:s17], [sflag:$0x1] =	stream.indirect_vreg.gather [hbm4b:s4+s2], $0x80, v4, vm0, $0xb8;
	[tilespmem:$0x10200] =	vst v63  }
0x1ac: {  	s7 =	simm.s32 $0x1200  }
0x1ad: {  	[tilespmem:s7], [sflag:$0x1] =	stream.indirect_vreg.gather [hbm4b:s3+s2], $0x80, v3, vm0, $0xb8;
	[tilespmem:$0x10200] =	vst v63  }
0x1ae: {  	s17 =	simm.s32 $0x1A00  }
0x1af: {  	[tilespmem:s17], [sflag:$0x1] =	stream.indirect_vreg.gather [hbm4b:s4+s2], $0x80, v3, vm0, $0xb8;
	[tilespmem:$0x10200] =	vst v63  }
0x1b0: {  	v3 =	vld [tilespmem:$0x190];
	_ =	sdelay $0x4  }
0x1b1: {  	v57 =	vshll.u32 v3, $0x2  }
0x1b2: {  	v3 =	vand.u32 $0x7, v3;
	v4 =	vand.u32 $0xFFFFFFE0, v57  }
0x1b3: {  	v3 =	vor.u32 v3, v4  }
0x1b4: {  	v4 =	vperm.xlane v3, v0;
	_ =	sdelay $0x1  }
0x1b5: {  	v4 =	vadd.s32 v1, v4;
	_ =	sdelay $0x1  }
0x1b6: {  	v3 =	vperm.xlane v3, v2;
	_ =	sdelay $0x1  }
0x1b7: {  	s8 =	simm.s32 $0x2200;
	v3 =	vadd.s32 v1, v3  }
0x1b8: {  	[tilespmem:s8], [sflag:$0x1] =	stream.indirect_vreg.gather [hbm4b:s3+s2], $0x80, v4, vm0, $0xb8;
	[tilespmem:$0x10200] =	vst v63  }
0x1b9: {  	s9 =	simm.s32 $0x2A00  }
0x1ba: {  	[tilespmem:s9], [sflag:$0x1] =	stream.indirect_vreg.gather [hbm4b:s4+s2], $0x80, v4, vm0, $0xb8;
	[tilespmem:$0x10200] =	vst v63  }
0x1bb: {  	s10 =	simm.s32 $0x3200  }
0x1bc: {  	[tilespmem:s10], [sflag:$0x1] =	stream.indirect_vreg.gather [hbm4b:s3+s2], $0x80, v3, vm0, $0xb8;
	[tilespmem:$0x10200] =	vst v63  }
0x1bd: {  	s17 =	simm.s32 $0x3A00  }
0x1be: {  	[tilespmem:s17], [sflag:$0x1] =	stream.indirect_vreg.gather [hbm4b:s4+s2], $0x80, v3, vm0, $0xb8;
	[tilespmem:$0x10200] =	vst v63  }
0x1bf: {  	v3 =	vld [tilespmem:$0x1A0];
	_ =	sdelay $0x4  }
0x1c0: {  	v58 =	vshll.u32 v3, $0x2  }
0x1c1: {  	v3 =	vand.u32 $0x7, v3;
	v4 =	vand.u32 $0xFFFFFFE0, v58  }
0x1c2: {  	v3 =	vor.u32 v3, v4  }
0x1c3: {  	v4 =	vperm.xlane v3, v0;
	_ =	sdelay $0x1  }
0x1c4: {  	v4 =	vadd.s32 v1, v4;
	_ =	sdelay $0x1  }
0x1c5: {  	v3 =	vperm.xlane v3, v2;
	_ =	sdelay $0x1  }
0x1c6: {  	s8 =	simm.s32 $0x4200;
	v3 =	vadd.s32 v1, v3  }
0x1c7: {  	[tilespmem:s8], [sflag:$0x1] =	stream.indirect_vreg.gather [hbm4b:s3+s2], $0x80, v4, vm0, $0xb8;
	[tilespmem:$0x10200] =	vst v63  }
0x1c8: {  	s9 =	simm.s32 $0x4A00  }
0x1c9: {  	[tilespmem:s9], [sflag:$0x1] =	stream.indirect_vreg.gather [hbm4b:s4+s2], $0x80, v4, vm0, $0xb8;
	[tilespmem:$0x10200] =	vst v63  }
0x1ca: {  	s25 =	simm.s32 $0x5200  }
0x1cb: {  	[tilespmem:s25], [sflag:$0x1] =	stream.indirect_vreg.gather [hbm4b:s3+s2], $0x80, v3, vm0, $0xb8;
	[tilespmem:$0x10200] =	vst v63  }
0x1cc: {  	s10 =	simm.s32 $0x5A00  }
0x1cd: {  	[tilespmem:s10], [sflag:$0x1] =	stream.indirect_vreg.gather [hbm4b:s4+s2], $0x80, v3, vm0, $0xb8;
	[tilespmem:$0x10200] =	vst v63  }
0x1ce: {  	v3 =	vld [tilespmem:$0x1B0];
	_ =	sdelay $0x4  }
0x1cf: {  	v59 =	vshll.u32 v3, $0x2  }
0x1d0: {  	v3 =	vand.u32 $0x7, v3;
	v4 =	vand.u32 $0xFFFFFFE0, v59  }
0x1d1: {  	v3 =	vor.u32 v3, v4  }
0x1d2: {  	v4 =	vperm.xlane v3, v0;
	_ =	sdelay $0x1  }
0x1d3: {  	v4 =	vadd.s32 v1, v4;
	_ =	sdelay $0x1  }
0x1d4: {  	v3 =	vperm.xlane v3, v2;
	_ =	sdelay $0x1  }
0x1d5: {  	s18 =	simm.s32 $0x6200;
	v3 =	vadd.s32 v1, v3  }
0x1d6: {  	[tilespmem:s18], [sflag:$0x1] =	stream.indirect_vreg.gather [hbm4b:s3+s2], $0x80, v4, vm0, $0xb8;
	[tilespmem:$0x10200] =	vst v63  }
0x1d7: {  	s11 =	simm.s32 $0x6A00  }
0x1d8: {  	[tilespmem:s11], [sflag:$0x1] =	stream.indirect_vreg.gather [hbm4b:s4+s2], $0x80, v4, vm0, $0xb8;
	[tilespmem:$0x10200] =	vst v63  }
0x1d9: {  	s12 =	simm.s32 $0x7200  }
0x1da: {  	[tilespmem:s12], [sflag:$0x1] =	stream.indirect_vreg.gather [hbm4b:s3+s2], $0x80, v3, vm0, $0xb8;
	[tilespmem:$0x10200] =	vst v63  }
0x1db: {  	s19 =	simm.s32 $0x7A00  }
0x1dc: {  	[tilespmem:s19], [sflag:$0x1] =	stream.indirect_vreg.gather [hbm4b:s4+s2], $0x80, v3, vm0, $0xb8;
	[tilespmem:$0x10200] =	vst v63  }
0x1dd: {  	_ =	swait.ge [sflag:s15], $0x8000  }
0x1de: {  	[sflag:s15] =	ssyncset.done $0x0  }
0x1df: {  	s12 =	rddreg [dreg:$0x8];
	[sflag:s15] =	ssyncadd.s32 $0xFFFF8000  }
0x1e0: {  	[hbm4b:s12+s2] =	stream.linear.scatter [tilespmem:s23], [sflag:$0x4], $0x8000, $0x38;
	[tilespmem:$0x10200] =	vst v63  }
0x1e1: {  	_ =	swait.ge [sflag:s16], $0x8000  }
0x1e2: {  	[sflag:s16] =	ssyncset.done $0x0  }
0x1e3: {  	[sflag:s16] =	ssyncadd.s32 $0xFFFF8000  }
0x1e4: {  	v3 =	vld [tilespmem:$0x1C0];
	_ =	sdelay $0x4  }
0x1e5: {  	v60 =	vshll.u32 v3, $0x2  }
0x1e6: {  	v3 =	vand.u32 $0x7, v3;
	v4 =	vand.u32 $0xFFFFFFE0, v60  }
0x1e7: {  	v3 =	vor.u32 v3, v4  }
0x1e8: {  	v4 =	vperm.xlane v3, v0;
	_ =	sdelay $0x1  }
0x1e9: {  	v4 =	vadd.s32 v1, v4;
	_ =	sdelay $0x1  }
0x1ea: {  	v3 =	vperm.xlane v3, v2;
	_ =	sdelay $0x1  }
0x1eb: {  	v3 =	vadd.s32 v1, v3  }
0x1ec: {  	[tilespmem:s23], [sflag:$0x2] =	stream.indirect_vreg.gather [hbm4b:s3+s2], $0x80, v4, vm0, $0xb8;
	[tilespmem:$0x10200] =	vst v63  }
0x1ed: {  	s0 =	simm.s32 $0x8A00  }
0x1ee: {  	[tilespmem:s0], [sflag:$0x2] =	stream.indirect_vreg.gather [hbm4b:s4+s2], $0x80, v4, vm0, $0xb8;
	[tilespmem:$0x10200] =	vst v63  }
0x1ef: {  	s1 =	simm.s32 $0x9200  }
0x1f0: {  	[tilespmem:s1], [sflag:$0x2] =	stream.indirect_vreg.gather [hbm4b:s3+s2], $0x80, v3, vm0, $0xb8;
	[tilespmem:$0x10200] =	vst v63  }
0x1f1: {  	s18 =	simm.s32 $0x9A00  }
0x1f2: {  	[tilespmem:s18], [sflag:$0x2] =	stream.indirect_vreg.gather [hbm4b:s4+s2], $0x80, v3, vm0, $0xb8;
	[tilespmem:$0x10200] =	vst v63  }
0x1f3: {  	v3 =	vld [tilespmem:$0x1D0];
	_ =	sdelay $0x4  }
0x1f4: {  	v61 =	vshll.u32 v3, $0x2  }
0x1f5: {  	v3 =	vand.u32 $0x7, v3;
	v4 =	vand.u32 $0xFFFFFFE0, v61  }
0x1f6: {  	v3 =	vor.u32 v3, v4  }
0x1f7: {  	v4 =	vperm.xlane v3, v0;
	_ =	sdelay $0x1  }
0x1f8: {  	v4 =	vadd.s32 v1, v4;
	_ =	sdelay $0x1  }
0x1f9: {  	v3 =	vperm.xlane v3, v2;
	_ =	sdelay $0x1  }
0x1fa: {  	s6 =	simm.s32 $0xA200;
	v3 =	vadd.s32 v1, v3  }
0x1fb: {  	[tilespmem:s6], [sflag:$0x2] =	stream.indirect_vreg.gather [hbm4b:s3+s2], $0x80, v4, vm0, $0xb8;
	[tilespmem:$0x10200] =	vst v63  }
0x1fc: {  	s31 =	simm.s32 $0xAA00  }
0x1fd: {  	[tilespmem:s31], [sflag:$0x2] =	stream.indirect_vreg.gather [hbm4b:s4+s2], $0x80, v4, vm0, $0xb8;
	[tilespmem:$0x10200] =	vst v63  }
0x1fe: {  	s19 =	simm.s32 $0xB200  }
0x1ff: {  	[tilespmem:s19], [sflag:$0x2] =	stream.indirect_vreg.gather [hbm4b:s3+s2], $0x80, v3, vm0, $0xb8;
	[tilespmem:$0x10200] =	vst v63  }
0x200: {  	s25 =	simm.s32 $0xBA00  }
0x201: {  	[tilespmem:s25], [sflag:$0x2] =	stream.indirect_vreg.gather [hbm4b:s4+s2], $0x80, v3, vm0, $0xb8;
	[tilespmem:$0x10200] =	vst v63  }
0x202: {  	v3 =	vld [tilespmem:$0x1E0];
	_ =	sdelay $0x4  }
0x203: {  	v62 =	vshll.u32 v3, $0x2  }
0x204: {  	v3 =	vand.u32 $0x7, v3;
	v4 =	vand.u32 $0xFFFFFFE0, v62  }
0x205: {  	v3 =	vor.u32 v3, v4  }
0x206: {  	v4 =	vperm.xlane v3, v0;
	_ =	sdelay $0x1  }
0x207: {  	v4 =	vadd.s32 v1, v4;
	_ =	sdelay $0x1  }
0x208: {  	v3 =	vperm.xlane v3, v2;
	_ =	sdelay $0x1  }
0x209: {  	s22 =	simm.s32 $0xC200;
	v3 =	vadd.s32 v1, v3  }
0x20a: {  	[tilespmem:s22], [sflag:$0x2] =	stream.indirect_vreg.gather [hbm4b:s3+s2], $0x80, v4, vm0, $0xb8;
	[tilespmem:$0x10200] =	vst v63  }
0x20b: {  	s24 =	simm.s32 $0xCA00  }
0x20c: {  	[tilespmem:s24], [sflag:$0x2] =	stream.indirect_vreg.gather [hbm4b:s4+s2], $0x80, v4, vm0, $0xb8;
	[tilespmem:$0x10200] =	vst v63  }
0x20d: {  	s29 =	simm.s32 $0xD200  }
0x20e: {  	[tilespmem:s29], [sflag:$0x2] =	stream.indirect_vreg.gather [hbm4b:s3+s2], $0x80, v3, vm0, $0xb8;
	[tilespmem:$0x10200] =	vst v63  }
0x20f: {  	s29 =	simm.s32 $0xDA00  }
0x210: {  	[tilespmem:s29], [sflag:$0x2] =	stream.indirect_vreg.gather [hbm4b:s4+s2], $0x80, v3, vm0, $0xb8;
	[tilespmem:$0x10200] =	vst v63  }
0x211: {  	v3 =	vld [tilespmem:$0x1F0];
	_ =	sdelay $0x4  }
0x212: {  	v63 =	vshll.u32 v3, $0x2  }
0x213: {  	v3 =	vand.u32 $0x7, v3;
	v4 =	vand.u32 $0xFFFFFFE0, v63  }
0x214: {  	v3 =	vor.u32 v3, v4  }
0x215: {  	v4 =	vperm.xlane v3, v0;
	_ =	sdelay $0x1  }
0x216: {  	v4 =	vadd.s32 v1, v4;
	_ =	sdelay $0x1  }
0x217: {  	v3 =	vperm.xlane v3, v2;
	_ =	sdelay $0x1  }
0x218: {  	s30 =	simm.s32 $0xE200;
	v3 =	vadd.s32 v1, v3  }
0x219: {  	[tilespmem:s30], [sflag:$0x2] =	stream.indirect_vreg.gather [hbm4b:s3+s2], $0x80, v4, vm0, $0xb8;
	[tilespmem:$0x10200] =	vst v63  }
0x21a: {  	s26 =	simm.s32 $0xEA00  }
0x21b: {  	[tilespmem:s26], [sflag:$0x2] =	stream.indirect_vreg.gather [hbm4b:s4+s2], $0x80, v4, vm0, $0xb8;
	[tilespmem:$0x10200] =	vst v63  }
0x21c: {  	s20 =	simm.s32 $0xF200  }
0x21d: {  	[tilespmem:s20], [sflag:$0x2] =	stream.indirect_vreg.gather [hbm4b:s3+s2], $0x80, v3, vm0, $0xb8;
	[tilespmem:$0x10200] =	vst v63  }
0x21e: {  	s28 =	simm.s32 $0xFA00  }
0x21f: {  	[tilespmem:s28], [sflag:$0x2] =	stream.indirect_vreg.gather [hbm4b:s4+s2], $0x80, v3, vm0, $0xb8;
	[tilespmem:$0x10200] =	vst v63  }
0x220: {  	_ =	swait.ge [sflag:s13], $0x8000  }
0x221: {  	[sflag:s13] =	ssyncset.done $0x0  }
0x222: {  	s30 =	rddreg [dreg:$0x9];
	[sflag:s13] =	ssyncadd.s32 $0xFFFF8000  }
0x223: {  	[hbm4b:s30+s2] =	stream.linear.scatter [tilespmem:s21], [sflag:$0x3], $0x8000, $0x38;
	[tilespmem:$0x10200] =	vst v63  }
0x224: {  	_ =	swait.ge [sflag:s15], $0x8000  }
0x225: {  	[sflag:s15] =	ssyncset.done $0x0  }
0x226: {  	s31 =	rddreg [dreg:$0xa];
	[sflag:s15] =	ssyncadd.s32 $0xFFFF8000  }
0x227: {  	[hbm4b:s31+s2] =	stream.linear.scatter [tilespmem:s23], [sflag:$0x4], $0x8000, $0x38;
	[tilespmem:$0x10200] =	vst v63  }
0x228: {  	p0 =	sne.s32 s5, $0x1;
	_ =	swait.ge [sflag:s14], $0x8000  }
.Ltmp0:
0x229: {  	[sflag:s14] =	ssyncset.done $0x0;
	(pc) =	sbr.rel @p0 .LBB2_1-.Ltmp0, $4  }
0x22a: {  	[sflag:s14] =	ssyncadd.s32 $0xFFFF8000  }
0x22b: {  	_ =	swait.ge [sflag:s16], $0x8000  }
0x22c: {  	[sflag:s16] =	ssyncset.done $0x0  }
0x22d: {  	s5 =	sadd.s32 $0xFFFFFFFF, s5;
	[sflag:s16] =	ssyncadd.s32 $0xFFFF8000  }
0x22e: {  	_ =	sfence.sel $0x180000  }
0x22f: {  	[bflag:$0x0] =	sbarrier.arrive $0xFFFF  }
0x230: {  	_ =	strace $0x90000053  }
0x231: {  	s0 =	stileid.u32;
	[bflag:$0x2] =	sbarrier.arrive $0xFFFF  }
0x232: {  	p0 =	sne.s32 s0, $0x0;
	s0 =	rddreg [dreg:$0x1]  }
0x233: {  	s0 =	sadd.s32 @!p0 $0x100000, s0  }
0x234: {  	[sflag:s0] =	ssyncadd.tile.s32 @!p0 $0x1;
	_ =	shalt  }
.Lfunc_end2:
_tile_overlayer_lowered:
.L_overlay_start_2:
0x235: {  	(tag) =	ssettag $0x2  }
0x236: {  	s0 =	rddreg [dreg:$0x0];
	s2 =	stileid.u32  }
0x237: {  	s1 =	rddreg [dreg:$0x1];
	p0 =	sne.s32 s2, $0x0  }
0x238: {  	s3 =	rddreg [dreg:$0x2];
	[bflag:$0x3] =	sbarrier.arrive $0xFFFF;
	s2 =	simm.s32 @!p0 $0x1C05  }
0x239: {  	[timem:s3], [sflag:s2] =	dma.local @!p0 [hbm:s0], s1  }
0x23a: {  	s0 =	simm.s32 @!p0 $0x5  }
0x23b: {  	_ =	swait.ge @!p0 [sflag:s0], s1  }
0x23c: {  	s1 =	ssub.s32 @!p0 $0x0, s1;
	[sflag:s0] =	ssyncset.done @!p0 $0x0  }
0x23d: {  	[sflag:s0] =	ssyncadd.s32 @!p0 s1  }
0x23e: {  	[bflag:$0x3] =	sbarrier.arrive $0xFFFF  }
0x23f: {  	_ =	shalt  }

</sc_bundles>
